<compile_context>
chip_gen: v7x
topology: tpu7x:2x2x1
jax: 0.10.2.dev20260603
libtpu: 0.0.44.dev20260713+nightly
codegen_flags: <defaults>
</compile_context>

<pallas_src>
import functools

import jax
import jax.numpy as jnp
from jax import lax
from jax.experimental import pallas as pl
from jax.experimental.pallas import tpu as pltpu
from jax.experimental.pallas import tpu_sc as plsc

N = 10000
E = 160000
D = 128
R = 200
NB = 10
L = 3

NC = 2
NS = 16
NW = NC * NS

NP = 10240
KN = 12288
EP = 163840
STRIPE = NP // NS

_mesh = plsc.VectorSubcoreMesh(
    core_axis_name="c", subcore_axis_name="s", num_cores=NC, num_subcores=NS)


def _wid():
    return lax.axis_index("s") * NC + lax.axis_index("c")


def _make_gather(drow, k_total, out_dtype=jnp.float32):
    kt = k_total // NW
    nq = kt // 128

    @functools.partial(
        pl.kernel,
        out_type=jax.ShapeDtypeStruct((k_total, drow), out_dtype),
        mesh=_mesh,
        scratch_types=[
            pltpu.VMEM((kt,), jnp.int32),
            pltpu.VMEM((128, drow), out_dtype),
            pltpu.VMEM((128, drow), out_dtype),
            pltpu.SemaphoreType.DMA,
            pltpu.SemaphoreType.DMA,
        ],
    )
    def gather_kernel(table_hbm, idx_hbm, out_hbm, idx_v, val0, val1, sem0, sem1):
        base_q = _wid() * nq
        pltpu.sync_copy(
            idx_hbm.at[pl.ds(pl.multiple_of(base_q * 128, 128), kt)], idx_v)
        bufs = (val0, val1)
        sems = (sem0, sem1)
        pltpu.async_copy(table_hbm.at[idx_v.at[pl.ds(0, 128)]], bufs[0], sems[0])

        def body(q, _):
            slot = lax.rem(q, 2)

            def inner(ss):
                buf, sem, nbuf, nsem = (
                    (bufs[0], sems[0], bufs[1], sems[1]) if ss == 0
                    else (bufs[1], sems[1], bufs[0], sems[0]))
                pltpu.make_async_copy(
                    table_hbm.at[idx_v.at[pl.ds(0, 128)]], buf, sem).wait()

                @pl.when(q + 1 < nq)
                def _():
                    pltpu.async_copy(
                        table_hbm.at[idx_v.at[pl.ds(
                            pl.multiple_of((q + 1) * 128, 128), 128)]],
                        nbuf, nsem)

                pltpu.sync_copy(
                    buf,
                    out_hbm.at[pl.ds(
                        pl.multiple_of((base_q + q) * 128, 128), 128)])

            @pl.when(slot == 0)
            def _():
                inner(0)

            @pl.when(slot == 1)
            def _():
                inner(1)
            return 0

        lax.fori_loop(0, nq, body, 0)

    return gather_kernel


def _make_gather_sp(k_total):
    kt = k_total // NW
    nq = kt // 128

    @functools.partial(
        pl.kernel,
        out_type=jax.ShapeDtypeStruct((k_total, D), jnp.float32),
        mesh=_mesh,
        scratch_types=[
            pltpu.VMEM_SHARED((NP, D), jnp.float32),
            pltpu.VMEM((kt,), jnp.int32),
            pltpu.VMEM((128, D), jnp.float32),
            pltpu.VMEM((128, D), jnp.float32),
            pltpu.SemaphoreType.DMA,
            pltpu.SemaphoreType.DMA,
        ],
    )
    def gather_kernel(table_hbm, idx_hbm, out_hbm,
                      tab_sh, idx_v, val0, val1, sem0, sem1):
        s = lax.axis_index("s")
        stripe0 = pl.multiple_of(s * STRIPE, STRIPE)
        pltpu.sync_copy(table_hbm.at[pl.ds(stripe0, STRIPE)],
                        tab_sh.at[pl.ds(stripe0, STRIPE)])
        base_q = _wid() * nq
        pltpu.sync_copy(
            idx_hbm.at[pl.ds(pl.multiple_of(base_q * 128, 128), kt)], idx_v)
        plsc.subcore_barrier()

        bufs = (val0, val1)
        sems = (sem0, sem1)
        pltpu.async_copy(tab_sh.at[idx_v.at[pl.ds(0, 128)]], bufs[0], sems[0])

        def body(q, _):
            slot = lax.rem(q, 2)

            def inner(ss):
                buf, sem, nbuf, nsem = (
                    (bufs[0], sems[0], bufs[1], sems[1]) if ss == 0
                    else (bufs[1], sems[1], bufs[0], sems[0]))
                pltpu.make_async_copy(
                    tab_sh.at[idx_v.at[pl.ds(0, 128)]], buf, sem).wait()

                @pl.when(q + 1 < nq)
                def _():
                    pltpu.async_copy(
                        tab_sh.at[idx_v.at[pl.ds(
                            pl.multiple_of((q + 1) * 128, 128), 128)]],
                        nbuf, nsem)

                pltpu.sync_copy(
                    buf,
                    out_hbm.at[pl.ds(
                        pl.multiple_of((base_q + q) * 128, 128), 128)])

            @pl.when(slot == 0)
            def _():
                inner(0)

            @pl.when(slot == 1)
            def _():
                inner(1)
            return 0

        lax.fori_loop(0, nq, body, 0)

    return gather_kernel


def _make_prelude():
    kt = KN // NW
    nq = kt // 128
    et = EP // NW

    @functools.partial(
        pl.kernel,
        out_type=(
            jax.ShapeDtypeStruct((KN, D), jnp.float32),
            jax.ShapeDtypeStruct((KN, D), jnp.float32),
            jax.ShapeDtypeStruct((NW * NP,), jnp.float32),
        ),
        mesh=_mesh,
        scratch_types=[
            pltpu.VMEM((kt,), jnp.int32),
            pltpu.VMEM((kt,), jnp.int32),
            pltpu.VMEM((et,), jnp.int32),
            pltpu.VMEM((128, D), jnp.float32),
            pltpu.VMEM((128, D), jnp.float32),
            pltpu.VMEM((NP,), jnp.float32),
            pltpu.SemaphoreType.DMA,
            pltpu.SemaphoreType.DMA,
        ],
        compiler_params=pltpu.CompilerParams(needs_layout_passes=False),
    )
    def prelude_kernel(ent_hbm, ids_e_hbm, time_hbm, ids_t_hbm, dst_hbm,
                       e_out, t_out, deg_out,
                       ide_v, idt_v, dst_v, val0, val1, deg_v, sem0, sem1):
        wid = _wid()
        base = pl.multiple_of(wid * kt, 128)
        pltpu.sync_copy(ids_e_hbm.at[pl.ds(base, kt)], ide_v)
        pltpu.sync_copy(ids_t_hbm.at[pl.ds(base, kt)], idt_v)
        pltpu.sync_copy(
            dst_hbm.at[pl.ds(pl.multiple_of(wid * et, 128), et)], dst_v)

        bufs = (val0, val1)
        sems = (sem0, sem1)
        work = []
        for q in range(nq):
            work.append((ent_hbm, ide_v, e_out, q))
        for q in range(nq):
            work.append((time_hbm, idt_v, t_out, q))

        def fire(w, slot):
            tab, idx, _, q = w
            pltpu.async_copy(tab.at[idx.at[pl.ds(q * 128, 128)]],
                             bufs[slot], sems[slot])

        fire(work[0], 0)
        for i, w in enumerate(work):
            slot = i % 2
            tab, idx, out, q = w
            pltpu.make_async_copy(
                tab.at[idx.at[pl.ds(q * 128, 128)]],
                bufs[slot], sems[slot]).wait()
            if i + 1 < len(work):
                fire(work[i + 1], 1 - slot)
            pltpu.sync_copy(
                bufs[slot],
                out.at[pl.ds(pl.multiple_of(base + q * 128, 128), 128)])

        def zbody(i, _):
            deg_v[pl.ds(pl.multiple_of(i * 16, 16), 16)] = (
                jnp.zeros((16,), jnp.float32))
            return 0

        lax.fori_loop(0, NP // 16, zbody, 0)
        ones16 = jnp.ones((16,), jnp.float32)

        def dbody(i, _):
            idx16 = dst_v[pl.ds(pl.multiple_of(i * 16, 16), 16)]
            plsc.addupdate_scatter(deg_v, [idx16], ones16)
            return 0

        lax.fori_loop(0, et // 16, dbody, 0)
        pltpu.sync_copy(
            deg_v,
            deg_out.at[pl.ds(pl.multiple_of(wid * NP, 128), NP)])

    return prelude_kernel


def _make_scatter(drow):
    kt = EP // NW
    nq = kt // 128

    nb = 2
    ng = nq // nb

    @functools.partial(
        pl.kernel,
        out_type=jax.ShapeDtypeStruct((NC, NP, drow), jnp.float32),
        mesh=_mesh,
        scratch_types=[
            pltpu.VMEM_SHARED((NP, drow), jnp.float32),
            pltpu.VMEM((nq, 128), jnp.int32),
            pltpu.VMEM((128, drow), jnp.float32),
            pltpu.VMEM((128, drow), jnp.float32),
            pltpu.SemaphoreType.DMA,
            pltpu.SemaphoreType.DMA,
            pltpu.SemaphoreType.DMA,
            pltpu.SemaphoreType.DMA,
        ],
    )
    def scatter_kernel(vals_hbm, idx_hbm, zeros_hbm, out_hbm,
                       acc_sh, idx_v, b0, b1,
                       l0, l1, s0, s1):
        bufs = (b0, b1)
        lsems = (l0, l1)
        ssems = (s0, s1)
        c = lax.axis_index("c")
        s = lax.axis_index("s")
        stripe0 = pl.multiple_of(s * STRIPE, STRIPE)
        pltpu.sync_copy(zeros_hbm.at[pl.ds(stripe0, STRIPE)],
                        acc_sh.at[pl.ds(stripe0, STRIPE)])
        base_q = _wid() * nq
        pltpu.sync_copy(
            idx_hbm.at[pl.ds(pl.multiple_of(base_q, nq), nq)], idx_v)
        plsc.subcore_barrier()

        def load(q, j):
            pltpu.async_copy(
                vals_hbm.at[pl.ds(pl.multiple_of((base_q + q) * 128, 128),
                                  128)],
                bufs[j], lsems[j])

        def wait_load(j):
            pltpu.make_async_copy(
                vals_hbm.at[pl.ds(pl.multiple_of(base_q * 128, 128), 128)],
                bufs[j], lsems[j]).wait()

        def wait_scat(j):
            pltpu.make_async_copy(
                bufs[j], acc_sh.at[idx_v.at[0]], ssems[j]).wait()

        for j in range(nb):
            load(j, j)

        def body(g, _):
            for j in range(nb):
                wait_load(j)
                pltpu.async_copy(bufs[j], acc_sh.at[idx_v.at[g * nb + j]],
                                 ssems[j], add=True)
            for j in range(nb):

                @pl.when(g + 1 < ng)
                def _(j=j):
                    wait_scat(j)
                    load((g + 1) * nb + j, j)
            return 0

        lax.fori_loop(0, ng, body, 0)
        for j in range(nb):
            wait_scat(j)
        plsc.subcore_barrier()
        pltpu.sync_copy(acc_sh.at[pl.ds(stripe0, STRIPE)],
                        out_hbm.at[c, pl.ds(stripe0, STRIPE)])

    return scatter_kernel


def _fusion_body(e_ref, t_ref, w1_ref, w2_ref, b_ref, o_ref):
    o_ref[...] = jax.nn.relu(
        jnp.dot(e_ref[...], w1_ref[...], preferred_element_type=jnp.float32)
        + jnp.dot(t_ref[...], w2_ref[...], preferred_element_type=jnp.float32)
        + b_ref[...])


def _fusion(e_rows, t_rows, w1, w2, b):
    grid = NP // STRIPE
    return pl.pallas_call(
        _fusion_body,
        grid=(grid,),
        in_specs=[
            pl.BlockSpec((STRIPE, D), lambda i: (i, 0)),
            pl.BlockSpec((STRIPE, D), lambda i: (i, 0)),
            pl.BlockSpec((D, D), lambda i: (0, 0)),
            pl.BlockSpec((D, D), lambda i: (0, 0)),
            pl.BlockSpec((1, D), lambda i: (0, 0)),
        ],
        out_specs=pl.BlockSpec((STRIPE, D), lambda i: (i, 0)),
        out_shape=jax.ShapeDtypeStruct((NP, D), jnp.float32),
    )(e_rows, t_rows, w1, w2, b)


def _make_msg(l0):
    eblk = 1024
    rtab = R + 8

    def body(hs_ref, rel_ref, ctab_ref, v_ref, o_ref):
        hs = hs_ref[...]
        rel = rel_ref[0, 0, :]
        onehot = (rel[:, None]
                  == lax.broadcasted_iota(jnp.int32, (eblk, rtab), 1)
                  ).astype(jnp.float32)
        w = jnp.dot(onehot, ctab_ref[...], preferred_element_type=jnp.float32)
        hs_bf = hs.astype(jnp.bfloat16)
        ones_row = jnp.ones((1, D), jnp.float32)
        acc = jnp.zeros((eblk, D), jnp.float32)
        for b in range(NB):
            p = jnp.dot(hs_bf, v_ref[b], preferred_element_type=jnp.float32)
            wb = jnp.dot(w[:, l0 + b:l0 + b + 1], ones_row,
                         preferred_element_type=jnp.float32)
            acc = acc + wb * p
        o_ref[...] = acc

    def msg(hs, rel3, ctab, v_l):
        return pl.pallas_call(
            body,
            grid=(EP // eblk,),
            in_specs=[
                pl.BlockSpec((eblk, D), lambda i: (i, 0)),
                pl.BlockSpec((1, 1, eblk), lambda i: (i, 0, 0)),
                pl.BlockSpec((rtab, 32), lambda i: (0, 0)),
                pl.BlockSpec((NB, D, D), lambda i: (0, 0, 0)),
            ],
            out_specs=pl.BlockSpec((eblk, D), lambda i: (i, 0)),
            out_shape=jax.ShapeDtypeStruct((EP, D), jnp.float32),
        )(hs, rel3, ctab, v_l.astype(jnp.bfloat16))

    return msg


def _upd_body(agg_ref, deg_ref, h_ref, ws_ref, b_ref, o_ref):
    deg = jnp.sum(deg_ref[...], axis=0)[:, None]
    norm = 1.0 / jnp.maximum(deg, 1.0)
    agg = agg_ref[0] + agg_ref[1]
    o_ref[...] = jax.nn.relu(
        norm * agg
        + jnp.dot(h_ref[...], ws_ref[...], preferred_element_type=jnp.float32)
        + b_ref[...])


def _update(agg2, deg2, h, w_self, b):
    grid = NP // STRIPE
    return pl.pallas_call(
        _upd_body,
        grid=(grid,),
        in_specs=[
            pl.BlockSpec((NC, STRIPE, D), lambda i: (0, i, 0)),
            pl.BlockSpec((NW, STRIPE), lambda i: (0, i)),
            pl.BlockSpec((STRIPE, D), lambda i: (i, 0)),
            pl.BlockSpec((D, D), lambda i: (0, 0)),
            pl.BlockSpec((1, D), lambda i: (0, 0)),
        ],
        out_specs=pl.BlockSpec((STRIPE, D), lambda i: (i, 0)),
        out_shape=jax.ShapeDtypeStruct((NP, D), jnp.float32),
    )(agg2, deg2, h, w_self, b)


def kernel(entity_ids, rel_ids, time_ids, edge_index, entity_table, time_table,
           fusion_W, fusion_b, V, comp, W_self, layer_bias):
    src = edge_index[0]
    dst = edge_index[1]

    ids_e = jnp.concatenate([entity_ids, jnp.zeros((KN - N,), jnp.int32)])
    ids_t = jnp.concatenate([time_ids, jnp.zeros((KN - N,), jnp.int32)])
    srcp = jnp.concatenate([src, jnp.zeros((EP - E,), jnp.int32)])
    dstp = jnp.concatenate(
        [dst, jnp.full((EP - E,), N, jnp.int32)]).reshape(EP // 128, 128)
    relp = jnp.concatenate([rel_ids, jnp.full((EP - E,), R, jnp.int32)])

    ctab = comp.transpose(1, 0, 2).reshape(R, L * NB)
    ctab = jnp.pad(ctab, ((0, 8), (0, 32 - L * NB)))

    z128 = jnp.zeros((NP, D), jnp.float32)
    rel3 = relp.reshape(EP // 1024, 1, 1024)
    dstf = jnp.concatenate([dst, jnp.full((EP - E,), N, jnp.int32)])
    w1 = fusion_W[:D]
    w2 = fusion_W[D:]
    bias0 = fusion_b.reshape(1, D)

    e_rows, t_rows, degf = _make_prelude()(
        entity_table, ids_e, time_table, ids_t, dstf)
    degp = degf.reshape(NW, NP)
    scatter_m = _make_scatter(D)

    h = _fusion(e_rows[:NP], t_rows[:NP], w1, w2, bias0)

    gather_h = _make_gather_sp(EP)
    for l in range(L):
        hs = gather_h(h, srcp)
        m = _make_msg(l * NB)(hs, rel3, ctab, V[l])
        agg2 = scatter_m(m, dstp, z128)
        h = _update(agg2, degp, h, W_self[l], layer_bias[l].reshape(1, D))

    return h[:N]

# --- scband reference (transcript-rebuilt; emitter-appended) ---
"""Pipeline reference for scband-temporal-gnn-28784870818367 (READ-ONLY COPY).

The authoritative reference and input builder live on the scoring server;
editing this copy changes nothing except your own understanding.
"""

import jax, jax.numpy as jnp
import numpy as np

N = 10000
E = 160000
D = 128
R = 200
T = 366
ENT = 100000
NB = 10
L = 3


def setup_inputs(seed: int = 0) -> dict:
    key = jax.random.key(seed)
    ks = jax.random.split(key, 12)
    entity_ids = jax.random.randint(ks[0], (N,), 0, ENT, dtype=jnp.int32)
    rel_ids = jax.random.randint(ks[1], (E,), 0, R, dtype=jnp.int32)
    time_ids = jax.random.randint(ks[2], (N,), 0, T, dtype=jnp.int32)
    edge_index = jax.random.randint(ks[3], (2, E), 0, N, dtype=jnp.int32)
    entity_table = jax.random.normal(ks[4], (ENT, D), jnp.float32) * 0.02
    time_table = jax.random.normal(ks[5], (T, D), jnp.float32) * 0.02
    fusion_W = jax.random.normal(ks[6], (2 * D, D), jnp.float32) * (1.0 / np.sqrt(2 * D))
    fusion_b = jnp.zeros((D,), jnp.float32)
    V = jax.random.normal(ks[7], (L, NB, D, D), jnp.float32) * (1.0 / np.sqrt(D * NB))
    comp = jax.random.normal(ks[8], (L, R, NB), jnp.float32) * 0.3
    W_self = jax.random.normal(ks[9], (L, D, D), jnp.float32) * (1.0 / np.sqrt(D))
    layer_bias = jnp.zeros((L, D), jnp.float32)
    return {
        "entity_ids": entity_ids,
        "rel_ids": rel_ids,
        "time_ids": time_ids,
        "edge_index": edge_index,
        "entity_table": entity_table,
        "time_table": time_table,
        "fusion_W": fusion_W,
        "fusion_b": fusion_b,
        "V": V,
        "comp": comp,
        "W_self": W_self,
        "layer_bias": layer_bias,
    }


def _rgcn_layer(h, src, dst, rel_ids, norm, V_l, comp_l, W_self_l, b_l):
    # basis-decomposition RGCN: W_r = sum_b comp[r, b] * V_b
    # message m_e = W_{r_e} h_{src_e}; aggregate sum at dst, normalize by in-degree,
    # add self-loop transform and bias. Linearity lets us scatter per-basis first.
    n = h.shape[0]
    hs = h[src]                      # gather: [E, D]
    w = comp_l[rel_ids]              # gather: [E, NB]
    ys = []
    for b in range(NB):
        ys.append(jax.ops.segment_sum(w[:, b:b + 1] * hs, dst, num_segments=n))
    y = jnp.stack(ys, axis=0)        # [NB, N, D]
    y = y * norm[None, :, None]
    agg = jnp.einsum('bnd,bdo->no', y, V_l)
    return jax.nn.relu(agg + h @ W_self_l + b_l)


def reference(entity_ids, rel_ids, time_ids, edge_index, entity_table, time_table,
              fusion_W, fusion_b, V, comp, W_self, layer_bias):
    src = edge_index[0]
    dst = edge_index[1]
    n = entity_ids.shape[0]
    e_emb = entity_table[entity_ids]             # embedding gather [N, D]
    t_emb = time_table[time_ids]                 # embedding gather [N, D]
    et = jnp.concatenate([e_emb, t_emb], axis=-1)
    h = jax.nn.relu(et @ fusion_W + fusion_b)    # time_fusion + relu (dropout=identity, eval)
    deg = jnp.zeros((n,), jnp.float32).at[dst].add(1.0)
    norm = 1.0 / jnp.clip(deg, 1.0)
    for l in range(L):
        h = _rgcn_layer(h, src, dst, rel_ids, norm, V[l], comp[l], W_self[l], layer_bias[l])
    return h

if __name__ == "__main__":
    import jax
    _d = setup_inputs()
    print(jax.jit(kernel)(*tuple(_d.values())))

</pallas_src>

<mosaic_0001>
#map = affine_map<(d0, d1) -> (0, 0)>
#map1 = affine_map<(d0, d1) -> (0)>
module attributes {stable_mosaic.version = 14 : i64} {
  func.func @gather_kernel(%arg0: i32, %arg1: i32, %arg2: memref<10240x128xf32, #tpu.memory_space<hbm>>, %arg3: memref<163840xi32, #tpu.memory_space<hbm>>, %arg4: memref<163840x128xf32, #tpu.memory_space<hbm>>, %arg5: memref<10240x128xf32, #tpu.memory_space<vmem_shared>>, %arg6: memref<5120xi32, #tpu.memory_space<vmem>>, %arg7: memref<128x128xf32, #tpu.memory_space<vmem>>, %arg8: memref<128x128xf32, #tpu.memory_space<vmem>>, %arg9: memref<!tpu.dma_semaphore, #tpu.memory_space<semaphore_mem>>, %arg10: memref<!tpu.dma_semaphore, #tpu.memory_space<semaphore_mem>>) attributes {dimension_semantics = [#tpu.dimension_semantics<core_parallel>, #tpu.dimension_semantics<subcore_parallel>], iteration_bounds = array<i64: 2, 16>, scalar_prefetch = 0 : i64, scratch_operands = 6 : i64, tpu.core_type = #tpu.core_type<sc_vector_subcore>, window_params = [{transform_indices = #map}, {transform_indices = #map1}, {transform_indices = #map}]} {
    %mul3A = arith.constant 640 : i32
    %mul3A_0 = arith.muli %arg1, %mul3A : i32
    %multiple_of3A = tpu.assume_multiple %mul3A_0, 640 : i32
    "tpu.region"() ({
      %run_scoped3A = tpu.sem_alloc : memref<!tpu.dma_semaphore, #tpu.memory_space<semaphore_mem>>
      %dma_start3A_18 = arith.constant 0 : i32
      %dma_start3A_19 = tpu.memref_slice %arg5[%multiple_of3A, %dma_start3A_18] : memref<10240x128xf32, #tpu.memory_space<vmem_shared>> -> memref<640x128xf32, #tpu.memory_space<vmem_shared>>
      %dma_start3A_20 = arith.constant 0 : i32
      %dma_start3A_21 = tpu.memref_slice %arg2[%multiple_of3A, %dma_start3A_20] : memref<10240x128xf32, #tpu.memory_space<hbm>> -> memref<640x128xf32, #tpu.memory_space<hbm>>
      tpu.enqueue_dma source(%dma_start3A_21 : memref<640x128xf32, #tpu.memory_space<hbm>>) target(%dma_start3A_19 : memref<640x128xf32, #tpu.memory_space<vmem_shared>>) target_semaphore(%run_scoped3A : memref<!tpu.dma_semaphore, #tpu.memory_space<semaphore_mem>>)
      %dma_wait3A = arith.constant 0 : i32
      %dma_wait3A_22 = tpu.memref_slice %arg5[%multiple_of3A, %dma_wait3A] : memref<10240x128xf32, #tpu.memory_space<vmem_shared>> -> memref<640x128xf32, #tpu.memory_space<vmem_shared>>
      %dma_wait3A_23 = arith.constant 0 : i32
      %dma_wait3A_24 = tpu.memref_slice %arg2[%multiple_of3A, %dma_wait3A_23] : memref<10240x128xf32, #tpu.memory_space<hbm>> -> memref<640x128xf32, #tpu.memory_space<hbm>>
      tpu.wait_dma2 semaphore(%run_scoped3A : memref<!tpu.dma_semaphore, #tpu.memory_space<semaphore_mem>>) src(%dma_wait3A_24 : memref<640x128xf32, #tpu.memory_space<hbm>>) dst(%dma_wait3A_22 : memref<640x128xf32, #tpu.memory_space<vmem_shared>>)
      tpu.yield
    }) : () -> ()
    %mul3A_1 = arith.constant 2 : i32
    %mul3A_2 = arith.muli %arg1, %mul3A_1 : i32
    %add3A = arith.addi %mul3A_2, %arg0 : i32
    %mul3A_3 = arith.constant 40 : i32
    %mul3A_4 = arith.muli %add3A, %mul3A_3 : i32
    %mul3A_5 = arith.constant 128 : i32
    %mul3A_6 = arith.muli %mul3A_4, %mul3A_5 : i32
    %multiple_of3A_7 = tpu.assume_multiple %mul3A_6, 128 : i32
    "tpu.region"() ({
      %run_scoped3A = tpu.sem_alloc : memref<!tpu.dma_semaphore, #tpu.memory_space<semaphore_mem>>
      %dma_start3A_18 = tpu.memref_slice %arg3[%multiple_of3A_7] : memref<163840xi32, #tpu.memory_space<hbm>> -> memref<5120xi32, #tpu.memory_space<hbm>>
      %dma_start3A_19 = tpu.memref_slice %arg3[%multiple_of3A_7] : memref<163840xi32, #tpu.memory_space<hbm>> -> memref<5120xi32, #tpu.memory_space<hbm>>
      tpu.enqueue_dma source(%dma_start3A_19 : memref<5120xi32, #tpu.memory_space<hbm>>) target(%arg6 : memref<5120xi32, #tpu.memory_space<vmem>>) target_semaphore(%run_scoped3A : memref<!tpu.dma_semaphore, #tpu.memory_space<semaphore_mem>>)
      %dma_wait3A = tpu.memref_slice %arg3[%multiple_of3A_7] : memref<163840xi32, #tpu.memory_space<hbm>> -> memref<5120xi32, #tpu.memory_space<hbm>>
      %dma_wait3A_20 = tpu.memref_slice %arg3[%multiple_of3A_7] : memref<163840xi32, #tpu.memory_space<hbm>> -> memref<5120xi32, #tpu.memory_space<hbm>>
      tpu.wait_dma2 semaphore(%run_scoped3A : memref<!tpu.dma_semaphore, #tpu.memory_space<semaphore_mem>>) src(%dma_wait3A_20 : memref<5120xi32, #tpu.memory_space<hbm>>) dst(%arg6 : memref<5120xi32, #tpu.memory_space<vmem>>)
      tpu.yield
    }) : () -> ()
    %barrier3A = arith.constant 0 : index
    tpu.barrier barrier_id(%barrier3A)
    %dma_start3A = arith.constant 0 : i32
    %dma_start3A_8 = tpu.memref_slice %arg6[%dma_start3A] : memref<5120xi32, #tpu.memory_space<vmem>> -> memref<128xi32, #tpu.memory_space<vmem>>
    %dma_start3A_9 = arith.constant 0 : i32
    %dma_start3A_10 = arith.constant 0 : i32
    %dma_start3A_11 = tpu.memref_slice %arg5[%dma_start3A_9, %dma_start3A_10] : memref<10240x128xf32, #tpu.memory_space<vmem_shared>> -> memref<10240x128xf32, #tpu.memory_space<vmem_shared>>
    tpu.enqueue_indirect_dma source(%dma_start3A_11 : memref<10240x128xf32, #tpu.memory_space<vmem_shared>>) target(%arg7 : memref<128x128xf32, #tpu.memory_space<vmem>>) offsets(%dma_start3A_8 : memref<128xi32, #tpu.memory_space<vmem>>) semaphore(%arg9 : memref<!tpu.dma_semaphore, #tpu.memory_space<semaphore_mem>>)
    %scan3A = arith.constant 0 : i32
    %scan3A_12 = arith.constant 0 : i32
    %scan3A_13 = arith.constant 40 : i32
    %scan3A_14 = arith.addi %scan3A_12, %scan3A_13 : i32
    %scan3A_15 = arith.constant 1 : i32
    %scan3A_16 = scf.for %scan3A_18 = %scan3A_12 to %scan3A_14 step %scan3A_15 iter_args(%scan3A_19 = %scan3A) -> (i32)  : i32 {
      %rem3A = arith.constant 2 : i32
      %rem3A_20 = arith.remsi %scan3A_18, %rem3A : i32
      %eq3A = arith.constant 0 : i32
      %eq3A_21 = arith.cmpi eq, %rem3A_20, %eq3A : i32
      %convert_element_type3A = arith.extui %eq3A_21 : i1 to i32
      %cond3A = arith.constant 0 : i32
      %cond3A_22 = arith.cmpi ne, %convert_element_type3A, %cond3A : i32
      scf.if %cond3A_22 {
        %dma_wait3A = arith.constant 0 : i32
        %dma_wait3A_29 = tpu.memref_slice %arg6[%dma_wait3A] : memref<5120xi32, #tpu.memory_space<vmem>> -> memref<128xi32, #tpu.memory_space<vmem>>
        %dma_wait3A_30 = arith.constant 0 : i32
        %dma_wait3A_31 = arith.constant 0 : i32
        %dma_wait3A_32 = tpu.memref_slice %arg5[%dma_wait3A_30, %dma_wait3A_31] : memref<10240x128xf32, #tpu.memory_space<vmem_shared>> -> memref<10240x128xf32, #tpu.memory_space<vmem_shared>>
        tpu.wait_indirect_dma semaphore(%arg9 : memref<!tpu.dma_semaphore, #tpu.memory_space<semaphore_mem>>) src(%dma_wait3A_32 : memref<10240x128xf32, #tpu.memory_space<vmem_shared>>) dst(%arg7 : memref<128x128xf32, #tpu.memory_space<vmem>>)
        %add3A_33 = arith.constant 1 : i32
        %add3A_34 = arith.addi %scan3A_18, %add3A_33 : i32
        %lt3A = arith.constant 40 : i32
        %lt3A_35 = arith.cmpi slt, %add3A_34, %lt3A : i32
        %convert_element_type3A_36 = arith.extui %lt3A_35 : i1 to i32
        %cond3A_37 = arith.constant 0 : i32
        %cond3A_38 = arith.cmpi ne, %convert_element_type3A_36, %cond3A_37 : i32
        scf.if %cond3A_38 {
          %add3A_43 = arith.constant 1 : i32
          %add3A_44 = arith.addi %scan3A_18, %add3A_43 : i32
          %mul3A_45 = arith.constant 128 : i32
          %mul3A_46 = arith.muli %add3A_44, %mul3A_45 : i32
          %multiple_of3A_47 = tpu.assume_multiple %mul3A_46, 128 : i32
          %dma_start3A_48 = tpu.memref_slice %arg6[%multiple_of3A_47] : memref<5120xi32, #tpu.memory_space<vmem>> -> memref<128xi32, #tpu.memory_space<vmem>>
          %dma_start3A_49 = arith.constant 0 : i32
          %dma_start3A_50 = arith.constant 0 : i32
          %dma_start3A_51 = tpu.memref_slice %arg5[%dma_start3A_49, %dma_start3A_50] : memref<10240x128xf32, #tpu.memory_space<vmem_shared>> -> memref<10240x128xf32, #tpu.memory_space<vmem_shared>>
          tpu.enqueue_indirect_dma source(%dma_start3A_51 : memref<10240x128xf32, #tpu.memory_space<vmem_shared>>) target(%arg8 : memref<128x128xf32, #tpu.memory_space<vmem>>) offsets(%dma_start3A_48 : memref<128xi32, #tpu.memory_space<vmem>>) semaphore(%arg10 : memref<!tpu.dma_semaphore, #tpu.memory_space<semaphore_mem>>)
        } else {
        }
        %add3A_39 = arith.addi %mul3A_4, %scan3A_18 : i32
        %mul3A_40 = arith.constant 128 : i32
        %mul3A_41 = arith.muli %add3A_39, %mul3A_40 : i32
        %multiple_of3A_42 = tpu.assume_multiple %mul3A_41, 128 : i32
        "tpu.region"() ({
          %run_scoped3A = tpu.sem_alloc : memref<!tpu.dma_semaphore, #tpu.memory_space<semaphore_mem>>
          %dma_start3A_43 = arith.constant 0 : i32
          %dma_start3A_44 = tpu.memref_slice %arg4[%multiple_of3A_42, %dma_start3A_43] : memref<163840x128xf32, #tpu.memory_space<hbm>> -> memref<128x128xf32, #tpu.memory_space<hbm>>
          %dma_start3A_45 = arith.constant 0 : i32
          %dma_start3A_46 = tpu.memref_slice %arg4[%multiple_of3A_42, %dma_start3A_45] : memref<163840x128xf32, #tpu.memory_space<hbm>> -> memref<128x128xf32, #tpu.memory_space<hbm>>
          tpu.enqueue_dma source(%arg7 : memref<128x128xf32, #tpu.memory_space<vmem>>) target(%dma_start3A_46 : memref<128x128xf32, #tpu.memory_space<hbm>>) target_semaphore(%run_scoped3A : memref<!tpu.dma_semaphore, #tpu.memory_space<semaphore_mem>>)
          %dma_wait3A_47 = arith.constant 0 : i32
          %dma_wait3A_48 = tpu.memref_slice %arg4[%multiple_of3A_42, %dma_wait3A_47] : memref<163840x128xf32, #tpu.memory_space<hbm>> -> memref<128x128xf32, #tpu.memory_space<hbm>>
          %dma_wait3A_49 = arith.constant 0 : i32
          %dma_wait3A_50 = tpu.memref_slice %arg4[%multiple_of3A_42, %dma_wait3A_49] : memref<163840x128xf32, #tpu.memory_space<hbm>> -> memref<128x128xf32, #tpu.memory_space<hbm>>
          tpu.wait_dma2 semaphore(%run_scoped3A : memref<!tpu.dma_semaphore, #tpu.memory_space<semaphore_mem>>) src(%arg7 : memref<128x128xf32, #tpu.memory_space<vmem>>) dst(%dma_wait3A_50 : memref<128x128xf32, #tpu.memory_space<hbm>>)
          tpu.yield
        }) : () -> ()
      } else {
      }
      %eq3A_23 = arith.constant 1 : i32
      %eq3A_24 = arith.cmpi eq, %rem3A_20, %eq3A_23 : i32
      %convert_element_type3A_25 = arith.extui %eq3A_24 : i1 to i32
      %cond3A_26 = arith.constant 0 : i32
      %cond3A_27 = arith.cmpi ne, %convert_element_type3A_25, %cond3A_26 : i32
      scf.if %cond3A_27 {
        %dma_wait3A = arith.constant 0 : i32
        %dma_wait3A_29 = tpu.memref_slice %arg6[%dma_wait3A] : memref<5120xi32, #tpu.memory_space<vmem>> -> memref<128xi32, #tpu.memory_space<vmem>>
        %dma_wait3A_30 = arith.constant 0 : i32
        %dma_wait3A_31 = arith.constant 0 : i32
        %dma_wait3A_32 = tpu.memref_slice %arg5[%dma_wait3A_30, %dma_wait3A_31] : memref<10240x128xf32, #tpu.memory_space<vmem_shared>> -> memref<10240x128xf32, #tpu.memory_space<vmem_shared>>
        tpu.wait_indirect_dma semaphore(%arg10 : memref<!tpu.dma_semaphore, #tpu.memory_space<semaphore_mem>>) src(%dma_wait3A_32 : memref<10240x128xf32, #tpu.memory_space<vmem_shared>>) dst(%arg8 : memref<128x128xf32, #tpu.memory_space<vmem>>)
        %add3A_33 = arith.constant 1 : i32
        %add3A_34 = arith.addi %scan3A_18, %add3A_33 : i32
        %lt3A = arith.constant 40 : i32
        %lt3A_35 = arith.cmpi slt, %add3A_34, %lt3A : i32
        %convert_element_type3A_36 = arith.extui %lt3A_35 : i1 to i32
        %cond3A_37 = arith.constant 0 : i32
        %cond3A_38 = arith.cmpi ne, %convert_element_type3A_36, %cond3A_37 : i32
        scf.if %cond3A_38 {
          %add3A_43 = arith.constant 1 : i32
          %add3A_44 = arith.addi %scan3A_18, %add3A_43 : i32
          %mul3A_45 = arith.constant 128 : i32
          %mul3A_46 = arith.muli %add3A_44, %mul3A_45 : i32
          %multiple_of3A_47 = tpu.assume_multiple %mul3A_46, 128 : i32
          %dma_start3A_48 = tpu.memref_slice %arg6[%multiple_of3A_47] : memref<5120xi32, #tpu.memory_space<vmem>> -> memref<128xi32, #tpu.memory_space<vmem>>
          %dma_start3A_49 = arith.constant 0 : i32
          %dma_start3A_50 = arith.constant 0 : i32
          %dma_start3A_51 = tpu.memref_slice %arg5[%dma_start3A_49, %dma_start3A_50] : memref<10240x128xf32, #tpu.memory_space<vmem_shared>> -> memref<10240x128xf32, #tpu.memory_space<vmem_shared>>
          tpu.enqueue_indirect_dma source(%dma_start3A_51 : memref<10240x128xf32, #tpu.memory_space<vmem_shared>>) target(%arg7 : memref<128x128xf32, #tpu.memory_space<vmem>>) offsets(%dma_start3A_48 : memref<128xi32, #tpu.memory_space<vmem>>) semaphore(%arg9 : memref<!tpu.dma_semaphore, #tpu.memory_space<semaphore_mem>>)
        } else {
        }
        %add3A_39 = arith.addi %mul3A_4, %scan3A_18 : i32
        %mul3A_40 = arith.constant 128 : i32
        %mul3A_41 = arith.muli %add3A_39, %mul3A_40 : i32
        %multiple_of3A_42 = tpu.assume_multiple %mul3A_41, 128 : i32
        "tpu.region"() ({
          %run_scoped3A = tpu.sem_alloc : memref<!tpu.dma_semaphore, #tpu.memory_space<semaphore_mem>>
          %dma_start3A_43 = arith.constant 0 : i32
          %dma_start3A_44 = tpu.memref_slice %arg4[%multiple_of3A_42, %dma_start3A_43] : memref<163840x128xf32, #tpu.memory_space<hbm>> -> memref<128x128xf32, #tpu.memory_space<hbm>>
          %dma_start3A_45 = arith.constant 0 : i32
          %dma_start3A_46 = tpu.memref_slice %arg4[%multiple_of3A_42, %dma_start3A_45] : memref<163840x128xf32, #tpu.memory_space<hbm>> -> memref<128x128xf32, #tpu.memory_space<hbm>>
          tpu.enqueue_dma source(%arg8 : memref<128x128xf32, #tpu.memory_space<vmem>>) target(%dma_start3A_46 : memref<128x128xf32, #tpu.memory_space<hbm>>) target_semaphore(%run_scoped3A : memref<!tpu.dma_semaphore, #tpu.memory_space<semaphore_mem>>)
          %dma_wait3A_47 = arith.constant 0 : i32
          %dma_wait3A_48 = tpu.memref_slice %arg4[%multiple_of3A_42, %dma_wait3A_47] : memref<163840x128xf32, #tpu.memory_space<hbm>> -> memref<128x128xf32, #tpu.memory_space<hbm>>
          %dma_wait3A_49 = arith.constant 0 : i32
          %dma_wait3A_50 = tpu.memref_slice %arg4[%multiple_of3A_42, %dma_wait3A_49] : memref<163840x128xf32, #tpu.memory_space<hbm>> -> memref<128x128xf32, #tpu.memory_space<hbm>>
          tpu.wait_dma2 semaphore(%run_scoped3A : memref<!tpu.dma_semaphore, #tpu.memory_space<semaphore_mem>>) src(%arg8 : memref<128x128xf32, #tpu.memory_space<vmem>>) dst(%dma_wait3A_50 : memref<128x128xf32, #tpu.memory_space<hbm>>)
          tpu.yield
        }) : () -> ()
      } else {
      }
      %scan3A_28 = arith.constant 0 : i32
      scf.yield %scan3A_28 : i32
    }
    %scan3A_17 = arith.constant 40 : i32
    return
  }
}

#map = affine_map<(d0, d1) -> (0, 0)>
#map1 = affine_map<(d0, d1) -> (0)>
module attributes {stable_mosaic.version = 14 : i64} {
  func.func @prelude_kernel(%arg0: i32, %arg1: i32, %arg2: memref<100000x128xf32, #tpu.memory_space<hbm>>, %arg3: memref<12288xi32, #tpu.memory_space<hbm>>, %arg4: memref<366x128xf32, #tpu.memory_space<hbm>>, %arg5: memref<12288xi32, #tpu.memory_space<hbm>>, %arg6: memref<163840xi32, #tpu.memory_space<hbm>>, %arg7: memref<12288x128xf32, #tpu.memory_space<hbm>>, %arg8: memref<12288x128xf32, #tpu.memory_space<hbm>>, %arg9: memref<327680xf32, #tpu.memory_space<hbm>>, %arg10: memref<384xi32, #tpu.memory_space<vmem>>, %arg11: memref<384xi32, #tpu.memory_space<vmem>>, %arg12: memref<5120xi32, #tpu.memory_space<vmem>>, %arg13: memref<128x128xf32, #tpu.memory_space<vmem>>, %arg14: memref<128x128xf32, #tpu.memory_space<vmem>>, %arg15: memref<10240xf32, #tpu.memory_space<vmem>>, %arg16: memref<!tpu.dma_semaphore, #tpu.memory_space<semaphore_mem>>, %arg17: memref<!tpu.dma_semaphore, #tpu.memory_space<semaphore_mem>>) attributes {dimension_semantics = [#tpu.dimension_semantics<core_parallel>, #tpu.dimension_semantics<subcore_parallel>], iteration_bounds = array<i64: 2, 16>, scalar_prefetch = 0 : i64, scratch_operands = 8 : i64, tpu.core_type = #tpu.core_type<sc_vector_subcore>, window_params = [{transform_indices = #map}, {transform_indices = #map1}, {transform_indices = #map}, {transform_indices = #map1}, {transform_indices = #map1}, {transform_indices = #map}, {transform_indices = #map}, {transform_indices = #map1}]} {
    %mul3A = arith.constant 2 : i32
    %mul3A_0 = arith.muli %arg1, %mul3A : i32
    %add3A = arith.addi %mul3A_0, %arg0 : i32
    %mul3A_1 = arith.constant 384 : i32
    %mul3A_2 = arith.muli %add3A, %mul3A_1 : i32
    %multiple_of3A = tpu.assume_multiple %mul3A_2, 128 : i32
    "tpu.region"() ({
      %run_scoped3A = tpu.sem_alloc : memref<!tpu.dma_semaphore, #tpu.memory_space<semaphore_mem>>
      %dma_start3A_99 = tpu.memref_slice %arg3[%multiple_of3A] : memref<12288xi32, #tpu.memory_space<hbm>> -> memref<384xi32, #tpu.memory_space<hbm>>
      %dma_start3A_100 = tpu.memref_slice %arg3[%multiple_of3A] : memref<12288xi32, #tpu.memory_space<hbm>> -> memref<384xi32, #tpu.memory_space<hbm>>
      tpu.enqueue_dma source(%dma_start3A_100 : memref<384xi32, #tpu.memory_space<hbm>>) target(%arg10 : memref<384xi32, #tpu.memory_space<vmem>>) target_semaphore(%run_scoped3A : memref<!tpu.dma_semaphore, #tpu.memory_space<semaphore_mem>>)
      %dma_wait3A_101 = tpu.memref_slice %arg3[%multiple_of3A] : memref<12288xi32, #tpu.memory_space<hbm>> -> memref<384xi32, #tpu.memory_space<hbm>>
      %dma_wait3A_102 = tpu.memref_slice %arg3[%multiple_of3A] : memref<12288xi32, #tpu.memory_space<hbm>> -> memref<384xi32, #tpu.memory_space<hbm>>
      tpu.wait_dma2 semaphore(%run_scoped3A : memref<!tpu.dma_semaphore, #tpu.memory_space<semaphore_mem>>) src(%dma_wait3A_102 : memref<384xi32, #tpu.memory_space<hbm>>) dst(%arg10 : memref<384xi32, #tpu.memory_space<vmem>>)
      tpu.yield
    }) : () -> ()
    "tpu.region"() ({
      %run_scoped3A = tpu.sem_alloc : memref<!tpu.dma_semaphore, #tpu.memory_space<semaphore_mem>>
      %dma_start3A_99 = tpu.memref_slice %arg5[%multiple_of3A] : memref<12288xi32, #tpu.memory_space<hbm>> -> memref<384xi32, #tpu.memory_space<hbm>>
      %dma_start3A_100 = tpu.memref_slice %arg5[%multiple_of3A] : memref<12288xi32, #tpu.memory_space<hbm>> -> memref<384xi32, #tpu.memory_space<hbm>>
      tpu.enqueue_dma source(%dma_start3A_100 : memref<384xi32, #tpu.memory_space<hbm>>) target(%arg11 : memref<384xi32, #tpu.memory_space<vmem>>) target_semaphore(%run_scoped3A : memref<!tpu.dma_semaphore, #tpu.memory_space<semaphore_mem>>)
      %dma_wait3A_101 = tpu.memref_slice %arg5[%multiple_of3A] : memref<12288xi32, #tpu.memory_space<hbm>> -> memref<384xi32, #tpu.memory_space<hbm>>
      %dma_wait3A_102 = tpu.memref_slice %arg5[%multiple_of3A] : memref<12288xi32, #tpu.memory_space<hbm>> -> memref<384xi32, #tpu.memory_space<hbm>>
      tpu.wait_dma2 semaphore(%run_scoped3A : memref<!tpu.dma_semaphore, #tpu.memory_space<semaphore_mem>>) src(%dma_wait3A_102 : memref<384xi32, #tpu.memory_space<hbm>>) dst(%arg11 : memref<384xi32, #tpu.memory_space<vmem>>)
      tpu.yield
    }) : () -> ()
    %mul3A_3 = arith.constant 5120 : i32
    %mul3A_4 = arith.muli %add3A, %mul3A_3 : i32
    %multiple_of3A_5 = tpu.assume_multiple %mul3A_4, 128 : i32
    "tpu.region"() ({
      %run_scoped3A = tpu.sem_alloc : memref<!tpu.dma_semaphore, #tpu.memory_space<semaphore_mem>>
      %dma_start3A_99 = tpu.memref_slice %arg6[%multiple_of3A_5] : memref<163840xi32, #tpu.memory_space<hbm>> -> memref<5120xi32, #tpu.memory_space<hbm>>
      %dma_start3A_100 = tpu.memref_slice %arg6[%multiple_of3A_5] : memref<163840xi32, #tpu.memory_space<hbm>> -> memref<5120xi32, #tpu.memory_space<hbm>>
      tpu.enqueue_dma source(%dma_start3A_100 : memref<5120xi32, #tpu.memory_space<hbm>>) target(%arg12 : memref<5120xi32, #tpu.memory_space<vmem>>) target_semaphore(%run_scoped3A : memref<!tpu.dma_semaphore, #tpu.memory_space<semaphore_mem>>)
      %dma_wait3A_101 = tpu.memref_slice %arg6[%multiple_of3A_5] : memref<163840xi32, #tpu.memory_space<hbm>> -> memref<5120xi32, #tpu.memory_space<hbm>>
      %dma_wait3A_102 = tpu.memref_slice %arg6[%multiple_of3A_5] : memref<163840xi32, #tpu.memory_space<hbm>> -> memref<5120xi32, #tpu.memory_space<hbm>>
      tpu.wait_dma2 semaphore(%run_scoped3A : memref<!tpu.dma_semaphore, #tpu.memory_space<semaphore_mem>>) src(%dma_wait3A_102 : memref<5120xi32, #tpu.memory_space<hbm>>) dst(%arg12 : memref<5120xi32, #tpu.memory_space<vmem>>)
      tpu.yield
    }) : () -> ()
    %dma_start3A = arith.constant 0 : i32
    %dma_start3A_6 = tpu.memref_slice %arg10[%dma_start3A] : memref<384xi32, #tpu.memory_space<vmem>> -> memref<128xi32, #tpu.memory_space<vmem>>
    %dma_start3A_7 = arith.constant 0 : i32
    %dma_start3A_8 = arith.constant 0 : i32
    %dma_start3A_9 = tpu.memref_slice %arg2[%dma_start3A_7, %dma_start3A_8] : memref<100000x128xf32, #tpu.memory_space<hbm>> -> memref<100000x128xf32, #tpu.memory_space<hbm>>
    tpu.enqueue_indirect_dma source(%dma_start3A_9 : memref<100000x128xf32, #tpu.memory_space<hbm>>) target(%arg13 : memref<128x128xf32, #tpu.memory_space<vmem>>) offsets(%dma_start3A_6 : memref<128xi32, #tpu.memory_space<vmem>>) semaphore(%arg16 : memref<!tpu.dma_semaphore, #tpu.memory_space<semaphore_mem>>)
    %dma_wait3A = arith.constant 0 : i32
    %dma_wait3A_10 = tpu.memref_slice %arg10[%dma_wait3A] : memref<384xi32, #tpu.memory_space<vmem>> -> memref<128xi32, #tpu.memory_space<vmem>>
    %dma_wait3A_11 = arith.constant 0 : i32
    %dma_wait3A_12 = arith.constant 0 : i32
    %dma_wait3A_13 = tpu.memref_slice %arg2[%dma_wait3A_11, %dma_wait3A_12] : memref<100000x128xf32, #tpu.memory_space<hbm>> -> memref<100000x128xf32, #tpu.memory_space<hbm>>
    tpu.wait_indirect_dma semaphore(%arg16 : memref<!tpu.dma_semaphore, #tpu.memory_space<semaphore_mem>>) src(%dma_wait3A_13 : memref<100000x128xf32, #tpu.memory_space<hbm>>) dst(%arg13 : memref<128x128xf32, #tpu.memory_space<vmem>>)
    %dma_start3A_14 = arith.constant 128 : i32
    %dma_start3A_15 = tpu.memref_slice %arg10[%dma_start3A_14] : memref<384xi32, #tpu.memory_space<vmem>> -> memref<128xi32, #tpu.memory_space<vmem>>
    %dma_start3A_16 = arith.constant 0 : i32
    %dma_start3A_17 = arith.constant 0 : i32
    %dma_start3A_18 = tpu.memref_slice %arg2[%dma_start3A_16, %dma_start3A_17] : memref<100000x128xf32, #tpu.memory_space<hbm>> -> memref<100000x128xf32, #tpu.memory_space<hbm>>
    tpu.enqueue_indirect_dma source(%dma_start3A_18 : memref<100000x128xf32, #tpu.memory_space<hbm>>) target(%arg14 : memref<128x128xf32, #tpu.memory_space<vmem>>) offsets(%dma_start3A_15 : memref<128xi32, #tpu.memory_space<vmem>>) semaphore(%arg17 : memref<!tpu.dma_semaphore, #tpu.memory_space<semaphore_mem>>)
    %add3A_19 = arith.constant 0 : i32
    %add3A_20 = arith.addi %multiple_of3A, %add3A_19 : i32
    %multiple_of3A_21 = tpu.assume_multiple %add3A_20, 128 : i32
    "tpu.region"() ({
      %run_scoped3A = tpu.sem_alloc : memref<!tpu.dma_semaphore, #tpu.memory_space<semaphore_mem>>
      %dma_start3A_99 = arith.constant 0 : i32
      %dma_start3A_100 = tpu.memref_slice %arg7[%multiple_of3A_21, %dma_start3A_99] : memref<12288x128xf32, #tpu.memory_space<hbm>> -> memref<128x128xf32, #tpu.memory_space<hbm>>
      %dma_start3A_101 = arith.constant 0 : i32
      %dma_start3A_102 = tpu.memref_slice %arg7[%multiple_of3A_21, %dma_start3A_101] : memref<12288x128xf32, #tpu.memory_space<hbm>> -> memref<128x128xf32, #tpu.memory_space<hbm>>
      tpu.enqueue_dma source(%arg13 : memref<128x128xf32, #tpu.memory_space<vmem>>) target(%dma_start3A_102 : memref<128x128xf32, #tpu.memory_space<hbm>>) target_semaphore(%run_scoped3A : memref<!tpu.dma_semaphore, #tpu.memory_space<semaphore_mem>>)
      %dma_wait3A_103 = arith.constant 0 : i32
      %dma_wait3A_104 = tpu.memref_slice %arg7[%multiple_of3A_21, %dma_wait3A_103] : memref<12288x128xf32, #tpu.memory_space<hbm>> -> memref<128x128xf32, #tpu.memory_space<hbm>>
      %dma_wait3A_105 = arith.constant 0 : i32
      %dma_wait3A_106 = tpu.memref_slice %arg7[%multiple_of3A_21, %dma_wait3A_105] : memref<12288x128xf32, #tpu.memory_space<hbm>> -> memref<128x128xf32, #tpu.memory_space<hbm>>
      tpu.wait_dma2 semaphore(%run_scoped3A : memref<!tpu.dma_semaphore, #tpu.memory_space<semaphore_mem>>) src(%arg13 : memref<128x128xf32, #tpu.memory_space<vmem>>) dst(%dma_wait3A_106 : memref<128x128xf32, #tpu.memory_space<hbm>>)
      tpu.yield
    }) : () -> ()
    %dma_wait3A_22 = arith.constant 128 : i32
    %dma_wait3A_23 = tpu.memref_slice %arg10[%dma_wait3A_22] : memref<384xi32, #tpu.memory_space<vmem>> -> memref<128xi32, #tpu.memory_space<vmem>>
    %dma_wait3A_24 = arith.constant 0 : i32
    %dma_wait3A_25 = arith.constant 0 : i32
    %dma_wait3A_26 = tpu.memref_slice %arg2[%dma_wait3A_24, %dma_wait3A_25] : memref<100000x128xf32, #tpu.memory_space<hbm>> -> memref<100000x128xf32, #tpu.memory_space<hbm>>
    tpu.wait_indirect_dma semaphore(%arg17 : memref<!tpu.dma_semaphore, #tpu.memory_space<semaphore_mem>>) src(%dma_wait3A_26 : memref<100000x128xf32, #tpu.memory_space<hbm>>) dst(%arg14 : memref<128x128xf32, #tpu.memory_space<vmem>>)
    %dma_start3A_27 = arith.constant 256 : i32
    %dma_start3A_28 = tpu.memref_slice %arg10[%dma_start3A_27] : memref<384xi32, #tpu.memory_space<vmem>> -> memref<128xi32, #tpu.memory_space<vmem>>
    %dma_start3A_29 = arith.constant 0 : i32
    %dma_start3A_30 = arith.constant 0 : i32
    %dma_start3A_31 = tpu.memref_slice %arg2[%dma_start3A_29, %dma_start3A_30] : memref<100000x128xf32, #tpu.memory_space<hbm>> -> memref<100000x128xf32, #tpu.memory_space<hbm>>
    tpu.enqueue_indirect_dma source(%dma_start3A_31 : memref<100000x128xf32, #tpu.memory_space<hbm>>) target(%arg13 : memref<128x128xf32, #tpu.memory_space<vmem>>) offsets(%dma_start3A_28 : memref<128xi32, #tpu.memory_space<vmem>>) semaphore(%arg16 : memref<!tpu.dma_semaphore, #tpu.memory_space<semaphore_mem>>)
    %add3A_32 = arith.constant 128 : i32
    %add3A_33 = arith.addi %multiple_of3A, %add3A_32 : i32
    %multiple_of3A_34 = tpu.assume_multiple %add3A_33, 128 : i32
    "tpu.region"() ({
      %run_scoped3A = tpu.sem_alloc : memref<!tpu.dma_semaphore, #tpu.memory_space<semaphore_mem>>
      %dma_start3A_99 = arith.constant 0 : i32
      %dma_start3A_100 = tpu.memref_slice %arg7[%multiple_of3A_34, %dma_start3A_99] : memref<12288x128xf32, #tpu.memory_space<hbm>> -> memref<128x128xf32, #tpu.memory_space<hbm>>
      %dma_start3A_101 = arith.constant 0 : i32
      %dma_start3A_102 = tpu.memref_slice %arg7[%multiple_of3A_34, %dma_start3A_101] : memref<12288x128xf32, #tpu.memory_space<hbm>> -> memref<128x128xf32, #tpu.memory_space<hbm>>
      tpu.enqueue_dma source(%arg14 : memref<128x128xf32, #tpu.memory_space<vmem>>) target(%dma_start3A_102 : memref<128x128xf32, #tpu.memory_space<hbm>>) target_semaphore(%run_scoped3A : memref<!tpu.dma_semaphore, #tpu.memory_space<semaphore_mem>>)
      %dma_wait3A_103 = arith.constant 0 : i32
      %dma_wait3A_104 = tpu.memref_slice %arg7[%multiple_of3A_34, %dma_wait3A_103] : memref<12288x128xf32, #tpu.memory_space<hbm>> -> memref<128x128xf32, #tpu.memory_space<hbm>>
      %dma_wait3A_105 = arith.constant 0 : i32
      %dma_wait3A_106 = tpu.memref_slice %arg7[%multiple_of3A_34, %dma_wait3A_105] : memref<12288x128xf32, #tpu.memory_space<hbm>> -> memref<128x128xf32, #tpu.memory_space<hbm>>
      tpu.wait_dma2 semaphore(%run_scoped3A : memref<!tpu.dma_semaphore, #tpu.memory_space<semaphore_mem>>) src(%arg14 : memref<128x128xf32, #tpu.memory_space<vmem>>) dst(%dma_wait3A_106 : memref<128x128xf32, #tpu.memory_space<hbm>>)
      tpu.yield
    }) : () -> ()
    %dma_wait3A_35 = arith.constant 256 : i32
    %dma_wait3A_36 = tpu.memref_slice %arg10[%dma_wait3A_35] : memref<384xi32, #tpu.memory_space<vmem>> -> memref<128xi32, #tpu.memory_space<vmem>>
    %dma_wait3A_37 = arith.constant 0 : i32
    %dma_wait3A_38 = arith.constant 0 : i32
    %dma_wait3A_39 = tpu.memref_slice %arg2[%dma_wait3A_37, %dma_wait3A_38] : memref<100000x128xf32, #tpu.memory_space<hbm>> -> memref<100000x128xf32, #tpu.memory_space<hbm>>
    tpu.wait_indirect_dma semaphore(%arg16 : memref<!tpu.dma_semaphore, #tpu.memory_space<semaphore_mem>>) src(%dma_wait3A_39 : memref<100000x128xf32, #tpu.memory_space<hbm>>) dst(%arg13 : memref<128x128xf32, #tpu.memory_space<vmem>>)
    %dma_start3A_40 = arith.constant 0 : i32
    %dma_start3A_41 = tpu.memref_slice %arg11[%dma_start3A_40] : memref<384xi32, #tpu.memory_space<vmem>> -> memref<128xi32, #tpu.memory_space<vmem>>
    %dma_start3A_42 = arith.constant 0 : i32
    %dma_start3A_43 = arith.constant 0 : i32
    %dma_start3A_44 = tpu.memref_slice %arg4[%dma_start3A_42, %dma_start3A_43] : memref<366x128xf32, #tpu.memory_space<hbm>> -> memref<366x128xf32, #tpu.memory_space<hbm>>
    tpu.enqueue_indirect_dma source(%dma_start3A_44 : memref<366x128xf32, #tpu.memory_space<hbm>>) target(%arg14 : memref<128x128xf32, #tpu.memory_space<vmem>>) offsets(%dma_start3A_41 : memref<128xi32, #tpu.memory_space<vmem>>) semaphore(%arg17 : memref<!tpu.dma_semaphore, #tpu.memory_space<semaphore_mem>>)
    %add3A_45 = arith.constant 256 : i32
    %add3A_46 = arith.addi %multiple_of3A, %add3A_45 : i32
    %multiple_of3A_47 = tpu.assume_multiple %add3A_46, 128 : i32
    "tpu.region"() ({
      %run_scoped3A = tpu.sem_alloc : memref<!tpu.dma_semaphore, #tpu.memory_space<semaphore_mem>>
      %dma_start3A_99 = arith.constant 0 : i32
      %dma_start3A_100 = tpu.memref_slice %arg7[%multiple_of3A_47, %dma_start3A_99] : memref<12288x128xf32, #tpu.memory_space<hbm>> -> memref<128x128xf32, #tpu.memory_space<hbm>>
      %dma_start3A_101 = arith.constant 0 : i32
      %dma_start3A_102 = tpu.memref_slice %arg7[%multiple_of3A_47, %dma_start3A_101] : memref<12288x128xf32, #tpu.memory_space<hbm>> -> memref<128x128xf32, #tpu.memory_space<hbm>>
      tpu.enqueue_dma source(%arg13 : memref<128x128xf32, #tpu.memory_space<vmem>>) target(%dma_start3A_102 : memref<128x128xf32, #tpu.memory_space<hbm>>) target_semaphore(%run_scoped3A : memref<!tpu.dma_semaphore, #tpu.memory_space<semaphore_mem>>)
      %dma_wait3A_103 = arith.constant 0 : i32
      %dma_wait3A_104 = tpu.memref_slice %arg7[%multiple_of3A_47, %dma_wait3A_103] : memref<12288x128xf32, #tpu.memory_space<hbm>> -> memref<128x128xf32, #tpu.memory_space<hbm>>
      %dma_wait3A_105 = arith.constant 0 : i32
      %dma_wait3A_106 = tpu.memref_slice %arg7[%multiple_of3A_47, %dma_wait3A_105] : memref<12288x128xf32, #tpu.memory_space<hbm>> -> memref<128x128xf32, #tpu.memory_space<hbm>>
      tpu.wait_dma2 semaphore(%run_scoped3A : memref<!tpu.dma_semaphore, #tpu.memory_space<semaphore_mem>>) src(%arg13 : memref<128x128xf32, #tpu.memory_space<vmem>>) dst(%dma_wait3A_106 : memref<128x128xf32, #tpu.memory_space<hbm>>)
      tpu.yield
    }) : () -> ()
    %dma_wait3A_48 = arith.constant 0 : i32
    %dma_wait3A_49 = tpu.memref_slice %arg11[%dma_wait3A_48] : memref<384xi32, #tpu.memory_space<vmem>> -> memref<128xi32, #tpu.memory_space<vmem>>
    %dma_wait3A_50 = arith.constant 0 : i32
    %dma_wait3A_51 = arith.constant 0 : i32
    %dma_wait3A_52 = tpu.memref_slice %arg4[%dma_wait3A_50, %dma_wait3A_51] : memref<366x128xf32, #tpu.memory_space<hbm>> -> memref<366x128xf32, #tpu.memory_space<hbm>>
    tpu.wait_indirect_dma semaphore(%arg17 : memref<!tpu.dma_semaphore, #tpu.memory_space<semaphore_mem>>) src(%dma_wait3A_52 : memref<366x128xf32, #tpu.memory_space<hbm>>) dst(%arg14 : memref<128x128xf32, #tpu.memory_space<vmem>>)
    %dma_start3A_53 = arith.constant 128 : i32
    %dma_start3A_54 = tpu.memref_slice %arg11[%dma_start3A_53] : memref<384xi32, #tpu.memory_space<vmem>> -> memref<128xi32, #tpu.memory_space<vmem>>
    %dma_start3A_55 = arith.constant 0 : i32
    %dma_start3A_56 = arith.constant 0 : i32
    %dma_start3A_57 = tpu.memref_slice %arg4[%dma_start3A_55, %dma_start3A_56] : memref<366x128xf32, #tpu.memory_space<hbm>> -> memref<366x128xf32, #tpu.memory_space<hbm>>
    tpu.enqueue_indirect_dma source(%dma_start3A_57 : memref<366x128xf32, #tpu.memory_space<hbm>>) target(%arg13 : memref<128x128xf32, #tpu.memory_space<vmem>>) offsets(%dma_start3A_54 : memref<128xi32, #tpu.memory_space<vmem>>) semaphore(%arg16 : memref<!tpu.dma_semaphore, #tpu.memory_space<semaphore_mem>>)
    %add3A_58 = arith.constant 0 : i32
    %add3A_59 = arith.addi %multiple_of3A, %add3A_58 : i32
    %multiple_of3A_60 = tpu.assume_multiple %add3A_59, 128 : i32
    "tpu.region"() ({
      %run_scoped3A = tpu.sem_alloc : memref<!tpu.dma_semaphore, #tpu.memory_space<semaphore_mem>>
      %dma_start3A_99 = arith.constant 0 : i32
      %dma_start3A_100 = tpu.memref_slice %arg8[%multiple_of3A_60, %dma_start3A_99] : memref<12288x128xf32, #tpu.memory_space<hbm>> -> memref<128x128xf32, #tpu.memory_space<hbm>>
      %dma_start3A_101 = arith.constant 0 : i32
      %dma_start3A_102 = tpu.memref_slice %arg8[%multiple_of3A_60, %dma_start3A_101] : memref<12288x128xf32, #tpu.memory_space<hbm>> -> memref<128x128xf32, #tpu.memory_space<hbm>>
      tpu.enqueue_dma source(%arg14 : memref<128x128xf32, #tpu.memory_space<vmem>>) target(%dma_start3A_102 : memref<128x128xf32, #tpu.memory_space<hbm>>) target_semaphore(%run_scoped3A : memref<!tpu.dma_semaphore, #tpu.memory_space<semaphore_mem>>)
      %dma_wait3A_103 = arith.constant 0 : i32
      %dma_wait3A_104 = tpu.memref_slice %arg8[%multiple_of3A_60, %dma_wait3A_103] : memref<12288x128xf32, #tpu.memory_space<hbm>> -> memref<128x128xf32, #tpu.memory_space<hbm>>
      %dma_wait3A_105 = arith.constant 0 : i32
      %dma_wait3A_106 = tpu.memref_slice %arg8[%multiple_of3A_60, %dma_wait3A_105] : memref<12288x128xf32, #tpu.memory_space<hbm>> -> memref<128x128xf32, #tpu.memory_space<hbm>>
      tpu.wait_dma2 semaphore(%run_scoped3A : memref<!tpu.dma_semaphore, #tpu.memory_space<semaphore_mem>>) src(%arg14 : memref<128x128xf32, #tpu.memory_space<vmem>>) dst(%dma_wait3A_106 : memref<128x128xf32, #tpu.memory_space<hbm>>)
      tpu.yield
    }) : () -> ()
    %dma_wait3A_61 = arith.constant 128 : i32
    %dma_wait3A_62 = tpu.memref_slice %arg11[%dma_wait3A_61] : memref<384xi32, #tpu.memory_space<vmem>> -> memref<128xi32, #tpu.memory_space<vmem>>
    %dma_wait3A_63 = arith.constant 0 : i32
    %dma_wait3A_64 = arith.constant 0 : i32
    %dma_wait3A_65 = tpu.memref_slice %arg4[%dma_wait3A_63, %dma_wait3A_64] : memref<366x128xf32, #tpu.memory_space<hbm>> -> memref<366x128xf32, #tpu.memory_space<hbm>>
    tpu.wait_indirect_dma semaphore(%arg16 : memref<!tpu.dma_semaphore, #tpu.memory_space<semaphore_mem>>) src(%dma_wait3A_65 : memref<366x128xf32, #tpu.memory_space<hbm>>) dst(%arg13 : memref<128x128xf32, #tpu.memory_space<vmem>>)
    %dma_start3A_66 = arith.constant 256 : i32
    %dma_start3A_67 = tpu.memref_slice %arg11[%dma_start3A_66] : memref<384xi32, #tpu.memory_space<vmem>> -> memref<128xi32, #tpu.memory_space<vmem>>
    %dma_start3A_68 = arith.constant 0 : i32
    %dma_start3A_69 = arith.constant 0 : i32
    %dma_start3A_70 = tpu.memref_slice %arg4[%dma_start3A_68, %dma_start3A_69] : memref<366x128xf32, #tpu.memory_space<hbm>> -> memref<366x128xf32, #tpu.memory_space<hbm>>
    tpu.enqueue_indirect_dma source(%dma_start3A_70 : memref<366x128xf32, #tpu.memory_space<hbm>>) target(%arg14 : memref<128x128xf32, #tpu.memory_space<vmem>>) offsets(%dma_start3A_67 : memref<128xi32, #tpu.memory_space<vmem>>) semaphore(%arg17 : memref<!tpu.dma_semaphore, #tpu.memory_space<semaphore_mem>>)
    %add3A_71 = arith.constant 128 : i32
    %add3A_72 = arith.addi %multiple_of3A, %add3A_71 : i32
    %multiple_of3A_73 = tpu.assume_multiple %add3A_72, 128 : i32
    "tpu.region"() ({
      %run_scoped3A = tpu.sem_alloc : memref<!tpu.dma_semaphore, #tpu.memory_space<semaphore_mem>>
      %dma_start3A_99 = arith.constant 0 : i32
      %dma_start3A_100 = tpu.memref_slice %arg8[%multiple_of3A_73, %dma_start3A_99] : memref<12288x128xf32, #tpu.memory_space<hbm>> -> memref<128x128xf32, #tpu.memory_space<hbm>>
      %dma_start3A_101 = arith.constant 0 : i32
      %dma_start3A_102 = tpu.memref_slice %arg8[%multiple_of3A_73, %dma_start3A_101] : memref<12288x128xf32, #tpu.memory_space<hbm>> -> memref<128x128xf32, #tpu.memory_space<hbm>>
      tpu.enqueue_dma source(%arg13 : memref<128x128xf32, #tpu.memory_space<vmem>>) target(%dma_start3A_102 : memref<128x128xf32, #tpu.memory_space<hbm>>) target_semaphore(%run_scoped3A : memref<!tpu.dma_semaphore, #tpu.memory_space<semaphore_mem>>)
      %dma_wait3A_103 = arith.constant 0 : i32
      %dma_wait3A_104 = tpu.memref_slice %arg8[%multiple_of3A_73, %dma_wait3A_103] : memref<12288x128xf32, #tpu.memory_space<hbm>> -> memref<128x128xf32, #tpu.memory_space<hbm>>
      %dma_wait3A_105 = arith.constant 0 : i32
      %dma_wait3A_106 = tpu.memref_slice %arg8[%multiple_of3A_73, %dma_wait3A_105] : memref<12288x128xf32, #tpu.memory_space<hbm>> -> memref<128x128xf32, #tpu.memory_space<hbm>>
      tpu.wait_dma2 semaphore(%run_scoped3A : memref<!tpu.dma_semaphore, #tpu.memory_space<semaphore_mem>>) src(%arg13 : memref<128x128xf32, #tpu.memory_space<vmem>>) dst(%dma_wait3A_106 : memref<128x128xf32, #tpu.memory_space<hbm>>)
      tpu.yield
    }) : () -> ()
    %dma_wait3A_74 = arith.constant 256 : i32
    %dma_wait3A_75 = tpu.memref_slice %arg11[%dma_wait3A_74] : memref<384xi32, #tpu.memory_space<vmem>> -> memref<128xi32, #tpu.memory_space<vmem>>
    %dma_wait3A_76 = arith.constant 0 : i32
    %dma_wait3A_77 = arith.constant 0 : i32
    %dma_wait3A_78 = tpu.memref_slice %arg4[%dma_wait3A_76, %dma_wait3A_77] : memref<366x128xf32, #tpu.memory_space<hbm>> -> memref<366x128xf32, #tpu.memory_space<hbm>>
    tpu.wait_indirect_dma semaphore(%arg17 : memref<!tpu.dma_semaphore, #tpu.memory_space<semaphore_mem>>) src(%dma_wait3A_78 : memref<366x128xf32, #tpu.memory_space<hbm>>) dst(%arg14 : memref<128x128xf32, #tpu.memory_space<vmem>>)
    %add3A_79 = arith.constant 256 : i32
    %add3A_80 = arith.addi %multiple_of3A, %add3A_79 : i32
    %multiple_of3A_81 = tpu.assume_multiple %add3A_80, 128 : i32
    "tpu.region"() ({
      %run_scoped3A = tpu.sem_alloc : memref<!tpu.dma_semaphore, #tpu.memory_space<semaphore_mem>>
      %dma_start3A_99 = arith.constant 0 : i32
      %dma_start3A_100 = tpu.memref_slice %arg8[%multiple_of3A_81, %dma_start3A_99] : memref<12288x128xf32, #tpu.memory_space<hbm>> -> memref<128x128xf32, #tpu.memory_space<hbm>>
      %dma_start3A_101 = arith.constant 0 : i32
      %dma_start3A_102 = tpu.memref_slice %arg8[%multiple_of3A_81, %dma_start3A_101] : memref<12288x128xf32, #tpu.memory_space<hbm>> -> memref<128x128xf32, #tpu.memory_space<hbm>>
      tpu.enqueue_dma source(%arg14 : memref<128x128xf32, #tpu.memory_space<vmem>>) target(%dma_start3A_102 : memref<128x128xf32, #tpu.memory_space<hbm>>) target_semaphore(%run_scoped3A : memref<!tpu.dma_semaphore, #tpu.memory_space<semaphore_mem>>)
      %dma_wait3A_103 = arith.constant 0 : i32
      %dma_wait3A_104 = tpu.memref_slice %arg8[%multiple_of3A_81, %dma_wait3A_103] : memref<12288x128xf32, #tpu.memory_space<hbm>> -> memref<128x128xf32, #tpu.memory_space<hbm>>
      %dma_wait3A_105 = arith.constant 0 : i32
      %dma_wait3A_106 = tpu.memref_slice %arg8[%multiple_of3A_81, %dma_wait3A_105] : memref<12288x128xf32, #tpu.memory_space<hbm>> -> memref<128x128xf32, #tpu.memory_space<hbm>>
      tpu.wait_dma2 semaphore(%run_scoped3A : memref<!tpu.dma_semaphore, #tpu.memory_space<semaphore_mem>>) src(%arg14 : memref<128x128xf32, #tpu.memory_space<vmem>>) dst(%dma_wait3A_106 : memref<128x128xf32, #tpu.memory_space<hbm>>)
      tpu.yield
    }) : () -> ()
    %scan3A = arith.constant 0 : i32
    %scan3A_82 = arith.constant 0 : i32
    %scan3A_83 = arith.constant 640 : i32
    %scan3A_84 = arith.addi %scan3A_82, %scan3A_83 : i32
    %scan3A_85 = arith.constant 1 : i32
    %scan3A_86 = scf.for %scan3A_99 = %scan3A_82 to %scan3A_84 step %scan3A_85 iter_args(%scan3A_100 = %scan3A) -> (i32)  : i32 {
      %broadcast_in_dim3A_101 = arith.constant 0.000000e+00 : f32
      %broadcast_in_dim3A_102 = vector.broadcast %broadcast_in_dim3A_101 : f32 to vector<16xf32>
      %mul3A_103 = arith.constant 16 : i32
      %mul3A_104 = arith.muli %scan3A_99, %mul3A_103 : i32
      %multiple_of3A_105 = tpu.assume_multiple %mul3A_104, 16 : i32
      %swap3A = arith.index_cast %multiple_of3A_105 : i32 to index
      %swap3A_106 = tpu.vector_load %arg15[%swap3A] {strides = array<i32>} : memref<10240xf32, #tpu.memory_space<vmem>>, vector<16xf32>,
      tpu.vector_store %arg15[%swap3A], %broadcast_in_dim3A_102 {strides = array<i32>} : memref<10240xf32, #tpu.memory_space<vmem>>, vector<16xf32>,
      %scan3A_107 = arith.constant 0 : i32
      scf.yield %scan3A_107 : i32
    }
    %scan3A_87 = arith.constant 640 : i32
    %broadcast_in_dim3A = arith.constant 1.000000e+00 : f32
    %broadcast_in_dim3A_88 = vector.broadcast %broadcast_in_dim3A : f32 to vector<16xf32>
    %scan3A_89 = arith.constant 0 : i32
    %scan3A_90 = arith.constant 0 : i32
    %scan3A_91 = arith.constant 320 : i32
    %scan3A_92 = arith.addi %scan3A_90, %scan3A_91 : i32
    %scan3A_93 = arith.constant 1 : i32
    %scan3A_94 = scf.for %scan3A_99 = %scan3A_90 to %scan3A_92 step %scan3A_93 iter_args(%scan3A_100 = %scan3A_89) -> (i32)  : i32 {
      %mul3A_101 = arith.constant 16 : i32
      %mul3A_102 = arith.muli %scan3A_99, %mul3A_101 : i32
      %multiple_of3A_103 = tpu.assume_multiple %mul3A_102, 16 : i32
      %get3A = arith.index_cast %multiple_of3A_103 : i32 to index
      %get3A_104 = tpu.vector_load %arg12[%get3A] {strides = array<i32>} : memref<5120xi32, #tpu.memory_space<vmem>>, vector<16xi32>,
      tpu.vector_store_idx %arg15[%get3A_104], %broadcast_in_dim3A_88 {add = true} : memref<10240xf32, #tpu.memory_space<vmem>>[vector<16xi32>], vector<16xf32>,
      %scan3A_105 = arith.constant 0 : i32
      scf.yield %scan3A_105 : i32
    }
    %scan3A_95 = arith.constant 320 : i32
    %mul3A_96 = arith.constant 10240 : i32
    %mul3A_97 = arith.muli %add3A, %mul3A_96 : i32
    %multiple_of3A_98 = tpu.assume_multiple %mul3A_97, 128 : i32
    "tpu.region"() ({
      %run_scoped3A = tpu.sem_alloc : memref<!tpu.dma_semaphore, #tpu.memory_space<semaphore_mem>>
      %dma_start3A_99 = tpu.memref_slice %arg9[%multiple_of3A_98] : memref<327680xf32, #tpu.memory_space<hbm>> -> memref<10240xf32, #tpu.memory_space<hbm>>
      %dma_start3A_100 = tpu.memref_slice %arg9[%multiple_of3A_98] : memref<327680xf32, #tpu.memory_space<hbm>> -> memref<10240xf32, #tpu.memory_space<hbm>>
      tpu.enqueue_dma source(%arg15 : memref<10240xf32, #tpu.memory_space<vmem>>) target(%dma_start3A_100 : memref<10240xf32, #tpu.memory_space<hbm>>) target_semaphore(%run_scoped3A : memref<!tpu.dma_semaphore, #tpu.memory_space<semaphore_mem>>)
      %dma_wait3A_101 = tpu.memref_slice %arg9[%multiple_of3A_98] : memref<327680xf32, #tpu.memory_space<hbm>> -> memref<10240xf32, #tpu.memory_space<hbm>>
      %dma_wait3A_102 = tpu.memref_slice %arg9[%multiple_of3A_98] : memref<327680xf32, #tpu.memory_space<hbm>> -> memref<10240xf32, #tpu.memory_space<hbm>>
      tpu.wait_dma2 semaphore(%run_scoped3A : memref<!tpu.dma_semaphore, #tpu.memory_space<semaphore_mem>>) src(%arg15 : memref<10240xf32, #tpu.memory_space<vmem>>) dst(%dma_wait3A_102 : memref<10240xf32, #tpu.memory_space<hbm>>)
      tpu.yield
    }) : () -> ()
    return
  }
}

#map = affine_map<(d0, d1) -> (0, 0)>
#map1 = affine_map<(d0, d1) -> (0)>
module attributes {stable_mosaic.version = 14 : i64} {
  func.func @gather_kernel(%arg0: i32, %arg1: i32, %arg2: memref<10240x128xf32, #tpu.memory_space<hbm>>, %arg3: memref<163840xi32, #tpu.memory_space<hbm>>, %arg4: memref<163840x128xf32, #tpu.memory_space<hbm>>, %arg5: memref<10240x128xf32, #tpu.memory_space<vmem_shared>>, %arg6: memref<5120xi32, #tpu.memory_space<vmem>>, %arg7: memref<128x128xf32, #tpu.memory_space<vmem>>, %arg8: memref<128x128xf32, #tpu.memory_space<vmem>>, %arg9: memref<!tpu.dma_semaphore, #tpu.memory_space<semaphore_mem>>, %arg10: memref<!tpu.dma_semaphore, #tpu.memory_space<semaphore_mem>>) attributes {dimension_semantics = [#tpu.dimension_semantics<core_parallel>, #tpu.dimension_semantics<subcore_parallel>], iteration_bounds = array<i64: 2, 16>, scalar_prefetch = 0 : i64, scratch_operands = 6 : i64, tpu.core_type = #tpu.core_type<sc_vector_subcore>, window_params = [{transform_indices = #map}, {transform_indices = #map1}, {transform_indices = #map}]} {
    %mul3A = arith.constant 640 : i32
    %mul3A_0 = arith.muli %arg1, %mul3A : i32
    %multiple_of3A = tpu.assume_multiple %mul3A_0, 640 : i32
    "tpu.region"() ({
      %run_scoped3A = tpu.sem_alloc : memref<!tpu.dma_semaphore, #tpu.memory_space<semaphore_mem>>
      %dma_start3A_18 = arith.constant 0 : i32
      %dma_start3A_19 = tpu.memref_slice %arg5[%multiple_of3A, %dma_start3A_18] : memref<10240x128xf32, #tpu.memory_space<vmem_shared>> -> memref<640x128xf32, #tpu.memory_space<vmem_shared>>
      %dma_start3A_20 = arith.constant 0 : i32
      %dma_start3A_21 = tpu.memref_slice %arg2[%multiple_of3A, %dma_start3A_20] : memref<10240x128xf32, #tpu.memory_space<hbm>> -> memref<640x128xf32, #tpu.memory_space<hbm>>
      tpu.enqueue_dma source(%dma_start3A_21 : memref<640x128xf32, #tpu.memory_space<hbm>>) target(%dma_start3A_19 : memref<640x128xf32, #tpu.memory_space<vmem_shared>>) target_semaphore(%run_scoped3A : memref<!tpu.dma_semaphore, #tpu.memory_space<semaphore_mem>>)
      %dma_wait3A = arith.constant 0 : i32
      %dma_wait3A_22 = tpu.memref_slice %arg5[%multiple_of3A, %dma_wait3A] : memref<10240x128xf32, #tpu.memory_space<vmem_shared>> -> memref<640x128xf32, #tpu.memory_space<vmem_shared>>
      %dma_wait3A_23 = arith.constant 0 : i32
      %dma_wait3A_24 = tpu.memref_slice %arg2[%multiple_of3A, %dma_wait3A_23] : memref<10240x128xf32, #tpu.memory_space<hbm>> -> memref<640x128xf32, #tpu.memory_space<hbm>>
      tpu.wait_dma2 semaphore(%run_scoped3A : memref<!tpu.dma_semaphore, #tpu.memory_space<semaphore_mem>>) src(%dma_wait3A_24 : memref<640x128xf32, #tpu.memory_space<hbm>>) dst(%dma_wait3A_22 : memref<640x128xf32, #tpu.memory_space<vmem_shared>>)
      tpu.yield
    }) : () -> ()
    %mul3A_1 = arith.constant 2 : i32
    %mul3A_2 = arith.muli %arg1, %mul3A_1 : i32
    %add3A = arith.addi %mul3A_2, %arg0 : i32
    %mul3A_3 = arith.constant 40 : i32
    %mul3A_4 = arith.muli %add3A, %mul3A_3 : i32
    %mul3A_5 = arith.constant 128 : i32
    %mul3A_6 = arith.muli %mul3A_4, %mul3A_5 : i32
    %multiple_of3A_7 = tpu.assume_multiple %mul3A_6, 128 : i32
    "tpu.region"() ({
      %run_scoped3A = tpu.sem_alloc : memref<!tpu.dma_semaphore, #tpu.memory_space<semaphore_mem>>
      %dma_start3A_18 = tpu.memref_slice %arg3[%multiple_of3A_7] : memref<163840xi32, #tpu.memory_space<hbm>> -> memref<5120xi32, #tpu.memory_space<hbm>>
      %dma_start3A_19 = tpu.memref_slice %arg3[%multiple_of3A_7] : memref<163840xi32, #tpu.memory_space<hbm>> -> memref<5120xi32, #tpu.memory_space<hbm>>
      tpu.enqueue_dma source(%dma_start3A_19 : memref<5120xi32, #tpu.memory_space<hbm>>) target(%arg6 : memref<5120xi32, #tpu.memory_space<vmem>>) target_semaphore(%run_scoped3A : memref<!tpu.dma_semaphore, #tpu.memory_space<semaphore_mem>>)
      %dma_wait3A = tpu.memref_slice %arg3[%multiple_of3A_7] : memref<163840xi32, #tpu.memory_space<hbm>> -> memref<5120xi32, #tpu.memory_space<hbm>>
      %dma_wait3A_20 = tpu.memref_slice %arg3[%multiple_of3A_7] : memref<163840xi32, #tpu.memory_space<hbm>> -> memref<5120xi32, #tpu.memory_space<hbm>>
      tpu.wait_dma2 semaphore(%run_scoped3A : memref<!tpu.dma_semaphore, #tpu.memory_space<semaphore_mem>>) src(%dma_wait3A_20 : memref<5120xi32, #tpu.memory_space<hbm>>) dst(%arg6 : memref<5120xi32, #tpu.memory_space<vmem>>)
      tpu.yield
    }) : () -> ()
    %barrier3A = arith.constant 0 : index
    tpu.barrier barrier_id(%barrier3A)
    %dma_start3A = arith.constant 0 : i32
    %dma_start3A_8 = tpu.memref_slice %arg6[%dma_start3A] : memref<5120xi32, #tpu.memory_space<vmem>> -> memref<128xi32, #tpu.memory_space<vmem>>
    %dma_start3A_9 = arith.constant 0 : i32
    %dma_start3A_10 = arith.constant 0 : i32
    %dma_start3A_11 = tpu.memref_slice %arg5[%dma_start3A_9, %dma_start3A_10] : memref<10240x128xf32, #tpu.memory_space<vmem_shared>> -> memref<10240x128xf32, #tpu.memory_space<vmem_shared>>
    tpu.enqueue_indirect_dma source(%dma_start3A_11 : memref<10240x128xf32, #tpu.memory_space<vmem_shared>>) target(%arg7 : memref<128x128xf32, #tpu.memory_space<vmem>>) offsets(%dma_start3A_8 : memref<128xi32, #tpu.memory_space<vmem>>) semaphore(%arg9 : memref<!tpu.dma_semaphore, #tpu.memory_space<semaphore_mem>>)
    %scan3A = arith.constant 0 : i32
    %scan3A_12 = arith.constant 0 : i32
    %scan3A_13 = arith.constant 40 : i32
    %scan3A_14 = arith.addi %scan3A_12, %scan3A_13 : i32
    %scan3A_15 = arith.constant 1 : i32
    %scan3A_16 = scf.for %scan3A_18 = %scan3A_12 to %scan3A_14 step %scan3A_15 iter_args(%scan3A_19 = %scan3A) -> (i32)  : i32 {
      %rem3A = arith.constant 2 : i32
      %rem3A_20 = arith.remsi %scan3A_18, %rem3A : i32
      %eq3A = arith.constant 0 : i32
      %eq3A_21 = arith.cmpi eq, %rem3A_20, %eq3A : i32
      %convert_element_type3A = arith.extui %eq3A_21 : i1 to i32
      %cond3A = arith.constant 0 : i32
      %cond3A_22 = arith.cmpi ne, %convert_element_type3A, %cond3A : i32
      scf.if %cond3A_22 {
        %dma_wait3A = arith.constant 0 : i32
        %dma_wait3A_29 = tpu.memref_slice %arg6[%dma_wait3A] : memref<5120xi32, #tpu.memory_space<vmem>> -> memref<128xi32, #tpu.memory_space<vmem>>
        %dma_wait3A_30 = arith.constant 0 : i32
        %dma_wait3A_31 = arith.constant 0 : i32
        %dma_wait3A_32 = tpu.memref_slice %arg5[%dma_wait3A_30, %dma_wait3A_31] : memref<10240x128xf32, #tpu.memory_space<vmem_shared>> -> memref<10240x128xf32, #tpu.memory_space<vmem_shared>>
        tpu.wait_indirect_dma semaphore(%arg9 : memref<!tpu.dma_semaphore, #tpu.memory_space<semaphore_mem>>) src(%dma_wait3A_32 : memref<10240x128xf32, #tpu.memory_space<vmem_shared>>) dst(%arg7 : memref<128x128xf32, #tpu.memory_space<vmem>>)
        %add3A_33 = arith.constant 1 : i32
        %add3A_34 = arith.addi %scan3A_18, %add3A_33 : i32
        %lt3A = arith.constant 40 : i32
        %lt3A_35 = arith.cmpi slt, %add3A_34, %lt3A : i32
        %convert_element_type3A_36 = arith.extui %lt3A_35 : i1 to i32
        %cond3A_37 = arith.constant 0 : i32
        %cond3A_38 = arith.cmpi ne, %convert_element_type3A_36, %cond3A_37 : i32
        scf.if %cond3A_38 {
          %add3A_43 = arith.constant 1 : i32
          %add3A_44 = arith.addi %scan3A_18, %add3A_43 : i32
          %mul3A_45 = arith.constant 128 : i32
          %mul3A_46 = arith.muli %add3A_44, %mul3A_45 : i32
          %multiple_of3A_47 = tpu.assume_multiple %mul3A_46, 128 : i32
          %dma_start3A_48 = tpu.memref_slice %arg6[%multiple_of3A_47] : memref<5120xi32, #tpu.memory_space<vmem>> -> memref<128xi32, #tpu.memory_space<vmem>>
          %dma_start3A_49 = arith.constant 0 : i32
          %dma_start3A_50 = arith.constant 0 : i32
          %dma_start3A_51 = tpu.memref_slice %arg5[%dma_start3A_49, %dma_start3A_50] : memref<10240x128xf32, #tpu.memory_space<vmem_shared>> -> memref<10240x128xf32, #tpu.memory_space<vmem_shared>>
          tpu.enqueue_indirect_dma source(%dma_start3A_51 : memref<10240x128xf32, #tpu.memory_space<vmem_shared>>) target(%arg8 : memref<128x128xf32, #tpu.memory_space<vmem>>) offsets(%dma_start3A_48 : memref<128xi32, #tpu.memory_space<vmem>>) semaphore(%arg10 : memref<!tpu.dma_semaphore, #tpu.memory_space<semaphore_mem>>)
        } else {
        }
        %add3A_39 = arith.addi %mul3A_4, %scan3A_18 : i32
        %mul3A_40 = arith.constant 128 : i32
        %mul3A_41 = arith.muli %add3A_39, %mul3A_40 : i32
        %multiple_of3A_42 = tpu.assume_multiple %mul3A_41, 128 : i32
        "tpu.region"() ({
          %run_scoped3A = tpu.sem_alloc : memref<!tpu.dma_semaphore, #tpu.memory_space<semaphore_mem>>
          %dma_start3A_43 = arith.constant 0 : i32
          %dma_start3A_44 = tpu.memref_slice %arg4[%multiple_of3A_42, %dma_start3A_43] : memref<163840x128xf32, #tpu.memory_space<hbm>> -> memref<128x128xf32, #tpu.memory_space<hbm>>
          %dma_start3A_45 = arith.constant 0 : i32
          %dma_start3A_46 = tpu.memref_slice %arg4[%multiple_of3A_42, %dma_start3A_45] : memref<163840x128xf32, #tpu.memory_space<hbm>> -> memref<128x128xf32, #tpu.memory_space<hbm>>
          tpu.enqueue_dma source(%arg7 : memref<128x128xf32, #tpu.memory_space<vmem>>) target(%dma_start3A_46 : memref<128x128xf32, #tpu.memory_space<hbm>>) target_semaphore(%run_scoped3A : memref<!tpu.dma_semaphore, #tpu.memory_space<semaphore_mem>>)
          %dma_wait3A_47 = arith.constant 0 : i32
          %dma_wait3A_48 = tpu.memref_slice %arg4[%multiple_of3A_42, %dma_wait3A_47] : memref<163840x128xf32, #tpu.memory_space<hbm>> -> memref<128x128xf32, #tpu.memory_space<hbm>>
          %dma_wait3A_49 = arith.constant 0 : i32
          %dma_wait3A_50 = tpu.memref_slice %arg4[%multiple_of3A_42, %dma_wait3A_49] : memref<163840x128xf32, #tpu.memory_space<hbm>> -> memref<128x128xf32, #tpu.memory_space<hbm>>
          tpu.wait_dma2 semaphore(%run_scoped3A : memref<!tpu.dma_semaphore, #tpu.memory_space<semaphore_mem>>) src(%arg7 : memref<128x128xf32, #tpu.memory_space<vmem>>) dst(%dma_wait3A_50 : memref<128x128xf32, #tpu.memory_space<hbm>>)
          tpu.yield
        }) : () -> ()
      } else {
      }
      %eq3A_23 = arith.constant 1 : i32
      %eq3A_24 = arith.cmpi eq, %rem3A_20, %eq3A_23 : i32
      %convert_element_type3A_25 = arith.extui %eq3A_24 : i1 to i32
      %cond3A_26 = arith.constant 0 : i32
      %cond3A_27 = arith.cmpi ne, %convert_element_type3A_25, %cond3A_26 : i32
      scf.if %cond3A_27 {
        %dma_wait3A = arith.constant 0 : i32
        %dma_wait3A_29 = tpu.memref_slice %arg6[%dma_wait3A] : memref<5120xi32, #tpu.memory_space<vmem>> -> memref<128xi32, #tpu.memory_space<vmem>>
        %dma_wait3A_30 = arith.constant 0 : i32
        %dma_wait3A_31 = arith.constant 0 : i32
        %dma_wait3A_32 = tpu.memref_slice %arg5[%dma_wait3A_30, %dma_wait3A_31] : memref<10240x128xf32, #tpu.memory_space<vmem_shared>> -> memref<10240x128xf32, #tpu.memory_space<vmem_shared>>
        tpu.wait_indirect_dma semaphore(%arg10 : memref<!tpu.dma_semaphore, #tpu.memory_space<semaphore_mem>>) src(%dma_wait3A_32 : memref<10240x128xf32, #tpu.memory_space<vmem_shared>>) dst(%arg8 : memref<128x128xf32, #tpu.memory_space<vmem>>)
        %add3A_33 = arith.constant 1 : i32
        %add3A_34 = arith.addi %scan3A_18, %add3A_33 : i32
        %lt3A = arith.constant 40 : i32
        %lt3A_35 = arith.cmpi slt, %add3A_34, %lt3A : i32
        %convert_element_type3A_36 = arith.extui %lt3A_35 : i1 to i32
        %cond3A_37 = arith.constant 0 : i32
        %cond3A_38 = arith.cmpi ne, %convert_element_type3A_36, %cond3A_37 : i32
        scf.if %cond3A_38 {
          %add3A_43 = arith.constant 1 : i32
          %add3A_44 = arith.addi %scan3A_18, %add3A_43 : i32
          %mul3A_45 = arith.constant 128 : i32
          %mul3A_46 = arith.muli %add3A_44, %mul3A_45 : i32
          %multiple_of3A_47 = tpu.assume_multiple %mul3A_46, 128 : i32
          %dma_start3A_48 = tpu.memref_slice %arg6[%multiple_of3A_47] : memref<5120xi32, #tpu.memory_space<vmem>> -> memref<128xi32, #tpu.memory_space<vmem>>
          %dma_start3A_49 = arith.constant 0 : i32
          %dma_start3A_50 = arith.constant 0 : i32
          %dma_start3A_51 = tpu.memref_slice %arg5[%dma_start3A_49, %dma_start3A_50] : memref<10240x128xf32, #tpu.memory_space<vmem_shared>> -> memref<10240x128xf32, #tpu.memory_space<vmem_shared>>
          tpu.enqueue_indirect_dma source(%dma_start3A_51 : memref<10240x128xf32, #tpu.memory_space<vmem_shared>>) target(%arg7 : memref<128x128xf32, #tpu.memory_space<vmem>>) offsets(%dma_start3A_48 : memref<128xi32, #tpu.memory_space<vmem>>) semaphore(%arg9 : memref<!tpu.dma_semaphore, #tpu.memory_space<semaphore_mem>>)
        } else {
        }
        %add3A_39 = arith.addi %mul3A_4, %scan3A_18 : i32
        %mul3A_40 = arith.constant 128 : i32
        %mul3A_41 = arith.muli %add3A_39, %mul3A_40 : i32
        %multiple_of3A_42 = tpu.assume_multiple %mul3A_41, 128 : i32
        "tpu.region"() ({
          %run_scoped3A = tpu.sem_alloc : memref<!tpu.dma_semaphore, #tpu.memory_space<semaphore_mem>>
          %dma_start3A_43 = arith.constant 0 : i32
          %dma_start3A_44 = tpu.memref_slice %arg4[%multiple_of3A_42, %dma_start3A_43] : memref<163840x128xf32, #tpu.memory_space<hbm>> -> memref<128x128xf32, #tpu.memory_space<hbm>>
          %dma_start3A_45 = arith.constant 0 : i32
          %dma_start3A_46 = tpu.memref_slice %arg4[%multiple_of3A_42, %dma_start3A_45] : memref<163840x128xf32, #tpu.memory_space<hbm>> -> memref<128x128xf32, #tpu.memory_space<hbm>>
          tpu.enqueue_dma source(%arg8 : memref<128x128xf32, #tpu.memory_space<vmem>>) target(%dma_start3A_46 : memref<128x128xf32, #tpu.memory_space<hbm>>) target_semaphore(%run_scoped3A : memref<!tpu.dma_semaphore, #tpu.memory_space<semaphore_mem>>)
          %dma_wait3A_47 = arith.constant 0 : i32
          %dma_wait3A_48 = tpu.memref_slice %arg4[%multiple_of3A_42, %dma_wait3A_47] : memref<163840x128xf32, #tpu.memory_space<hbm>> -> memref<128x128xf32, #tpu.memory_space<hbm>>
          %dma_wait3A_49 = arith.constant 0 : i32
          %dma_wait3A_50 = tpu.memref_slice %arg4[%multiple_of3A_42, %dma_wait3A_49] : memref<163840x128xf32, #tpu.memory_space<hbm>> -> memref<128x128xf32, #tpu.memory_space<hbm>>
          tpu.wait_dma2 semaphore(%run_scoped3A : memref<!tpu.dma_semaphore, #tpu.memory_space<semaphore_mem>>) src(%arg8 : memref<128x128xf32, #tpu.memory_space<vmem>>) dst(%dma_wait3A_50 : memref<128x128xf32, #tpu.memory_space<hbm>>)
          tpu.yield
        }) : () -> ()
      } else {
      }
      %scan3A_28 = arith.constant 0 : i32
      scf.yield %scan3A_28 : i32
    }
    %scan3A_17 = arith.constant 40 : i32
    return
  }
}

#map = affine_map<(d0, d1) -> (0, 0)>
#map1 = affine_map<(d0, d1) -> (0, 0, 0)>
module attributes {stable_mosaic.version = 14 : i64} {
  func.func @scatter_kernel(%arg0: i32, %arg1: i32, %arg2: memref<163840x128xf32, #tpu.memory_space<hbm>>, %arg3: memref<1280x128xi32, #tpu.memory_space<hbm>>, %arg4: memref<10240x128xf32, #tpu.memory_space<hbm>>, %arg5: memref<2x10240x128xf32, #tpu.memory_space<hbm>>, %arg6: memref<10240x128xf32, #tpu.memory_space<vmem_shared>>, %arg7: memref<40x128xi32, #tpu.memory_space<vmem>>, %arg8: memref<128x128xf32, #tpu.memory_space<vmem>>, %arg9: memref<128x128xf32, #tpu.memory_space<vmem>>, %arg10: memref<!tpu.dma_semaphore, #tpu.memory_space<semaphore_mem>>, %arg11: memref<!tpu.dma_semaphore, #tpu.memory_space<semaphore_mem>>, %arg12: memref<!tpu.dma_semaphore, #tpu.memory_space<semaphore_mem>>, %arg13: memref<!tpu.dma_semaphore, #tpu.memory_space<semaphore_mem>>) attributes {dimension_semantics = [#tpu.dimension_semantics<core_parallel>, #tpu.dimension_semantics<subcore_parallel>], iteration_bounds = array<i64: 2, 16>, scalar_prefetch = 0 : i64, scratch_operands = 8 : i64, tpu.core_type = #tpu.core_type<sc_vector_subcore>, window_params = [{transform_indices = #map}, {transform_indices = #map}, {transform_indices = #map}, {transform_indices = #map1}]} {
    %mul3A = arith.constant 640 : i32
    %mul3A_0 = arith.muli %arg1, %mul3A : i32
    %multiple_of3A = tpu.assume_multiple %mul3A_0, 640 : i32
    "tpu.region"() ({
      %run_scoped3A = tpu.sem_alloc : memref<!tpu.dma_semaphore, #tpu.memory_space<semaphore_mem>>
      %dma_start3A_43 = arith.constant 0 : i32
      %dma_start3A_44 = tpu.memref_slice %arg6[%multiple_of3A, %dma_start3A_43] : memref<10240x128xf32, #tpu.memory_space<vmem_shared>> -> memref<640x128xf32, #tpu.memory_space<vmem_shared>>
      %dma_start3A_45 = arith.constant 0 : i32
      %dma_start3A_46 = tpu.memref_slice %arg4[%multiple_of3A, %dma_start3A_45] : memref<10240x128xf32, #tpu.memory_space<hbm>> -> memref<640x128xf32, #tpu.memory_space<hbm>>
      tpu.enqueue_dma source(%dma_start3A_46 : memref<640x128xf32, #tpu.memory_space<hbm>>) target(%dma_start3A_44 : memref<640x128xf32, #tpu.memory_space<vmem_shared>>) target_semaphore(%run_scoped3A : memref<!tpu.dma_semaphore, #tpu.memory_space<semaphore_mem>>)
      %dma_wait3A_47 = arith.constant 0 : i32
      %dma_wait3A_48 = tpu.memref_slice %arg6[%multiple_of3A, %dma_wait3A_47] : memref<10240x128xf32, #tpu.memory_space<vmem_shared>> -> memref<640x128xf32, #tpu.memory_space<vmem_shared>>
      %dma_wait3A_49 = arith.constant 0 : i32
      %dma_wait3A_50 = tpu.memref_slice %arg4[%multiple_of3A, %dma_wait3A_49] : memref<10240x128xf32, #tpu.memory_space<hbm>> -> memref<640x128xf32, #tpu.memory_space<hbm>>
      tpu.wait_dma2 semaphore(%run_scoped3A : memref<!tpu.dma_semaphore, #tpu.memory_space<semaphore_mem>>) src(%dma_wait3A_50 : memref<640x128xf32, #tpu.memory_space<hbm>>) dst(%dma_wait3A_48 : memref<640x128xf32, #tpu.memory_space<vmem_shared>>)
      tpu.yield
    }) : () -> ()
    %mul3A_1 = arith.constant 2 : i32
    %mul3A_2 = arith.muli %arg1, %mul3A_1 : i32
    %add3A = arith.addi %mul3A_2, %arg0 : i32
    %mul3A_3 = arith.constant 40 : i32
    %mul3A_4 = arith.muli %add3A, %mul3A_3 : i32
    %multiple_of3A_5 = tpu.assume_multiple %mul3A_4, 40 : i32
    "tpu.region"() ({
      %run_scoped3A = tpu.sem_alloc : memref<!tpu.dma_semaphore, #tpu.memory_space<semaphore_mem>>
      %dma_start3A_43 = arith.constant 0 : i32
      %dma_start3A_44 = tpu.memref_slice %arg3[%multiple_of3A_5, %dma_start3A_43] : memref<1280x128xi32, #tpu.memory_space<hbm>> -> memref<40x128xi32, #tpu.memory_space<hbm>>
      %dma_start3A_45 = arith.constant 0 : i32
      %dma_start3A_46 = tpu.memref_slice %arg3[%multiple_of3A_5, %dma_start3A_45] : memref<1280x128xi32, #tpu.memory_space<hbm>> -> memref<40x128xi32, #tpu.memory_space<hbm>>
      tpu.enqueue_dma source(%dma_start3A_46 : memref<40x128xi32, #tpu.memory_space<hbm>>) target(%arg7 : memref<40x128xi32, #tpu.memory_space<vmem>>) target_semaphore(%run_scoped3A : memref<!tpu.dma_semaphore, #tpu.memory_space<semaphore_mem>>)
      %dma_wait3A_47 = arith.constant 0 : i32
      %dma_wait3A_48 = tpu.memref_slice %arg3[%multiple_of3A_5, %dma_wait3A_47] : memref<1280x128xi32, #tpu.memory_space<hbm>> -> memref<40x128xi32, #tpu.memory_space<hbm>>
      %dma_wait3A_49 = arith.constant 0 : i32
      %dma_wait3A_50 = tpu.memref_slice %arg3[%multiple_of3A_5, %dma_wait3A_49] : memref<1280x128xi32, #tpu.memory_space<hbm>> -> memref<40x128xi32, #tpu.memory_space<hbm>>
      tpu.wait_dma2 semaphore(%run_scoped3A : memref<!tpu.dma_semaphore, #tpu.memory_space<semaphore_mem>>) src(%dma_wait3A_50 : memref<40x128xi32, #tpu.memory_space<hbm>>) dst(%arg7 : memref<40x128xi32, #tpu.memory_space<vmem>>)
      tpu.yield
    }) : () -> ()
    %barrier3A = arith.constant 0 : index
    tpu.barrier barrier_id(%barrier3A)
    %add3A_6 = arith.constant 0 : i32
    %add3A_7 = arith.addi %mul3A_4, %add3A_6 : i32
    %mul3A_8 = arith.constant 128 : i32
    %mul3A_9 = arith.muli %add3A_7, %mul3A_8 : i32
    %multiple_of3A_10 = tpu.assume_multiple %mul3A_9, 128 : i32
    %dma_start3A = arith.constant 0 : i32
    %dma_start3A_11 = tpu.memref_slice %arg2[%multiple_of3A_10, %dma_start3A] : memref<163840x128xf32, #tpu.memory_space<hbm>> -> memref<128x128xf32, #tpu.memory_space<hbm>>
    %dma_start3A_12 = arith.constant 0 : i32
    %dma_start3A_13 = tpu.memref_slice %arg2[%multiple_of3A_10, %dma_start3A_12] : memref<163840x128xf32, #tpu.memory_space<hbm>> -> memref<128x128xf32, #tpu.memory_space<hbm>>
    tpu.enqueue_dma source(%dma_start3A_13 : memref<128x128xf32, #tpu.memory_space<hbm>>) target(%arg8 : memref<128x128xf32, #tpu.memory_space<vmem>>) target_semaphore(%arg10 : memref<!tpu.dma_semaphore, #tpu.memory_space<semaphore_mem>>)
    %add3A_14 = arith.constant 1 : i32
    %add3A_15 = arith.addi %mul3A_4, %add3A_14 : i32
    %mul3A_16 = arith.constant 128 : i32
    %mul3A_17 = arith.muli %add3A_15, %mul3A_16 : i32
    %multiple_of3A_18 = tpu.assume_multiple %mul3A_17, 128 : i32
    %dma_start3A_19 = arith.constant 0 : i32
    %dma_start3A_20 = tpu.memref_slice %arg2[%multiple_of3A_18, %dma_start3A_19] : memref<163840x128xf32, #tpu.memory_space<hbm>> -> memref<128x128xf32, #tpu.memory_space<hbm>>
    %dma_start3A_21 = arith.constant 0 : i32
    %dma_start3A_22 = tpu.memref_slice %arg2[%multiple_of3A_18, %dma_start3A_21] : memref<163840x128xf32, #tpu.memory_space<hbm>> -> memref<128x128xf32, #tpu.memory_space<hbm>>
    tpu.enqueue_dma source(%dma_start3A_22 : memref<128x128xf32, #tpu.memory_space<hbm>>) target(%arg9 : memref<128x128xf32, #tpu.memory_space<vmem>>) target_semaphore(%arg11 : memref<!tpu.dma_semaphore, #tpu.memory_space<semaphore_mem>>)
    %scan3A = arith.constant 0 : i32
    %scan3A_23 = arith.constant 0 : i32
    %scan3A_24 = arith.constant 20 : i32
    %scan3A_25 = arith.addi %scan3A_23, %scan3A_24 : i32
    %scan3A_26 = arith.constant 1 : i32
    %scan3A_27 = scf.for %scan3A_43 = %scan3A_23 to %scan3A_25 step %scan3A_26 iter_args(%scan3A_44 = %scan3A) -> (i32)  : i32 {
      %mul3A_45 = arith.constant 128 : i32
      %mul3A_46 = arith.muli %mul3A_4, %mul3A_45 : i32
      %multiple_of3A_47 = tpu.assume_multiple %mul3A_46, 128 : i32
      %dma_wait3A_48 = arith.constant 0 : i32
      %dma_wait3A_49 = tpu.memref_slice %arg2[%multiple_of3A_47, %dma_wait3A_48] : memref<163840x128xf32, #tpu.memory_space<hbm>> -> memref<128x128xf32, #tpu.memory_space<hbm>>
      %dma_wait3A_50 = arith.constant 0 : i32
      %dma_wait3A_51 = tpu.memref_slice %arg2[%multiple_of3A_47, %dma_wait3A_50] : memref<163840x128xf32, #tpu.memory_space<hbm>> -> memref<128x128xf32, #tpu.memory_space<hbm>>
      tpu.wait_dma2 semaphore(%arg10 : memref<!tpu.dma_semaphore, #tpu.memory_space<semaphore_mem>>) src(%dma_wait3A_51 : memref<128x128xf32, #tpu.memory_space<hbm>>) dst(%arg8 : memref<128x128xf32, #tpu.memory_space<vmem>>)
      %mul3A_52 = arith.constant 2 : i32
      %mul3A_53 = arith.muli %scan3A_43, %mul3A_52 : i32
      %add3A_54 = arith.constant 0 : i32
      %add3A_55 = arith.addi %mul3A_53, %add3A_54 : i32
      %dma_start3A_56 = arith.constant 0 : i32
      %dma_start3A_57 = tpu.memref_slice %arg7[%add3A_55, %dma_start3A_56] : memref<40x128xi32, #tpu.memory_space<vmem>> -> memref<1x128xi32, #tpu.memory_space<vmem>>
      %dma_start3A_58 = tpu.memref_squeeze %dma_start3A_57 : memref<1x128xi32, #tpu.memory_space<vmem>> -> memref<128xi32, #tpu.memory_space<vmem>>
      %dma_start3A_59 = arith.constant 0 : i32
      %dma_start3A_60 = arith.constant 0 : i32
      %dma_start3A_61 = tpu.memref_slice %arg6[%dma_start3A_59, %dma_start3A_60] : memref<10240x128xf32, #tpu.memory_space<vmem_shared>> -> memref<10240x128xf32, #tpu.memory_space<vmem_shared>>
      tpu.enqueue_indirect_dma source(%arg8 : memref<128x128xf32, #tpu.memory_space<vmem>>) target(%dma_start3A_61 : memref<10240x128xf32, #tpu.memory_space<vmem_shared>>) offsets(%dma_start3A_58 : memref<128xi32, #tpu.memory_space<vmem>>) semaphore(%arg12 : memref<!tpu.dma_semaphore, #tpu.memory_space<semaphore_mem>>) {add = true}
      %mul3A_62 = arith.constant 128 : i32
      %mul3A_63 = arith.muli %mul3A_4, %mul3A_62 : i32
      %multiple_of3A_64 = tpu.assume_multiple %mul3A_63, 128 : i32
      %dma_wait3A_65 = arith.constant 0 : i32
      %dma_wait3A_66 = tpu.memref_slice %arg2[%multiple_of3A_64, %dma_wait3A_65] : memref<163840x128xf32, #tpu.memory_space<hbm>> -> memref<128x128xf32, #tpu.memory_space<hbm>>
      %dma_wait3A_67 = arith.constant 0 : i32
      %dma_wait3A_68 = tpu.memref_slice %arg2[%multiple_of3A_64, %dma_wait3A_67] : memref<163840x128xf32, #tpu.memory_space<hbm>> -> memref<128x128xf32, #tpu.memory_space<hbm>>
      tpu.wait_dma2 semaphore(%arg11 : memref<!tpu.dma_semaphore, #tpu.memory_space<semaphore_mem>>) src(%dma_wait3A_68 : memref<128x128xf32, #tpu.memory_space<hbm>>) dst(%arg9 : memref<128x128xf32, #tpu.memory_space<vmem>>)
      %mul3A_69 = arith.constant 2 : i32
      %mul3A_70 = arith.muli %scan3A_43, %mul3A_69 : i32
      %add3A_71 = arith.constant 1 : i32
      %add3A_72 = arith.addi %mul3A_70, %add3A_71 : i32
      %dma_start3A_73 = arith.constant 0 : i32
      %dma_start3A_74 = tpu.memref_slice %arg7[%add3A_72, %dma_start3A_73] : memref<40x128xi32, #tpu.memory_space<vmem>> -> memref<1x128xi32, #tpu.memory_space<vmem>>
      %dma_start3A_75 = tpu.memref_squeeze %dma_start3A_74 : memref<1x128xi32, #tpu.memory_space<vmem>> -> memref<128xi32, #tpu.memory_space<vmem>>
      %dma_start3A_76 = arith.constant 0 : i32
      %dma_start3A_77 = arith.constant 0 : i32
      %dma_start3A_78 = tpu.memref_slice %arg6[%dma_start3A_76, %dma_start3A_77] : memref<10240x128xf32, #tpu.memory_space<vmem_shared>> -> memref<10240x128xf32, #tpu.memory_space<vmem_shared>>
      tpu.enqueue_indirect_dma source(%arg9 : memref<128x128xf32, #tpu.memory_space<vmem>>) target(%dma_start3A_78 : memref<10240x128xf32, #tpu.memory_space<vmem_shared>>) offsets(%dma_start3A_75 : memref<128xi32, #tpu.memory_space<vmem>>) semaphore(%arg13 : memref<!tpu.dma_semaphore, #tpu.memory_space<semaphore_mem>>) {add = true}
      %add3A_79 = arith.constant 1 : i32
      %add3A_80 = arith.addi %scan3A_43, %add3A_79 : i32
      %lt3A = arith.constant 20 : i32
      %lt3A_81 = arith.cmpi slt, %add3A_80, %lt3A : i32
      %convert_element_type3A = arith.extui %lt3A_81 : i1 to i32
      %cond3A = arith.constant 0 : i32
      %cond3A_82 = arith.cmpi ne, %convert_element_type3A, %cond3A : i32
      scf.if %cond3A_82 {
        %dma_wait3A_91 = arith.constant 0 : i32
        %dma_wait3A_92 = arith.constant 0 : i32
        %dma_wait3A_93 = tpu.memref_slice %arg7[%dma_wait3A_91, %dma_wait3A_92] : memref<40x128xi32, #tpu.memory_space<vmem>> -> memref<1x128xi32, #tpu.memory_space<vmem>>
        %dma_wait3A_94 = tpu.memref_squeeze %dma_wait3A_93 : memref<1x128xi32, #tpu.memory_space<vmem>> -> memref<128xi32, #tpu.memory_space<vmem>>
        %dma_wait3A_95 = arith.constant 0 : i32
        %dma_wait3A_96 = arith.constant 0 : i32
        %dma_wait3A_97 = tpu.memref_slice %arg6[%dma_wait3A_95, %dma_wait3A_96] : memref<10240x128xf32, #tpu.memory_space<vmem_shared>> -> memref<10240x128xf32, #tpu.memory_space<vmem_shared>>
        tpu.wait_indirect_dma semaphore(%arg12 : memref<!tpu.dma_semaphore, #tpu.memory_space<semaphore_mem>>) src(%arg8 : memref<128x128xf32, #tpu.memory_space<vmem>>) dst(%dma_wait3A_97 : memref<10240x128xf32, #tpu.memory_space<vmem_shared>>)
        %add3A_98 = arith.constant 1 : i32
        %add3A_99 = arith.addi %scan3A_43, %add3A_98 : i32
        %mul3A_100 = arith.constant 2 : i32
        %mul3A_101 = arith.muli %add3A_99, %mul3A_100 : i32
        %add3A_102 = arith.constant 0 : i32
        %add3A_103 = arith.addi %mul3A_101, %add3A_102 : i32
        %add3A_104 = arith.addi %mul3A_4, %add3A_103 : i32
        %mul3A_105 = arith.constant 128 : i32
        %mul3A_106 = arith.muli %add3A_104, %mul3A_105 : i32
        %multiple_of3A_107 = tpu.assume_multiple %mul3A_106, 128 : i32
        %dma_start3A_108 = arith.constant 0 : i32
        %dma_start3A_109 = tpu.memref_slice %arg2[%multiple_of3A_107, %dma_start3A_108] : memref<163840x128xf32, #tpu.memory_space<hbm>> -> memref<128x128xf32, #tpu.memory_space<hbm>>
        %dma_start3A_110 = arith.constant 0 : i32
        %dma_start3A_111 = tpu.memref_slice %arg2[%multiple_of3A_107, %dma_start3A_110] : memref<163840x128xf32, #tpu.memory_space<hbm>> -> memref<128x128xf32, #tpu.memory_space<hbm>>
        tpu.enqueue_dma source(%dma_start3A_111 : memref<128x128xf32, #tpu.memory_space<hbm>>) target(%arg8 : memref<128x128xf32, #tpu.memory_space<vmem>>) target_semaphore(%arg10 : memref<!tpu.dma_semaphore, #tpu.memory_space<semaphore_mem>>)
      } else {
      }
      %add3A_83 = arith.constant 1 : i32
      %add3A_84 = arith.addi %scan3A_43, %add3A_83 : i32
      %lt3A_85 = arith.constant 20 : i32
      %lt3A_86 = arith.cmpi slt, %add3A_84, %lt3A_85 : i32
      %convert_element_type3A_87 = arith.extui %lt3A_86 : i1 to i32
      %cond3A_88 = arith.constant 0 : i32
      %cond3A_89 = arith.cmpi ne, %convert_element_type3A_87, %cond3A_88 : i32
      scf.if %cond3A_89 {
        %dma_wait3A_91 = arith.constant 0 : i32
        %dma_wait3A_92 = arith.constant 0 : i32
        %dma_wait3A_93 = tpu.memref_slice %arg7[%dma_wait3A_91, %dma_wait3A_92] : memref<40x128xi32, #tpu.memory_space<vmem>> -> memref<1x128xi32, #tpu.memory_space<vmem>>
        %dma_wait3A_94 = tpu.memref_squeeze %dma_wait3A_93 : memref<1x128xi32, #tpu.memory_space<vmem>> -> memref<128xi32, #tpu.memory_space<vmem>>
        %dma_wait3A_95 = arith.constant 0 : i32
        %dma_wait3A_96 = arith.constant 0 : i32
        %dma_wait3A_97 = tpu.memref_slice %arg6[%dma_wait3A_95, %dma_wait3A_96] : memref<10240x128xf32, #tpu.memory_space<vmem_shared>> -> memref<10240x128xf32, #tpu.memory_space<vmem_shared>>
        tpu.wait_indirect_dma semaphore(%arg13 : memref<!tpu.dma_semaphore, #tpu.memory_space<semaphore_mem>>) src(%arg9 : memref<128x128xf32, #tpu.memory_space<vmem>>) dst(%dma_wait3A_97 : memref<10240x128xf32, #tpu.memory_space<vmem_shared>>)
        %add3A_98 = arith.constant 1 : i32
        %add3A_99 = arith.addi %scan3A_43, %add3A_98 : i32
        %mul3A_100 = arith.constant 2 : i32
        %mul3A_101 = arith.muli %add3A_99, %mul3A_100 : i32
        %add3A_102 = arith.constant 1 : i32
        %add3A_103 = arith.addi %mul3A_101, %add3A_102 : i32
        %add3A_104 = arith.addi %mul3A_4, %add3A_103 : i32
        %mul3A_105 = arith.constant 128 : i32
        %mul3A_106 = arith.muli %add3A_104, %mul3A_105 : i32
        %multiple_of3A_107 = tpu.assume_multiple %mul3A_106, 128 : i32
        %dma_start3A_108 = arith.constant 0 : i32
        %dma_start3A_109 = tpu.memref_slice %arg2[%multiple_of3A_107, %dma_start3A_108] : memref<163840x128xf32, #tpu.memory_space<hbm>> -> memref<128x128xf32, #tpu.memory_space<hbm>>
        %dma_start3A_110 = arith.constant 0 : i32
        %dma_start3A_111 = tpu.memref_slice %arg2[%multiple_of3A_107, %dma_start3A_110] : memref<163840x128xf32, #tpu.memory_space<hbm>> -> memref<128x128xf32, #tpu.memory_space<hbm>>
        tpu.enqueue_dma source(%dma_start3A_111 : memref<128x128xf32, #tpu.memory_space<hbm>>) target(%arg9 : memref<128x128xf32, #tpu.memory_space<vmem>>) target_semaphore(%arg11 : memref<!tpu.dma_semaphore, #tpu.memory_space<semaphore_mem>>)
      } else {
      }
      %scan3A_90 = arith.constant 0 : i32
      scf.yield %scan3A_90 : i32
    }
    %scan3A_28 = arith.constant 20 : i32
    %dma_wait3A = arith.constant 0 : i32
    %dma_wait3A_29 = arith.constant 0 : i32
    %dma_wait3A_30 = tpu.memref_slice %arg7[%dma_wait3A, %dma_wait3A_29] : memref<40x128xi32, #tpu.memory_space<vmem>> -> memref<1x128xi32, #tpu.memory_space<vmem>>
    %dma_wait3A_31 = tpu.memref_squeeze %dma_wait3A_30 : memref<1x128xi32, #tpu.memory_space<vmem>> -> memref<128xi32, #tpu.memory_space<vmem>>
    %dma_wait3A_32 = arith.constant 0 : i32
    %dma_wait3A_33 = arith.constant 0 : i32
    %dma_wait3A_34 = tpu.memref_slice %arg6[%dma_wait3A_32, %dma_wait3A_33] : memref<10240x128xf32, #tpu.memory_space<vmem_shared>> -> memref<10240x128xf32, #tpu.memory_space<vmem_shared>>
    tpu.wait_indirect_dma semaphore(%arg12 : memref<!tpu.dma_semaphore, #tpu.memory_space<semaphore_mem>>) src(%arg8 : memref<128x128xf32, #tpu.memory_space<vmem>>) dst(%dma_wait3A_34 : memref<10240x128xf32, #tpu.memory_space<vmem_shared>>)
    %dma_wait3A_35 = arith.constant 0 : i32
    %dma_wait3A_36 = arith.constant 0 : i32
    %dma_wait3A_37 = tpu.memref_slice %arg7[%dma_wait3A_35, %dma_wait3A_36] : memref<40x128xi32, #tpu.memory_space<vmem>> -> memref<1x128xi32, #tpu.memory_space<vmem>>
    %dma_wait3A_38 = tpu.memref_squeeze %dma_wait3A_37 : memref<1x128xi32, #tpu.memory_space<vmem>> -> memref<128xi32, #tpu.memory_space<vmem>>
    %dma_wait3A_39 = arith.constant 0 : i32
    %dma_wait3A_40 = arith.constant 0 : i32
    %dma_wait3A_41 = tpu.memref_slice %arg6[%dma_wait3A_39, %dma_wait3A_40] : memref<10240x128xf32, #tpu.memory_space<vmem_shared>> -> memref<10240x128xf32, #tpu.memory_space<vmem_shared>>
    tpu.wait_indirect_dma semaphore(%arg13 : memref<!tpu.dma_semaphore, #tpu.memory_space<semaphore_mem>>) src(%arg9 : memref<128x128xf32, #tpu.memory_space<vmem>>) dst(%dma_wait3A_41 : memref<10240x128xf32, #tpu.memory_space<vmem_shared>>)
    %barrier3A_42 = arith.constant 0 : index
    tpu.barrier barrier_id(%barrier3A_42)
    "tpu.region"() ({
      %run_scoped3A = tpu.sem_alloc : memref<!tpu.dma_semaphore, #tpu.memory_space<semaphore_mem>>
      %dma_start3A_43 = arith.constant 0 : i32
      %dma_start3A_44 = tpu.memref_slice %arg5[%arg0, %multiple_of3A, %dma_start3A_43] : memref<2x10240x128xf32, #tpu.memory_space<hbm>> -> memref<1x640x128xf32, #tpu.memory_space<hbm>>
      %dma_start3A_45 = tpu.memref_squeeze %dma_start3A_44 : memref<1x640x128xf32, #tpu.memory_space<hbm>> -> memref<640x128xf32, #tpu.memory_space<hbm>>
      %dma_start3A_46 = arith.constant 0 : i32
      %dma_start3A_47 = tpu.memref_slice %arg6[%multiple_of3A, %dma_start3A_46] : memref<10240x128xf32, #tpu.memory_space<vmem_shared>> -> memref<640x128xf32, #tpu.memory_space<vmem_shared>>
      tpu.enqueue_dma source(%dma_start3A_47 : memref<640x128xf32, #tpu.memory_space<vmem_shared>>) target(%dma_start3A_45 : memref<640x128xf32, #tpu.memory_space<hbm>>) target_semaphore(%run_scoped3A : memref<!tpu.dma_semaphore, #tpu.memory_space<semaphore_mem>>)
      %dma_wait3A_48 = arith.constant 0 : i32
      %dma_wait3A_49 = tpu.memref_slice %arg5[%arg0, %multiple_of3A, %dma_wait3A_48] : memref<2x10240x128xf32, #tpu.memory_space<hbm>> -> memref<1x640x128xf32, #tpu.memory_space<hbm>>
      %dma_wait3A_50 = tpu.memref_squeeze %dma_wait3A_49 : memref<1x640x128xf32, #tpu.memory_space<hbm>> -> memref<640x128xf32, #tpu.memory_space<hbm>>
      %dma_wait3A_51 = arith.constant 0 : i32
      %dma_wait3A_52 = tpu.memref_slice %arg6[%multiple_of3A, %dma_wait3A_51] : memref<10240x128xf32, #tpu.memory_space<vmem_shared>> -> memref<640x128xf32, #tpu.memory_space<vmem_shared>>
      tpu.wait_dma2 semaphore(%run_scoped3A : memref<!tpu.dma_semaphore, #tpu.memory_space<semaphore_mem>>) src(%dma_wait3A_52 : memref<640x128xf32, #tpu.memory_space<vmem_shared>>) dst(%dma_wait3A_50 : memref<640x128xf32, #tpu.memory_space<hbm>>)
      tpu.yield
    }) : () -> ()
    return
  }
}

#map = affine_map<(d0, d1) -> (0, 0)>
#map1 = affine_map<(d0, d1) -> (0, 0, 0)>
module attributes {stable_mosaic.version = 14 : i64} {
  func.func @scatter_kernel(%arg0: i32, %arg1: i32, %arg2: memref<163840x128xf32, #tpu.memory_space<hbm>>, %arg3: memref<1280x128xi32, #tpu.memory_space<hbm>>, %arg4: memref<10240x128xf32, #tpu.memory_space<hbm>>, %arg5: memref<2x10240x128xf32, #tpu.memory_space<hbm>>, %arg6: memref<10240x128xf32, #tpu.memory_space<vmem_shared>>, %arg7: memref<40x128xi32, #tpu.memory_space<vmem>>, %arg8: memref<128x128xf32, #tpu.memory_space<vmem>>, %arg9: memref<128x128xf32, #tpu.memory_space<vmem>>, %arg10: memref<!tpu.dma_semaphore, #tpu.memory_space<semaphore_mem>>, %arg11: memref<!tpu.dma_semaphore, #tpu.memory_space<semaphore_mem>>, %arg12: memref<!tpu.dma_semaphore, #tpu.memory_space<semaphore_mem>>, %arg13: memref<!tpu.dma_semaphore, #tpu.memory_space<semaphore_mem>>) attributes {dimension_semantics = [#tpu.dimension_semantics<core_parallel>, #tpu.dimension_semantics<subcore_parallel>], iteration_bounds = array<i64: 2, 16>, scalar_prefetch = 0 : i64, scratch_operands = 8 : i64, tpu.core_type = #tpu.core_type<sc_vector_subcore>, window_params = [{transform_indices = #map}, {transform_indices = #map}, {transform_indices = #map}, {transform_indices = #map1}]} {
    %mul3A = arith.constant 640 : i32
    %mul3A_0 = arith.muli %arg1, %mul3A : i32
    %multiple_of3A = tpu.assume_multiple %mul3A_0, 640 : i32
    "tpu.region"() ({
      %run_scoped3A = tpu.sem_alloc : memref<!tpu.dma_semaphore, #tpu.memory_space<semaphore_mem>>
      %dma_start3A_43 = arith.constant 0 : i32
      %dma_start3A_44 = tpu.memref_slice %arg6[%multiple_of3A, %dma_start3A_43] : memref<10240x128xf32, #tpu.memory_space<vmem_shared>> -> memref<640x128xf32, #tpu.memory_space<vmem_shared>>
      %dma_start3A_45 = arith.constant 0 : i32
      %dma_start3A_46 = tpu.memref_slice %arg4[%multiple_of3A, %dma_start3A_45] : memref<10240x128xf32, #tpu.memory_space<hbm>> -> memref<640x128xf32, #tpu.memory_space<hbm>>
      tpu.enqueue_dma source(%dma_start3A_46 : memref<640x128xf32, #tpu.memory_space<hbm>>) target(%dma_start3A_44 : memref<640x128xf32, #tpu.memory_space<vmem_shared>>) target_semaphore(%run_scoped3A : memref<!tpu.dma_semaphore, #tpu.memory_space<semaphore_mem>>)
      %dma_wait3A_47 = arith.constant 0 : i32
      %dma_wait3A_48 = tpu.memref_slice %arg6[%multiple_of3A, %dma_wait3A_47] : memref<10240x128xf32, #tpu.memory_space<vmem_shared>> -> memref<640x128xf32, #tpu.memory_space<vmem_shared>>
      %dma_wait3A_49 = arith.constant 0 : i32
      %dma_wait3A_50 = tpu.memref_slice %arg4[%multiple_of3A, %dma_wait3A_49] : memref<10240x128xf32, #tpu.memory_space<hbm>> -> memref<640x128xf32, #tpu.memory_space<hbm>>
      tpu.wait_dma2 semaphore(%run_scoped3A : memref<!tpu.dma_semaphore, #tpu.memory_space<semaphore_mem>>) src(%dma_wait3A_50 : memref<640x128xf32, #tpu.memory_space<hbm>>) dst(%dma_wait3A_48 : memref<640x128xf32, #tpu.memory_space<vmem_shared>>)
      tpu.yield
    }) : () -> ()
    %mul3A_1 = arith.constant 2 : i32
    %mul3A_2 = arith.muli %arg1, %mul3A_1 : i32
    %add3A = arith.addi %mul3A_2, %arg0 : i32
    %mul3A_3 = arith.constant 40 : i32
    %mul3A_4 = arith.muli %add3A, %mul3A_3 : i32
    %multiple_of3A_5 = tpu.assume_multiple %mul3A_4, 40 : i32
    "tpu.region"() ({
      %run_scoped3A = tpu.sem_alloc : memref<!tpu.dma_semaphore, #tpu.memory_space<semaphore_mem>>
      %dma_start3A_43 = arith.constant 0 : i32
      %dma_start3A_44 = tpu.memref_slice %arg3[%multiple_of3A_5, %dma_start3A_43] : memref<1280x128xi32, #tpu.memory_space<hbm>> -> memref<40x128xi32, #tpu.memory_space<hbm>>
      %dma_start3A_45 = arith.constant 0 : i32
      %dma_start3A_46 = tpu.memref_slice %arg3[%multiple_of3A_5, %dma_start3A_45] : memref<1280x128xi32, #tpu.memory_space<hbm>> -> memref<40x128xi32, #tpu.memory_space<hbm>>
      tpu.enqueue_dma source(%dma_start3A_46 : memref<40x128xi32, #tpu.memory_space<hbm>>) target(%arg7 : memref<40x128xi32, #tpu.memory_space<vmem>>) target_semaphore(%run_scoped3A : memref<!tpu.dma_semaphore, #tpu.memory_space<semaphore_mem>>)
      %dma_wait3A_47 = arith.constant 0 : i32
      %dma_wait3A_48 = tpu.memref_slice %arg3[%multiple_of3A_5, %dma_wait3A_47] : memref<1280x128xi32, #tpu.memory_space<hbm>> -> memref<40x128xi32, #tpu.memory_space<hbm>>
      %dma_wait3A_49 = arith.constant 0 : i32
      %dma_wait3A_50 = tpu.memref_slice %arg3[%multiple_of3A_5, %dma_wait3A_49] : memref<1280x128xi32, #tpu.memory_space<hbm>> -> memref<40x128xi32, #tpu.memory_space<hbm>>
      tpu.wait_dma2 semaphore(%run_scoped3A : memref<!tpu.dma_semaphore, #tpu.memory_space<semaphore_mem>>) src(%dma_wait3A_50 : memref<40x128xi32, #tpu.memory_space<hbm>>) dst(%arg7 : memref<40x128xi32, #tpu.memory_space<vmem>>)
      tpu.yield
    }) : () -> ()
    %barrier3A = arith.constant 0 : index
    tpu.barrier barrier_id(%barrier3A)
    %add3A_6 = arith.constant 0 : i32
    %add3A_7 = arith.addi %mul3A_4, %add3A_6 : i32
    %mul3A_8 = arith.constant 128 : i32
    %mul3A_9 = arith.muli %add3A_7, %mul3A_8 : i32
    %multiple_of3A_10 = tpu.assume_multiple %mul3A_9, 128 : i32
    %dma_start3A = arith.constant 0 : i32
    %dma_start3A_11 = tpu.memref_slice %arg2[%multiple_of3A_10, %dma_start3A] : memref<163840x128xf32, #tpu.memory_space<hbm>> -> memref<128x128xf32, #tpu.memory_space<hbm>>
    %dma_start3A_12 = arith.constant 0 : i32
    %dma_start3A_13 = tpu.memref_slice %arg2[%multiple_of3A_10, %dma_start3A_12] : memref<163840x128xf32, #tpu.memory_space<hbm>> -> memref<128x128xf32, #tpu.memory_space<hbm>>
    tpu.enqueue_dma source(%dma_start3A_13 : memref<128x128xf32, #tpu.memory_space<hbm>>) target(%arg8 : memref<128x128xf32, #tpu.memory_space<vmem>>) target_semaphore(%arg10 : memref<!tpu.dma_semaphore, #tpu.memory_space<semaphore_mem>>)
    %add3A_14 = arith.constant 1 : i32
    %add3A_15 = arith.addi %mul3A_4, %add3A_14 : i32
    %mul3A_16 = arith.constant 128 : i32
    %mul3A_17 = arith.muli %add3A_15, %mul3A_16 : i32
    %multiple_of3A_18 = tpu.assume_multiple %mul3A_17, 128 : i32
    %dma_start3A_19 = arith.constant 0 : i32
    %dma_start3A_20 = tpu.memref_slice %arg2[%multiple_of3A_18, %dma_start3A_19] : memref<163840x128xf32, #tpu.memory_space<hbm>> -> memref<128x128xf32, #tpu.memory_space<hbm>>
    %dma_start3A_21 = arith.constant 0 : i32
    %dma_start3A_22 = tpu.memref_slice %arg2[%multiple_of3A_18, %dma_start3A_21] : memref<163840x128xf32, #tpu.memory_space<hbm>> -> memref<128x128xf32, #tpu.memory_space<hbm>>
    tpu.enqueue_dma source(%dma_start3A_22 : memref<128x128xf32, #tpu.memory_space<hbm>>) target(%arg9 : memref<128x128xf32, #tpu.memory_space<vmem>>) target_semaphore(%arg11 : memref<!tpu.dma_semaphore, #tpu.memory_space<semaphore_mem>>)
    %scan3A = arith.constant 0 : i32
    %scan3A_23 = arith.constant 0 : i32
    %scan3A_24 = arith.constant 20 : i32
    %scan3A_25 = arith.addi %scan3A_23, %scan3A_24 : i32
    %scan3A_26 = arith.constant 1 : i32
    %scan3A_27 = scf.for %scan3A_43 = %scan3A_23 to %scan3A_25 step %scan3A_26 iter_args(%scan3A_44 = %scan3A) -> (i32)  : i32 {
      %mul3A_45 = arith.constant 128 : i32
      %mul3A_46 = arith.muli %mul3A_4, %mul3A_45 : i32
      %multiple_of3A_47 = tpu.assume_multiple %mul3A_46, 128 : i32
      %dma_wait3A_48 = arith.constant 0 : i32
      %dma_wait3A_49 = tpu.memref_slice %arg2[%multiple_of3A_47, %dma_wait3A_48] : memref<163840x128xf32, #tpu.memory_space<hbm>> -> memref<128x128xf32, #tpu.memory_space<hbm>>
      %dma_wait3A_50 = arith.constant 0 : i32
      %dma_wait3A_51 = tpu.memref_slice %arg2[%multiple_of3A_47, %dma_wait3A_50] : memref<163840x128xf32, #tpu.memory_space<hbm>> -> memref<128x128xf32, #tpu.memory_space<hbm>>
      tpu.wait_dma2 semaphore(%arg10 : memref<!tpu.dma_semaphore, #tpu.memory_space<semaphore_mem>>) src(%dma_wait3A_51 : memref<128x128xf32, #tpu.memory_space<hbm>>) dst(%arg8 : memref<128x128xf32, #tpu.memory_space<vmem>>)
      %mul3A_52 = arith.constant 2 : i32
      %mul3A_53 = arith.muli %scan3A_43, %mul3A_52 : i32
      %add3A_54 = arith.constant 0 : i32
      %add3A_55 = arith.addi %mul3A_53, %add3A_54 : i32
      %dma_start3A_56 = arith.constant 0 : i32
      %dma_start3A_57 = tpu.memref_slice %arg7[%add3A_55, %dma_start3A_56] : memref<40x128xi32, #tpu.memory_space<vmem>> -> memref<1x128xi32, #tpu.memory_space<vmem>>
      %dma_start3A_58 = tpu.memref_squeeze %dma_start3A_57 : memref<1x128xi32, #tpu.memory_space<vmem>> -> memref<128xi32, #tpu.memory_space<vmem>>
      %dma_start3A_59 = arith.constant 0 : i32
      %dma_start3A_60 = arith.constant 0 : i32
      %dma_start3A_61 = tpu.memref_slice %arg6[%dma_start3A_59, %dma_start3A_60] : memref<10240x128xf32, #tpu.memory_space<vmem_shared>> -> memref<10240x128xf32, #tpu.memory_space<vmem_shared>>
      tpu.enqueue_indirect_dma source(%arg8 : memref<128x128xf32, #tpu.memory_space<vmem>>) target(%dma_start3A_61 : memref<10240x128xf32, #tpu.memory_space<vmem_shared>>) offsets(%dma_start3A_58 : memref<128xi32, #tpu.memory_space<vmem>>) semaphore(%arg12 : memref<!tpu.dma_semaphore, #tpu.memory_space<semaphore_mem>>) {add = true}
      %mul3A_62 = arith.constant 128 : i32
      %mul3A_63 = arith.muli %mul3A_4, %mul3A_62 : i32
      %multiple_of3A_64 = tpu.assume_multiple %mul3A_63, 128 : i32
      %dma_wait3A_65 = arith.constant 0 : i32
      %dma_wait3A_66 = tpu.memref_slice %arg2[%multiple_of3A_64, %dma_wait3A_65] : memref<163840x128xf32, #tpu.memory_space<hbm>> -> memref<128x128xf32, #tpu.memory_space<hbm>>
      %dma_wait3A_67 = arith.constant 0 : i32
      %dma_wait3A_68 = tpu.memref_slice %arg2[%multiple_of3A_64, %dma_wait3A_67] : memref<163840x128xf32, #tpu.memory_space<hbm>> -> memref<128x128xf32, #tpu.memory_space<hbm>>
      tpu.wait_dma2 semaphore(%arg11 : memref<!tpu.dma_semaphore, #tpu.memory_space<semaphore_mem>>) src(%dma_wait3A_68 : memref<128x128xf32, #tpu.memory_space<hbm>>) dst(%arg9 : memref<128x128xf32, #tpu.memory_space<vmem>>)
      %mul3A_69 = arith.constant 2 : i32
      %mul3A_70 = arith.muli %scan3A_43, %mul3A_69 : i32
      %add3A_71 = arith.constant 1 : i32
      %add3A_72 = arith.addi %mul3A_70, %add3A_71 : i32
      %dma_start3A_73 = arith.constant 0 : i32
      %dma_start3A_74 = tpu.memref_slice %arg7[%add3A_72, %dma_start3A_73] : memref<40x128xi32, #tpu.memory_space<vmem>> -> memref<1x128xi32, #tpu.memory_space<vmem>>
      %dma_start3A_75 = tpu.memref_squeeze %dma_start3A_74 : memref<1x128xi32, #tpu.memory_space<vmem>> -> memref<128xi32, #tpu.memory_space<vmem>>
      %dma_start3A_76 = arith.constant 0 : i32
      %dma_start3A_77 = arith.constant 0 : i32
      %dma_start3A_78 = tpu.memref_slice %arg6[%dma_start3A_76, %dma_start3A_77] : memref<10240x128xf32, #tpu.memory_space<vmem_shared>> -> memref<10240x128xf32, #tpu.memory_space<vmem_shared>>
      tpu.enqueue_indirect_dma source(%arg9 : memref<128x128xf32, #tpu.memory_space<vmem>>) target(%dma_start3A_78 : memref<10240x128xf32, #tpu.memory_space<vmem_shared>>) offsets(%dma_start3A_75 : memref<128xi32, #tpu.memory_space<vmem>>) semaphore(%arg13 : memref<!tpu.dma_semaphore, #tpu.memory_space<semaphore_mem>>) {add = true}
      %add3A_79 = arith.constant 1 : i32
      %add3A_80 = arith.addi %scan3A_43, %add3A_79 : i32
      %lt3A = arith.constant 20 : i32
      %lt3A_81 = arith.cmpi slt, %add3A_80, %lt3A : i32
      %convert_element_type3A = arith.extui %lt3A_81 : i1 to i32
      %cond3A = arith.constant 0 : i32
      %cond3A_82 = arith.cmpi ne, %convert_element_type3A, %cond3A : i32
      scf.if %cond3A_82 {
        %dma_wait3A_91 = arith.constant 0 : i32
        %dma_wait3A_92 = arith.constant 0 : i32
        %dma_wait3A_93 = tpu.memref_slice %arg7[%dma_wait3A_91, %dma_wait3A_92] : memref<40x128xi32, #tpu.memory_space<vmem>> -> memref<1x128xi32, #tpu.memory_space<vmem>>
        %dma_wait3A_94 = tpu.memref_squeeze %dma_wait3A_93 : memref<1x128xi32, #tpu.memory_space<vmem>> -> memref<128xi32, #tpu.memory_space<vmem>>
        %dma_wait3A_95 = arith.constant 0 : i32
        %dma_wait3A_96 = arith.constant 0 : i32
        %dma_wait3A_97 = tpu.memref_slice %arg6[%dma_wait3A_95, %dma_wait3A_96] : memref<10240x128xf32, #tpu.memory_space<vmem_shared>> -> memref<10240x128xf32, #tpu.memory_space<vmem_shared>>
        tpu.wait_indirect_dma semaphore(%arg12 : memref<!tpu.dma_semaphore, #tpu.memory_space<semaphore_mem>>) src(%arg8 : memref<128x128xf32, #tpu.memory_space<vmem>>) dst(%dma_wait3A_97 : memref<10240x128xf32, #tpu.memory_space<vmem_shared>>)
        %add3A_98 = arith.constant 1 : i32
        %add3A_99 = arith.addi %scan3A_43, %add3A_98 : i32
        %mul3A_100 = arith.constant 2 : i32
        %mul3A_101 = arith.muli %add3A_99, %mul3A_100 : i32
        %add3A_102 = arith.constant 0 : i32
        %add3A_103 = arith.addi %mul3A_101, %add3A_102 : i32
        %add3A_104 = arith.addi %mul3A_4, %add3A_103 : i32
        %mul3A_105 = arith.constant 128 : i32
        %mul3A_106 = arith.muli %add3A_104, %mul3A_105 : i32
        %multiple_of3A_107 = tpu.assume_multiple %mul3A_106, 128 : i32
        %dma_start3A_108 = arith.constant 0 : i32
        %dma_start3A_109 = tpu.memref_slice %arg2[%multiple_of3A_107, %dma_start3A_108] : memref<163840x128xf32, #tpu.memory_space<hbm>> -> memref<128x128xf32, #tpu.memory_space<hbm>>
        %dma_start3A_110 = arith.constant 0 : i32
        %dma_start3A_111 = tpu.memref_slice %arg2[%multiple_of3A_107, %dma_start3A_110] : memref<163840x128xf32, #tpu.memory_space<hbm>> -> memref<128x128xf32, #tpu.memory_space<hbm>>
        tpu.enqueue_dma source(%dma_start3A_111 : memref<128x128xf32, #tpu.memory_space<hbm>>) target(%arg8 : memref<128x128xf32, #tpu.memory_space<vmem>>) target_semaphore(%arg10 : memref<!tpu.dma_semaphore, #tpu.memory_space<semaphore_mem>>)
      } else {
      }
      %add3A_83 = arith.constant 1 : i32
      %add3A_84 = arith.addi %scan3A_43, %add3A_83 : i32
      %lt3A_85 = arith.constant 20 : i32
      %lt3A_86 = arith.cmpi slt, %add3A_84, %lt3A_85 : i32
      %convert_element_type3A_87 = arith.extui %lt3A_86 : i1 to i32
      %cond3A_88 = arith.constant 0 : i32
      %cond3A_89 = arith.cmpi ne, %convert_element_type3A_87, %cond3A_88 : i32
      scf.if %cond3A_89 {
        %dma_wait3A_91 = arith.constant 0 : i32
        %dma_wait3A_92 = arith.constant 0 : i32
        %dma_wait3A_93 = tpu.memref_slice %arg7[%dma_wait3A_91, %dma_wait3A_92] : memref<40x128xi32, #tpu.memory_space<vmem>> -> memref<1x128xi32, #tpu.memory_space<vmem>>
        %dma_wait3A_94 = tpu.memref_squeeze %dma_wait3A_93 : memref<1x128xi32, #tpu.memory_space<vmem>> -> memref<128xi32, #tpu.memory_space<vmem>>
        %dma_wait3A_95 = arith.constant 0 : i32
        %dma_wait3A_96 = arith.constant 0 : i32
        %dma_wait3A_97 = tpu.memref_slice %arg6[%dma_wait3A_95, %dma_wait3A_96] : memref<10240x128xf32, #tpu.memory_space<vmem_shared>> -> memref<10240x128xf32, #tpu.memory_space<vmem_shared>>
        tpu.wait_indirect_dma semaphore(%arg13 : memref<!tpu.dma_semaphore, #tpu.memory_space<semaphore_mem>>) src(%arg9 : memref<128x128xf32, #tpu.memory_space<vmem>>) dst(%dma_wait3A_97 : memref<10240x128xf32, #tpu.memory_space<vmem_shared>>)
        %add3A_98 = arith.constant 1 : i32
        %add3A_99 = arith.addi %scan3A_43, %add3A_98 : i32
        %mul3A_100 = arith.constant 2 : i32
        %mul3A_101 = arith.muli %add3A_99, %mul3A_100 : i32
        %add3A_102 = arith.constant 1 : i32
        %add3A_103 = arith.addi %mul3A_101, %add3A_102 : i32
        %add3A_104 = arith.addi %mul3A_4, %add3A_103 : i32
        %mul3A_105 = arith.constant 128 : i32
        %mul3A_106 = arith.muli %add3A_104, %mul3A_105 : i32
        %multiple_of3A_107 = tpu.assume_multiple %mul3A_106, 128 : i32
        %dma_start3A_108 = arith.constant 0 : i32
        %dma_start3A_109 = tpu.memref_slice %arg2[%multiple_of3A_107, %dma_start3A_108] : memref<163840x128xf32, #tpu.memory_space<hbm>> -> memref<128x128xf32, #tpu.memory_space<hbm>>
        %dma_start3A_110 = arith.constant 0 : i32
        %dma_start3A_111 = tpu.memref_slice %arg2[%multiple_of3A_107, %dma_start3A_110] : memref<163840x128xf32, #tpu.memory_space<hbm>> -> memref<128x128xf32, #tpu.memory_space<hbm>>
        tpu.enqueue_dma source(%dma_start3A_111 : memref<128x128xf32, #tpu.memory_space<hbm>>) target(%arg9 : memref<128x128xf32, #tpu.memory_space<vmem>>) target_semaphore(%arg11 : memref<!tpu.dma_semaphore, #tpu.memory_space<semaphore_mem>>)
      } else {
      }
      %scan3A_90 = arith.constant 0 : i32
      scf.yield %scan3A_90 : i32
    }
    %scan3A_28 = arith.constant 20 : i32
    %dma_wait3A = arith.constant 0 : i32
    %dma_wait3A_29 = arith.constant 0 : i32
    %dma_wait3A_30 = tpu.memref_slice %arg7[%dma_wait3A, %dma_wait3A_29] : memref<40x128xi32, #tpu.memory_space<vmem>> -> memref<1x128xi32, #tpu.memory_space<vmem>>
    %dma_wait3A_31 = tpu.memref_squeeze %dma_wait3A_30 : memref<1x128xi32, #tpu.memory_space<vmem>> -> memref<128xi32, #tpu.memory_space<vmem>>
    %dma_wait3A_32 = arith.constant 0 : i32
    %dma_wait3A_33 = arith.constant 0 : i32
    %dma_wait3A_34 = tpu.memref_slice %arg6[%dma_wait3A_32, %dma_wait3A_33] : memref<10240x128xf32, #tpu.memory_space<vmem_shared>> -> memref<10240x128xf32, #tpu.memory_space<vmem_shared>>
    tpu.wait_indirect_dma semaphore(%arg12 : memref<!tpu.dma_semaphore, #tpu.memory_space<semaphore_mem>>) src(%arg8 : memref<128x128xf32, #tpu.memory_space<vmem>>) dst(%dma_wait3A_34 : memref<10240x128xf32, #tpu.memory_space<vmem_shared>>)
    %dma_wait3A_35 = arith.constant 0 : i32
    %dma_wait3A_36 = arith.constant 0 : i32
    %dma_wait3A_37 = tpu.memref_slice %arg7[%dma_wait3A_35, %dma_wait3A_36] : memref<40x128xi32, #tpu.memory_space<vmem>> -> memref<1x128xi32, #tpu.memory_space<vmem>>
    %dma_wait3A_38 = tpu.memref_squeeze %dma_wait3A_37 : memref<1x128xi32, #tpu.memory_space<vmem>> -> memref<128xi32, #tpu.memory_space<vmem>>
    %dma_wait3A_39 = arith.constant 0 : i32
    %dma_wait3A_40 = arith.constant 0 : i32
    %dma_wait3A_41 = tpu.memref_slice %arg6[%dma_wait3A_39, %dma_wait3A_40] : memref<10240x128xf32, #tpu.memory_space<vmem_shared>> -> memref<10240x128xf32, #tpu.memory_space<vmem_shared>>
    tpu.wait_indirect_dma semaphore(%arg13 : memref<!tpu.dma_semaphore, #tpu.memory_space<semaphore_mem>>) src(%arg9 : memref<128x128xf32, #tpu.memory_space<vmem>>) dst(%dma_wait3A_41 : memref<10240x128xf32, #tpu.memory_space<vmem_shared>>)
    %barrier3A_42 = arith.constant 0 : index
    tpu.barrier barrier_id(%barrier3A_42)
    "tpu.region"() ({
      %run_scoped3A = tpu.sem_alloc : memref<!tpu.dma_semaphore, #tpu.memory_space<semaphore_mem>>
      %dma_start3A_43 = arith.constant 0 : i32
      %dma_start3A_44 = tpu.memref_slice %arg5[%arg0, %multiple_of3A, %dma_start3A_43] : memref<2x10240x128xf32, #tpu.memory_space<hbm>> -> memref<1x640x128xf32, #tpu.memory_space<hbm>>
      %dma_start3A_45 = tpu.memref_squeeze %dma_start3A_44 : memref<1x640x128xf32, #tpu.memory_space<hbm>> -> memref<640x128xf32, #tpu.memory_space<hbm>>
      %dma_start3A_46 = arith.constant 0 : i32
      %dma_start3A_47 = tpu.memref_slice %arg6[%multiple_of3A, %dma_start3A_46] : memref<10240x128xf32, #tpu.memory_space<vmem_shared>> -> memref<640x128xf32, #tpu.memory_space<vmem_shared>>
      tpu.enqueue_dma source(%dma_start3A_47 : memref<640x128xf32, #tpu.memory_space<vmem_shared>>) target(%dma_start3A_45 : memref<640x128xf32, #tpu.memory_space<hbm>>) target_semaphore(%run_scoped3A : memref<!tpu.dma_semaphore, #tpu.memory_space<semaphore_mem>>)
      %dma_wait3A_48 = arith.constant 0 : i32
      %dma_wait3A_49 = tpu.memref_slice %arg5[%arg0, %multiple_of3A, %dma_wait3A_48] : memref<2x10240x128xf32, #tpu.memory_space<hbm>> -> memref<1x640x128xf32, #tpu.memory_space<hbm>>
      %dma_wait3A_50 = tpu.memref_squeeze %dma_wait3A_49 : memref<1x640x128xf32, #tpu.memory_space<hbm>> -> memref<640x128xf32, #tpu.memory_space<hbm>>
      %dma_wait3A_51 = arith.constant 0 : i32
      %dma_wait3A_52 = tpu.memref_slice %arg6[%multiple_of3A, %dma_wait3A_51] : memref<10240x128xf32, #tpu.memory_space<vmem_shared>> -> memref<640x128xf32, #tpu.memory_space<vmem_shared>>
      tpu.wait_dma2 semaphore(%run_scoped3A : memref<!tpu.dma_semaphore, #tpu.memory_space<semaphore_mem>>) src(%dma_wait3A_52 : memref<640x128xf32, #tpu.memory_space<vmem_shared>>) dst(%dma_wait3A_50 : memref<640x128xf32, #tpu.memory_space<hbm>>)
      tpu.yield
    }) : () -> ()
    return
  }
}

#map = affine_map<(d0, d1) -> (0, 0)>
#map1 = affine_map<(d0, d1) -> (0)>
module attributes {stable_mosaic.version = 14 : i64} {
  func.func @gather_kernel(%arg0: i32, %arg1: i32, %arg2: memref<10240x128xf32, #tpu.memory_space<hbm>>, %arg3: memref<163840xi32, #tpu.memory_space<hbm>>, %arg4: memref<163840x128xf32, #tpu.memory_space<hbm>>, %arg5: memref<10240x128xf32, #tpu.memory_space<vmem_shared>>, %arg6: memref<5120xi32, #tpu.memory_space<vmem>>, %arg7: memref<128x128xf32, #tpu.memory_space<vmem>>, %arg8: memref<128x128xf32, #tpu.memory_space<vmem>>, %arg9: memref<!tpu.dma_semaphore, #tpu.memory_space<semaphore_mem>>, %arg10: memref<!tpu.dma_semaphore, #tpu.memory_space<semaphore_mem>>) attributes {dimension_semantics = [#tpu.dimension_semantics<core_parallel>, #tpu.dimension_semantics<subcore_parallel>], iteration_bounds = array<i64: 2, 16>, scalar_prefetch = 0 : i64, scratch_operands = 6 : i64, tpu.core_type = #tpu.core_type<sc_vector_subcore>, window_params = [{transform_indices = #map}, {transform_indices = #map1}, {transform_indices = #map}]} {
    %mul3A = arith.constant 640 : i32
    %mul3A_0 = arith.muli %arg1, %mul3A : i32
    %multiple_of3A = tpu.assume_multiple %mul3A_0, 640 : i32
    "tpu.region"() ({
      %run_scoped3A = tpu.sem_alloc : memref<!tpu.dma_semaphore, #tpu.memory_space<semaphore_mem>>
      %dma_start3A_18 = arith.constant 0 : i32
      %dma_start3A_19 = tpu.memref_slice %arg5[%multiple_of3A, %dma_start3A_18] : memref<10240x128xf32, #tpu.memory_space<vmem_shared>> -> memref<640x128xf32, #tpu.memory_space<vmem_shared>>
      %dma_start3A_20 = arith.constant 0 : i32
      %dma_start3A_21 = tpu.memref_slice %arg2[%multiple_of3A, %dma_start3A_20] : memref<10240x128xf32, #tpu.memory_space<hbm>> -> memref<640x128xf32, #tpu.memory_space<hbm>>
      tpu.enqueue_dma source(%dma_start3A_21 : memref<640x128xf32, #tpu.memory_space<hbm>>) target(%dma_start3A_19 : memref<640x128xf32, #tpu.memory_space<vmem_shared>>) target_semaphore(%run_scoped3A : memref<!tpu.dma_semaphore, #tpu.memory_space<semaphore_mem>>)
      %dma_wait3A = arith.constant 0 : i32
      %dma_wait3A_22 = tpu.memref_slice %arg5[%multiple_of3A, %dma_wait3A] : memref<10240x128xf32, #tpu.memory_space<vmem_shared>> -> memref<640x128xf32, #tpu.memory_space<vmem_shared>>
      %dma_wait3A_23 = arith.constant 0 : i32
      %dma_wait3A_24 = tpu.memref_slice %arg2[%multiple_of3A, %dma_wait3A_23] : memref<10240x128xf32, #tpu.memory_space<hbm>> -> memref<640x128xf32, #tpu.memory_space<hbm>>
      tpu.wait_dma2 semaphore(%run_scoped3A : memref<!tpu.dma_semaphore, #tpu.memory_space<semaphore_mem>>) src(%dma_wait3A_24 : memref<640x128xf32, #tpu.memory_space<hbm>>) dst(%dma_wait3A_22 : memref<640x128xf32, #tpu.memory_space<vmem_shared>>)
      tpu.yield
    }) : () -> ()
    %mul3A_1 = arith.constant 2 : i32
    %mul3A_2 = arith.muli %arg1, %mul3A_1 : i32
    %add3A = arith.addi %mul3A_2, %arg0 : i32
    %mul3A_3 = arith.constant 40 : i32
    %mul3A_4 = arith.muli %add3A, %mul3A_3 : i32
    %mul3A_5 = arith.constant 128 : i32
    %mul3A_6 = arith.muli %mul3A_4, %mul3A_5 : i32
    %multiple_of3A_7 = tpu.assume_multiple %mul3A_6, 128 : i32
    "tpu.region"() ({
      %run_scoped3A = tpu.sem_alloc : memref<!tpu.dma_semaphore, #tpu.memory_space<semaphore_mem>>
      %dma_start3A_18 = tpu.memref_slice %arg3[%multiple_of3A_7] : memref<163840xi32, #tpu.memory_space<hbm>> -> memref<5120xi32, #tpu.memory_space<hbm>>
      %dma_start3A_19 = tpu.memref_slice %arg3[%multiple_of3A_7] : memref<163840xi32, #tpu.memory_space<hbm>> -> memref<5120xi32, #tpu.memory_space<hbm>>
      tpu.enqueue_dma source(%dma_start3A_19 : memref<5120xi32, #tpu.memory_space<hbm>>) target(%arg6 : memref<5120xi32, #tpu.memory_space<vmem>>) target_semaphore(%run_scoped3A : memref<!tpu.dma_semaphore, #tpu.memory_space<semaphore_mem>>)
      %dma_wait3A = tpu.memref_slice %arg3[%multiple_of3A_7] : memref<163840xi32, #tpu.memory_space<hbm>> -> memref<5120xi32, #tpu.memory_space<hbm>>
      %dma_wait3A_20 = tpu.memref_slice %arg3[%multiple_of3A_7] : memref<163840xi32, #tpu.memory_space<hbm>> -> memref<5120xi32, #tpu.memory_space<hbm>>
      tpu.wait_dma2 semaphore(%run_scoped3A : memref<!tpu.dma_semaphore, #tpu.memory_space<semaphore_mem>>) src(%dma_wait3A_20 : memref<5120xi32, #tpu.memory_space<hbm>>) dst(%arg6 : memref<5120xi32, #tpu.memory_space<vmem>>)
      tpu.yield
    }) : () -> ()
    %barrier3A = arith.constant 0 : index
    tpu.barrier barrier_id(%barrier3A)
    %dma_start3A = arith.constant 0 : i32
    %dma_start3A_8 = tpu.memref_slice %arg6[%dma_start3A] : memref<5120xi32, #tpu.memory_space<vmem>> -> memref<128xi32, #tpu.memory_space<vmem>>
    %dma_start3A_9 = arith.constant 0 : i32
    %dma_start3A_10 = arith.constant 0 : i32
    %dma_start3A_11 = tpu.memref_slice %arg5[%dma_start3A_9, %dma_start3A_10] : memref<10240x128xf32, #tpu.memory_space<vmem_shared>> -> memref<10240x128xf32, #tpu.memory_space<vmem_shared>>
    tpu.enqueue_indirect_dma source(%dma_start3A_11 : memref<10240x128xf32, #tpu.memory_space<vmem_shared>>) target(%arg7 : memref<128x128xf32, #tpu.memory_space<vmem>>) offsets(%dma_start3A_8 : memref<128xi32, #tpu.memory_space<vmem>>) semaphore(%arg9 : memref<!tpu.dma_semaphore, #tpu.memory_space<semaphore_mem>>)
    %scan3A = arith.constant 0 : i32
    %scan3A_12 = arith.constant 0 : i32
    %scan3A_13 = arith.constant 40 : i32
    %scan3A_14 = arith.addi %scan3A_12, %scan3A_13 : i32
    %scan3A_15 = arith.constant 1 : i32
    %scan3A_16 = scf.for %scan3A_18 = %scan3A_12 to %scan3A_14 step %scan3A_15 iter_args(%scan3A_19 = %scan3A) -> (i32)  : i32 {
      %rem3A = arith.constant 2 : i32
      %rem3A_20 = arith.remsi %scan3A_18, %rem3A : i32
      %eq3A = arith.constant 0 : i32
      %eq3A_21 = arith.cmpi eq, %rem3A_20, %eq3A : i32
      %convert_element_type3A = arith.extui %eq3A_21 : i1 to i32
      %cond3A = arith.constant 0 : i32
      %cond3A_22 = arith.cmpi ne, %convert_element_type3A, %cond3A : i32
      scf.if %cond3A_22 {
        %dma_wait3A = arith.constant 0 : i32
        %dma_wait3A_29 = tpu.memref_slice %arg6[%dma_wait3A] : memref<5120xi32, #tpu.memory_space<vmem>> -> memref<128xi32, #tpu.memory_space<vmem>>
        %dma_wait3A_30 = arith.constant 0 : i32
        %dma_wait3A_31 = arith.constant 0 : i32
        %dma_wait3A_32 = tpu.memref_slice %arg5[%dma_wait3A_30, %dma_wait3A_31] : memref<10240x128xf32, #tpu.memory_space<vmem_shared>> -> memref<10240x128xf32, #tpu.memory_space<vmem_shared>>
        tpu.wait_indirect_dma semaphore(%arg9 : memref<!tpu.dma_semaphore, #tpu.memory_space<semaphore_mem>>) src(%dma_wait3A_32 : memref<10240x128xf32, #tpu.memory_space<vmem_shared>>) dst(%arg7 : memref<128x128xf32, #tpu.memory_space<vmem>>)
        %add3A_33 = arith.constant 1 : i32
        %add3A_34 = arith.addi %scan3A_18, %add3A_33 : i32
        %lt3A = arith.constant 40 : i32
        %lt3A_35 = arith.cmpi slt, %add3A_34, %lt3A : i32
        %convert_element_type3A_36 = arith.extui %lt3A_35 : i1 to i32
        %cond3A_37 = arith.constant 0 : i32
        %cond3A_38 = arith.cmpi ne, %convert_element_type3A_36, %cond3A_37 : i32
        scf.if %cond3A_38 {
          %add3A_43 = arith.constant 1 : i32
          %add3A_44 = arith.addi %scan3A_18, %add3A_43 : i32
          %mul3A_45 = arith.constant 128 : i32
          %mul3A_46 = arith.muli %add3A_44, %mul3A_45 : i32
          %multiple_of3A_47 = tpu.assume_multiple %mul3A_46, 128 : i32
          %dma_start3A_48 = tpu.memref_slice %arg6[%multiple_of3A_47] : memref<5120xi32, #tpu.memory_space<vmem>> -> memref<128xi32, #tpu.memory_space<vmem>>
          %dma_start3A_49 = arith.constant 0 : i32
          %dma_start3A_50 = arith.constant 0 : i32
          %dma_start3A_51 = tpu.memref_slice %arg5[%dma_start3A_49, %dma_start3A_50] : memref<10240x128xf32, #tpu.memory_space<vmem_shared>> -> memref<10240x128xf32, #tpu.memory_space<vmem_shared>>
          tpu.enqueue_indirect_dma source(%dma_start3A_51 : memref<10240x128xf32, #tpu.memory_space<vmem_shared>>) target(%arg8 : memref<128x128xf32, #tpu.memory_space<vmem>>) offsets(%dma_start3A_48 : memref<128xi32, #tpu.memory_space<vmem>>) semaphore(%arg10 : memref<!tpu.dma_semaphore, #tpu.memory_space<semaphore_mem>>)
        } else {
        }
        %add3A_39 = arith.addi %mul3A_4, %scan3A_18 : i32
        %mul3A_40 = arith.constant 128 : i32
        %mul3A_41 = arith.muli %add3A_39, %mul3A_40 : i32
        %multiple_of3A_42 = tpu.assume_multiple %mul3A_41, 128 : i32
        "tpu.region"() ({
          %run_scoped3A = tpu.sem_alloc : memref<!tpu.dma_semaphore, #tpu.memory_space<semaphore_mem>>
          %dma_start3A_43 = arith.constant 0 : i32
          %dma_start3A_44 = tpu.memref_slice %arg4[%multiple_of3A_42, %dma_start3A_43] : memref<163840x128xf32, #tpu.memory_space<hbm>> -> memref<128x128xf32, #tpu.memory_space<hbm>>
          %dma_start3A_45 = arith.constant 0 : i32
          %dma_start3A_46 = tpu.memref_slice %arg4[%multiple_of3A_42, %dma_start3A_45] : memref<163840x128xf32, #tpu.memory_space<hbm>> -> memref<128x128xf32, #tpu.memory_space<hbm>>
          tpu.enqueue_dma source(%arg7 : memref<128x128xf32, #tpu.memory_space<vmem>>) target(%dma_start3A_46 : memref<128x128xf32, #tpu.memory_space<hbm>>) target_semaphore(%run_scoped3A : memref<!tpu.dma_semaphore, #tpu.memory_space<semaphore_mem>>)
          %dma_wait3A_47 = arith.constant 0 : i32
          %dma_wait3A_48 = tpu.memref_slice %arg4[%multiple_of3A_42, %dma_wait3A_47] : memref<163840x128xf32, #tpu.memory_space<hbm>> -> memref<128x128xf32, #tpu.memory_space<hbm>>
          %dma_wait3A_49 = arith.constant 0 : i32
          %dma_wait3A_50 = tpu.memref_slice %arg4[%multiple_of3A_42, %dma_wait3A_49] : memref<163840x128xf32, #tpu.memory_space<hbm>> -> memref<128x128xf32, #tpu.memory_space<hbm>>
          tpu.wait_dma2 semaphore(%run_scoped3A : memref<!tpu.dma_semaphore, #tpu.memory_space<semaphore_mem>>) src(%arg7 : memref<128x128xf32, #tpu.memory_space<vmem>>) dst(%dma_wait3A_50 : memref<128x128xf32, #tpu.memory_space<hbm>>)
          tpu.yield
        }) : () -> ()
      } else {
      }
      %eq3A_23 = arith.constant 1 : i32
      %eq3A_24 = arith.cmpi eq, %rem3A_20, %eq3A_23 : i32
      %convert_element_type3A_25 = arith.extui %eq3A_24 : i1 to i32
      %cond3A_26 = arith.constant 0 : i32
      %cond3A_27 = arith.cmpi ne, %convert_element_type3A_25, %cond3A_26 : i32
      scf.if %cond3A_27 {
        %dma_wait3A = arith.constant 0 : i32
        %dma_wait3A_29 = tpu.memref_slice %arg6[%dma_wait3A] : memref<5120xi32, #tpu.memory_space<vmem>> -> memref<128xi32, #tpu.memory_space<vmem>>
        %dma_wait3A_30 = arith.constant 0 : i32
        %dma_wait3A_31 = arith.constant 0 : i32
        %dma_wait3A_32 = tpu.memref_slice %arg5[%dma_wait3A_30, %dma_wait3A_31] : memref<10240x128xf32, #tpu.memory_space<vmem_shared>> -> memref<10240x128xf32, #tpu.memory_space<vmem_shared>>
        tpu.wait_indirect_dma semaphore(%arg10 : memref<!tpu.dma_semaphore, #tpu.memory_space<semaphore_mem>>) src(%dma_wait3A_32 : memref<10240x128xf32, #tpu.memory_space<vmem_shared>>) dst(%arg8 : memref<128x128xf32, #tpu.memory_space<vmem>>)
        %add3A_33 = arith.constant 1 : i32
        %add3A_34 = arith.addi %scan3A_18, %add3A_33 : i32
        %lt3A = arith.constant 40 : i32
        %lt3A_35 = arith.cmpi slt, %add3A_34, %lt3A : i32
        %convert_element_type3A_36 = arith.extui %lt3A_35 : i1 to i32
        %cond3A_37 = arith.constant 0 : i32
        %cond3A_38 = arith.cmpi ne, %convert_element_type3A_36, %cond3A_37 : i32
        scf.if %cond3A_38 {
          %add3A_43 = arith.constant 1 : i32
          %add3A_44 = arith.addi %scan3A_18, %add3A_43 : i32
          %mul3A_45 = arith.constant 128 : i32
          %mul3A_46 = arith.muli %add3A_44, %mul3A_45 : i32
          %multiple_of3A_47 = tpu.assume_multiple %mul3A_46, 128 : i32
          %dma_start3A_48 = tpu.memref_slice %arg6[%multiple_of3A_47] : memref<5120xi32, #tpu.memory_space<vmem>> -> memref<128xi32, #tpu.memory_space<vmem>>
          %dma_start3A_49 = arith.constant 0 : i32
          %dma_start3A_50 = arith.constant 0 : i32
          %dma_start3A_51 = tpu.memref_slice %arg5[%dma_start3A_49, %dma_start3A_50] : memref<10240x128xf32, #tpu.memory_space<vmem_shared>> -> memref<10240x128xf32, #tpu.memory_space<vmem_shared>>
          tpu.enqueue_indirect_dma source(%dma_start3A_51 : memref<10240x128xf32, #tpu.memory_space<vmem_shared>>) target(%arg7 : memref<128x128xf32, #tpu.memory_space<vmem>>) offsets(%dma_start3A_48 : memref<128xi32, #tpu.memory_space<vmem>>) semaphore(%arg9 : memref<!tpu.dma_semaphore, #tpu.memory_space<semaphore_mem>>)
        } else {
        }
        %add3A_39 = arith.addi %mul3A_4, %scan3A_18 : i32
        %mul3A_40 = arith.constant 128 : i32
        %mul3A_41 = arith.muli %add3A_39, %mul3A_40 : i32
        %multiple_of3A_42 = tpu.assume_multiple %mul3A_41, 128 : i32
        "tpu.region"() ({
          %run_scoped3A = tpu.sem_alloc : memref<!tpu.dma_semaphore, #tpu.memory_space<semaphore_mem>>
          %dma_start3A_43 = arith.constant 0 : i32
          %dma_start3A_44 = tpu.memref_slice %arg4[%multiple_of3A_42, %dma_start3A_43] : memref<163840x128xf32, #tpu.memory_space<hbm>> -> memref<128x128xf32, #tpu.memory_space<hbm>>
          %dma_start3A_45 = arith.constant 0 : i32
          %dma_start3A_46 = tpu.memref_slice %arg4[%multiple_of3A_42, %dma_start3A_45] : memref<163840x128xf32, #tpu.memory_space<hbm>> -> memref<128x128xf32, #tpu.memory_space<hbm>>
          tpu.enqueue_dma source(%arg8 : memref<128x128xf32, #tpu.memory_space<vmem>>) target(%dma_start3A_46 : memref<128x128xf32, #tpu.memory_space<hbm>>) target_semaphore(%run_scoped3A : memref<!tpu.dma_semaphore, #tpu.memory_space<semaphore_mem>>)
          %dma_wait3A_47 = arith.constant 0 : i32
          %dma_wait3A_48 = tpu.memref_slice %arg4[%multiple_of3A_42, %dma_wait3A_47] : memref<163840x128xf32, #tpu.memory_space<hbm>> -> memref<128x128xf32, #tpu.memory_space<hbm>>
          %dma_wait3A_49 = arith.constant 0 : i32
          %dma_wait3A_50 = tpu.memref_slice %arg4[%multiple_of3A_42, %dma_wait3A_49] : memref<163840x128xf32, #tpu.memory_space<hbm>> -> memref<128x128xf32, #tpu.memory_space<hbm>>
          tpu.wait_dma2 semaphore(%run_scoped3A : memref<!tpu.dma_semaphore, #tpu.memory_space<semaphore_mem>>) src(%arg8 : memref<128x128xf32, #tpu.memory_space<vmem>>) dst(%dma_wait3A_50 : memref<128x128xf32, #tpu.memory_space<hbm>>)
          tpu.yield
        }) : () -> ()
      } else {
      }
      %scan3A_28 = arith.constant 0 : i32
      scf.yield %scan3A_28 : i32
    }
    %scan3A_17 = arith.constant 40 : i32
    return
  }
}

#map = affine_map<(d0, d1) -> (0, 0)>
#map1 = affine_map<(d0, d1) -> (0, 0, 0)>
module attributes {stable_mosaic.version = 14 : i64} {
  func.func @scatter_kernel(%arg0: i32, %arg1: i32, %arg2: memref<163840x128xf32, #tpu.memory_space<hbm>>, %arg3: memref<1280x128xi32, #tpu.memory_space<hbm>>, %arg4: memref<10240x128xf32, #tpu.memory_space<hbm>>, %arg5: memref<2x10240x128xf32, #tpu.memory_space<hbm>>, %arg6: memref<10240x128xf32, #tpu.memory_space<vmem_shared>>, %arg7: memref<40x128xi32, #tpu.memory_space<vmem>>, %arg8: memref<128x128xf32, #tpu.memory_space<vmem>>, %arg9: memref<128x128xf32, #tpu.memory_space<vmem>>, %arg10: memref<!tpu.dma_semaphore, #tpu.memory_space<semaphore_mem>>, %arg11: memref<!tpu.dma_semaphore, #tpu.memory_space<semaphore_mem>>, %arg12: memref<!tpu.dma_semaphore, #tpu.memory_space<semaphore_mem>>, %arg13: memref<!tpu.dma_semaphore, #tpu.memory_space<semaphore_mem>>) attributes {dimension_semantics = [#tpu.dimension_semantics<core_parallel>, #tpu.dimension_semantics<subcore_parallel>], iteration_bounds = array<i64: 2, 16>, scalar_prefetch = 0 : i64, scratch_operands = 8 : i64, tpu.core_type = #tpu.core_type<sc_vector_subcore>, window_params = [{transform_indices = #map}, {transform_indices = #map}, {transform_indices = #map}, {transform_indices = #map1}]} {
    %mul3A = arith.constant 640 : i32
    %mul3A_0 = arith.muli %arg1, %mul3A : i32
    %multiple_of3A = tpu.assume_multiple %mul3A_0, 640 : i32
    "tpu.region"() ({
      %run_scoped3A = tpu.sem_alloc : memref<!tpu.dma_semaphore, #tpu.memory_space<semaphore_mem>>
      %dma_start3A_43 = arith.constant 0 : i32
      %dma_start3A_44 = tpu.memref_slice %arg6[%multiple_of3A, %dma_start3A_43] : memref<10240x128xf32, #tpu.memory_space<vmem_shared>> -> memref<640x128xf32, #tpu.memory_space<vmem_shared>>
      %dma_start3A_45 = arith.constant 0 : i32
      %dma_start3A_46 = tpu.memref_slice %arg4[%multiple_of3A, %dma_start3A_45] : memref<10240x128xf32, #tpu.memory_space<hbm>> -> memref<640x128xf32, #tpu.memory_space<hbm>>
      tpu.enqueue_dma source(%dma_start3A_46 : memref<640x128xf32, #tpu.memory_space<hbm>>) target(%dma_start3A_44 : memref<640x128xf32, #tpu.memory_space<vmem_shared>>) target_semaphore(%run_scoped3A : memref<!tpu.dma_semaphore, #tpu.memory_space<semaphore_mem>>)
      %dma_wait3A_47 = arith.constant 0 : i32
      %dma_wait3A_48 = tpu.memref_slice %arg6[%multiple_of3A, %dma_wait3A_47] : memref<10240x128xf32, #tpu.memory_space<vmem_shared>> -> memref<640x128xf32, #tpu.memory_space<vmem_shared>>
      %dma_wait3A_49 = arith.constant 0 : i32
      %dma_wait3A_50 = tpu.memref_slice %arg4[%multiple_of3A, %dma_wait3A_49] : memref<10240x128xf32, #tpu.memory_space<hbm>> -> memref<640x128xf32, #tpu.memory_space<hbm>>
      tpu.wait_dma2 semaphore(%run_scoped3A : memref<!tpu.dma_semaphore, #tpu.memory_space<semaphore_mem>>) src(%dma_wait3A_50 : memref<640x128xf32, #tpu.memory_space<hbm>>) dst(%dma_wait3A_48 : memref<640x128xf32, #tpu.memory_space<vmem_shared>>)
      tpu.yield
    }) : () -> ()
    %mul3A_1 = arith.constant 2 : i32
    %mul3A_2 = arith.muli %arg1, %mul3A_1 : i32
    %add3A = arith.addi %mul3A_2, %arg0 : i32
    %mul3A_3 = arith.constant 40 : i32
    %mul3A_4 = arith.muli %add3A, %mul3A_3 : i32
    %multiple_of3A_5 = tpu.assume_multiple %mul3A_4, 40 : i32
    "tpu.region"() ({
      %run_scoped3A = tpu.sem_alloc : memref<!tpu.dma_semaphore, #tpu.memory_space<semaphore_mem>>
      %dma_start3A_43 = arith.constant 0 : i32
      %dma_start3A_44 = tpu.memref_slice %arg3[%multiple_of3A_5, %dma_start3A_43] : memref<1280x128xi32, #tpu.memory_space<hbm>> -> memref<40x128xi32, #tpu.memory_space<hbm>>
      %dma_start3A_45 = arith.constant 0 : i32
      %dma_start3A_46 = tpu.memref_slice %arg3[%multiple_of3A_5, %dma_start3A_45] : memref<1280x128xi32, #tpu.memory_space<hbm>> -> memref<40x128xi32, #tpu.memory_space<hbm>>
      tpu.enqueue_dma source(%dma_start3A_46 : memref<40x128xi32, #tpu.memory_space<hbm>>) target(%arg7 : memref<40x128xi32, #tpu.memory_space<vmem>>) target_semaphore(%run_scoped3A : memref<!tpu.dma_semaphore, #tpu.memory_space<semaphore_mem>>)
      %dma_wait3A_47 = arith.constant 0 : i32
      %dma_wait3A_48 = tpu.memref_slice %arg3[%multiple_of3A_5, %dma_wait3A_47] : memref<1280x128xi32, #tpu.memory_space<hbm>> -> memref<40x128xi32, #tpu.memory_space<hbm>>
      %dma_wait3A_49 = arith.constant 0 : i32
      %dma_wait3A_50 = tpu.memref_slice %arg3[%multiple_of3A_5, %dma_wait3A_49] : memref<1280x128xi32, #tpu.memory_space<hbm>> -> memref<40x128xi32, #tpu.memory_space<hbm>>
      tpu.wait_dma2 semaphore(%run_scoped3A : memref<!tpu.dma_semaphore, #tpu.memory_space<semaphore_mem>>) src(%dma_wait3A_50 : memref<40x128xi32, #tpu.memory_space<hbm>>) dst(%arg7 : memref<40x128xi32, #tpu.memory_space<vmem>>)
      tpu.yield
    }) : () -> ()
    %barrier3A = arith.constant 0 : index
    tpu.barrier barrier_id(%barrier3A)
    %add3A_6 = arith.constant 0 : i32
    %add3A_7 = arith.addi %mul3A_4, %add3A_6 : i32
    %mul3A_8 = arith.constant 128 : i32
    %mul3A_9 = arith.muli %add3A_7, %mul3A_8 : i32
    %multiple_of3A_10 = tpu.assume_multiple %mul3A_9, 128 : i32
    %dma_start3A = arith.constant 0 : i32
    %dma_start3A_11 = tpu.memref_slice %arg2[%multiple_of3A_10, %dma_start3A] : memref<163840x128xf32, #tpu.memory_space<hbm>> -> memref<128x128xf32, #tpu.memory_space<hbm>>
    %dma_start3A_12 = arith.constant 0 : i32
    %dma_start3A_13 = tpu.memref_slice %arg2[%multiple_of3A_10, %dma_start3A_12] : memref<163840x128xf32, #tpu.memory_space<hbm>> -> memref<128x128xf32, #tpu.memory_space<hbm>>
    tpu.enqueue_dma source(%dma_start3A_13 : memref<128x128xf32, #tpu.memory_space<hbm>>) target(%arg8 : memref<128x128xf32, #tpu.memory_space<vmem>>) target_semaphore(%arg10 : memref<!tpu.dma_semaphore, #tpu.memory_space<semaphore_mem>>)
    %add3A_14 = arith.constant 1 : i32
    %add3A_15 = arith.addi %mul3A_4, %add3A_14 : i32
    %mul3A_16 = arith.constant 128 : i32
    %mul3A_17 = arith.muli %add3A_15, %mul3A_16 : i32
    %multiple_of3A_18 = tpu.assume_multiple %mul3A_17, 128 : i32
    %dma_start3A_19 = arith.constant 0 : i32
    %dma_start3A_20 = tpu.memref_slice %arg2[%multiple_of3A_18, %dma_start3A_19] : memref<163840x128xf32, #tpu.memory_space<hbm>> -> memref<128x128xf32, #tpu.memory_space<hbm>>
    %dma_start3A_21 = arith.constant 0 : i32
    %dma_start3A_22 = tpu.memref_slice %arg2[%multiple_of3A_18, %dma_start3A_21] : memref<163840x128xf32, #tpu.memory_space<hbm>> -> memref<128x128xf32, #tpu.memory_space<hbm>>
    tpu.enqueue_dma source(%dma_start3A_22 : memref<128x128xf32, #tpu.memory_space<hbm>>) target(%arg9 : memref<128x128xf32, #tpu.memory_space<vmem>>) target_semaphore(%arg11 : memref<!tpu.dma_semaphore, #tpu.memory_space<semaphore_mem>>)
    %scan3A = arith.constant 0 : i32
    %scan3A_23 = arith.constant 0 : i32
    %scan3A_24 = arith.constant 20 : i32
    %scan3A_25 = arith.addi %scan3A_23, %scan3A_24 : i32
    %scan3A_26 = arith.constant 1 : i32
    %scan3A_27 = scf.for %scan3A_43 = %scan3A_23 to %scan3A_25 step %scan3A_26 iter_args(%scan3A_44 = %scan3A) -> (i32)  : i32 {
      %mul3A_45 = arith.constant 128 : i32
      %mul3A_46 = arith.muli %mul3A_4, %mul3A_45 : i32
      %multiple_of3A_47 = tpu.assume_multiple %mul3A_46, 128 : i32
      %dma_wait3A_48 = arith.constant 0 : i32
      %dma_wait3A_49 = tpu.memref_slice %arg2[%multiple_of3A_47, %dma_wait3A_48] : memref<163840x128xf32, #tpu.memory_space<hbm>> -> memref<128x128xf32, #tpu.memory_space<hbm>>
      %dma_wait3A_50 = arith.constant 0 : i32
      %dma_wait3A_51 = tpu.memref_slice %arg2[%multiple_of3A_47, %dma_wait3A_50] : memref<163840x128xf32, #tpu.memory_space<hbm>> -> memref<128x128xf32, #tpu.memory_space<hbm>>
      tpu.wait_dma2 semaphore(%arg10 : memref<!tpu.dma_semaphore, #tpu.memory_space<semaphore_mem>>) src(%dma_wait3A_51 : memref<128x128xf32, #tpu.memory_space<hbm>>) dst(%arg8 : memref<128x128xf32, #tpu.memory_space<vmem>>)
      %mul3A_52 = arith.constant 2 : i32
      %mul3A_53 = arith.muli %scan3A_43, %mul3A_52 : i32
      %add3A_54 = arith.constant 0 : i32
      %add3A_55 = arith.addi %mul3A_53, %add3A_54 : i32
      %dma_start3A_56 = arith.constant 0 : i32
      %dma_start3A_57 = tpu.memref_slice %arg7[%add3A_55, %dma_start3A_56] : memref<40x128xi32, #tpu.memory_space<vmem>> -> memref<1x128xi32, #tpu.memory_space<vmem>>
      %dma_start3A_58 = tpu.memref_squeeze %dma_start3A_57 : memref<1x128xi32, #tpu.memory_space<vmem>> -> memref<128xi32, #tpu.memory_space<vmem>>
      %dma_start3A_59 = arith.constant 0 : i32
      %dma_start3A_60 = arith.constant 0 : i32
      %dma_start3A_61 = tpu.memref_slice %arg6[%dma_start3A_59, %dma_start3A_60] : memref<10240x128xf32, #tpu.memory_space<vmem_shared>> -> memref<10240x128xf32, #tpu.memory_space<vmem_shared>>
      tpu.enqueue_indirect_dma source(%arg8 : memref<128x128xf32, #tpu.memory_space<vmem>>) target(%dma_start3A_61 : memref<10240x128xf32, #tpu.memory_space<vmem_shared>>) offsets(%dma_start3A_58 : memref<128xi32, #tpu.memory_space<vmem>>) semaphore(%arg12 : memref<!tpu.dma_semaphore, #tpu.memory_space<semaphore_mem>>) {add = true}
      %mul3A_62 = arith.constant 128 : i32
      %mul3A_63 = arith.muli %mul3A_4, %mul3A_62 : i32
      %multiple_of3A_64 = tpu.assume_multiple %mul3A_63, 128 : i32
      %dma_wait3A_65 = arith.constant 0 : i32
      %dma_wait3A_66 = tpu.memref_slice %arg2[%multiple_of3A_64, %dma_wait3A_65] : memref<163840x128xf32, #tpu.memory_space<hbm>> -> memref<128x128xf32, #tpu.memory_space<hbm>>
      %dma_wait3A_67 = arith.constant 0 : i32
      %dma_wait3A_68 = tpu.memref_slice %arg2[%multiple_of3A_64, %dma_wait3A_67] : memref<163840x128xf32, #tpu.memory_space<hbm>> -> memref<128x128xf32, #tpu.memory_space<hbm>>
      tpu.wait_dma2 semaphore(%arg11 : memref<!tpu.dma_semaphore, #tpu.memory_space<semaphore_mem>>) src(%dma_wait3A_68 : memref<128x128xf32, #tpu.memory_space<hbm>>) dst(%arg9 : memref<128x128xf32, #tpu.memory_space<vmem>>)
      %mul3A_69 = arith.constant 2 : i32
      %mul3A_70 = arith.muli %scan3A_43, %mul3A_69 : i32
      %add3A_71 = arith.constant 1 : i32
      %add3A_72 = arith.addi %mul3A_70, %add3A_71 : i32
      %dma_start3A_73 = arith.constant 0 : i32
      %dma_start3A_74 = tpu.memref_slice %arg7[%add3A_72, %dma_start3A_73] : memref<40x128xi32, #tpu.memory_space<vmem>> -> memref<1x128xi32, #tpu.memory_space<vmem>>
      %dma_start3A_75 = tpu.memref_squeeze %dma_start3A_74 : memref<1x128xi32, #tpu.memory_space<vmem>> -> memref<128xi32, #tpu.memory_space<vmem>>
      %dma_start3A_76 = arith.constant 0 : i32
      %dma_start3A_77 = arith.constant 0 : i32
      %dma_start3A_78 = tpu.memref_slice %arg6[%dma_start3A_76, %dma_start3A_77] : memref<10240x128xf32, #tpu.memory_space<vmem_shared>> -> memref<10240x128xf32, #tpu.memory_space<vmem_shared>>
      tpu.enqueue_indirect_dma source(%arg9 : memref<128x128xf32, #tpu.memory_space<vmem>>) target(%dma_start3A_78 : memref<10240x128xf32, #tpu.memory_space<vmem_shared>>) offsets(%dma_start3A_75 : memref<128xi32, #tpu.memory_space<vmem>>) semaphore(%arg13 : memref<!tpu.dma_semaphore, #tpu.memory_space<semaphore_mem>>) {add = true}
      %add3A_79 = arith.constant 1 : i32
      %add3A_80 = arith.addi %scan3A_43, %add3A_79 : i32
      %lt3A = arith.constant 20 : i32
      %lt3A_81 = arith.cmpi slt, %add3A_80, %lt3A : i32
      %convert_element_type3A = arith.extui %lt3A_81 : i1 to i32
      %cond3A = arith.constant 0 : i32
      %cond3A_82 = arith.cmpi ne, %convert_element_type3A, %cond3A : i32
      scf.if %cond3A_82 {
        %dma_wait3A_91 = arith.constant 0 : i32
        %dma_wait3A_92 = arith.constant 0 : i32
        %dma_wait3A_93 = tpu.memref_slice %arg7[%dma_wait3A_91, %dma_wait3A_92] : memref<40x128xi32, #tpu.memory_space<vmem>> -> memref<1x128xi32, #tpu.memory_space<vmem>>
        %dma_wait3A_94 = tpu.memref_squeeze %dma_wait3A_93 : memref<1x128xi32, #tpu.memory_space<vmem>> -> memref<128xi32, #tpu.memory_space<vmem>>
        %dma_wait3A_95 = arith.constant 0 : i32
        %dma_wait3A_96 = arith.constant 0 : i32
        %dma_wait3A_97 = tpu.memref_slice %arg6[%dma_wait3A_95, %dma_wait3A_96] : memref<10240x128xf32, #tpu.memory_space<vmem_shared>> -> memref<10240x128xf32, #tpu.memory_space<vmem_shared>>
        tpu.wait_indirect_dma semaphore(%arg12 : memref<!tpu.dma_semaphore, #tpu.memory_space<semaphore_mem>>) src(%arg8 : memref<128x128xf32, #tpu.memory_space<vmem>>) dst(%dma_wait3A_97 : memref<10240x128xf32, #tpu.memory_space<vmem_shared>>)
        %add3A_98 = arith.constant 1 : i32
        %add3A_99 = arith.addi %scan3A_43, %add3A_98 : i32
        %mul3A_100 = arith.constant 2 : i32
        %mul3A_101 = arith.muli %add3A_99, %mul3A_100 : i32
        %add3A_102 = arith.constant 0 : i32
        %add3A_103 = arith.addi %mul3A_101, %add3A_102 : i32
        %add3A_104 = arith.addi %mul3A_4, %add3A_103 : i32
        %mul3A_105 = arith.constant 128 : i32
        %mul3A_106 = arith.muli %add3A_104, %mul3A_105 : i32
        %multiple_of3A_107 = tpu.assume_multiple %mul3A_106, 128 : i32
        %dma_start3A_108 = arith.constant 0 : i32
        %dma_start3A_109 = tpu.memref_slice %arg2[%multiple_of3A_107, %dma_start3A_108] : memref<163840x128xf32, #tpu.memory_space<hbm>> -> memref<128x128xf32, #tpu.memory_space<hbm>>
        %dma_start3A_110 = arith.constant 0 : i32
        %dma_start3A_111 = tpu.memref_slice %arg2[%multiple_of3A_107, %dma_start3A_110] : memref<163840x128xf32, #tpu.memory_space<hbm>> -> memref<128x128xf32, #tpu.memory_space<hbm>>
        tpu.enqueue_dma source(%dma_start3A_111 : memref<128x128xf32, #tpu.memory_space<hbm>>) target(%arg8 : memref<128x128xf32, #tpu.memory_space<vmem>>) target_semaphore(%arg10 : memref<!tpu.dma_semaphore, #tpu.memory_space<semaphore_mem>>)
      } else {
      }
      %add3A_83 = arith.constant 1 : i32
      %add3A_84 = arith.addi %scan3A_43, %add3A_83 : i32
      %lt3A_85 = arith.constant 20 : i32
      %lt3A_86 = arith.cmpi slt, %add3A_84, %lt3A_85 : i32
      %convert_element_type3A_87 = arith.extui %lt3A_86 : i1 to i32
      %cond3A_88 = arith.constant 0 : i32
      %cond3A_89 = arith.cmpi ne, %convert_element_type3A_87, %cond3A_88 : i32
      scf.if %cond3A_89 {
        %dma_wait3A_91 = arith.constant 0 : i32
        %dma_wait3A_92 = arith.constant 0 : i32
        %dma_wait3A_93 = tpu.memref_slice %arg7[%dma_wait3A_91, %dma_wait3A_92] : memref<40x128xi32, #tpu.memory_space<vmem>> -> memref<1x128xi32, #tpu.memory_space<vmem>>
        %dma_wait3A_94 = tpu.memref_squeeze %dma_wait3A_93 : memref<1x128xi32, #tpu.memory_space<vmem>> -> memref<128xi32, #tpu.memory_space<vmem>>
        %dma_wait3A_95 = arith.constant 0 : i32
        %dma_wait3A_96 = arith.constant 0 : i32
        %dma_wait3A_97 = tpu.memref_slice %arg6[%dma_wait3A_95, %dma_wait3A_96] : memref<10240x128xf32, #tpu.memory_space<vmem_shared>> -> memref<10240x128xf32, #tpu.memory_space<vmem_shared>>
        tpu.wait_indirect_dma semaphore(%arg13 : memref<!tpu.dma_semaphore, #tpu.memory_space<semaphore_mem>>) src(%arg9 : memref<128x128xf32, #tpu.memory_space<vmem>>) dst(%dma_wait3A_97 : memref<10240x128xf32, #tpu.memory_space<vmem_shared>>)
        %add3A_98 = arith.constant 1 : i32
        %add3A_99 = arith.addi %scan3A_43, %add3A_98 : i32
        %mul3A_100 = arith.constant 2 : i32
        %mul3A_101 = arith.muli %add3A_99, %mul3A_100 : i32
        %add3A_102 = arith.constant 1 : i32
        %add3A_103 = arith.addi %mul3A_101, %add3A_102 : i32
        %add3A_104 = arith.addi %mul3A_4, %add3A_103 : i32
        %mul3A_105 = arith.constant 128 : i32
        %mul3A_106 = arith.muli %add3A_104, %mul3A_105 : i32
        %multiple_of3A_107 = tpu.assume_multiple %mul3A_106, 128 : i32
        %dma_start3A_108 = arith.constant 0 : i32
        %dma_start3A_109 = tpu.memref_slice %arg2[%multiple_of3A_107, %dma_start3A_108] : memref<163840x128xf32, #tpu.memory_space<hbm>> -> memref<128x128xf32, #tpu.memory_space<hbm>>
        %dma_start3A_110 = arith.constant 0 : i32
        %dma_start3A_111 = tpu.memref_slice %arg2[%multiple_of3A_107, %dma_start3A_110] : memref<163840x128xf32, #tpu.memory_space<hbm>> -> memref<128x128xf32, #tpu.memory_space<hbm>>
        tpu.enqueue_dma source(%dma_start3A_111 : memref<128x128xf32, #tpu.memory_space<hbm>>) target(%arg9 : memref<128x128xf32, #tpu.memory_space<vmem>>) target_semaphore(%arg11 : memref<!tpu.dma_semaphore, #tpu.memory_space<semaphore_mem>>)
      } else {
      }
      %scan3A_90 = arith.constant 0 : i32
      scf.yield %scan3A_90 : i32
    }
    %scan3A_28 = arith.constant 20 : i32
    %dma_wait3A = arith.constant 0 : i32
    %dma_wait3A_29 = arith.constant 0 : i32
    %dma_wait3A_30 = tpu.memref_slice %arg7[%dma_wait3A, %dma_wait3A_29] : memref<40x128xi32, #tpu.memory_space<vmem>> -> memref<1x128xi32, #tpu.memory_space<vmem>>
    %dma_wait3A_31 = tpu.memref_squeeze %dma_wait3A_30 : memref<1x128xi32, #tpu.memory_space<vmem>> -> memref<128xi32, #tpu.memory_space<vmem>>
    %dma_wait3A_32 = arith.constant 0 : i32
    %dma_wait3A_33 = arith.constant 0 : i32
    %dma_wait3A_34 = tpu.memref_slice %arg6[%dma_wait3A_32, %dma_wait3A_33] : memref<10240x128xf32, #tpu.memory_space<vmem_shared>> -> memref<10240x128xf32, #tpu.memory_space<vmem_shared>>
    tpu.wait_indirect_dma semaphore(%arg12 : memref<!tpu.dma_semaphore, #tpu.memory_space<semaphore_mem>>) src(%arg8 : memref<128x128xf32, #tpu.memory_space<vmem>>) dst(%dma_wait3A_34 : memref<10240x128xf32, #tpu.memory_space<vmem_shared>>)
    %dma_wait3A_35 = arith.constant 0 : i32
    %dma_wait3A_36 = arith.constant 0 : i32
    %dma_wait3A_37 = tpu.memref_slice %arg7[%dma_wait3A_35, %dma_wait3A_36] : memref<40x128xi32, #tpu.memory_space<vmem>> -> memref<1x128xi32, #tpu.memory_space<vmem>>
    %dma_wait3A_38 = tpu.memref_squeeze %dma_wait3A_37 : memref<1x128xi32, #tpu.memory_space<vmem>> -> memref<128xi32, #tpu.memory_space<vmem>>
    %dma_wait3A_39 = arith.constant 0 : i32
    %dma_wait3A_40 = arith.constant 0 : i32
    %dma_wait3A_41 = tpu.memref_slice %arg6[%dma_wait3A_39, %dma_wait3A_40] : memref<10240x128xf32, #tpu.memory_space<vmem_shared>> -> memref<10240x128xf32, #tpu.memory_space<vmem_shared>>
    tpu.wait_indirect_dma semaphore(%arg13 : memref<!tpu.dma_semaphore, #tpu.memory_space<semaphore_mem>>) src(%arg9 : memref<128x128xf32, #tpu.memory_space<vmem>>) dst(%dma_wait3A_41 : memref<10240x128xf32, #tpu.memory_space<vmem_shared>>)
    %barrier3A_42 = arith.constant 0 : index
    tpu.barrier barrier_id(%barrier3A_42)
    "tpu.region"() ({
      %run_scoped3A = tpu.sem_alloc : memref<!tpu.dma_semaphore, #tpu.memory_space<semaphore_mem>>
      %dma_start3A_43 = arith.constant 0 : i32
      %dma_start3A_44 = tpu.memref_slice %arg5[%arg0, %multiple_of3A, %dma_start3A_43] : memref<2x10240x128xf32, #tpu.memory_space<hbm>> -> memref<1x640x128xf32, #tpu.memory_space<hbm>>
      %dma_start3A_45 = tpu.memref_squeeze %dma_start3A_44 : memref<1x640x128xf32, #tpu.memory_space<hbm>> -> memref<640x128xf32, #tpu.memory_space<hbm>>
      %dma_start3A_46 = arith.constant 0 : i32
      %dma_start3A_47 = tpu.memref_slice %arg6[%multiple_of3A, %dma_start3A_46] : memref<10240x128xf32, #tpu.memory_space<vmem_shared>> -> memref<640x128xf32, #tpu.memory_space<vmem_shared>>
      tpu.enqueue_dma source(%dma_start3A_47 : memref<640x128xf32, #tpu.memory_space<vmem_shared>>) target(%dma_start3A_45 : memref<640x128xf32, #tpu.memory_space<hbm>>) target_semaphore(%run_scoped3A : memref<!tpu.dma_semaphore, #tpu.memory_space<semaphore_mem>>)
      %dma_wait3A_48 = arith.constant 0 : i32
      %dma_wait3A_49 = tpu.memref_slice %arg5[%arg0, %multiple_of3A, %dma_wait3A_48] : memref<2x10240x128xf32, #tpu.memory_space<hbm>> -> memref<1x640x128xf32, #tpu.memory_space<hbm>>
      %dma_wait3A_50 = tpu.memref_squeeze %dma_wait3A_49 : memref<1x640x128xf32, #tpu.memory_space<hbm>> -> memref<640x128xf32, #tpu.memory_space<hbm>>
      %dma_wait3A_51 = arith.constant 0 : i32
      %dma_wait3A_52 = tpu.memref_slice %arg6[%multiple_of3A, %dma_wait3A_51] : memref<10240x128xf32, #tpu.memory_space<vmem_shared>> -> memref<640x128xf32, #tpu.memory_space<vmem_shared>>
      tpu.wait_dma2 semaphore(%run_scoped3A : memref<!tpu.dma_semaphore, #tpu.memory_space<semaphore_mem>>) src(%dma_wait3A_52 : memref<640x128xf32, #tpu.memory_space<vmem_shared>>) dst(%dma_wait3A_50 : memref<640x128xf32, #tpu.memory_space<hbm>>)
      tpu.yield
    }) : () -> ()
    return
  }
}

module attributes {stable_mosaic.version = 14 : i64} {
  func.func @_fusion_body(%arg0: i32, %arg1: memref<640x128xf32, #tpu.memory_space<vmem>>, %arg2: memref<640x128xf32, #tpu.memory_space<vmem>>, %arg3: memref<128x128xf32, #tpu.memory_space<vmem>>, %arg4: memref<128x128xf32, #tpu.memory_space<vmem>>, %arg5: memref<1x128xf32, #tpu.memory_space<vmem>>, %arg6: memref<640x128xf32, #tpu.memory_space<vmem>>) attributes {dimension_semantics = [#tpu.dimension_semantics<arbitrary>], iteration_bounds = array<i64: 16>, scalar_prefetch = 0 : i64, scratch_operands = 0 : i64, tpu.core_type = #tpu.core_type<tc>, window_params = [{transform_indices = @transform_0, window_bounds = array<i64: 640, 128>}, {transform_indices = @transform_1, window_bounds = array<i64: 640, 128>}, {pipeline_mode = #tpu.pipeline_mode<synchronous>, transform_indices = @transform_2, window_bounds = array<i64: 128, 128>}, {pipeline_mode = #tpu.pipeline_mode<synchronous>, transform_indices = @transform_3, window_bounds = array<i64: 128, 128>}, {pipeline_mode = #tpu.pipeline_mode<synchronous>, transform_indices = @transform_4, window_bounds = array<i64: 1, 128>}, {transform_indices = @transform_5, window_bounds = array<i64: 640, 128>}]} {
    %get3A = arith.constant 0 : index
    %get3A_0 = arith.constant 0 : index
    %get3A_1 = vector.load %arg1[%get3A, %get3A_0] : memref<640x128xf32, #tpu.memory_space<vmem>>, vector<640x128xf32>
    %get3A_2 = arith.constant 0 : index
    %get3A_3 = arith.constant 0 : index
    %get3A_4 = vector.load %arg3[%get3A_2, %get3A_3] : memref<128x128xf32, #tpu.memory_space<vmem>>, vector<128x128xf32>
    %dot_general3A = arith.constant dense<0.000000e+00> : vector<640x128xf32>
    %dot_general3A_5 = tpu.matmul %get3A_1, %get3A_4, %dot_general3A {dimension_numbers = #tpu.dot_dimension_numbers<[1], [0], [0], [1], [0, 0, 1, 1], [], []>, transpose_lhs_hint = false} : vector<640x128xf32>, vector<128x128xf32>, vector<640x128xf32> -> vector<640x128xf32>
    %get3A_6 = arith.constant 0 : index
    %get3A_7 = arith.constant 0 : index
    %get3A_8 = vector.load %arg2[%get3A_6, %get3A_7] : memref<640x128xf32, #tpu.memory_space<vmem>>, vector<640x128xf32>
    %get3A_9 = arith.constant 0 : index
    %get3A_10 = arith.constant 0 : index
    %get3A_11 = vector.load %arg4[%get3A_9, %get3A_10] : memref<128x128xf32, #tpu.memory_space<vmem>>, vector<128x128xf32>
    %dot_general3A_12 = arith.constant dense<0.000000e+00> : vector<640x128xf32>
    %dot_general3A_13 = tpu.matmul %get3A_8, %get3A_11, %dot_general3A_12 {dimension_numbers = #tpu.dot_dimension_numbers<[1], [0], [0], [1], [0, 0, 1, 1], [], []>, transpose_lhs_hint = false} : vector<640x128xf32>, vector<128x128xf32>, vector<640x128xf32> -> vector<640x128xf32>
    %add3A = arith.addf %dot_general3A_5, %dot_general3A_13 : vector<640x128xf32>
    %get3A_14 = arith.constant 0 : index
    %get3A_15 = arith.constant 0 : index
    %get3A_16 = vector.load %arg5[%get3A_14, %get3A_15] : memref<1x128xf32, #tpu.memory_space<vmem>>, vector<1x128xf32>
    %add3A_17 = vector.broadcast %get3A_16 : vector<1x128xf32> to vector<640x128xf32>
    %add3A_18 = arith.addf %add3A, %add3A_17 : vector<640x128xf32>
    %max3A = arith.constant 0.000000e+00 : f32
    %max3A_19 = vector.broadcast %max3A : f32 to vector<640x128xf32>
    %max3A_20 = arith.maximumf %add3A_18, %max3A_19 : vector<640x128xf32>
    %swap3A = arith.constant 0 : index
    %swap3A_21 = arith.constant 0 : index
    %swap3A_22 = vector.load %arg6[%swap3A, %swap3A_21] : memref<640x128xf32, #tpu.memory_space<vmem>>, vector<640x128xf32>
    tpu.vector_store %arg6[%swap3A, %swap3A_21], %max3A_20 {strides = array<i32>} : memref<640x128xf32, #tpu.memory_space<vmem>>, vector<640x128xf32>,
    return
  }
  func.func @transform_0(%arg0: i32) -> (i32, i32) {
    %c0_i32 = arith.constant 0 : i32
    %c0_i32_0 = arith.constant 0 : i32
    return %arg0, %c0_i32 : i32, i32
  }
  func.func @transform_1(%arg0: i32) -> (i32, i32) {
    %c0_i32 = arith.constant 0 : i32
    %c0_i32_0 = arith.constant 0 : i32
    return %arg0, %c0_i32 : i32, i32
  }
  func.func @transform_2(%arg0: i32) -> (i32, i32) {
    %c0_i32 = arith.constant 0 : i32
    %c0_i32_0 = arith.constant 0 : i32
    %c0_i32_1 = arith.constant 0 : i32
    return %c0_i32, %c0_i32_0 : i32, i32
  }
  func.func @transform_3(%arg0: i32) -> (i32, i32) {
    %c0_i32 = arith.constant 0 : i32
    %c0_i32_0 = arith.constant 0 : i32
    %c0_i32_1 = arith.constant 0 : i32
    return %c0_i32, %c0_i32_0 : i32, i32
  }
  func.func @transform_4(%arg0: i32) -> (i32, i32) {
    %c0_i32 = arith.constant 0 : i32
    %c0_i32_0 = arith.constant 0 : i32
    %c0_i32_1 = arith.constant 0 : i32
    return %c0_i32, %c0_i32_0 : i32, i32
  }
  func.func @transform_5(%arg0: i32) -> (i32, i32) {
    %c0_i32 = arith.constant 0 : i32
    %c0_i32_0 = arith.constant 0 : i32
    return %arg0, %c0_i32 : i32, i32
  }
}

module attributes {stable_mosaic.version = 14 : i64} {
  func.func @body(%arg0: i32, %arg1: memref<1024x128xf32, #tpu.memory_space<vmem>>, %arg2: memref<1x1x1024xi32, #tpu.memory_space<vmem>>, %arg3: memref<208x32xf32, #tpu.memory_space<vmem>>, %arg4: memref<10x128x128xbf16, #tpu.memory_space<vmem>>, %arg5: memref<1024x128xf32, #tpu.memory_space<vmem>>) attributes {dimension_semantics = [#tpu.dimension_semantics<arbitrary>], iteration_bounds = array<i64: 160>, scalar_prefetch = 0 : i64, scratch_operands = 0 : i64, tpu.core_type = #tpu.core_type<tc>, window_params = [{transform_indices = @transform_0, window_bounds = array<i64: 1024, 128>}, {transform_indices = @transform_1, window_bounds = array<i64: 1, 1, 1024>}, {pipeline_mode = #tpu.pipeline_mode<synchronous>, transform_indices = @transform_2, window_bounds = array<i64: 208, 32>}, {pipeline_mode = #tpu.pipeline_mode<synchronous>, transform_indices = @transform_3, window_bounds = array<i64: 10, 128, 128>}, {transform_indices = @transform_4, window_bounds = array<i64: 1024, 128>}]} {
    %get3A = arith.constant 0 : index
    %get3A_0 = arith.constant 0 : index
    %get3A_1 = vector.load %arg1[%get3A, %get3A_0] : memref<1024x128xf32, #tpu.memory_space<vmem>>, vector<1024x128xf32>
    %get3A_2 = arith.constant 0 : index
    %get3A_3 = arith.constant 0 : index
    %get3A_4 = arith.constant 0 : index
    %get3A_5 = vector.load %arg2[%get3A_2, %get3A_3, %get3A_4] : memref<1x1x1024xi32, #tpu.memory_space<vmem>>, vector<1x1x1024xi32>
    %get3A_6 = vector.shape_cast %get3A_5 : vector<1x1x1024xi32> to vector<1024xi32>
    %broadcast_in_dim3A = vector.shape_cast %get3A_6 : vector<1024xi32> to vector<1024x1xi32>
    %iota3A = tpu.iota {dimensions = array<i32: 1>} : vector<1024x208xi32>
    %eq3A = vector.broadcast %broadcast_in_dim3A : vector<1024x1xi32> to vector<1024x208xi32>
    %eq3A_7 = arith.cmpi eq, %eq3A, %iota3A : vector<1024x208xi32>
    %convert_element_type3A = arith.extui %eq3A_7 : vector<1024x208xi1> to vector<1024x208xi32>
    %convert_element_type3A_8 = arith.sitofp %convert_element_type3A : vector<1024x208xi32> to vector<1024x208xf32>
    %get3A_9 = arith.constant 0 : index
    %get3A_10 = arith.constant 0 : index
    %get3A_11 = vector.load %arg3[%get3A_9, %get3A_10] : memref<208x32xf32, #tpu.memory_space<vmem>>, vector<208x32xf32>
    %dot_general3A = arith.constant dense<0.000000e+00> : vector<1024x32xf32>
    %dot_general3A_12 = tpu.matmul %convert_element_type3A_8, %get3A_11, %dot_general3A {dimension_numbers = #tpu.dot_dimension_numbers<[1], [0], [0], [1], [0, 0, 1, 1], [], []>, transpose_lhs_hint = false} : vector<1024x208xf32>, vector<208x32xf32>, vector<1024x32xf32> -> vector<1024x32xf32>
    %convert_element_type3A_13 = arith.truncf %get3A_1 : vector<1024x128xf32> to vector<1024x128xbf16>
    %broadcast_in_dim3A_14 = arith.constant 1.000000e+00 : f32
    %broadcast_in_dim3A_15 = vector.broadcast %broadcast_in_dim3A_14 : f32 to vector<1x128xf32>
    %broadcast_in_dim3A_16 = arith.constant 0.000000e+00 : f32
    %broadcast_in_dim3A_17 = vector.broadcast %broadcast_in_dim3A_16 : f32 to vector<1024x128xf32>
    %get3A_18 = arith.constant 0 : index
    %get3A_19 = arith.constant 0 : index
    %get3A_20 = arith.constant 0 : index
    %get3A_21 = vector.load %arg4[%get3A_18, %get3A_19, %get3A_20] : memref<10x128x128xbf16, #tpu.memory_space<vmem>>, vector<1x128x128xbf16>
    %get3A_22 = vector.shape_cast %get3A_21 : vector<1x128x128xbf16> to vector<128x128xbf16>
    %dot_general3A_23 = arith.constant dense<0.000000e+00> : vector<1024x128xf32>
    %dot_general3A_24 = tpu.matmul %convert_element_type3A_13, %get3A_22, %dot_general3A_23 {dimension_numbers = #tpu.dot_dimension_numbers<[1], [0], [0], [1], [0, 0, 1, 1], [], []>, transpose_lhs_hint = false} : vector<1024x128xbf16>, vector<128x128xbf16>, vector<1024x128xf32> -> vector<1024x128xf32>
    %slice3A = vector.extract_strided_slice %dot_general3A_12 {offsets = [0, 0], sizes = [1024, 1], strides = [1, 1]} : vector<1024x32xf32> to vector<1024x1xf32>
    %dot_general3A_25 = arith.constant dense<0.000000e+00> : vector<1024x128xf32>
    %dot_general3A_26 = tpu.matmul %slice3A, %broadcast_in_dim3A_15, %dot_general3A_25 {dimension_numbers = #tpu.dot_dimension_numbers<[1], [0], [0], [1], [0, 0, 1, 1], [], []>, transpose_lhs_hint = false} : vector<1024x1xf32>, vector<1x128xf32>, vector<1024x128xf32> -> vector<1024x128xf32>
    %mul3A = arith.mulf %dot_general3A_26, %dot_general3A_24 : vector<1024x128xf32>
    %add3A = arith.addf %broadcast_in_dim3A_17, %mul3A : vector<1024x128xf32>
    %get3A_27 = arith.constant 1 : index
    %get3A_28 = arith.constant 0 : index
    %get3A_29 = arith.constant 0 : index
    %get3A_30 = vector.load %arg4[%get3A_27, %get3A_28, %get3A_29] : memref<10x128x128xbf16, #tpu.memory_space<vmem>>, vector<1x128x128xbf16>
    %get3A_31 = vector.shape_cast %get3A_30 : vector<1x128x128xbf16> to vector<128x128xbf16>
    %dot_general3A_32 = arith.constant dense<0.000000e+00> : vector<1024x128xf32>
    %dot_general3A_33 = tpu.matmul %convert_element_type3A_13, %get3A_31, %dot_general3A_32 {dimension_numbers = #tpu.dot_dimension_numbers<[1], [0], [0], [1], [0, 0, 1, 1], [], []>, transpose_lhs_hint = false} : vector<1024x128xbf16>, vector<128x128xbf16>, vector<1024x128xf32> -> vector<1024x128xf32>
    %slice3A_34 = vector.extract_strided_slice %dot_general3A_12 {offsets = [0, 1], sizes = [1024, 1], strides = [1, 1]} : vector<1024x32xf32> to vector<1024x1xf32>
    %dot_general3A_35 = arith.constant dense<0.000000e+00> : vector<1024x128xf32>
    %dot_general3A_36 = tpu.matmul %slice3A_34, %broadcast_in_dim3A_15, %dot_general3A_35 {dimension_numbers = #tpu.dot_dimension_numbers<[1], [0], [0], [1], [0, 0, 1, 1], [], []>, transpose_lhs_hint = false} : vector<1024x1xf32>, vector<1x128xf32>, vector<1024x128xf32> -> vector<1024x128xf32>
    %mul3A_37 = arith.mulf %dot_general3A_36, %dot_general3A_33 : vector<1024x128xf32>
    %add3A_38 = arith.addf %add3A, %mul3A_37 : vector<1024x128xf32>
    %get3A_39 = arith.constant 2 : index
    %get3A_40 = arith.constant 0 : index
    %get3A_41 = arith.constant 0 : index
    %get3A_42 = vector.load %arg4[%get3A_39, %get3A_40, %get3A_41] : memref<10x128x128xbf16, #tpu.memory_space<vmem>>, vector<1x128x128xbf16>
    %get3A_43 = vector.shape_cast %get3A_42 : vector<1x128x128xbf16> to vector<128x128xbf16>
    %dot_general3A_44 = arith.constant dense<0.000000e+00> : vector<1024x128xf32>
    %dot_general3A_45 = tpu.matmul %convert_element_type3A_13, %get3A_43, %dot_general3A_44 {dimension_numbers = #tpu.dot_dimension_numbers<[1], [0], [0], [1], [0, 0, 1, 1], [], []>, transpose_lhs_hint = false} : vector<1024x128xbf16>, vector<128x128xbf16>, vector<1024x128xf32> -> vector<1024x128xf32>
    %slice3A_46 = vector.extract_strided_slice %dot_general3A_12 {offsets = [0, 2], sizes = [1024, 1], strides = [1, 1]} : vector<1024x32xf32> to vector<1024x1xf32>
    %dot_general3A_47 = arith.constant dense<0.000000e+00> : vector<1024x128xf32>
    %dot_general3A_48 = tpu.matmul %slice3A_46, %broadcast_in_dim3A_15, %dot_general3A_47 {dimension_numbers = #tpu.dot_dimension_numbers<[1], [0], [0], [1], [0, 0, 1, 1], [], []>, transpose_lhs_hint = false} : vector<1024x1xf32>, vector<1x128xf32>, vector<1024x128xf32> -> vector<1024x128xf32>
    %mul3A_49 = arith.mulf %dot_general3A_48, %dot_general3A_45 : vector<1024x128xf32>
    %add3A_50 = arith.addf %add3A_38, %mul3A_49 : vector<1024x128xf32>
    %get3A_51 = arith.constant 3 : index
    %get3A_52 = arith.constant 0 : index
    %get3A_53 = arith.constant 0 : index
    %get3A_54 = vector.load %arg4[%get3A_51, %get3A_52, %get3A_53] : memref<10x128x128xbf16, #tpu.memory_space<vmem>>, vector<1x128x128xbf16>
    %get3A_55 = vector.shape_cast %get3A_54 : vector<1x128x128xbf16> to vector<128x128xbf16>
    %dot_general3A_56 = arith.constant dense<0.000000e+00> : vector<1024x128xf32>
    %dot_general3A_57 = tpu.matmul %convert_element_type3A_13, %get3A_55, %dot_general3A_56 {dimension_numbers = #tpu.dot_dimension_numbers<[1], [0], [0], [1], [0, 0, 1, 1], [], []>, transpose_lhs_hint = false} : vector<1024x128xbf16>, vector<128x128xbf16>, vector<1024x128xf32> -> vector<1024x128xf32>
    %slice3A_58 = vector.extract_strided_slice %dot_general3A_12 {offsets = [0, 3], sizes = [1024, 1], strides = [1, 1]} : vector<1024x32xf32> to vector<1024x1xf32>
    %dot_general3A_59 = arith.constant dense<0.000000e+00> : vector<1024x128xf32>
    %dot_general3A_60 = tpu.matmul %slice3A_58, %broadcast_in_dim3A_15, %dot_general3A_59 {dimension_numbers = #tpu.dot_dimension_numbers<[1], [0], [0], [1], [0, 0, 1, 1], [], []>, transpose_lhs_hint = false} : vector<1024x1xf32>, vector<1x128xf32>, vector<1024x128xf32> -> vector<1024x128xf32>
    %mul3A_61 = arith.mulf %dot_general3A_60, %dot_general3A_57 : vector<1024x128xf32>
    %add3A_62 = arith.addf %add3A_50, %mul3A_61 : vector<1024x128xf32>
    %get3A_63 = arith.constant 4 : index
    %get3A_64 = arith.constant 0 : index
    %get3A_65 = arith.constant 0 : index
    %get3A_66 = vector.load %arg4[%get3A_63, %get3A_64, %get3A_65] : memref<10x128x128xbf16, #tpu.memory_space<vmem>>, vector<1x128x128xbf16>
    %get3A_67 = vector.shape_cast %get3A_66 : vector<1x128x128xbf16> to vector<128x128xbf16>
    %dot_general3A_68 = arith.constant dense<0.000000e+00> : vector<1024x128xf32>
    %dot_general3A_69 = tpu.matmul %convert_element_type3A_13, %get3A_67, %dot_general3A_68 {dimension_numbers = #tpu.dot_dimension_numbers<[1], [0], [0], [1], [0, 0, 1, 1], [], []>, transpose_lhs_hint = false} : vector<1024x128xbf16>, vector<128x128xbf16>, vector<1024x128xf32> -> vector<1024x128xf32>
    %slice3A_70 = vector.extract_strided_slice %dot_general3A_12 {offsets = [0, 4], sizes = [1024, 1], strides = [1, 1]} : vector<1024x32xf32> to vector<1024x1xf32>
    %dot_general3A_71 = arith.constant dense<0.000000e+00> : vector<1024x128xf32>
    %dot_general3A_72 = tpu.matmul %slice3A_70, %broadcast_in_dim3A_15, %dot_general3A_71 {dimension_numbers = #tpu.dot_dimension_numbers<[1], [0], [0], [1], [0, 0, 1, 1], [], []>, transpose_lhs_hint = false} : vector<1024x1xf32>, vector<1x128xf32>, vector<1024x128xf32> -> vector<1024x128xf32>
    %mul3A_73 = arith.mulf %dot_general3A_72, %dot_general3A_69 : vector<1024x128xf32>
    %add3A_74 = arith.addf %add3A_62, %mul3A_73 : vector<1024x128xf32>
    %get3A_75 = arith.constant 5 : index
    %get3A_76 = arith.constant 0 : index
    %get3A_77 = arith.constant 0 : index
    %get3A_78 = vector.load %arg4[%get3A_75, %get3A_76, %get3A_77] : memref<10x128x128xbf16, #tpu.memory_space<vmem>>, vector<1x128x128xbf16>
    %get3A_79 = vector.shape_cast %get3A_78 : vector<1x128x128xbf16> to vector<128x128xbf16>
    %dot_general3A_80 = arith.constant dense<0.000000e+00> : vector<1024x128xf32>
    %dot_general3A_81 = tpu.matmul %convert_element_type3A_13, %get3A_79, %dot_general3A_80 {dimension_numbers = #tpu.dot_dimension_numbers<[1], [0], [0], [1], [0, 0, 1, 1], [], []>, transpose_lhs_hint = false} : vector<1024x128xbf16>, vector<128x128xbf16>, vector<1024x128xf32> -> vector<1024x128xf32>
    %slice3A_82 = vector.extract_strided_slice %dot_general3A_12 {offsets = [0, 5], sizes = [1024, 1], strides = [1, 1]} : vector<1024x32xf32> to vector<1024x1xf32>
    %dot_general3A_83 = arith.constant dense<0.000000e+00> : vector<1024x128xf32>
    %dot_general3A_84 = tpu.matmul %slice3A_82, %broadcast_in_dim3A_15, %dot_general3A_83 {dimension_numbers = #tpu.dot_dimension_numbers<[1], [0], [0], [1], [0, 0, 1, 1], [], []>, transpose_lhs_hint = false} : vector<1024x1xf32>, vector<1x128xf32>, vector<1024x128xf32> -> vector<1024x128xf32>
    %mul3A_85 = arith.mulf %dot_general3A_84, %dot_general3A_81 : vector<1024x128xf32>
    %add3A_86 = arith.addf %add3A_74, %mul3A_85 : vector<1024x128xf32>
    %get3A_87 = arith.constant 6 : index
    %get3A_88 = arith.constant 0 : index
    %get3A_89 = arith.constant 0 : index
    %get3A_90 = vector.load %arg4[%get3A_87, %get3A_88, %get3A_89] : memref<10x128x128xbf16, #tpu.memory_space<vmem>>, vector<1x128x128xbf16>
    %get3A_91 = vector.shape_cast %get3A_90 : vector<1x128x128xbf16> to vector<128x128xbf16>
    %dot_general3A_92 = arith.constant dense<0.000000e+00> : vector<1024x128xf32>
    %dot_general3A_93 = tpu.matmul %convert_element_type3A_13, %get3A_91, %dot_general3A_92 {dimension_numbers = #tpu.dot_dimension_numbers<[1], [0], [0], [1], [0, 0, 1, 1], [], []>, transpose_lhs_hint = false} : vector<1024x128xbf16>, vector<128x128xbf16>, vector<1024x128xf32> -> vector<1024x128xf32>
    %slice3A_94 = vector.extract_strided_slice %dot_general3A_12 {offsets = [0, 6], sizes = [1024, 1], strides = [1, 1]} : vector<1024x32xf32> to vector<1024x1xf32>
    %dot_general3A_95 = arith.constant dense<0.000000e+00> : vector<1024x128xf32>
    %dot_general3A_96 = tpu.matmul %slice3A_94, %broadcast_in_dim3A_15, %dot_general3A_95 {dimension_numbers = #tpu.dot_dimension_numbers<[1], [0], [0], [1], [0, 0, 1, 1], [], []>, transpose_lhs_hint = false} : vector<1024x1xf32>, vector<1x128xf32>, vector<1024x128xf32> -> vector<1024x128xf32>
    %mul3A_97 = arith.mulf %dot_general3A_96, %dot_general3A_93 : vector<1024x128xf32>
    %add3A_98 = arith.addf %add3A_86, %mul3A_97 : vector<1024x128xf32>
    %get3A_99 = arith.constant 7 : index
    %get3A_100 = arith.constant 0 : index
    %get3A_101 = arith.constant 0 : index
    %get3A_102 = vector.load %arg4[%get3A_99, %get3A_100, %get3A_101] : memref<10x128x128xbf16, #tpu.memory_space<vmem>>, vector<1x128x128xbf16>
    %get3A_103 = vector.shape_cast %get3A_102 : vector<1x128x128xbf16> to vector<128x128xbf16>
    %dot_general3A_104 = arith.constant dense<0.000000e+00> : vector<1024x128xf32>
    %dot_general3A_105 = tpu.matmul %convert_element_type3A_13, %get3A_103, %dot_general3A_104 {dimension_numbers = #tpu.dot_dimension_numbers<[1], [0], [0], [1], [0, 0, 1, 1], [], []>, transpose_lhs_hint = false} : vector<1024x128xbf16>, vector<128x128xbf16>, vector<1024x128xf32> -> vector<1024x128xf32>
    %slice3A_106 = vector.extract_strided_slice %dot_general3A_12 {offsets = [0, 7], sizes = [1024, 1], strides = [1, 1]} : vector<1024x32xf32> to vector<1024x1xf32>
    %dot_general3A_107 = arith.constant dense<0.000000e+00> : vector<1024x128xf32>
    %dot_general3A_108 = tpu.matmul %slice3A_106, %broadcast_in_dim3A_15, %dot_general3A_107 {dimension_numbers = #tpu.dot_dimension_numbers<[1], [0], [0], [1], [0, 0, 1, 1], [], []>, transpose_lhs_hint = false} : vector<1024x1xf32>, vector<1x128xf32>, vector<1024x128xf32> -> vector<1024x128xf32>
    %mul3A_109 = arith.mulf %dot_general3A_108, %dot_general3A_105 : vector<1024x128xf32>
    %add3A_110 = arith.addf %add3A_98, %mul3A_109 : vector<1024x128xf32>
    %get3A_111 = arith.constant 8 : index
    %get3A_112 = arith.constant 0 : index
    %get3A_113 = arith.constant 0 : index
    %get3A_114 = vector.load %arg4[%get3A_111, %get3A_112, %get3A_113] : memref<10x128x128xbf16, #tpu.memory_space<vmem>>, vector<1x128x128xbf16>
    %get3A_115 = vector.shape_cast %get3A_114 : vector<1x128x128xbf16> to vector<128x128xbf16>
    %dot_general3A_116 = arith.constant dense<0.000000e+00> : vector<1024x128xf32>
    %dot_general3A_117 = tpu.matmul %convert_element_type3A_13, %get3A_115, %dot_general3A_116 {dimension_numbers = #tpu.dot_dimension_numbers<[1], [0], [0], [1], [0, 0, 1, 1], [], []>, transpose_lhs_hint = false} : vector<1024x128xbf16>, vector<128x128xbf16>, vector<1024x128xf32> -> vector<1024x128xf32>
    %slice3A_118 = vector.extract_strided_slice %dot_general3A_12 {offsets = [0, 8], sizes = [1024, 1], strides = [1, 1]} : vector<1024x32xf32> to vector<1024x1xf32>
    %dot_general3A_119 = arith.constant dense<0.000000e+00> : vector<1024x128xf32>
    %dot_general3A_120 = tpu.matmul %slice3A_118, %broadcast_in_dim3A_15, %dot_general3A_119 {dimension_numbers = #tpu.dot_dimension_numbers<[1], [0], [0], [1], [0, 0, 1, 1], [], []>, transpose_lhs_hint = false} : vector<1024x1xf32>, vector<1x128xf32>, vector<1024x128xf32> -> vector<1024x128xf32>
    %mul3A_121 = arith.mulf %dot_general3A_120, %dot_general3A_117 : vector<1024x128xf32>
    %add3A_122 = arith.addf %add3A_110, %mul3A_121 : vector<1024x128xf32>
    %get3A_123 = arith.constant 9 : index
    %get3A_124 = arith.constant 0 : index
    %get3A_125 = arith.constant 0 : index
    %get3A_126 = vector.load %arg4[%get3A_123, %get3A_124, %get3A_125] : memref<10x128x128xbf16, #tpu.memory_space<vmem>>, vector<1x128x128xbf16>
    %get3A_127 = vector.shape_cast %get3A_126 : vector<1x128x128xbf16> to vector<128x128xbf16>
    %dot_general3A_128 = arith.constant dense<0.000000e+00> : vector<1024x128xf32>
    %dot_general3A_129 = tpu.matmul %convert_element_type3A_13, %get3A_127, %dot_general3A_128 {dimension_numbers = #tpu.dot_dimension_numbers<[1], [0], [0], [1], [0, 0, 1, 1], [], []>, transpose_lhs_hint = false} : vector<1024x128xbf16>, vector<128x128xbf16>, vector<1024x128xf32> -> vector<1024x128xf32>
    %slice3A_130 = vector.extract_strided_slice %dot_general3A_12 {offsets = [0, 9], sizes = [1024, 1], strides = [1, 1]} : vector<1024x32xf32> to vector<1024x1xf32>
    %dot_general3A_131 = arith.constant dense<0.000000e+00> : vector<1024x128xf32>
    %dot_general3A_132 = tpu.matmul %slice3A_130, %broadcast_in_dim3A_15, %dot_general3A_131 {dimension_numbers = #tpu.dot_dimension_numbers<[1], [0], [0], [1], [0, 0, 1, 1], [], []>, transpose_lhs_hint = false} : vector<1024x1xf32>, vector<1x128xf32>, vector<1024x128xf32> -> vector<1024x128xf32>
    %mul3A_133 = arith.mulf %dot_general3A_132, %dot_general3A_129 : vector<1024x128xf32>
    %add3A_134 = arith.addf %add3A_122, %mul3A_133 : vector<1024x128xf32>
    %swap3A = arith.constant 0 : index
    %swap3A_135 = arith.constant 0 : index
    %swap3A_136 = vector.load %arg5[%swap3A, %swap3A_135] : memref<1024x128xf32, #tpu.memory_space<vmem>>, vector<1024x128xf32>
    tpu.vector_store %arg5[%swap3A, %swap3A_135], %add3A_134 {strides = array<i32>} : memref<1024x128xf32, #tpu.memory_space<vmem>>, vector<1024x128xf32>,
    return
  }
  func.func @transform_0(%arg0: i32) -> (i32, i32) {
    %c0_i32 = arith.constant 0 : i32
    %c0_i32_0 = arith.constant 0 : i32
    return %arg0, %c0_i32 : i32, i32
  }
  func.func @transform_1(%arg0: i32) -> (i32, i32, i32) {
    %c0_i32 = arith.constant 0 : i32
    %c0_i32_0 = arith.constant 0 : i32
    %c0_i32_1 = arith.constant 0 : i32
    return %arg0, %c0_i32, %c0_i32_0 : i32, i32, i32
  }
  func.func @transform_2(%arg0: i32) -> (i32, i32) {
    %c0_i32 = arith.constant 0 : i32
    %c0_i32_0 = arith.constant 0 : i32
    %c0_i32_1 = arith.constant 0 : i32
    return %c0_i32, %c0_i32_0 : i32, i32
  }
  func.func @transform_3(%arg0: i32) -> (i32, i32, i32) {
    %c0_i32 = arith.constant 0 : i32
    %c0_i32_0 = arith.constant 0 : i32
    %c0_i32_1 = arith.constant 0 : i32
    %c0_i32_2 = arith.constant 0 : i32
    return %c0_i32, %c0_i32_0, %c0_i32_1 : i32, i32, i32
  }
  func.func @transform_4(%arg0: i32) -> (i32, i32) {
    %c0_i32 = arith.constant 0 : i32
    %c0_i32_0 = arith.constant 0 : i32
    return %arg0, %c0_i32 : i32, i32
  }
}

module attributes {stable_mosaic.version = 14 : i64} {
  func.func @_upd_body(%arg0: i32, %arg1: memref<2x640x128xf32, #tpu.memory_space<vmem>>, %arg2: memref<32x640xf32, #tpu.memory_space<vmem>>, %arg3: memref<640x128xf32, #tpu.memory_space<vmem>>, %arg4: memref<128x128xf32, #tpu.memory_space<vmem>>, %arg5: memref<1x128xf32, #tpu.memory_space<vmem>>, %arg6: memref<640x128xf32, #tpu.memory_space<vmem>>) attributes {dimension_semantics = [#tpu.dimension_semantics<arbitrary>], iteration_bounds = array<i64: 16>, scalar_prefetch = 0 : i64, scratch_operands = 0 : i64, tpu.core_type = #tpu.core_type<tc>, window_params = [{transform_indices = @transform_0, window_bounds = array<i64: 2, 640, 128>}, {transform_indices = @transform_1, window_bounds = array<i64: 32, 640>}, {transform_indices = @transform_2, window_bounds = array<i64: 640, 128>}, {pipeline_mode = #tpu.pipeline_mode<synchronous>, transform_indices = @transform_3, window_bounds = array<i64: 128, 128>}, {pipeline_mode = #tpu.pipeline_mode<synchronous>, transform_indices = @transform_4, window_bounds = array<i64: 1, 128>}, {transform_indices = @transform_5, window_bounds = array<i64: 640, 128>}]} {
    %get3A = arith.constant 0 : index
    %get3A_0 = arith.constant 0 : index
    %get3A_1 = vector.load %arg2[%get3A, %get3A_0] : memref<32x640xf32, #tpu.memory_space<vmem>>, vector<32x640xf32>
    %reduce_sum3A = arith.constant dense<0.000000e+00> : vector<640xf32>
    %reduce_sum3A_2 = vector.multi_reduction <add>, %get3A_1, %reduce_sum3A [0] : vector<32x640xf32> to vector<640xf32>
    %broadcast_in_dim3A = vector.shape_cast %reduce_sum3A_2 : vector<640xf32> to vector<640x1xf32>
    %max3A = arith.constant 1.000000e+00 : f32
    %max3A_3 = vector.broadcast %max3A : f32 to vector<640x1xf32>
    %max3A_4 = arith.maximumf %broadcast_in_dim3A, %max3A_3 : vector<640x1xf32>
    %div3A = arith.constant 1.000000e+00 : f32
    %div3A_5 = vector.broadcast %div3A : f32 to vector<640x1xf32>
    %div3A_6 = arith.divf %div3A_5, %max3A_4 : vector<640x1xf32>
    %get3A_7 = arith.constant 0 : index
    %get3A_8 = arith.constant 0 : index
    %get3A_9 = arith.constant 0 : index
    %get3A_10 = vector.load %arg1[%get3A_7, %get3A_8, %get3A_9] : memref<2x640x128xf32, #tpu.memory_space<vmem>>, vector<1x640x128xf32>
    %get3A_11 = vector.shape_cast %get3A_10 : vector<1x640x128xf32> to vector<640x128xf32>
    %get3A_12 = arith.constant 1 : index
    %get3A_13 = arith.constant 0 : index
    %get3A_14 = arith.constant 0 : index
    %get3A_15 = vector.load %arg1[%get3A_12, %get3A_13, %get3A_14] : memref<2x640x128xf32, #tpu.memory_space<vmem>>, vector<1x640x128xf32>
    %get3A_16 = vector.shape_cast %get3A_15 : vector<1x640x128xf32> to vector<640x128xf32>
    %add3A = arith.addf %get3A_11, %get3A_16 : vector<640x128xf32>
    %mul3A = vector.broadcast %div3A_6 : vector<640x1xf32> to vector<640x128xf32>
    %mul3A_17 = arith.mulf %mul3A, %add3A : vector<640x128xf32>
    %get3A_18 = arith.constant 0 : index
    %get3A_19 = arith.constant 0 : index
    %get3A_20 = vector.load %arg3[%get3A_18, %get3A_19] : memref<640x128xf32, #tpu.memory_space<vmem>>, vector<640x128xf32>
    %get3A_21 = arith.constant 0 : index
    %get3A_22 = arith.constant 0 : index
    %get3A_23 = vector.load %arg4[%get3A_21, %get3A_22] : memref<128x128xf32, #tpu.memory_space<vmem>>, vector<128x128xf32>
    %dot_general3A = arith.constant dense<0.000000e+00> : vector<640x128xf32>
    %dot_general3A_24 = tpu.matmul %get3A_20, %get3A_23, %dot_general3A {dimension_numbers = #tpu.dot_dimension_numbers<[1], [0], [0], [1], [0, 0, 1, 1], [], []>, transpose_lhs_hint = false} : vector<640x128xf32>, vector<128x128xf32>, vector<640x128xf32> -> vector<640x128xf32>
    %add3A_25 = arith.addf %mul3A_17, %dot_general3A_24 : vector<640x128xf32>
    %get3A_26 = arith.constant 0 : index
    %get3A_27 = arith.constant 0 : index
    %get3A_28 = vector.load %arg5[%get3A_26, %get3A_27] : memref<1x128xf32, #tpu.memory_space<vmem>>, vector<1x128xf32>
    %add3A_29 = vector.broadcast %get3A_28 : vector<1x128xf32> to vector<640x128xf32>
    %add3A_30 = arith.addf %add3A_25, %add3A_29 : vector<640x128xf32>
    %max3A_31 = arith.constant 0.000000e+00 : f32
    %max3A_32 = vector.broadcast %max3A_31 : f32 to vector<640x128xf32>
    %max3A_33 = arith.maximumf %add3A_30, %max3A_32 : vector<640x128xf32>
    %swap3A = arith.constant 0 : index
    %swap3A_34 = arith.constant 0 : index
    %swap3A_35 = vector.load %arg6[%swap3A, %swap3A_34] : memref<640x128xf32, #tpu.memory_space<vmem>>, vector<640x128xf32>
    tpu.vector_store %arg6[%swap3A, %swap3A_34], %max3A_33 {strides = array<i32>} : memref<640x128xf32, #tpu.memory_space<vmem>>, vector<640x128xf32>,
    return
  }
  func.func @transform_0(%arg0: i32) -> (i32, i32, i32) {
    %c0_i32 = arith.constant 0 : i32
    %c0_i32_0 = arith.constant 0 : i32
    %c0_i32_1 = arith.constant 0 : i32
    return %c0_i32, %arg0, %c0_i32_0 : i32, i32, i32
  }
  func.func @transform_1(%arg0: i32) -> (i32, i32) {
    %c0_i32 = arith.constant 0 : i32
    %c0_i32_0 = arith.constant 0 : i32
    return %c0_i32, %arg0 : i32, i32
  }
  func.func @transform_2(%arg0: i32) -> (i32, i32) {
    %c0_i32 = arith.constant 0 : i32
    %c0_i32_0 = arith.constant 0 : i32
    return %arg0, %c0_i32 : i32, i32
  }
  func.func @transform_3(%arg0: i32) -> (i32, i32) {
    %c0_i32 = arith.constant 0 : i32
    %c0_i32_0 = arith.constant 0 : i32
    %c0_i32_1 = arith.constant 0 : i32
    return %c0_i32, %c0_i32_0 : i32, i32
  }
  func.func @transform_4(%arg0: i32) -> (i32, i32) {
    %c0_i32 = arith.constant 0 : i32
    %c0_i32_0 = arith.constant 0 : i32
    %c0_i32_1 = arith.constant 0 : i32
    return %c0_i32, %c0_i32_0 : i32, i32
  }
  func.func @transform_5(%arg0: i32) -> (i32, i32) {
    %c0_i32 = arith.constant 0 : i32
    %c0_i32_0 = arith.constant 0 : i32
    return %arg0, %c0_i32 : i32, i32
  }
}

module attributes {stable_mosaic.version = 14 : i64} {
  func.func @body(%arg0: i32, %arg1: memref<1024x128xf32, #tpu.memory_space<vmem>>, %arg2: memref<1x1x1024xi32, #tpu.memory_space<vmem>>, %arg3: memref<208x32xf32, #tpu.memory_space<vmem>>, %arg4: memref<10x128x128xbf16, #tpu.memory_space<vmem>>, %arg5: memref<1024x128xf32, #tpu.memory_space<vmem>>) attributes {dimension_semantics = [#tpu.dimension_semantics<arbitrary>], iteration_bounds = array<i64: 160>, scalar_prefetch = 0 : i64, scratch_operands = 0 : i64, tpu.core_type = #tpu.core_type<tc>, window_params = [{transform_indices = @transform_0, window_bounds = array<i64: 1024, 128>}, {transform_indices = @transform_1, window_bounds = array<i64: 1, 1, 1024>}, {pipeline_mode = #tpu.pipeline_mode<synchronous>, transform_indices = @transform_2, window_bounds = array<i64: 208, 32>}, {pipeline_mode = #tpu.pipeline_mode<synchronous>, transform_indices = @transform_3, window_bounds = array<i64: 10, 128, 128>}, {transform_indices = @transform_4, window_bounds = array<i64: 1024, 128>}]} {
    %get3A = arith.constant 0 : index
    %get3A_0 = arith.constant 0 : index
    %get3A_1 = vector.load %arg1[%get3A, %get3A_0] : memref<1024x128xf32, #tpu.memory_space<vmem>>, vector<1024x128xf32>
    %get3A_2 = arith.constant 0 : index
    %get3A_3 = arith.constant 0 : index
    %get3A_4 = arith.constant 0 : index
    %get3A_5 = vector.load %arg2[%get3A_2, %get3A_3, %get3A_4] : memref<1x1x1024xi32, #tpu.memory_space<vmem>>, vector<1x1x1024xi32>
    %get3A_6 = vector.shape_cast %get3A_5 : vector<1x1x1024xi32> to vector<1024xi32>
    %broadcast_in_dim3A = vector.shape_cast %get3A_6 : vector<1024xi32> to vector<1024x1xi32>
    %iota3A = tpu.iota {dimensions = array<i32: 1>} : vector<1024x208xi32>
    %eq3A = vector.broadcast %broadcast_in_dim3A : vector<1024x1xi32> to vector<1024x208xi32>
    %eq3A_7 = arith.cmpi eq, %eq3A, %iota3A : vector<1024x208xi32>
    %convert_element_type3A = arith.extui %eq3A_7 : vector<1024x208xi1> to vector<1024x208xi32>
    %convert_element_type3A_8 = arith.sitofp %convert_element_type3A : vector<1024x208xi32> to vector<1024x208xf32>
    %get3A_9 = arith.constant 0 : index
    %get3A_10 = arith.constant 0 : index
    %get3A_11 = vector.load %arg3[%get3A_9, %get3A_10] : memref<208x32xf32, #tpu.memory_space<vmem>>, vector<208x32xf32>
    %dot_general3A = arith.constant dense<0.000000e+00> : vector<1024x32xf32>
    %dot_general3A_12 = tpu.matmul %convert_element_type3A_8, %get3A_11, %dot_general3A {dimension_numbers = #tpu.dot_dimension_numbers<[1], [0], [0], [1], [0, 0, 1, 1], [], []>, transpose_lhs_hint = false} : vector<1024x208xf32>, vector<208x32xf32>, vector<1024x32xf32> -> vector<1024x32xf32>
    %convert_element_type3A_13 = arith.truncf %get3A_1 : vector<1024x128xf32> to vector<1024x128xbf16>
    %broadcast_in_dim3A_14 = arith.constant 1.000000e+00 : f32
    %broadcast_in_dim3A_15 = vector.broadcast %broadcast_in_dim3A_14 : f32 to vector<1x128xf32>
    %broadcast_in_dim3A_16 = arith.constant 0.000000e+00 : f32
    %broadcast_in_dim3A_17 = vector.broadcast %broadcast_in_dim3A_16 : f32 to vector<1024x128xf32>
    %get3A_18 = arith.constant 0 : index
    %get3A_19 = arith.constant 0 : index
    %get3A_20 = arith.constant 0 : index
    %get3A_21 = vector.load %arg4[%get3A_18, %get3A_19, %get3A_20] : memref<10x128x128xbf16, #tpu.memory_space<vmem>>, vector<1x128x128xbf16>
    %get3A_22 = vector.shape_cast %get3A_21 : vector<1x128x128xbf16> to vector<128x128xbf16>
    %dot_general3A_23 = arith.constant dense<0.000000e+00> : vector<1024x128xf32>
    %dot_general3A_24 = tpu.matmul %convert_element_type3A_13, %get3A_22, %dot_general3A_23 {dimension_numbers = #tpu.dot_dimension_numbers<[1], [0], [0], [1], [0, 0, 1, 1], [], []>, transpose_lhs_hint = false} : vector<1024x128xbf16>, vector<128x128xbf16>, vector<1024x128xf32> -> vector<1024x128xf32>
    %slice3A = vector.extract_strided_slice %dot_general3A_12 {offsets = [0, 10], sizes = [1024, 1], strides = [1, 1]} : vector<1024x32xf32> to vector<1024x1xf32>
    %dot_general3A_25 = arith.constant dense<0.000000e+00> : vector<1024x128xf32>
    %dot_general3A_26 = tpu.matmul %slice3A, %broadcast_in_dim3A_15, %dot_general3A_25 {dimension_numbers = #tpu.dot_dimension_numbers<[1], [0], [0], [1], [0, 0, 1, 1], [], []>, transpose_lhs_hint = false} : vector<1024x1xf32>, vector<1x128xf32>, vector<1024x128xf32> -> vector<1024x128xf32>
    %mul3A = arith.mulf %dot_general3A_26, %dot_general3A_24 : vector<1024x128xf32>
    %add3A = arith.addf %broadcast_in_dim3A_17, %mul3A : vector<1024x128xf32>
    %get3A_27 = arith.constant 1 : index
    %get3A_28 = arith.constant 0 : index
    %get3A_29 = arith.constant 0 : index
    %get3A_30 = vector.load %arg4[%get3A_27, %get3A_28, %get3A_29] : memref<10x128x128xbf16, #tpu.memory_space<vmem>>, vector<1x128x128xbf16>
    %get3A_31 = vector.shape_cast %get3A_30 : vector<1x128x128xbf16> to vector<128x128xbf16>
    %dot_general3A_32 = arith.constant dense<0.000000e+00> : vector<1024x128xf32>
    %dot_general3A_33 = tpu.matmul %convert_element_type3A_13, %get3A_31, %dot_general3A_32 {dimension_numbers = #tpu.dot_dimension_numbers<[1], [0], [0], [1], [0, 0, 1, 1], [], []>, transpose_lhs_hint = false} : vector<1024x128xbf16>, vector<128x128xbf16>, vector<1024x128xf32> -> vector<1024x128xf32>
    %slice3A_34 = vector.extract_strided_slice %dot_general3A_12 {offsets = [0, 11], sizes = [1024, 1], strides = [1, 1]} : vector<1024x32xf32> to vector<1024x1xf32>
    %dot_general3A_35 = arith.constant dense<0.000000e+00> : vector<1024x128xf32>
    %dot_general3A_36 = tpu.matmul %slice3A_34, %broadcast_in_dim3A_15, %dot_general3A_35 {dimension_numbers = #tpu.dot_dimension_numbers<[1], [0], [0], [1], [0, 0, 1, 1], [], []>, transpose_lhs_hint = false} : vector<1024x1xf32>, vector<1x128xf32>, vector<1024x128xf32> -> vector<1024x128xf32>
    %mul3A_37 = arith.mulf %dot_general3A_36, %dot_general3A_33 : vector<1024x128xf32>
    %add3A_38 = arith.addf %add3A, %mul3A_37 : vector<1024x128xf32>
    %get3A_39 = arith.constant 2 : index
    %get3A_40 = arith.constant 0 : index
    %get3A_41 = arith.constant 0 : index
    %get3A_42 = vector.load %arg4[%get3A_39, %get3A_40, %get3A_41] : memref<10x128x128xbf16, #tpu.memory_space<vmem>>, vector<1x128x128xbf16>
    %get3A_43 = vector.shape_cast %get3A_42 : vector<1x128x128xbf16> to vector<128x128xbf16>
    %dot_general3A_44 = arith.constant dense<0.000000e+00> : vector<1024x128xf32>
    %dot_general3A_45 = tpu.matmul %convert_element_type3A_13, %get3A_43, %dot_general3A_44 {dimension_numbers = #tpu.dot_dimension_numbers<[1], [0], [0], [1], [0, 0, 1, 1], [], []>, transpose_lhs_hint = false} : vector<1024x128xbf16>, vector<128x128xbf16>, vector<1024x128xf32> -> vector<1024x128xf32>
    %slice3A_46 = vector.extract_strided_slice %dot_general3A_12 {offsets = [0, 12], sizes = [1024, 1], strides = [1, 1]} : vector<1024x32xf32> to vector<1024x1xf32>
    %dot_general3A_47 = arith.constant dense<0.000000e+00> : vector<1024x128xf32>
    %dot_general3A_48 = tpu.matmul %slice3A_46, %broadcast_in_dim3A_15, %dot_general3A_47 {dimension_numbers = #tpu.dot_dimension_numbers<[1], [0], [0], [1], [0, 0, 1, 1], [], []>, transpose_lhs_hint = false} : vector<1024x1xf32>, vector<1x128xf32>, vector<1024x128xf32> -> vector<1024x128xf32>
    %mul3A_49 = arith.mulf %dot_general3A_48, %dot_general3A_45 : vector<1024x128xf32>
    %add3A_50 = arith.addf %add3A_38, %mul3A_49 : vector<1024x128xf32>
    %get3A_51 = arith.constant 3 : index
    %get3A_52 = arith.constant 0 : index
    %get3A_53 = arith.constant 0 : index
    %get3A_54 = vector.load %arg4[%get3A_51, %get3A_52, %get3A_53] : memref<10x128x128xbf16, #tpu.memory_space<vmem>>, vector<1x128x128xbf16>
    %get3A_55 = vector.shape_cast %get3A_54 : vector<1x128x128xbf16> to vector<128x128xbf16>
    %dot_general3A_56 = arith.constant dense<0.000000e+00> : vector<1024x128xf32>
    %dot_general3A_57 = tpu.matmul %convert_element_type3A_13, %get3A_55, %dot_general3A_56 {dimension_numbers = #tpu.dot_dimension_numbers<[1], [0], [0], [1], [0, 0, 1, 1], [], []>, transpose_lhs_hint = false} : vector<1024x128xbf16>, vector<128x128xbf16>, vector<1024x128xf32> -> vector<1024x128xf32>
    %slice3A_58 = vector.extract_strided_slice %dot_general3A_12 {offsets = [0, 13], sizes = [1024, 1], strides = [1, 1]} : vector<1024x32xf32> to vector<1024x1xf32>
    %dot_general3A_59 = arith.constant dense<0.000000e+00> : vector<1024x128xf32>
    %dot_general3A_60 = tpu.matmul %slice3A_58, %broadcast_in_dim3A_15, %dot_general3A_59 {dimension_numbers = #tpu.dot_dimension_numbers<[1], [0], [0], [1], [0, 0, 1, 1], [], []>, transpose_lhs_hint = false} : vector<1024x1xf32>, vector<1x128xf32>, vector<1024x128xf32> -> vector<1024x128xf32>
    %mul3A_61 = arith.mulf %dot_general3A_60, %dot_general3A_57 : vector<1024x128xf32>
    %add3A_62 = arith.addf %add3A_50, %mul3A_61 : vector<1024x128xf32>
    %get3A_63 = arith.constant 4 : index
    %get3A_64 = arith.constant 0 : index
    %get3A_65 = arith.constant 0 : index
    %get3A_66 = vector.load %arg4[%get3A_63, %get3A_64, %get3A_65] : memref<10x128x128xbf16, #tpu.memory_space<vmem>>, vector<1x128x128xbf16>
    %get3A_67 = vector.shape_cast %get3A_66 : vector<1x128x128xbf16> to vector<128x128xbf16>
    %dot_general3A_68 = arith.constant dense<0.000000e+00> : vector<1024x128xf32>
    %dot_general3A_69 = tpu.matmul %convert_element_type3A_13, %get3A_67, %dot_general3A_68 {dimension_numbers = #tpu.dot_dimension_numbers<[1], [0], [0], [1], [0, 0, 1, 1], [], []>, transpose_lhs_hint = false} : vector<1024x128xbf16>, vector<128x128xbf16>, vector<1024x128xf32> -> vector<1024x128xf32>
    %slice3A_70 = vector.extract_strided_slice %dot_general3A_12 {offsets = [0, 14], sizes = [1024, 1], strides = [1, 1]} : vector<1024x32xf32> to vector<1024x1xf32>
    %dot_general3A_71 = arith.constant dense<0.000000e+00> : vector<1024x128xf32>
    %dot_general3A_72 = tpu.matmul %slice3A_70, %broadcast_in_dim3A_15, %dot_general3A_71 {dimension_numbers = #tpu.dot_dimension_numbers<[1], [0], [0], [1], [0, 0, 1, 1], [], []>, transpose_lhs_hint = false} : vector<1024x1xf32>, vector<1x128xf32>, vector<1024x128xf32> -> vector<1024x128xf32>
    %mul3A_73 = arith.mulf %dot_general3A_72, %dot_general3A_69 : vector<1024x128xf32>
    %add3A_74 = arith.addf %add3A_62, %mul3A_73 : vector<1024x128xf32>
    %get3A_75 = arith.constant 5 : index
    %get3A_76 = arith.constant 0 : index
    %get3A_77 = arith.constant 0 : index
    %get3A_78 = vector.load %arg4[%get3A_75, %get3A_76, %get3A_77] : memref<10x128x128xbf16, #tpu.memory_space<vmem>>, vector<1x128x128xbf16>
    %get3A_79 = vector.shape_cast %get3A_78 : vector<1x128x128xbf16> to vector<128x128xbf16>
    %dot_general3A_80 = arith.constant dense<0.000000e+00> : vector<1024x128xf32>
    %dot_general3A_81 = tpu.matmul %convert_element_type3A_13, %get3A_79, %dot_general3A_80 {dimension_numbers = #tpu.dot_dimension_numbers<[1], [0], [0], [1], [0, 0, 1, 1], [], []>, transpose_lhs_hint = false} : vector<1024x128xbf16>, vector<128x128xbf16>, vector<1024x128xf32> -> vector<1024x128xf32>
    %slice3A_82 = vector.extract_strided_slice %dot_general3A_12 {offsets = [0, 15], sizes = [1024, 1], strides = [1, 1]} : vector<1024x32xf32> to vector<1024x1xf32>
    %dot_general3A_83 = arith.constant dense<0.000000e+00> : vector<1024x128xf32>
    %dot_general3A_84 = tpu.matmul %slice3A_82, %broadcast_in_dim3A_15, %dot_general3A_83 {dimension_numbers = #tpu.dot_dimension_numbers<[1], [0], [0], [1], [0, 0, 1, 1], [], []>, transpose_lhs_hint = false} : vector<1024x1xf32>, vector<1x128xf32>, vector<1024x128xf32> -> vector<1024x128xf32>
    %mul3A_85 = arith.mulf %dot_general3A_84, %dot_general3A_81 : vector<1024x128xf32>
    %add3A_86 = arith.addf %add3A_74, %mul3A_85 : vector<1024x128xf32>
    %get3A_87 = arith.constant 6 : index
    %get3A_88 = arith.constant 0 : index
    %get3A_89 = arith.constant 0 : index
    %get3A_90 = vector.load %arg4[%get3A_87, %get3A_88, %get3A_89] : memref<10x128x128xbf16, #tpu.memory_space<vmem>>, vector<1x128x128xbf16>
    %get3A_91 = vector.shape_cast %get3A_90 : vector<1x128x128xbf16> to vector<128x128xbf16>
    %dot_general3A_92 = arith.constant dense<0.000000e+00> : vector<1024x128xf32>
    %dot_general3A_93 = tpu.matmul %convert_element_type3A_13, %get3A_91, %dot_general3A_92 {dimension_numbers = #tpu.dot_dimension_numbers<[1], [0], [0], [1], [0, 0, 1, 1], [], []>, transpose_lhs_hint = false} : vector<1024x128xbf16>, vector<128x128xbf16>, vector<1024x128xf32> -> vector<1024x128xf32>
    %slice3A_94 = vector.extract_strided_slice %dot_general3A_12 {offsets = [0, 16], sizes = [1024, 1], strides = [1, 1]} : vector<1024x32xf32> to vector<1024x1xf32>
    %dot_general3A_95 = arith.constant dense<0.000000e+00> : vector<1024x128xf32>
    %dot_general3A_96 = tpu.matmul %slice3A_94, %broadcast_in_dim3A_15, %dot_general3A_95 {dimension_numbers = #tpu.dot_dimension_numbers<[1], [0], [0], [1], [0, 0, 1, 1], [], []>, transpose_lhs_hint = false} : vector<1024x1xf32>, vector<1x128xf32>, vector<1024x128xf32> -> vector<1024x128xf32>
    %mul3A_97 = arith.mulf %dot_general3A_96, %dot_general3A_93 : vector<1024x128xf32>
    %add3A_98 = arith.addf %add3A_86, %mul3A_97 : vector<1024x128xf32>
    %get3A_99 = arith.constant 7 : index
    %get3A_100 = arith.constant 0 : index
    %get3A_101 = arith.constant 0 : index
    %get3A_102 = vector.load %arg4[%get3A_99, %get3A_100, %get3A_101] : memref<10x128x128xbf16, #tpu.memory_space<vmem>>, vector<1x128x128xbf16>
    %get3A_103 = vector.shape_cast %get3A_102 : vector<1x128x128xbf16> to vector<128x128xbf16>
    %dot_general3A_104 = arith.constant dense<0.000000e+00> : vector<1024x128xf32>
    %dot_general3A_105 = tpu.matmul %convert_element_type3A_13, %get3A_103, %dot_general3A_104 {dimension_numbers = #tpu.dot_dimension_numbers<[1], [0], [0], [1], [0, 0, 1, 1], [], []>, transpose_lhs_hint = false} : vector<1024x128xbf16>, vector<128x128xbf16>, vector<1024x128xf32> -> vector<1024x128xf32>
    %slice3A_106 = vector.extract_strided_slice %dot_general3A_12 {offsets = [0, 17], sizes = [1024, 1], strides = [1, 1]} : vector<1024x32xf32> to vector<1024x1xf32>
    %dot_general3A_107 = arith.constant dense<0.000000e+00> : vector<1024x128xf32>
    %dot_general3A_108 = tpu.matmul %slice3A_106, %broadcast_in_dim3A_15, %dot_general3A_107 {dimension_numbers = #tpu.dot_dimension_numbers<[1], [0], [0], [1], [0, 0, 1, 1], [], []>, transpose_lhs_hint = false} : vector<1024x1xf32>, vector<1x128xf32>, vector<1024x128xf32> -> vector<1024x128xf32>
    %mul3A_109 = arith.mulf %dot_general3A_108, %dot_general3A_105 : vector<1024x128xf32>
    %add3A_110 = arith.addf %add3A_98, %mul3A_109 : vector<1024x128xf32>
    %get3A_111 = arith.constant 8 : index
    %get3A_112 = arith.constant 0 : index
    %get3A_113 = arith.constant 0 : index
    %get3A_114 = vector.load %arg4[%get3A_111, %get3A_112, %get3A_113] : memref<10x128x128xbf16, #tpu.memory_space<vmem>>, vector<1x128x128xbf16>
    %get3A_115 = vector.shape_cast %get3A_114 : vector<1x128x128xbf16> to vector<128x128xbf16>
    %dot_general3A_116 = arith.constant dense<0.000000e+00> : vector<1024x128xf32>
    %dot_general3A_117 = tpu.matmul %convert_element_type3A_13, %get3A_115, %dot_general3A_116 {dimension_numbers = #tpu.dot_dimension_numbers<[1], [0], [0], [1], [0, 0, 1, 1], [], []>, transpose_lhs_hint = false} : vector<1024x128xbf16>, vector<128x128xbf16>, vector<1024x128xf32> -> vector<1024x128xf32>
    %slice3A_118 = vector.extract_strided_slice %dot_general3A_12 {offsets = [0, 18], sizes = [1024, 1], strides = [1, 1]} : vector<1024x32xf32> to vector<1024x1xf32>
    %dot_general3A_119 = arith.constant dense<0.000000e+00> : vector<1024x128xf32>
    %dot_general3A_120 = tpu.matmul %slice3A_118, %broadcast_in_dim3A_15, %dot_general3A_119 {dimension_numbers = #tpu.dot_dimension_numbers<[1], [0], [0], [1], [0, 0, 1, 1], [], []>, transpose_lhs_hint = false} : vector<1024x1xf32>, vector<1x128xf32>, vector<1024x128xf32> -> vector<1024x128xf32>
    %mul3A_121 = arith.mulf %dot_general3A_120, %dot_general3A_117 : vector<1024x128xf32>
    %add3A_122 = arith.addf %add3A_110, %mul3A_121 : vector<1024x128xf32>
    %get3A_123 = arith.constant 9 : index
    %get3A_124 = arith.constant 0 : index
    %get3A_125 = arith.constant 0 : index
    %get3A_126 = vector.load %arg4[%get3A_123, %get3A_124, %get3A_125] : memref<10x128x128xbf16, #tpu.memory_space<vmem>>, vector<1x128x128xbf16>
    %get3A_127 = vector.shape_cast %get3A_126 : vector<1x128x128xbf16> to vector<128x128xbf16>
    %dot_general3A_128 = arith.constant dense<0.000000e+00> : vector<1024x128xf32>
    %dot_general3A_129 = tpu.matmul %convert_element_type3A_13, %get3A_127, %dot_general3A_128 {dimension_numbers = #tpu.dot_dimension_numbers<[1], [0], [0], [1], [0, 0, 1, 1], [], []>, transpose_lhs_hint = false} : vector<1024x128xbf16>, vector<128x128xbf16>, vector<1024x128xf32> -> vector<1024x128xf32>
    %slice3A_130 = vector.extract_strided_slice %dot_general3A_12 {offsets = [0, 19], sizes = [1024, 1], strides = [1, 1]} : vector<1024x32xf32> to vector<1024x1xf32>
    %dot_general3A_131 = arith.constant dense<0.000000e+00> : vector<1024x128xf32>
    %dot_general3A_132 = tpu.matmul %slice3A_130, %broadcast_in_dim3A_15, %dot_general3A_131 {dimension_numbers = #tpu.dot_dimension_numbers<[1], [0], [0], [1], [0, 0, 1, 1], [], []>, transpose_lhs_hint = false} : vector<1024x1xf32>, vector<1x128xf32>, vector<1024x128xf32> -> vector<1024x128xf32>
    %mul3A_133 = arith.mulf %dot_general3A_132, %dot_general3A_129 : vector<1024x128xf32>
    %add3A_134 = arith.addf %add3A_122, %mul3A_133 : vector<1024x128xf32>
    %swap3A = arith.constant 0 : index
    %swap3A_135 = arith.constant 0 : index
    %swap3A_136 = vector.load %arg5[%swap3A, %swap3A_135] : memref<1024x128xf32, #tpu.memory_space<vmem>>, vector<1024x128xf32>
    tpu.vector_store %arg5[%swap3A, %swap3A_135], %add3A_134 {strides = array<i32>} : memref<1024x128xf32, #tpu.memory_space<vmem>>, vector<1024x128xf32>,
    return
  }
  func.func @transform_0(%arg0: i32) -> (i32, i32) {
    %c0_i32 = arith.constant 0 : i32
    %c0_i32_0 = arith.constant 0 : i32
    return %arg0, %c0_i32 : i32, i32
  }
  func.func @transform_1(%arg0: i32) -> (i32, i32, i32) {
    %c0_i32 = arith.constant 0 : i32
    %c0_i32_0 = arith.constant 0 : i32
    %c0_i32_1 = arith.constant 0 : i32
    return %arg0, %c0_i32, %c0_i32_0 : i32, i32, i32
  }
  func.func @transform_2(%arg0: i32) -> (i32, i32) {
    %c0_i32 = arith.constant 0 : i32
    %c0_i32_0 = arith.constant 0 : i32
    %c0_i32_1 = arith.constant 0 : i32
    return %c0_i32, %c0_i32_0 : i32, i32
  }
  func.func @transform_3(%arg0: i32) -> (i32, i32, i32) {
    %c0_i32 = arith.constant 0 : i32
    %c0_i32_0 = arith.constant 0 : i32
    %c0_i32_1 = arith.constant 0 : i32
    %c0_i32_2 = arith.constant 0 : i32
    return %c0_i32, %c0_i32_0, %c0_i32_1 : i32, i32, i32
  }
  func.func @transform_4(%arg0: i32) -> (i32, i32) {
    %c0_i32 = arith.constant 0 : i32
    %c0_i32_0 = arith.constant 0 : i32
    return %arg0, %c0_i32 : i32, i32
  }
}

module attributes {stable_mosaic.version = 14 : i64} {
  func.func @body(%arg0: i32, %arg1: memref<1024x128xf32, #tpu.memory_space<vmem>>, %arg2: memref<1x1x1024xi32, #tpu.memory_space<vmem>>, %arg3: memref<208x32xf32, #tpu.memory_space<vmem>>, %arg4: memref<10x128x128xbf16, #tpu.memory_space<vmem>>, %arg5: memref<1024x128xf32, #tpu.memory_space<vmem>>) attributes {dimension_semantics = [#tpu.dimension_semantics<arbitrary>], iteration_bounds = array<i64: 160>, scalar_prefetch = 0 : i64, scratch_operands = 0 : i64, tpu.core_type = #tpu.core_type<tc>, window_params = [{transform_indices = @transform_0, window_bounds = array<i64: 1024, 128>}, {transform_indices = @transform_1, window_bounds = array<i64: 1, 1, 1024>}, {pipeline_mode = #tpu.pipeline_mode<synchronous>, transform_indices = @transform_2, window_bounds = array<i64: 208, 32>}, {pipeline_mode = #tpu.pipeline_mode<synchronous>, transform_indices = @transform_3, window_bounds = array<i64: 10, 128, 128>}, {transform_indices = @transform_4, window_bounds = array<i64: 1024, 128>}]} {
    %get3A = arith.constant 0 : index
    %get3A_0 = arith.constant 0 : index
    %get3A_1 = vector.load %arg1[%get3A, %get3A_0] : memref<1024x128xf32, #tpu.memory_space<vmem>>, vector<1024x128xf32>
    %get3A_2 = arith.constant 0 : index
    %get3A_3 = arith.constant 0 : index
    %get3A_4 = arith.constant 0 : index
    %get3A_5 = vector.load %arg2[%get3A_2, %get3A_3, %get3A_4] : memref<1x1x1024xi32, #tpu.memory_space<vmem>>, vector<1x1x1024xi32>
    %get3A_6 = vector.shape_cast %get3A_5 : vector<1x1x1024xi32> to vector<1024xi32>
    %broadcast_in_dim3A = vector.shape_cast %get3A_6 : vector<1024xi32> to vector<1024x1xi32>
    %iota3A = tpu.iota {dimensions = array<i32: 1>} : vector<1024x208xi32>
    %eq3A = vector.broadcast %broadcast_in_dim3A : vector<1024x1xi32> to vector<1024x208xi32>
    %eq3A_7 = arith.cmpi eq, %eq3A, %iota3A : vector<1024x208xi32>
    %convert_element_type3A = arith.extui %eq3A_7 : vector<1024x208xi1> to vector<1024x208xi32>
    %convert_element_type3A_8 = arith.sitofp %convert_element_type3A : vector<1024x208xi32> to vector<1024x208xf32>
    %get3A_9 = arith.constant 0 : index
    %get3A_10 = arith.constant 0 : index
    %get3A_11 = vector.load %arg3[%get3A_9, %get3A_10] : memref<208x32xf32, #tpu.memory_space<vmem>>, vector<208x32xf32>
    %dot_general3A = arith.constant dense<0.000000e+00> : vector<1024x32xf32>
    %dot_general3A_12 = tpu.matmul %convert_element_type3A_8, %get3A_11, %dot_general3A {dimension_numbers = #tpu.dot_dimension_numbers<[1], [0], [0], [1], [0, 0, 1, 1], [], []>, transpose_lhs_hint = false} : vector<1024x208xf32>, vector<208x32xf32>, vector<1024x32xf32> -> vector<1024x32xf32>
    %convert_element_type3A_13 = arith.truncf %get3A_1 : vector<1024x128xf32> to vector<1024x128xbf16>
    %broadcast_in_dim3A_14 = arith.constant 1.000000e+00 : f32
    %broadcast_in_dim3A_15 = vector.broadcast %broadcast_in_dim3A_14 : f32 to vector<1x128xf32>
    %broadcast_in_dim3A_16 = arith.constant 0.000000e+00 : f32
    %broadcast_in_dim3A_17 = vector.broadcast %broadcast_in_dim3A_16 : f32 to vector<1024x128xf32>
    %get3A_18 = arith.constant 0 : index
    %get3A_19 = arith.constant 0 : index
    %get3A_20 = arith.constant 0 : index
    %get3A_21 = vector.load %arg4[%get3A_18, %get3A_19, %get3A_20] : memref<10x128x128xbf16, #tpu.memory_space<vmem>>, vector<1x128x128xbf16>
    %get3A_22 = vector.shape_cast %get3A_21 : vector<1x128x128xbf16> to vector<128x128xbf16>
    %dot_general3A_23 = arith.constant dense<0.000000e+00> : vector<1024x128xf32>
    %dot_general3A_24 = tpu.matmul %convert_element_type3A_13, %get3A_22, %dot_general3A_23 {dimension_numbers = #tpu.dot_dimension_numbers<[1], [0], [0], [1], [0, 0, 1, 1], [], []>, transpose_lhs_hint = false} : vector<1024x128xbf16>, vector<128x128xbf16>, vector<1024x128xf32> -> vector<1024x128xf32>
    %slice3A = vector.extract_strided_slice %dot_general3A_12 {offsets = [0, 20], sizes = [1024, 1], strides = [1, 1]} : vector<1024x32xf32> to vector<1024x1xf32>
    %dot_general3A_25 = arith.constant dense<0.000000e+00> : vector<1024x128xf32>
    %dot_general3A_26 = tpu.matmul %slice3A, %broadcast_in_dim3A_15, %dot_general3A_25 {dimension_numbers = #tpu.dot_dimension_numbers<[1], [0], [0], [1], [0, 0, 1, 1], [], []>, transpose_lhs_hint = false} : vector<1024x1xf32>, vector<1x128xf32>, vector<1024x128xf32> -> vector<1024x128xf32>
    %mul3A = arith.mulf %dot_general3A_26, %dot_general3A_24 : vector<1024x128xf32>
    %add3A = arith.addf %broadcast_in_dim3A_17, %mul3A : vector<1024x128xf32>
    %get3A_27 = arith.constant 1 : index
    %get3A_28 = arith.constant 0 : index
    %get3A_29 = arith.constant 0 : index
    %get3A_30 = vector.load %arg4[%get3A_27, %get3A_28, %get3A_29] : memref<10x128x128xbf16, #tpu.memory_space<vmem>>, vector<1x128x128xbf16>
    %get3A_31 = vector.shape_cast %get3A_30 : vector<1x128x128xbf16> to vector<128x128xbf16>
    %dot_general3A_32 = arith.constant dense<0.000000e+00> : vector<1024x128xf32>
    %dot_general3A_33 = tpu.matmul %convert_element_type3A_13, %get3A_31, %dot_general3A_32 {dimension_numbers = #tpu.dot_dimension_numbers<[1], [0], [0], [1], [0, 0, 1, 1], [], []>, transpose_lhs_hint = false} : vector<1024x128xbf16>, vector<128x128xbf16>, vector<1024x128xf32> -> vector<1024x128xf32>
    %slice3A_34 = vector.extract_strided_slice %dot_general3A_12 {offsets = [0, 21], sizes = [1024, 1], strides = [1, 1]} : vector<1024x32xf32> to vector<1024x1xf32>
    %dot_general3A_35 = arith.constant dense<0.000000e+00> : vector<1024x128xf32>
    %dot_general3A_36 = tpu.matmul %slice3A_34, %broadcast_in_dim3A_15, %dot_general3A_35 {dimension_numbers = #tpu.dot_dimension_numbers<[1], [0], [0], [1], [0, 0, 1, 1], [], []>, transpose_lhs_hint = false} : vector<1024x1xf32>, vector<1x128xf32>, vector<1024x128xf32> -> vector<1024x128xf32>
    %mul3A_37 = arith.mulf %dot_general3A_36, %dot_general3A_33 : vector<1024x128xf32>
    %add3A_38 = arith.addf %add3A, %mul3A_37 : vector<1024x128xf32>
    %get3A_39 = arith.constant 2 : index
    %get3A_40 = arith.constant 0 : index
    %get3A_41 = arith.constant 0 : index
    %get3A_42 = vector.load %arg4[%get3A_39, %get3A_40, %get3A_41] : memref<10x128x128xbf16, #tpu.memory_space<vmem>>, vector<1x128x128xbf16>
    %get3A_43 = vector.shape_cast %get3A_42 : vector<1x128x128xbf16> to vector<128x128xbf16>
    %dot_general3A_44 = arith.constant dense<0.000000e+00> : vector<1024x128xf32>
    %dot_general3A_45 = tpu.matmul %convert_element_type3A_13, %get3A_43, %dot_general3A_44 {dimension_numbers = #tpu.dot_dimension_numbers<[1], [0], [0], [1], [0, 0, 1, 1], [], []>, transpose_lhs_hint = false} : vector<1024x128xbf16>, vector<128x128xbf16>, vector<1024x128xf32> -> vector<1024x128xf32>
    %slice3A_46 = vector.extract_strided_slice %dot_general3A_12 {offsets = [0, 22], sizes = [1024, 1], strides = [1, 1]} : vector<1024x32xf32> to vector<1024x1xf32>
    %dot_general3A_47 = arith.constant dense<0.000000e+00> : vector<1024x128xf32>
    %dot_general3A_48 = tpu.matmul %slice3A_46, %broadcast_in_dim3A_15, %dot_general3A_47 {dimension_numbers = #tpu.dot_dimension_numbers<[1], [0], [0], [1], [0, 0, 1, 1], [], []>, transpose_lhs_hint = false} : vector<1024x1xf32>, vector<1x128xf32>, vector<1024x128xf32> -> vector<1024x128xf32>
    %mul3A_49 = arith.mulf %dot_general3A_48, %dot_general3A_45 : vector<1024x128xf32>
    %add3A_50 = arith.addf %add3A_38, %mul3A_49 : vector<1024x128xf32>
    %get3A_51 = arith.constant 3 : index
    %get3A_52 = arith.constant 0 : index
    %get3A_53 = arith.constant 0 : index
    %get3A_54 = vector.load %arg4[%get3A_51, %get3A_52, %get3A_53] : memref<10x128x128xbf16, #tpu.memory_space<vmem>>, vector<1x128x128xbf16>
    %get3A_55 = vector.shape_cast %get3A_54 : vector<1x128x128xbf16> to vector<128x128xbf16>
    %dot_general3A_56 = arith.constant dense<0.000000e+00> : vector<1024x128xf32>
    %dot_general3A_57 = tpu.matmul %convert_element_type3A_13, %get3A_55, %dot_general3A_56 {dimension_numbers = #tpu.dot_dimension_numbers<[1], [0], [0], [1], [0, 0, 1, 1], [], []>, transpose_lhs_hint = false} : vector<1024x128xbf16>, vector<128x128xbf16>, vector<1024x128xf32> -> vector<1024x128xf32>
    %slice3A_58 = vector.extract_strided_slice %dot_general3A_12 {offsets = [0, 23], sizes = [1024, 1], strides = [1, 1]} : vector<1024x32xf32> to vector<1024x1xf32>
    %dot_general3A_59 = arith.constant dense<0.000000e+00> : vector<1024x128xf32>
    %dot_general3A_60 = tpu.matmul %slice3A_58, %broadcast_in_dim3A_15, %dot_general3A_59 {dimension_numbers = #tpu.dot_dimension_numbers<[1], [0], [0], [1], [0, 0, 1, 1], [], []>, transpose_lhs_hint = false} : vector<1024x1xf32>, vector<1x128xf32>, vector<1024x128xf32> -> vector<1024x128xf32>
    %mul3A_61 = arith.mulf %dot_general3A_60, %dot_general3A_57 : vector<1024x128xf32>
    %add3A_62 = arith.addf %add3A_50, %mul3A_61 : vector<1024x128xf32>
    %get3A_63 = arith.constant 4 : index
    %get3A_64 = arith.constant 0 : index
    %get3A_65 = arith.constant 0 : index
    %get3A_66 = vector.load %arg4[%get3A_63, %get3A_64, %get3A_65] : memref<10x128x128xbf16, #tpu.memory_space<vmem>>, vector<1x128x128xbf16>
    %get3A_67 = vector.shape_cast %get3A_66 : vector<1x128x128xbf16> to vector<128x128xbf16>
    %dot_general3A_68 = arith.constant dense<0.000000e+00> : vector<1024x128xf32>
    %dot_general3A_69 = tpu.matmul %convert_element_type3A_13, %get3A_67, %dot_general3A_68 {dimension_numbers = #tpu.dot_dimension_numbers<[1], [0], [0], [1], [0, 0, 1, 1], [], []>, transpose_lhs_hint = false} : vector<1024x128xbf16>, vector<128x128xbf16>, vector<1024x128xf32> -> vector<1024x128xf32>
    %slice3A_70 = vector.extract_strided_slice %dot_general3A_12 {offsets = [0, 24], sizes = [1024, 1], strides = [1, 1]} : vector<1024x32xf32> to vector<1024x1xf32>
    %dot_general3A_71 = arith.constant dense<0.000000e+00> : vector<1024x128xf32>
    %dot_general3A_72 = tpu.matmul %slice3A_70, %broadcast_in_dim3A_15, %dot_general3A_71 {dimension_numbers = #tpu.dot_dimension_numbers<[1], [0], [0], [1], [0, 0, 1, 1], [], []>, transpose_lhs_hint = false} : vector<1024x1xf32>, vector<1x128xf32>, vector<1024x128xf32> -> vector<1024x128xf32>
    %mul3A_73 = arith.mulf %dot_general3A_72, %dot_general3A_69 : vector<1024x128xf32>
    %add3A_74 = arith.addf %add3A_62, %mul3A_73 : vector<1024x128xf32>
    %get3A_75 = arith.constant 5 : index
    %get3A_76 = arith.constant 0 : index
    %get3A_77 = arith.constant 0 : index
    %get3A_78 = vector.load %arg4[%get3A_75, %get3A_76, %get3A_77] : memref<10x128x128xbf16, #tpu.memory_space<vmem>>, vector<1x128x128xbf16>
    %get3A_79 = vector.shape_cast %get3A_78 : vector<1x128x128xbf16> to vector<128x128xbf16>
    %dot_general3A_80 = arith.constant dense<0.000000e+00> : vector<1024x128xf32>
    %dot_general3A_81 = tpu.matmul %convert_element_type3A_13, %get3A_79, %dot_general3A_80 {dimension_numbers = #tpu.dot_dimension_numbers<[1], [0], [0], [1], [0, 0, 1, 1], [], []>, transpose_lhs_hint = false} : vector<1024x128xbf16>, vector<128x128xbf16>, vector<1024x128xf32> -> vector<1024x128xf32>
    %slice3A_82 = vector.extract_strided_slice %dot_general3A_12 {offsets = [0, 25], sizes = [1024, 1], strides = [1, 1]} : vector<1024x32xf32> to vector<1024x1xf32>
    %dot_general3A_83 = arith.constant dense<0.000000e+00> : vector<1024x128xf32>
    %dot_general3A_84 = tpu.matmul %slice3A_82, %broadcast_in_dim3A_15, %dot_general3A_83 {dimension_numbers = #tpu.dot_dimension_numbers<[1], [0], [0], [1], [0, 0, 1, 1], [], []>, transpose_lhs_hint = false} : vector<1024x1xf32>, vector<1x128xf32>, vector<1024x128xf32> -> vector<1024x128xf32>
    %mul3A_85 = arith.mulf %dot_general3A_84, %dot_general3A_81 : vector<1024x128xf32>
    %add3A_86 = arith.addf %add3A_74, %mul3A_85 : vector<1024x128xf32>
    %get3A_87 = arith.constant 6 : index
    %get3A_88 = arith.constant 0 : index
    %get3A_89 = arith.constant 0 : index
    %get3A_90 = vector.load %arg4[%get3A_87, %get3A_88, %get3A_89] : memref<10x128x128xbf16, #tpu.memory_space<vmem>>, vector<1x128x128xbf16>
    %get3A_91 = vector.shape_cast %get3A_90 : vector<1x128x128xbf16> to vector<128x128xbf16>
    %dot_general3A_92 = arith.constant dense<0.000000e+00> : vector<1024x128xf32>
    %dot_general3A_93 = tpu.matmul %convert_element_type3A_13, %get3A_91, %dot_general3A_92 {dimension_numbers = #tpu.dot_dimension_numbers<[1], [0], [0], [1], [0, 0, 1, 1], [], []>, transpose_lhs_hint = false} : vector<1024x128xbf16>, vector<128x128xbf16>, vector<1024x128xf32> -> vector<1024x128xf32>
    %slice3A_94 = vector.extract_strided_slice %dot_general3A_12 {offsets = [0, 26], sizes = [1024, 1], strides = [1, 1]} : vector<1024x32xf32> to vector<1024x1xf32>
    %dot_general3A_95 = arith.constant dense<0.000000e+00> : vector<1024x128xf32>
    %dot_general3A_96 = tpu.matmul %slice3A_94, %broadcast_in_dim3A_15, %dot_general3A_95 {dimension_numbers = #tpu.dot_dimension_numbers<[1], [0], [0], [1], [0, 0, 1, 1], [], []>, transpose_lhs_hint = false} : vector<1024x1xf32>, vector<1x128xf32>, vector<1024x128xf32> -> vector<1024x128xf32>
    %mul3A_97 = arith.mulf %dot_general3A_96, %dot_general3A_93 : vector<1024x128xf32>
    %add3A_98 = arith.addf %add3A_86, %mul3A_97 : vector<1024x128xf32>
    %get3A_99 = arith.constant 7 : index
    %get3A_100 = arith.constant 0 : index
    %get3A_101 = arith.constant 0 : index
    %get3A_102 = vector.load %arg4[%get3A_99, %get3A_100, %get3A_101] : memref<10x128x128xbf16, #tpu.memory_space<vmem>>, vector<1x128x128xbf16>
    %get3A_103 = vector.shape_cast %get3A_102 : vector<1x128x128xbf16> to vector<128x128xbf16>
    %dot_general3A_104 = arith.constant dense<0.000000e+00> : vector<1024x128xf32>
    %dot_general3A_105 = tpu.matmul %convert_element_type3A_13, %get3A_103, %dot_general3A_104 {dimension_numbers = #tpu.dot_dimension_numbers<[1], [0], [0], [1], [0, 0, 1, 1], [], []>, transpose_lhs_hint = false} : vector<1024x128xbf16>, vector<128x128xbf16>, vector<1024x128xf32> -> vector<1024x128xf32>
    %slice3A_106 = vector.extract_strided_slice %dot_general3A_12 {offsets = [0, 27], sizes = [1024, 1], strides = [1, 1]} : vector<1024x32xf32> to vector<1024x1xf32>
    %dot_general3A_107 = arith.constant dense<0.000000e+00> : vector<1024x128xf32>
    %dot_general3A_108 = tpu.matmul %slice3A_106, %broadcast_in_dim3A_15, %dot_general3A_107 {dimension_numbers = #tpu.dot_dimension_numbers<[1], [0], [0], [1], [0, 0, 1, 1], [], []>, transpose_lhs_hint = false} : vector<1024x1xf32>, vector<1x128xf32>, vector<1024x128xf32> -> vector<1024x128xf32>
    %mul3A_109 = arith.mulf %dot_general3A_108, %dot_general3A_105 : vector<1024x128xf32>
    %add3A_110 = arith.addf %add3A_98, %mul3A_109 : vector<1024x128xf32>
    %get3A_111 = arith.constant 8 : index
    %get3A_112 = arith.constant 0 : index
    %get3A_113 = arith.constant 0 : index
    %get3A_114 = vector.load %arg4[%get3A_111, %get3A_112, %get3A_113] : memref<10x128x128xbf16, #tpu.memory_space<vmem>>, vector<1x128x128xbf16>
    %get3A_115 = vector.shape_cast %get3A_114 : vector<1x128x128xbf16> to vector<128x128xbf16>
    %dot_general3A_116 = arith.constant dense<0.000000e+00> : vector<1024x128xf32>
    %dot_general3A_117 = tpu.matmul %convert_element_type3A_13, %get3A_115, %dot_general3A_116 {dimension_numbers = #tpu.dot_dimension_numbers<[1], [0], [0], [1], [0, 0, 1, 1], [], []>, transpose_lhs_hint = false} : vector<1024x128xbf16>, vector<128x128xbf16>, vector<1024x128xf32> -> vector<1024x128xf32>
    %slice3A_118 = vector.extract_strided_slice %dot_general3A_12 {offsets = [0, 28], sizes = [1024, 1], strides = [1, 1]} : vector<1024x32xf32> to vector<1024x1xf32>
    %dot_general3A_119 = arith.constant dense<0.000000e+00> : vector<1024x128xf32>
    %dot_general3A_120 = tpu.matmul %slice3A_118, %broadcast_in_dim3A_15, %dot_general3A_119 {dimension_numbers = #tpu.dot_dimension_numbers<[1], [0], [0], [1], [0, 0, 1, 1], [], []>, transpose_lhs_hint = false} : vector<1024x1xf32>, vector<1x128xf32>, vector<1024x128xf32> -> vector<1024x128xf32>
    %mul3A_121 = arith.mulf %dot_general3A_120, %dot_general3A_117 : vector<1024x128xf32>
    %add3A_122 = arith.addf %add3A_110, %mul3A_121 : vector<1024x128xf32>
    %get3A_123 = arith.constant 9 : index
    %get3A_124 = arith.constant 0 : index
    %get3A_125 = arith.constant 0 : index
    %get3A_126 = vector.load %arg4[%get3A_123, %get3A_124, %get3A_125] : memref<10x128x128xbf16, #tpu.memory_space<vmem>>, vector<1x128x128xbf16>
    %get3A_127 = vector.shape_cast %get3A_126 : vector<1x128x128xbf16> to vector<128x128xbf16>
    %dot_general3A_128 = arith.constant dense<0.000000e+00> : vector<1024x128xf32>
    %dot_general3A_129 = tpu.matmul %convert_element_type3A_13, %get3A_127, %dot_general3A_128 {dimension_numbers = #tpu.dot_dimension_numbers<[1], [0], [0], [1], [0, 0, 1, 1], [], []>, transpose_lhs_hint = false} : vector<1024x128xbf16>, vector<128x128xbf16>, vector<1024x128xf32> -> vector<1024x128xf32>
    %slice3A_130 = vector.extract_strided_slice %dot_general3A_12 {offsets = [0, 29], sizes = [1024, 1], strides = [1, 1]} : vector<1024x32xf32> to vector<1024x1xf32>
    %dot_general3A_131 = arith.constant dense<0.000000e+00> : vector<1024x128xf32>
    %dot_general3A_132 = tpu.matmul %slice3A_130, %broadcast_in_dim3A_15, %dot_general3A_131 {dimension_numbers = #tpu.dot_dimension_numbers<[1], [0], [0], [1], [0, 0, 1, 1], [], []>, transpose_lhs_hint = false} : vector<1024x1xf32>, vector<1x128xf32>, vector<1024x128xf32> -> vector<1024x128xf32>
    %mul3A_133 = arith.mulf %dot_general3A_132, %dot_general3A_129 : vector<1024x128xf32>
    %add3A_134 = arith.addf %add3A_122, %mul3A_133 : vector<1024x128xf32>
    %swap3A = arith.constant 0 : index
    %swap3A_135 = arith.constant 0 : index
    %swap3A_136 = vector.load %arg5[%swap3A, %swap3A_135] : memref<1024x128xf32, #tpu.memory_space<vmem>>, vector<1024x128xf32>
    tpu.vector_store %arg5[%swap3A, %swap3A_135], %add3A_134 {strides = array<i32>} : memref<1024x128xf32, #tpu.memory_space<vmem>>, vector<1024x128xf32>,
    return
  }
  func.func @transform_0(%arg0: i32) -> (i32, i32) {
    %c0_i32 = arith.constant 0 : i32
    %c0_i32_0 = arith.constant 0 : i32
    return %arg0, %c0_i32 : i32, i32
  }
  func.func @transform_1(%arg0: i32) -> (i32, i32, i32) {
    %c0_i32 = arith.constant 0 : i32
    %c0_i32_0 = arith.constant 0 : i32
    %c0_i32_1 = arith.constant 0 : i32
    return %arg0, %c0_i32, %c0_i32_0 : i32, i32, i32
  }
  func.func @transform_2(%arg0: i32) -> (i32, i32) {
    %c0_i32 = arith.constant 0 : i32
    %c0_i32_0 = arith.constant 0 : i32
    %c0_i32_1 = arith.constant 0 : i32
    return %c0_i32, %c0_i32_0 : i32, i32
  }
  func.func @transform_3(%arg0: i32) -> (i32, i32, i32) {
    %c0_i32 = arith.constant 0 : i32
    %c0_i32_0 = arith.constant 0 : i32
    %c0_i32_1 = arith.constant 0 : i32
    %c0_i32_2 = arith.constant 0 : i32
    return %c0_i32, %c0_i32_0, %c0_i32_1 : i32, i32, i32
  }
  func.func @transform_4(%arg0: i32) -> (i32, i32) {
    %c0_i32 = arith.constant 0 : i32
    %c0_i32_0 = arith.constant 0 : i32
    return %arg0, %c0_i32 : i32, i32
  }
}

</mosaic_0001>

<sc_bundles>
// kernel: kernel.16.cloned.1.call-start
scs
__scs_entry_jumppad:
0x0: {  	(pc) =	sbr.rel $0x88, $3  }
0x1: {  	(tag) =	ssettag $0x0;
	lr =	simm.s32 $0x1  }
0x2: {  	[smem:$0x3F95] =	sst lr;
	_ =	strace $0xD0000000  }
0x3: {  	_ = 	snop  }
0x4: {  	_ = 	snop  }
0x5: {  	_ = 	snop  }
0x6: {  	_ = 	snop  }
0x7: {  	_ = 	snop  }
__scs_overlays_trampoline_lowered:
0x8: {  	[smem:$0x3FA4] =	sst s0  }
0x9: {  	[smem:$0x3FA5] =	sst s1  }
0xa: {  	[smem:$0x3FA6] =	sst s2  }
0xb: {  	[smem:$0x3FA7] =	sst s3  }
0xc: {  	[smem:$0x3FA8] =	sst s4  }
0xd: {  	[smem:$0x3FA9] =	sst s5  }
0xe: {  	[smem:$0x3FAA] =	sst s6  }
0xf: {  	[smem:$0x3FAB] =	sst s7  }
0x10: {  	[smem:$0x3FAC] =	sst s8  }
0x11: {  	[smem:$0x3FAD] =	sst s9;
	s0 =	simm.s32 @!p0 $0x0  }
0x12: {  	s1 =	sld [smem:$0x3F93];
	s0 =	simm.s32 @p0 $0x1  }
0x13: {  	[smem:$0x3FAE] =	sst s0;
	s0 =	simm.s32 @!p1 $0x0  }
0x14: {  	s2 =	sld [smem:$0x3F92];
	s0 =	simm.s32 @p1 $0x1  }
0x15: {  	[smem:$0x3FAF] =	sst s0;
	s0 =	simm.s32 @!p2 $0x0  }
0x16: {  	s3 =	sld [smem:$0x3FDB];
	s0 =	simm.s32 @p2 $0x1  }
0x17: {  	s4 =	simm.s32 $0x1BF5;
	[smem:$0x3FB1] =	sst s0  }
0x18: {  	s0 =	sld [smem:$0x3F94];
	_ =	swait.ge [sflag:s4], $0x0  }
0x19: {  	s7 =	sld [smem:$0x3F95]  }
0x1a: {  	s8 =	sadd.s32 $0xFFFFE003, lr  }
0x1b: {  	s9 =	sadd.s32 $0xFFFFFEF7, lr;
	s5 =	simm.s32 $0xFFFFFFFF;
	p2 =	slt.u32 s8, $0xFFFFF086  }
0x1c: {  	p1 =	slt.u32 s9, $0xF7A;
	s5 =	simm.s32 @!p2 $0x0  }
0x1d: {  	s5 =	simm.s32 @p1 $0x1;
	p0 =	seq.s32 s7, s2  }
0x1e: {  	s7 =	smul.u32 @!p0 $0xF7A, s2;
	p2 =	seq.s32 @!p0 s5, $0x0  }
0x1f: {  	s9 =	smul.u32 $0xF7A, s1;
	s8 =	simm.s32 @!p0 $0x1BF5;
	p2 =	por !p2, p0  }
0x20: {  	[sflag:s8] =	ssyncset.s32 @!p0 $0xFFFFF086;
	s6 =	sadd.s32 @!p0 s3, s7;
	s7 =	simm.s32 @!p0 $0x108  }
0x21: {  	s3 =	sadd.s32 s3, s9;
	s6 =	sadd.s32 @!p0 $0x88, s6;
	s7 =	simm.s32 @p2 $0x1082  }
0x22: {  	[simem:s7], [sflag:s8] =	dma.local @!p0 [hbm:s6], $0xF7A  }
0x23: {  	s9 =	sor.u32 $0xD0000000, s2;
	s6 =	simm.s32 $0x108;
	_ =	swait.ge @!p0 [sflag:s8], $0x0  }
0x24: {  	s3 =	sadd.s32 $0x88, s3;
	s6 =	simm.s32 @!p1 $0x1082;
	[sflag:s4] =	ssyncset.s32 $0xFFFFF086  }
0x25: {  	[simem:s6], [sflag:s4] =	dma.local [hbm:s3], $0xF7A  }
0x26: {  	[smem:$0x3F95] =	sst s1;
	(tag) =	ssettag s2;
	_ =	strace s9  }
0x27: {  	s1 =	sld [smem:$0x3FA5]  }
0x28: {  	s2 =	sld [smem:$0x3FA6]  }
0x29: {  	s4 =	sld [smem:$0x3FA8]  }
0x2a: {  	p0 =	seq.s32 s5, $0x0;
	s5 =	sld [smem:$0x3FA9]  }
0x2b: {  	s6 =	sld [smem:$0x3FAA]  }
0x2c: {  	s7 =	sld [smem:$0x3FAB]  }
0x2d: {  	s3 =	simm.s32 $0x108;
	s8 =	sld [smem:$0x3FAC]  }
0x2e: {  	s3 =	simm.s32 @!p0 $0x1082;
	s9 =	sld [smem:$0x3FAD]  }
0x2f: {  	lr =	sadd.s32 s0, s3;
	s0 =	sld [smem:$0x3FA4]  }
0x30: {  	s3 =	sld [smem:$0x3FA7]  }
0x31: {  	[smem:$0x3FB0] =	sst s10  }
0x32: {  	s10 =	sld [smem:$0x3FAE];
	_ =	sdelay $0x3  }
0x33: {  	p0 =	seq.s32 s10, $0x1;
	s10 =	sld [smem:$0x3FB0];
	_ =	sdelay $0x3  }
0x34: {  	[smem:$0x3FB0] =	sst s10  }
0x35: {  	s10 =	sld [smem:$0x3FAF];
	_ =	sdelay $0x3  }
0x36: {  	p1 =	seq.s32 s10, $0x1;
	s10 =	sld [smem:$0x3FB0];
	_ =	sdelay $0x3  }
0x37: {  	[smem:$0x3FB0] =	sst s10  }
0x38: {  	s10 =	sld [smem:$0x3FB1]  }
0x39: {  	_ = 	snop;
	(pc) =	sbr.ind lr, $3  }
0x3a: {  	_ = 	snop  }
0x3b: {  	_ = 	snop  }
0x3c: {  	p2 =	seq.s32 s10, $0x1;
	s10 =	sld [smem:$0x3FB0]  }
0x3d: {  	_ =	shalt  }
0x3e: {  	_ =	shalt  }
0x3f: {  	_ =	shalt  }
0x40: {  	_ =	shalt  }
0x41: {  	_ =	shalt  }
0x42: {  	_ =	shalt  }
0x43: {  	_ =	shalt  }
0x44: {  	_ =	shalt  }
0x45: {  	_ =	shalt  }
0x46: {  	_ =	shalt  }
0x47: {  	_ =	shalt  }
0x48: {  	_ =	shalt  }
0x49: {  	_ =	shalt  }
0x4a: {  	_ =	shalt  }
0x4b: {  	_ =	shalt  }
0x4c: {  	_ =	shalt  }
0x4d: {  	_ =	shalt  }
0x4e: {  	_ =	shalt  }
0x4f: {  	_ =	shalt  }
0x50: {  	_ =	shalt  }
0x51: {  	_ =	shalt  }
0x52: {  	_ =	shalt  }
0x53: {  	_ =	shalt  }
0x54: {  	_ =	shalt  }
0x55: {  	_ =	shalt  }
0x56: {  	_ =	shalt  }
0x57: {  	_ =	shalt  }
0x58: {  	_ =	shalt  }
0x59: {  	_ =	shalt  }
0x5a: {  	_ =	shalt  }
0x5b: {  	_ =	shalt  }
0x5c: {  	_ =	shalt  }
0x5d: {  	_ =	shalt  }
0x5e: {  	_ =	shalt  }
0x5f: {  	_ =	shalt  }
0x60: {  	_ =	shalt  }
0x61: {  	_ =	shalt  }
0x62: {  	_ =	shalt  }
0x63: {  	_ =	shalt  }
0x64: {  	_ =	shalt  }
0x65: {  	_ =	shalt  }
0x66: {  	_ =	shalt  }
0x67: {  	_ =	shalt  }
0x68: {  	_ =	shalt  }
0x69: {  	_ =	shalt  }
0x6a: {  	_ =	shalt  }
0x6b: {  	_ =	shalt  }
0x6c: {  	_ =	shalt  }
0x6d: {  	_ =	shalt  }
0x6e: {  	_ =	shalt  }
0x6f: {  	_ =	shalt  }
0x70: {  	_ =	shalt  }
0x71: {  	_ =	shalt  }
0x72: {  	_ =	shalt  }
0x73: {  	_ =	shalt  }
0x74: {  	_ =	shalt  }
0x75: {  	_ =	shalt  }
0x76: {  	_ =	shalt  }
0x77: {  	_ =	shalt  }
0x78: {  	_ =	shalt  }
0x79: {  	_ =	shalt  }
0x7a: {  	_ =	shalt  }
0x7b: {  	_ =	shalt  }
0x7c: {  	_ =	shalt  }
0x7d: {  	_ =	shalt  }
0x7e: {  	_ =	shalt  }
0x7f: {  	_ =	shalt  }
0x80: {  	_ =	shalt  }
0x81: {  	_ =	shalt  }
0x82: {  	_ =	shalt  }
0x83: {  	_ =	shalt  }
0x84: {  	_ =	shalt  }
0x85: {  	_ =	shalt  }
0x86: {  	_ =	shalt  }
0x87: {  	_ =	shalt  }
.Lfunc_end0:
.L_simem_size_0:
called_computation_lowered:
.L_overlay_start_0:
0x88: {  	s2 =	sld [smem:$0x3FD9]  }
0x89: {  	s3 =	sld [smem:$0x3FFE];
	_ =	sdelay $0x1  }
0x8a: {  	s1 =	srdreg.scid  }
0x8b: {  	s0 =	sand.u32 $0x1, s1  }
0x8c: {  	s17 =	sshll.u32 s0, $0xA;
	s2 =	sadd.s32 s3, s2  }
0x8d: {  	s2 =	sadd.s32 s2, s17  }
0x8e: {  	[smem:$0x3FBC] =	sst s2  }
0x8f: {  	_ = 	snop  }
0x90: {  	s2 =	sld [smem:$0x3FC5]  }
0x91: {  	s18 =	sld [smem:$0x3FC4]  }
0x92: {  	s4 =	sld [smem:$0x3FD0];
	(tm) =	ssettm $0x1  }
0x93: {  	s5 =	sld [smem:$0x3FFB];
	_ =	sdelay $0x3  }
0x94: {  	_ =	strace s5  }
0x95: {  	s5 =	sld [smem:$0x3FFC];
	_ =	sdelay $0x3  }
0x96: {  	_ =	strace s5  }
0x97: {  	s5 =	sld [smem:$0x3FFD];
	_ =	sdelay $0x3  }
0x98: {  	_ =	strace s5  }
0x99: {  	_ =	strace $0x8FFFFFFF  }
0x9a: {  	s19 =	sld [smem:$0x3FDB];
	_ =	sdelay $0x1  }
0x9b: {  	s6 =	simm.s32 $_scs_section_size  }
0x9c: {  	s7 =	simm.s32 $_size__tile_overlayer_lowered;
	s8 =	simm.s32 $_tile_overlayer_lowered  }
0x9d: {  	s22 =	simm.s32 $0x1BFF;
	s21 =	sshll.u32 s8, $0x1;
	s5 =	sadd.s32 s6, s19  }
0x9e: {  	s9 =	simm.s32 $0x0;
	s20 =	sshll.u32 s7, $0x1;
	s7 =	sadd.s32 s21, s5  }
0x9f: {  	[timem:s9], [sflag:s22] =	dma.local [hbm:s7], s20  }
0xa0: {  	_ =	swait.ge [sflag:s22], s20  }
0xa1: {  	s6 =	ssub.s32 $0x0, s20;
	[sflag:s22] =	ssyncset.done $0x0  }
0xa2: {  	[sflag:s22] =	ssyncadd.s32 s6;
	_ =	sdelay $0x1  }
0xa3: {  	s23 =	simm.s32 $0x1B8B  }
0xa4: {  	_ =	swait.ge [sflag:s23], $0x1  }
0xa5: {  	[sflag:s23] =	ssyncset.done $0x0  }
0xa6: {  	s25 =	simm.s32 $0x1B8E;
	s24 =	sld [smem:$0x3FFE];
	[sflag:s23] =	ssyncadd.s32 $0xFFFFFFFF  }
0xa7: {  	s26 =	simm.s32 $execute0_lowered;
	[smem:$0x3FD2] =	sst s25  }
0xa8: {  	s7 =	sshll.u32 s26, $0x1;
	_ =	strace $0x80000046;
	[dreg:$0x1] =	wrdreg $0xFFFFFFFF  }
0xa9: {  	s28 =	simm.s32 $_size_execute0_lowered;
	s5 =	sadd.s32 s5, s7;
	[dreg:$0x0] =	wrdreg $0x0  }
0xaa: {  	s7 =	sshll.u32 s28, $0x1;
	[dreg:$0x2] =	wrdreg s5  }
0xab: {  	[dreg:$0x3] =	wrdreg s7  }
0xac: {  	[dreg:$0x4] =	wrdreg $0xC0  }
0xad: {  	_ =	task [dreg:s9], $0x5FFFF  }
0xae: {  	[dreg:$0x1] =	wrdreg $0xFFFFFFFF  }
0xaf: {  	[dreg:$0x0] =	wrdreg $0x60  }
0xb0: {  	[dreg:$0x2] =	wrdreg s2  }
0xb1: {  	[dreg:$0x3] =	wrdreg s24  }
0xb2: {  	[dreg:$0x4] =	wrdreg s18  }
0xb3: {  	[dreg:$0x5] =	wrdreg s4  }
0xb4: {  	[dreg:$0x6] =	wrdreg $0x9  }
0xb5: {  	_ =	task.clear_ibuf [dreg:s9], $0x7FFFF;
	_ =	strace $0x90000046  }
0xb6: {  	s29 =	simm.s32 $0x9;
	_ =	strace $0x80000048  }
0xb7: {  	_ =	swait.ge [sflag:s29], $0x1  }
0xb8: {  	[sflag:s29] =	ssyncadd.s32 $0xFFFFFFFF  }
0xb9: {  	_ =	strace $0x90000048  }
0xba: {  	_ =	sfence  }
0xbb: {  	s30 =	sld [smem:$0x0];
	_ =	sdelay $0x2  }
0xbc: {  	s31 =	sshll.u32 s1, $0xD;
	s1 =	sshrl.u32 s1, $0x2  }
0xbd: {  	s3 =	sand.u32 $0x4000, s31;
	s1 =	sadd.s32 s1, s30  }
0xbe: {  	s0 =	sor.u32 s3, s0;
	s1 =	sshll.u32 s1, $0x11  }
0xbf: {  	s0 =	sor.u32 s1, s0  }
0xc0: {  	s0 =	sadd.s32 $0x8F2B, s0  }
0xc1: {  	[sflag:s0] =	ssyncadd.remote.s32 $0x1  }
0xc2: {  	_ =	sfence.sel $0xFFFF  }
0xc3: {  	[dreg:$0x0] =	wrdreg $0xFFFFFFFF;
	(pc) =	sbr.abs _section_cstart, $3  }
0xc4: {  	[dreg:$0x1] =	wrdreg $0xFFFFFFFF  }
0xc5: {  	_ =	task.clear_ibuf [dreg:s9], $0x2FFFF;
	_ =	strace $0x9FFFFFFF  }
0xc6: {  	(tm) =	ssettm $0x7FFFFFFF  }
0xc7: {  	_ =	shalt  }
tec
execute0_lowered:
.L_overlay_start_1:
0x0: {  	(tag) =	ssettag $0x1  }
0x1: {  	s1 =	rddreg [dreg:$0x0]  }
0x2: {  	s5 =	rddreg [dreg:$0x1]  }
0x3: {  	s2 =	srdreg.scid;
	s3 =	rddreg [dreg:$0x2]  }
0x4: {  	s0 =	stileid.u32;
	s14 =	rddreg [dreg:$0x3];
	s4 =	simm.s32 $0x0  }
0x5: {  	s19 =	simm.s32 $0x80;
	s20 =	simm.s32 $0x1700;
	s21 =	simm.s32 $0x1  }
0x6: {  	s22 =	simm.s32 $0x5700;
	s23 =	simm.s32 $0x2;
	s24 =	simm.s32 $0x100  }
0x7: {  	s25 =	simm.s32 $0x200;
	s6 =	sand.u32 $0x1, s2;
	s30 =	sshll.u32 s0, $0x1  }
0x8: {  	s26 =	simm.s32 $0x280;
	s28 =	simm.s32 $0x9700;
	s11 =	sor.u32 s6, s30  }
0x9: {  	s29 =	simm.s32 $0x0;
	s2 =	rddreg [dreg:$0x4];
	s7 =	smul.u32 $0x30, s11  }
0xa: {  	[smem:$0x7FF] =	sst s4;
	s10 =	sadd.s32 $0x12200, s5;
	s8 =	smul.u32 $0x280, s11  }
0xb: {  	s13 =	sadd.s32 $0x42200, s5;
	s6 =	ssub.s32 $0x2, s6;
	s9 =	smul.u32 $0xC000, s11  }
0xc: {  	_ =	strace $0x80000047;
	s31 =	sshrl.u32 s6, $0x1;
	s12 =	smul.u32 $0x1800, s11  }
0xd: {  	s18 =	smul.u32 $0x500, s11;
	s15 =	ssub.s32 s6, s31;
	s7 =	sadd.s32 s7, s5  }
0xe: {  	s8 =	sadd.s32 s8, s5;
	s9 =	sshrl.u32 s9, $0x3;
	s11 =	sadd.s32 s13, s12  }
0xf: {  	s14 =	sadd.s32 s14, s18;
	s15 =	smax.u32 s15, $0x1;
	s18 =	simm.s32 $0x300  }
0x10: {  	s5 =	sadd.s32 $0x11600, s7;
	s6 =	sadd.s32 $0x11C00, s7;
	s7 =	sadd.s32 $0x7600, s8  }
0x11: {  	s8 =	sadd.s32 s10, s12;
	s16 =	sadd.s32 $0x800, s9;
	s17 =	sadd.s32 $0x1000, s9  }
0x12: {  	s9 =	sadd.s32 s10, s16;
	s10 =	sadd.s32 s10, s17;
	s12 =	sadd.s32 s13, s16  }
0x13: {  	v0 =	vimm.f32 $0.0e+00;
	v1 =	vimm.f32 $1.000000000e+00;
	s13 =	sadd.s32 s13, s17;
	s16 =	simm.s32 $0x3;
	s17 =	simm.s32 $0x180  }
.LBB2_1:
0x14: {  	[tilespmem:s4], [sflag:$0x3] =	stream.linear.gather [hbm4b:s5+s4], $0x180, $0x38;
	[tilespmem:$0xBF00] =	vst v63  }
0x15: {  	_ =	swait.ge [sflag:s16], $0x180  }
0x16: {  	[sflag:s16] =	ssyncset.done $0x0  }
0x17: {  	[sflag:s16] =	ssyncadd.s32 $0xFFFFFE80  }
0x18: {  	[tilespmem:s17], [sflag:$0x3] =	stream.linear.gather [hbm4b:s6+s4], $0x180, $0x38;
	[tilespmem:$0xBF00] =	vst v63  }
0x19: {  	_ =	swait.ge [sflag:s16], $0x180  }
0x1a: {  	[sflag:s16] =	ssyncset.done $0x0  }
0x1b: {  	[sflag:s16] =	ssyncadd.s32 $0xFFFFFE80  }
0x1c: {  	[tilespmem:s18], [sflag:$0x3] =	stream.linear.gather [hbm4b:s7+s4], $0x1400, $0x38;
	[tilespmem:$0xBF00] =	vst v63  }
0x1d: {  	_ =	swait.ge [sflag:s16], $0x1400  }
0x1e: {  	[sflag:s16] =	ssyncset.done $0x0  }
0x1f: {  	[sflag:s16] =	ssyncadd.s32 $0xFFFFEC00  }
0x20: {  	[tilespmem:s20], [sflag:$0x1] =	stream.indirect.gather [hbm4b:s1+s19], $0x80, s4, s19, $0xb8;
	[tilespmem:$0xBF00] =	vst v63  }
0x21: {  	_ =	swait.ge [sflag:s21], $0x4000  }
0x22: {  	[sflag:s21] =	ssyncset.done $0x0  }
0x23: {  	[sflag:s21] =	ssyncadd.s32 $0xFFFFC000  }
0x24: {  	[tilespmem:s22], [sflag:$0x2] =	stream.indirect.gather [hbm4b:s1+s19], $0x80, s19, s19, $0xb8;
	[tilespmem:$0xBF00] =	vst v63  }
0x25: {  	_ = 	snop  }
0x26: {  	[hbm4b:s8+s4] =	stream.linear.scatter [tilespmem:s20], [sflag:$0x3], $0x4000, $0x38;
	[tilespmem:$0xBF00] =	vst v63  }
0x27: {  	_ =	swait.ge [sflag:s16], $0x4000  }
0x28: {  	[sflag:s16] =	ssyncset.done $0x0  }
0x29: {  	[sflag:s16] =	ssyncadd.s32 $0xFFFFC000  }
0x2a: {  	_ =	swait.ge [sflag:s23], $0x4000  }
0x2b: {  	[sflag:s23] =	ssyncset.done $0x0  }
0x2c: {  	[sflag:s23] =	ssyncadd.s32 $0xFFFFC000  }
0x2d: {  	[tilespmem:s20], [sflag:$0x1] =	stream.indirect.gather [hbm4b:s1+s19], $0x80, s24, s19, $0xb8;
	[tilespmem:$0xBF00] =	vst v63  }
0x2e: {  	_ = 	snop  }
0x2f: {  	[hbm4b:s9+s4] =	stream.linear.scatter [tilespmem:s22], [sflag:$0x3], $0x4000, $0x38;
	[tilespmem:$0xBF00] =	vst v63  }
0x30: {  	_ =	swait.ge [sflag:s16], $0x4000  }
0x31: {  	[sflag:s16] =	ssyncset.done $0x0  }
0x32: {  	[sflag:s16] =	ssyncadd.s32 $0xFFFFC000  }
0x33: {  	_ =	swait.ge [sflag:s21], $0x4000  }
0x34: {  	[sflag:s21] =	ssyncset.done $0x0  }
0x35: {  	[sflag:s21] =	ssyncadd.s32 $0xFFFFC000  }
0x36: {  	[tilespmem:s22], [sflag:$0x2] =	stream.indirect.gather [hbm4b:s3+s19], $0x80, s17, s19, $0xb8;
	[tilespmem:$0xBF00] =	vst v63  }
0x37: {  	_ = 	snop  }
0x38: {  	[hbm4b:s10+s4] =	stream.linear.scatter [tilespmem:s20], [sflag:$0x3], $0x4000, $0x38;
	[tilespmem:$0xBF00] =	vst v63  }
0x39: {  	_ =	swait.ge [sflag:s16], $0x4000  }
0x3a: {  	[sflag:s16] =	ssyncset.done $0x0  }
0x3b: {  	[sflag:s16] =	ssyncadd.s32 $0xFFFFC000  }
0x3c: {  	_ =	swait.ge [sflag:s23], $0x4000  }
0x3d: {  	[sflag:s23] =	ssyncset.done $0x0  }
0x3e: {  	[sflag:s23] =	ssyncadd.s32 $0xFFFFC000  }
0x3f: {  	[tilespmem:s20], [sflag:$0x1] =	stream.indirect.gather [hbm4b:s3+s19], $0x80, s25, s19, $0xb8;
	[tilespmem:$0xBF00] =	vst v63  }
0x40: {  	_ = 	snop  }
0x41: {  	[hbm4b:s11+s4] =	stream.linear.scatter [tilespmem:s22], [sflag:$0x3], $0x4000, $0x38;
	[tilespmem:$0xBF00] =	vst v63  }
0x42: {  	_ =	swait.ge [sflag:s16], $0x4000  }
0x43: {  	[sflag:s16] =	ssyncset.done $0x0  }
0x44: {  	[sflag:s16] =	ssyncadd.s32 $0xFFFFC000  }
0x45: {  	_ =	swait.ge [sflag:s21], $0x4000  }
0x46: {  	[sflag:s21] =	ssyncset.done $0x0  }
0x47: {  	[sflag:s21] =	ssyncadd.s32 $0xFFFFC000  }
0x48: {  	[tilespmem:s22], [sflag:$0x2] =	stream.indirect.gather [hbm4b:s3+s19], $0x80, s26, s19, $0xb8;
	[tilespmem:$0xBF00] =	vst v63  }
0x49: {  	_ = 	snop  }
0x4a: {  	[hbm4b:s12+s4] =	stream.linear.scatter [tilespmem:s20], [sflag:$0x3], $0x4000, $0x38;
	[tilespmem:$0xBF00] =	vst v63  }
0x4b: {  	_ =	swait.ge [sflag:s16], $0x4000  }
0x4c: {  	[sflag:s16] =	ssyncset.done $0x0  }
0x4d: {  	[sflag:s16] =	ssyncadd.s32 $0xFFFFC000  }
0x4e: {  	_ =	swait.ge [sflag:s23], $0x4000  }
0x4f: {  	[sflag:s23] =	ssyncset.done $0x0  }
0x50: {  	[sflag:s23] =	ssyncadd.s32 $0xFFFFC000  }
0x51: {  	[hbm4b:s13+s4] =	stream.linear.scatter [tilespmem:s22], [sflag:$0x3], $0x4000, $0x38;
	[tilespmem:$0xBF00] =	vst v63  }
0x52: {  	_ =	swait.ge [sflag:s16], $0x4000  }
0x53: {  	[sflag:s16] =	ssyncset.done $0x0  }
0x54: {  	s30 =	simm.s32 $0x0;
	[sflag:s16] =	ssyncadd.s32 $0xFFFFC000  }
.LBB2_2:
0x55: {  	p0 =	sne.s32 s30, $0x9FC0  }
.Ltmp0:
0x56: {  	_ = 	snop;
	(pc) =	sbr.rel @p0 .LBB2_2-.Ltmp0, $3  }
0x57: {  	_ =	sdelay $0x1  }
0x58: {  	s31 =	sshra.s32 s30, $0x2  }
0x59: {  	s30 =	sadd.s32 $0x40, s30;
	[tilespmem:s31+$0x9700] =	vst v0  }
0x5a: {  	s31 =	simm.s32 $0x0;
	s30 =	simm.s32 $0x40  }
.LBB2_4:
0x5b: {  	p0 =	sne.s32 s30, $0x4FC0;
	v2 =	vld [tilespmem:s31+$0x300];
	_ =	sdelay $0x3  }
.Ltmp1:
0x5c: {  	(pc) =	sbr.rel @p0 .LBB2_4-.Ltmp1, $2  }
0x5d: {  	_ =	sdelay $0x2  }
0x5e: {  	s31 =	sshra.s32 s30, $0x2;
	s30 =	sadd.s32 $0x40, s30;
	[tilespmem:v2+s28+$0x0] =	vst.idx.add.f32.msk $0xffff, v1  }
0x5f: {  	v2 =	vld [tilespmem:s31+$0x300];
	_ =	sdelay $0x5  }
0x60: {  	s29 =	sadd.s32 $0x1, s29  }
0x61: {  	p0 =	sne.s32 s29, s15  }
.Ltmp2:
0x62: {  	[tilespmem:v2+s28+$0x0] =	vst.idx.add.f32.msk $0xffff, v1;
	(pc) =	sbr.rel @p0 .LBB2_1-.Ltmp2, $4  }
0x63: {  	[hbm4b:s14+s4] =	stream.linear.scatter [tilespmem:s28], [sflag:$0x3], $0x2800, $0x38;
	[tilespmem:$0xBF00] =	vst v63  }
0x64: {  	_ =	swait.ge [sflag:s16], $0x2800  }
0x65: {  	[sflag:s16] =	ssyncset.done $0x0  }
0x66: {  	[sflag:s16] =	ssyncadd.s32 $0xFFFFD800  }
0x67: {  	_ =	sfence.sel $0x180000  }
0x68: {  	[bflag:$0x0] =	sbarrier.arrive $0xFFFF  }
0x69: {  	p0 =	sne.s32 s0, $0x0;
	_ =	strace $0x90000047  }
0x6a: {  	s0 =	sadd.s32 @!p0 $0x100000, s2;
	[bflag:$0x2] =	sbarrier.arrive $0xFFFF  }
0x6b: {  	[sflag:s0] =	ssyncadd.tile.s32 @!p0 $0x1;
	_ =	shalt  }
.Lfunc_end2:
_tile_overlayer_lowered:
.L_overlay_start_2:
0x6c: {  	(tag) =	ssettag $0x2  }
0x6d: {  	s0 =	rddreg [dreg:$0x0];
	s2 =	stileid.u32  }
0x6e: {  	s1 =	rddreg [dreg:$0x1];
	p0 =	sne.s32 s2, $0x0  }
0x6f: {  	s3 =	rddreg [dreg:$0x2];
	[bflag:$0x3] =	sbarrier.arrive $0xFFFF;
	s2 =	simm.s32 @!p0 $0x1C03  }
0x70: {  	[timem:s3], [sflag:s2] =	dma.local @!p0 [hbm:s0], s1  }
0x71: {  	s0 =	simm.s32 @!p0 $0x3  }
0x72: {  	_ =	swait.ge @!p0 [sflag:s0], s1  }
0x73: {  	s1 =	ssub.s32 @!p0 $0x0, s1;
	[sflag:s0] =	ssyncset.done @!p0 $0x0  }
0x74: {  	[sflag:s0] =	ssyncadd.s32 @!p0 s1  }
0x75: {  	[bflag:$0x3] =	sbarrier.arrive $0xFFFF  }
0x76: {  	_ =	shalt  }

// kernel: kernel.19.cloned.1.call-start
scs
__scs_entry_jumppad:
0x0: {  	(pc) =	sbr.rel $0x88, $3  }
0x1: {  	(tag) =	ssettag $0x0;
	lr =	simm.s32 $0x1  }
0x2: {  	[smem:$0x3F95] =	sst lr;
	_ =	strace $0xD0000000  }
0x3: {  	_ = 	snop  }
0x4: {  	_ = 	snop  }
0x5: {  	_ = 	snop  }
0x6: {  	_ = 	snop  }
0x7: {  	_ = 	snop  }
__scs_overlays_trampoline_lowered:
0x8: {  	[smem:$0x3FA4] =	sst s0  }
0x9: {  	[smem:$0x3FA5] =	sst s1  }
0xa: {  	[smem:$0x3FA6] =	sst s2  }
0xb: {  	[smem:$0x3FA7] =	sst s3  }
0xc: {  	[smem:$0x3FA8] =	sst s4  }
0xd: {  	[smem:$0x3FA9] =	sst s5  }
0xe: {  	[smem:$0x3FAA] =	sst s6  }
0xf: {  	[smem:$0x3FAB] =	sst s7  }
0x10: {  	[smem:$0x3FAC] =	sst s8  }
0x11: {  	[smem:$0x3FAD] =	sst s9;
	s0 =	simm.s32 @!p0 $0x0  }
0x12: {  	s1 =	sld [smem:$0x3F93];
	s0 =	simm.s32 @p0 $0x1  }
0x13: {  	[smem:$0x3FAE] =	sst s0;
	s0 =	simm.s32 @!p1 $0x0  }
0x14: {  	s2 =	sld [smem:$0x3F92];
	s0 =	simm.s32 @p1 $0x1  }
0x15: {  	[smem:$0x3FAF] =	sst s0;
	s0 =	simm.s32 @!p2 $0x0  }
0x16: {  	s3 =	sld [smem:$0x3FDB];
	s0 =	simm.s32 @p2 $0x1  }
0x17: {  	s4 =	simm.s32 $0x1BF5;
	[smem:$0x3FB1] =	sst s0  }
0x18: {  	s0 =	sld [smem:$0x3F94];
	_ =	swait.ge [sflag:s4], $0x0  }
0x19: {  	s7 =	sld [smem:$0x3F95]  }
0x1a: {  	s8 =	sadd.s32 $0xFFFFE003, lr  }
0x1b: {  	s9 =	sadd.s32 $0xFFFFFEF7, lr;
	s5 =	simm.s32 $0xFFFFFFFF;
	p2 =	slt.u32 s8, $0xFFFFF086  }
0x1c: {  	p1 =	slt.u32 s9, $0xF7A;
	s5 =	simm.s32 @!p2 $0x0  }
0x1d: {  	s5 =	simm.s32 @p1 $0x1;
	p0 =	seq.s32 s7, s2  }
0x1e: {  	s7 =	smul.u32 @!p0 $0xF7A, s2;
	p2 =	seq.s32 @!p0 s5, $0x0  }
0x1f: {  	s9 =	smul.u32 $0xF7A, s1;
	s8 =	simm.s32 @!p0 $0x1BF5;
	p2 =	por !p2, p0  }
0x20: {  	[sflag:s8] =	ssyncset.s32 @!p0 $0xFFFFF086;
	s6 =	sadd.s32 @!p0 s3, s7;
	s7 =	simm.s32 @!p0 $0x108  }
0x21: {  	s3 =	sadd.s32 s3, s9;
	s6 =	sadd.s32 @!p0 $0x88, s6;
	s7 =	simm.s32 @p2 $0x1082  }
0x22: {  	[simem:s7], [sflag:s8] =	dma.local @!p0 [hbm:s6], $0xF7A  }
0x23: {  	s9 =	sor.u32 $0xD0000000, s2;
	s6 =	simm.s32 $0x108;
	_ =	swait.ge @!p0 [sflag:s8], $0x0  }
0x24: {  	s3 =	sadd.s32 $0x88, s3;
	s6 =	simm.s32 @!p1 $0x1082;
	[sflag:s4] =	ssyncset.s32 $0xFFFFF086  }
0x25: {  	[simem:s6], [sflag:s4] =	dma.local [hbm:s3], $0xF7A  }
0x26: {  	[smem:$0x3F95] =	sst s1;
	(tag) =	ssettag s2;
	_ =	strace s9  }
0x27: {  	s1 =	sld [smem:$0x3FA5]  }
0x28: {  	s2 =	sld [smem:$0x3FA6]  }
0x29: {  	s4 =	sld [smem:$0x3FA8]  }
0x2a: {  	p0 =	seq.s32 s5, $0x0;
	s5 =	sld [smem:$0x3FA9]  }
0x2b: {  	s6 =	sld [smem:$0x3FAA]  }
0x2c: {  	s7 =	sld [smem:$0x3FAB]  }
0x2d: {  	s3 =	simm.s32 $0x108;
	s8 =	sld [smem:$0x3FAC]  }
0x2e: {  	s3 =	simm.s32 @!p0 $0x1082;
	s9 =	sld [smem:$0x3FAD]  }
0x2f: {  	lr =	sadd.s32 s0, s3;
	s0 =	sld [smem:$0x3FA4]  }
0x30: {  	s3 =	sld [smem:$0x3FA7]  }
0x31: {  	[smem:$0x3FB0] =	sst s10  }
0x32: {  	s10 =	sld [smem:$0x3FAE];
	_ =	sdelay $0x3  }
0x33: {  	p0 =	seq.s32 s10, $0x1;
	s10 =	sld [smem:$0x3FB0];
	_ =	sdelay $0x3  }
0x34: {  	[smem:$0x3FB0] =	sst s10  }
0x35: {  	s10 =	sld [smem:$0x3FAF];
	_ =	sdelay $0x3  }
0x36: {  	p1 =	seq.s32 s10, $0x1;
	s10 =	sld [smem:$0x3FB0];
	_ =	sdelay $0x3  }
0x37: {  	[smem:$0x3FB0] =	sst s10  }
0x38: {  	s10 =	sld [smem:$0x3FB1]  }
0x39: {  	_ = 	snop;
	(pc) =	sbr.ind lr, $3  }
0x3a: {  	_ = 	snop  }
0x3b: {  	_ = 	snop  }
0x3c: {  	p2 =	seq.s32 s10, $0x1;
	s10 =	sld [smem:$0x3FB0]  }
0x3d: {  	_ =	shalt  }
0x3e: {  	_ =	shalt  }
0x3f: {  	_ =	shalt  }
0x40: {  	_ =	shalt  }
0x41: {  	_ =	shalt  }
0x42: {  	_ =	shalt  }
0x43: {  	_ =	shalt  }
0x44: {  	_ =	shalt  }
0x45: {  	_ =	shalt  }
0x46: {  	_ =	shalt  }
0x47: {  	_ =	shalt  }
0x48: {  	_ =	shalt  }
0x49: {  	_ =	shalt  }
0x4a: {  	_ =	shalt  }
0x4b: {  	_ =	shalt  }
0x4c: {  	_ =	shalt  }
0x4d: {  	_ =	shalt  }
0x4e: {  	_ =	shalt  }
0x4f: {  	_ =	shalt  }
0x50: {  	_ =	shalt  }
0x51: {  	_ =	shalt  }
0x52: {  	_ =	shalt  }
0x53: {  	_ =	shalt  }
0x54: {  	_ =	shalt  }
0x55: {  	_ =	shalt  }
0x56: {  	_ =	shalt  }
0x57: {  	_ =	shalt  }
0x58: {  	_ =	shalt  }
0x59: {  	_ =	shalt  }
0x5a: {  	_ =	shalt  }
0x5b: {  	_ =	shalt  }
0x5c: {  	_ =	shalt  }
0x5d: {  	_ =	shalt  }
0x5e: {  	_ =	shalt  }
0x5f: {  	_ =	shalt  }
0x60: {  	_ =	shalt  }
0x61: {  	_ =	shalt  }
0x62: {  	_ =	shalt  }
0x63: {  	_ =	shalt  }
0x64: {  	_ =	shalt  }
0x65: {  	_ =	shalt  }
0x66: {  	_ =	shalt  }
0x67: {  	_ =	shalt  }
0x68: {  	_ =	shalt  }
0x69: {  	_ =	shalt  }
0x6a: {  	_ =	shalt  }
0x6b: {  	_ =	shalt  }
0x6c: {  	_ =	shalt  }
0x6d: {  	_ =	shalt  }
0x6e: {  	_ =	shalt  }
0x6f: {  	_ =	shalt  }
0x70: {  	_ =	shalt  }
0x71: {  	_ =	shalt  }
0x72: {  	_ =	shalt  }
0x73: {  	_ =	shalt  }
0x74: {  	_ =	shalt  }
0x75: {  	_ =	shalt  }
0x76: {  	_ =	shalt  }
0x77: {  	_ =	shalt  }
0x78: {  	_ =	shalt  }
0x79: {  	_ =	shalt  }
0x7a: {  	_ =	shalt  }
0x7b: {  	_ =	shalt  }
0x7c: {  	_ =	shalt  }
0x7d: {  	_ =	shalt  }
0x7e: {  	_ =	shalt  }
0x7f: {  	_ =	shalt  }
0x80: {  	_ =	shalt  }
0x81: {  	_ =	shalt  }
0x82: {  	_ =	shalt  }
0x83: {  	_ =	shalt  }
0x84: {  	_ =	shalt  }
0x85: {  	_ =	shalt  }
0x86: {  	_ =	shalt  }
0x87: {  	_ =	shalt  }
.Lfunc_end0:
.L_simem_size_0:
called_computation.1_lowered:
.L_overlay_start_0:
0x88: {  	s2 =	sld [smem:$0x3FD9]  }
0x89: {  	s3 =	sld [smem:$0x3FFE];
	_ =	sdelay $0x1  }
0x8a: {  	s1 =	srdreg.scid  }
0x8b: {  	s0 =	sand.u32 $0x1, s1  }
0x8c: {  	s16 =	sshll.u32 s0, $0xA;
	s2 =	sadd.s32 s3, s2  }
0x8d: {  	s2 =	sadd.s32 s2, s16  }
0x8e: {  	[smem:$0x3FBC] =	sst s2  }
0x8f: {  	_ = 	snop  }
0x90: {  	(tm) =	ssettm $0x1  }
0x91: {  	s17 =	sld [smem:$0x3FFB];
	_ =	sdelay $0x3  }
0x92: {  	_ =	strace s17  }
0x93: {  	s2 =	sld [smem:$0x3FFC];
	_ =	sdelay $0x3  }
0x94: {  	_ =	strace s2  }
0x95: {  	s2 =	sld [smem:$0x3FFD];
	_ =	sdelay $0x3  }
0x96: {  	_ =	strace s2  }
0x97: {  	_ =	strace $0x8FFFFFFF  }
0x98: {  	s18 =	sld [smem:$0x3FDB];
	_ =	sdelay $0x1  }
0x99: {  	s19 =	simm.s32 $_scs_section_size  }
0x9a: {  	s4 =	simm.s32 $_size__tile_overlayer_lowered;
	s5 =	simm.s32 $_tile_overlayer_lowered  }
0x9b: {  	s22 =	simm.s32 $0x1BFF;
	s21 =	sshll.u32 s5, $0x1;
	s2 =	sadd.s32 s19, s18  }
0x9c: {  	s6 =	simm.s32 $0x0;
	s20 =	sshll.u32 s4, $0x1;
	s4 =	sadd.s32 s21, s2  }
0x9d: {  	[timem:s6], [sflag:s22] =	dma.local [hbm:s4], s20  }
0x9e: {  	_ =	swait.ge [sflag:s22], s20  }
0x9f: {  	s3 =	ssub.s32 $0x0, s20;
	[sflag:s22] =	ssyncset.done $0x0  }
0xa0: {  	[sflag:s22] =	ssyncadd.s32 s3;
	_ =	sdelay $0x1  }
0xa1: {  	s23 =	simm.s32 $0x1B8B  }
0xa2: {  	_ =	swait.ge [sflag:s23], $0x1  }
0xa3: {  	[sflag:s23] =	ssyncset.done $0x0  }
0xa4: {  	s25 =	simm.s32 $0x1B8E;
	s24 =	sld [smem:$0x3FFE];
	[sflag:s23] =	ssyncadd.s32 $0xFFFFFFFF  }
0xa5: {  	s26 =	simm.s32 $execute0_lowered;
	[smem:$0x3FD2] =	sst s25  }
0xa6: {  	s4 =	sshll.u32 s26, $0x1;
	_ =	strace $0x80000049;
	[dreg:$0x1] =	wrdreg $0xFFFFFFFF  }
0xa7: {  	s28 =	simm.s32 $_size_execute0_lowered;
	s2 =	sadd.s32 s2, s4;
	[dreg:$0x0] =	wrdreg $0x0  }
0xa8: {  	s4 =	sshll.u32 s28, $0x1;
	[dreg:$0x2] =	wrdreg s2  }
0xa9: {  	[dreg:$0x3] =	wrdreg s4  }
0xaa: {  	[dreg:$0x4] =	wrdreg $0xC0  }
0xab: {  	_ =	task [dreg:s6], $0x5FFFF  }
0xac: {  	[dreg:$0x1] =	wrdreg $0xFFFFFFFF  }
0xad: {  	[dreg:$0x0] =	wrdreg $0x60  }
0xae: {  	[dreg:$0x2] =	wrdreg s24  }
0xaf: {  	[dreg:$0x3] =	wrdreg $0x0  }
0xb0: {  	[dreg:$0x4] =	wrdreg $0x9  }
0xb1: {  	_ =	task.clear_ibuf [dreg:s6], $0x5FFFF;
	_ =	strace $0x90000049  }
0xb2: {  	s29 =	simm.s32 $0x9;
	_ =	strace $0x8000004B  }
0xb3: {  	_ =	swait.ge [sflag:s29], $0x1  }
0xb4: {  	[sflag:s29] =	ssyncadd.s32 $0xFFFFFFFF  }
0xb5: {  	_ =	strace $0x9000004B  }
0xb6: {  	_ =	sfence  }
0xb7: {  	s30 =	sld [smem:$0x0];
	_ =	sdelay $0x2  }
0xb8: {  	s31 =	sshll.u32 s1, $0xD;
	s1 =	sshrl.u32 s1, $0x2  }
0xb9: {  	s3 =	sand.u32 $0x4000, s31;
	s1 =	sadd.s32 s1, s30  }
0xba: {  	s0 =	sor.u32 s3, s0;
	s1 =	sshll.u32 s1, $0x11  }
0xbb: {  	s0 =	sor.u32 s1, s0  }
0xbc: {  	s0 =	sadd.s32 $0x8F2B, s0  }
0xbd: {  	[sflag:s0] =	ssyncadd.remote.s32 $0x1  }
0xbe: {  	_ =	sfence.sel $0xFFFF  }
0xbf: {  	[dreg:$0x0] =	wrdreg $0xFFFFFFFF;
	(pc) =	sbr.abs _section_cstart, $3  }
0xc0: {  	[dreg:$0x1] =	wrdreg $0xFFFFFFFF  }
0xc1: {  	_ =	task.clear_ibuf [dreg:s6], $0x2FFFF;
	_ =	strace $0x9FFFFFFF  }
0xc2: {  	(tm) =	ssettm $0x7FFFFFFF  }
0xc3: {  	_ =	shalt  }
tec
execute0_lowered:
.L_overlay_start_1:
0x0: {  	(tag) =	ssettag $0x1  }
0x1: {  	s4 =	rddreg [dreg:$0x0]  }
0x2: {  	s2 =	rddreg [dreg:$0x1];
	s1 =	stileid.u32  }
0x3: {  	s3 =	srdreg.scid;
	s0 =	rddreg [dreg:$0x2]  }
0x4: {  	s14 =	simm.s32 $0x80;
	s15 =	simm.s32 $0x15400;
	s16 =	simm.s32 $0x2  }
0x5: {  	s17 =	simm.s32 $0x19400;
	s18 =	simm.s32 $0x0;
	s6 =	smul.u32 $0x2800, s1  }
0x6: {  	s7 =	sand.u32 $0x1, s3;
	s5 =	sshll.u32 s1, $0x1;
	s9 =	smul.u32 $0x50000, s1  }
0x7: {  	s3 =	simm.s32 $0x0;
	s31 =	sshll.u32 s1, $0x6;
	s12 =	smul.u32 $0x28000, s1  }
0x8: {  	s5 =	sor.u32 s7, s5;
	[smem:$0x7FF] =	sst s3;
	s13 =	smul.u32 $0x14000, s7  }
0x9: {  	s10 =	ssub.s32 $0x2, s7;
	s8 =	smul.u32 $0x280, s5;
	_ =	strace $0x8000004A  }
0xa: {  	s6 =	sadd.s32 s6, s4;
	s11 =	sshrl.u32 s10, $0x1;
	s9 =	sshrl.u32 s9, $0x2  }
0xb: {  	s30 =	smul.u32 $0x14000, s5;
	s10 =	ssub.s32 s10, s11;
	s29 =	sadd.s32 s9, s2  }
0xc: {  	s5 =	sadd.s32 $0x11600, s6;
	s8 =	sadd.s32 s8, s4;
	s4 =	sadd.s32 $0x77200, s4  }
0xd: {  	s6 =	sor.u32 $0x1C03, s31;
	s11 =	sshrl.u32 s29, $0x3;
	s9 =	sadd.s32 s4, s30  }
0xe: {  	s7 =	sadd.s32 $0x72200, s8;
	s8 =	smax.u32 s10, $0x1;
	s10 =	sadd.s32 s13, s12  }
0xf: {  	s12 =	simm.s32 $0x3;
	s13 =	simm.s32 $0x14000;
	s9 =	sadd.s32 $0x13800, s9  }
.LBB2_1:
0x10: {  	[spmem:s11], [sflag:s6] =	dma.local [hbm:s5], $0x2800  }
0x11: {  	_ =	swait.ge [sflag:s12], $0x2800  }
0x12: {  	[sflag:s12] =	ssyncset.done $0x0  }
0x13: {  	[sflag:s12] =	ssyncadd.s32 $0xFFFFD800  }
0x14: {  	[tilespmem:s13], [sflag:$0x3] =	stream.linear.gather [hbm4b:s7+s3], $0x1400, $0x38;
	[tilespmem:$0x1D400] =	vst v63  }
0x15: {  	_ =	swait.ge [sflag:s12], $0x1400  }
0x16: {  	s19 =	sand.u32 $0x1, s3;
	[sflag:s12] =	ssyncset.done $0x0  }
0x17: {  	p0 =	seq.s32 s19, $0x1;
	[sflag:s12] =	ssyncadd.s32 $0xFFFFEC00  }
0x18: {  	s19 =	simm.s32 @p0 $0x2;
	[bflag:$0x0] =	sbarrier.arrive $0xFFFF  }
0x19: {  	[tilespmem:s15], [sflag:$0x1] =	stream.indirect.gather [spmem:s2], $0x80, s13, s14, $0xb8;
	[tilespmem:$0x1D400] =	vst v63  }
0x1a: {  	_ =	swait.ge @p0 [sflag:s19], $0x4000  }
0x1b: {  	s20 =	simm.s32 $0x14080;
	s22 =	simm.s32 @!p0 $0x1;
	[sflag:s19] =	ssyncset.done @p0 $0x0  }
0x1c: {  	s21 =	simm.s32 @p0 $0x15400;
	[sflag:s19] =	ssyncadd.s32 @p0 $0xFFFFC000;
	s19 =	simm.s32 @p0 $0x80  }
0x1d: {  	[tilespmem:s21], [sflag:$0x1] =	stream.indirect.gather @p0 [spmem:s2], $0x80, s20, s19, $0xb8;
	[tilespmem:$0x1D400] =	vst v63  }
0x1e: {  	s23 =	simm.s32 @p0 $0x19400;
	s19 =	sadd.s32 @p0 s10, s4;
	s21 =	simm.s32 @p0 $0x0  }
0x1f: {  	[hbm4b:s19+s21] =	stream.linear.scatter @p0 [tilespmem:s23], [sflag:$0x3], $0x4000, $0x38;
	[tilespmem:$0x1D400] =	vst v63  }
0x20: {  	s31 =	simm.s32 $0x1;
	s24 =	simm.s32 @!p0 $0x19400;
	_ =	swait.ge @!p0 [sflag:s22], $0x4000  }
0x21: {  	s19 =	sand.u32 @!p0 $0x1FFFF000, s10;
	s21 =	simm.s32 @!p0 $0x4;
	[sflag:s22] =	ssyncset.done @!p0 $0x0  }
0x22: {  	s19 =	sadd.s32 @!p0 s4, s19;
	[sflag:s22] =	ssyncadd.s32 @!p0 $0xFFFFC000;
	s22 =	simm.s32 @!p0 $0x80  }
0x23: {  	[tilespmem:s24], [sflag:$0x2] =	stream.indirect.gather @!p0 [spmem:s2], $0x80, s20, s22, $0xb8;
	[tilespmem:$0x1D400] =	vst v63  }
0x24: {  	s21 =	simm.s32 @p0 $0x3;
	s20 =	simm.s32 @!p0 $0x0;
	s22 =	simm.s32 @!p0 $0x15400  }
0x25: {  	[hbm4b:s19+s20] =	stream.linear.scatter @!p0 [tilespmem:s22], [sflag:$0x4], $0x4000, $0x38;
	[tilespmem:$0x1D400] =	vst v63  }
0x26: {  	s23 =	sand.u32 $0x1, s31;
	s22 =	simm.s32 $0x2;
	_ =	swait.ge [sflag:s21], $0x4000  }
0x27: {  	s19 =	simm.s32 $0x14100;
	s20 =	sadd.s32 $0x800, s10;
	[sflag:s21] =	ssyncset.done $0x0  }
.LBB2_2:
0x28: {  	p0 =	seq.s32 s23, $0x1  }
0x29: {  	[sflag:s21] =	ssyncadd.s32 $0xFFFFC000;
	s23 =	smov.u32 s22;
	s22 =	sadd.s32 $0x1, s22  }
0x2a: {  	s24 =	simm.s32 @p0 $0x2;
	s25 =	sand.u32 @!p0 $0x1FFFF000, s20;
	s21 =	simm.s32 @!p0 $0x4  }
0x2b: {  	p1 =	sne.s32 s22, $0x27;
	_ =	swait.ge @p0 [sflag:s24], $0x4000;
	s25 =	sadd.s32 @!p0 s4, s25  }
0x2c: {  	s26 =	simm.s32 @!p0 $0x1;
	[sflag:s24] =	ssyncset.done @p0 $0x0  }
0x2d: {  	s28 =	simm.s32 @p0 $0x15400;
	[sflag:s24] =	ssyncadd.s32 @p0 $0xFFFFC000;
	s24 =	simm.s32 @p0 $0x80  }
0x2e: {  	[tilespmem:s28], [sflag:$0x1] =	stream.indirect.gather @p0 [spmem:s2], $0x80, s19, s24, $0xb8;
	[tilespmem:$0x1D400] =	vst v63  }
0x2f: {  	s29 =	simm.s32 @p0 $0x19400;
	s24 =	sadd.s32 @p0 s20, s4;
	s28 =	simm.s32 @p0 $0x0  }
0x30: {  	[hbm4b:s24+s28] =	stream.linear.scatter @p0 [tilespmem:s29], [sflag:$0x3], $0x4000, $0x38;
	[tilespmem:$0x1D400] =	vst v63  }
0x31: {  	_ =	swait.ge @!p0 [sflag:s26], $0x4000  }
0x32: {  	[sflag:s26] =	ssyncset.done @!p0 $0x0  }
0x33: {  	s24 =	simm.s32 @!p0 $0x80;
	[sflag:s26] =	ssyncadd.s32 @!p0 $0xFFFFC000;
	s26 =	simm.s32 @!p0 $0x19400  }
0x34: {  	[tilespmem:s26], [sflag:$0x2] =	stream.indirect.gather @!p0 [spmem:s2], $0x80, s19, s24, $0xb8;
	[tilespmem:$0x1D400] =	vst v63  }
.Ltmp0:
0x35: {  	_ = 	snop;
	(pc) =	sbr.rel @p1 .LBB2_2-.Ltmp0, $4  }
0x36: {  	s21 =	simm.s32 @p0 $0x3;
	s24 =	simm.s32 @!p0 $0x0;
	s26 =	simm.s32 @!p0 $0x15400  }
0x37: {  	[hbm4b:s25+s24] =	stream.linear.scatter @!p0 [tilespmem:s26], [sflag:$0x4], $0x4000, $0x38;
	[tilespmem:$0x1D400] =	vst v63  }
0x38: {  	s19 =	sadd.s32 $0x80, s19;
	_ =	swait.ge [sflag:s21], $0x4000  }
0x39: {  	s23 =	sand.u32 $0x1, s23;
	s20 =	sadd.s32 $0x800, s20;
	[sflag:s21] =	ssyncset.done $0x0  }
0x3a: {  	p0 =	seq.s32 s23, $0x1  }
0x3b: {  	[sflag:s21] =	ssyncadd.s32 $0xFFFFC000;
	s21 =	simm.s32 @p0 $0x2  }
0x3c: {  	_ =	swait.ge @p0 [sflag:s21], $0x4000  }
0x3d: {  	s22 =	simm.s32 @!p0 $0x1;
	[sflag:s21] =	ssyncset.done @p0 $0x0  }
0x3e: {  	s23 =	simm.s32 @p0 $0x15400;
	[sflag:s21] =	ssyncadd.s32 @p0 $0xFFFFC000;
	s21 =	simm.s32 @p0 $0x80  }
0x3f: {  	[tilespmem:s23], [sflag:$0x1] =	stream.indirect.gather @p0 [spmem:s2], $0x80, s19, s21, $0xb8;
	[tilespmem:$0x1D400] =	vst v63  }
0x40: {  	s24 =	simm.s32 @p0 $0x19400;
	s21 =	sadd.s32 @p0 s20, s4;
	s23 =	simm.s32 @p0 $0x0  }
0x41: {  	[hbm4b:s21+s23] =	stream.linear.scatter @p0 [tilespmem:s24], [sflag:$0x3], $0x4000, $0x38;
	[tilespmem:$0x1D400] =	vst v63  }
0x42: {  	s20 =	sand.u32 @!p0 $0x1FFFF000, s20;
	_ =	swait.ge @!p0 [sflag:s22], $0x4000  }
0x43: {  	s20 =	sadd.s32 @!p0 s4, s20;
	s21 =	simm.s32 @!p0 $0x4;
	[sflag:s22] =	ssyncset.done @!p0 $0x0  }
0x44: {  	s23 =	simm.s32 @!p0 $0x19400;
	[sflag:s22] =	ssyncadd.s32 @!p0 $0xFFFFC000;
	s22 =	simm.s32 @!p0 $0x80  }
0x45: {  	[tilespmem:s23], [sflag:$0x2] =	stream.indirect.gather @!p0 [spmem:s2], $0x80, s19, s22, $0xb8;
	[tilespmem:$0x1D400] =	vst v63  }
0x46: {  	s21 =	simm.s32 @p0 $0x3;
	s19 =	simm.s32 @!p0 $0x0;
	s22 =	simm.s32 @!p0 $0x15400  }
0x47: {  	[hbm4b:s20+s19] =	stream.linear.scatter @!p0 [tilespmem:s22], [sflag:$0x4], $0x4000, $0x38;
	[tilespmem:$0x1D400] =	vst v63  }
0x48: {  	_ =	swait.ge [sflag:s21], $0x4000  }
0x49: {  	[sflag:s21] =	ssyncset.done $0x0  }
0x4a: {  	[sflag:s21] =	ssyncadd.s32 $0xFFFFC000  }
0x4b: {  	s18 =	sadd.s32 $0x1, s18;
	_ =	swait.ge [sflag:s16], $0x4000  }
0x4c: {  	p0 =	sne.s32 s18, s8;
	[sflag:s16] =	ssyncset.done $0x0  }
.Ltmp1:
0x4d: {  	[sflag:s16] =	ssyncadd.s32 $0xFFFFC000;
	(pc) =	sbr.rel @p0 .LBB2_1-.Ltmp1, $4  }
0x4e: {  	[hbm4b:s9+s3] =	stream.linear.scatter [tilespmem:s17], [sflag:$0x3], $0x4000, $0x38;
	[tilespmem:$0x1D400] =	vst v63  }
0x4f: {  	_ =	swait.ge [sflag:s12], $0x4000  }
0x50: {  	[sflag:s12] =	ssyncset.done $0x0  }
0x51: {  	[sflag:s12] =	ssyncadd.s32 $0xFFFFC000  }
0x52: {  	_ =	sfence.sel $0x180000  }
0x53: {  	[bflag:$0x0] =	sbarrier.arrive $0xFFFF  }
0x54: {  	p0 =	sne.s32 s1, $0x0;
	_ =	strace $0x9000004A  }
0x55: {  	s0 =	sadd.s32 @!p0 $0x100000, s0;
	[bflag:$0x2] =	sbarrier.arrive $0xFFFF  }
0x56: {  	[sflag:s0] =	ssyncadd.tile.s32 @!p0 $0x1;
	_ =	shalt  }
.Lfunc_end2:
_tile_overlayer_lowered:
.L_overlay_start_2:
0x57: {  	(tag) =	ssettag $0x2  }
0x58: {  	s0 =	rddreg [dreg:$0x0];
	s2 =	stileid.u32  }
0x59: {  	s1 =	rddreg [dreg:$0x1];
	p0 =	sne.s32 s2, $0x0  }
0x5a: {  	s3 =	rddreg [dreg:$0x2];
	[bflag:$0x3] =	sbarrier.arrive $0xFFFF;
	s2 =	simm.s32 @!p0 $0x1C03  }
0x5b: {  	[timem:s3], [sflag:s2] =	dma.local @!p0 [hbm:s0], s1  }
0x5c: {  	s0 =	simm.s32 @!p0 $0x3  }
0x5d: {  	_ =	swait.ge @!p0 [sflag:s0], s1  }
0x5e: {  	s1 =	ssub.s32 @!p0 $0x0, s1;
	[sflag:s0] =	ssyncset.done @!p0 $0x0  }
0x5f: {  	[sflag:s0] =	ssyncadd.s32 @!p0 s1  }
0x60: {  	[bflag:$0x3] =	sbarrier.arrive $0xFFFF  }
0x61: {  	_ =	shalt  }

// kernel: kernel.22.cloned.1.call-start
scs
__scs_entry_jumppad:
0x0: {  	(pc) =	sbr.rel $0x88, $3  }
0x1: {  	(tag) =	ssettag $0x0;
	lr =	simm.s32 $0x1  }
0x2: {  	[smem:$0x3F95] =	sst lr;
	_ =	strace $0xD0000000  }
0x3: {  	_ = 	snop  }
0x4: {  	_ = 	snop  }
0x5: {  	_ = 	snop  }
0x6: {  	_ = 	snop  }
0x7: {  	_ = 	snop  }
__scs_overlays_trampoline_lowered:
0x8: {  	[smem:$0x3FA4] =	sst s0  }
0x9: {  	[smem:$0x3FA5] =	sst s1  }
0xa: {  	[smem:$0x3FA6] =	sst s2  }
0xb: {  	[smem:$0x3FA7] =	sst s3  }
0xc: {  	[smem:$0x3FA8] =	sst s4  }
0xd: {  	[smem:$0x3FA9] =	sst s5  }
0xe: {  	[smem:$0x3FAA] =	sst s6  }
0xf: {  	[smem:$0x3FAB] =	sst s7  }
0x10: {  	[smem:$0x3FAC] =	sst s8  }
0x11: {  	[smem:$0x3FAD] =	sst s9;
	s0 =	simm.s32 @!p0 $0x0  }
0x12: {  	s1 =	sld [smem:$0x3F93];
	s0 =	simm.s32 @p0 $0x1  }
0x13: {  	[smem:$0x3FAE] =	sst s0;
	s0 =	simm.s32 @!p1 $0x0  }
0x14: {  	s2 =	sld [smem:$0x3F92];
	s0 =	simm.s32 @p1 $0x1  }
0x15: {  	[smem:$0x3FAF] =	sst s0;
	s0 =	simm.s32 @!p2 $0x0  }
0x16: {  	s3 =	sld [smem:$0x3FDB];
	s0 =	simm.s32 @p2 $0x1  }
0x17: {  	s4 =	simm.s32 $0x1BF5;
	[smem:$0x3FB1] =	sst s0  }
0x18: {  	s0 =	sld [smem:$0x3F94];
	_ =	swait.ge [sflag:s4], $0x0  }
0x19: {  	s7 =	sld [smem:$0x3F95]  }
0x1a: {  	s8 =	sadd.s32 $0xFFFFE003, lr  }
0x1b: {  	s9 =	sadd.s32 $0xFFFFFEF7, lr;
	s5 =	simm.s32 $0xFFFFFFFF;
	p2 =	slt.u32 s8, $0xFFFFF086  }
0x1c: {  	p1 =	slt.u32 s9, $0xF7A;
	s5 =	simm.s32 @!p2 $0x0  }
0x1d: {  	s5 =	simm.s32 @p1 $0x1;
	p0 =	seq.s32 s7, s2  }
0x1e: {  	s7 =	smul.u32 @!p0 $0xF7A, s2;
	p2 =	seq.s32 @!p0 s5, $0x0  }
0x1f: {  	s9 =	smul.u32 $0xF7A, s1;
	s8 =	simm.s32 @!p0 $0x1BF5;
	p2 =	por !p2, p0  }
0x20: {  	[sflag:s8] =	ssyncset.s32 @!p0 $0xFFFFF086;
	s6 =	sadd.s32 @!p0 s3, s7;
	s7 =	simm.s32 @!p0 $0x108  }
0x21: {  	s3 =	sadd.s32 s3, s9;
	s6 =	sadd.s32 @!p0 $0x88, s6;
	s7 =	simm.s32 @p2 $0x1082  }
0x22: {  	[simem:s7], [sflag:s8] =	dma.local @!p0 [hbm:s6], $0xF7A  }
0x23: {  	s9 =	sor.u32 $0xD0000000, s2;
	s6 =	simm.s32 $0x108;
	_ =	swait.ge @!p0 [sflag:s8], $0x0  }
0x24: {  	s3 =	sadd.s32 $0x88, s3;
	s6 =	simm.s32 @!p1 $0x1082;
	[sflag:s4] =	ssyncset.s32 $0xFFFFF086  }
0x25: {  	[simem:s6], [sflag:s4] =	dma.local [hbm:s3], $0xF7A  }
0x26: {  	[smem:$0x3F95] =	sst s1;
	(tag) =	ssettag s2;
	_ =	strace s9  }
0x27: {  	s1 =	sld [smem:$0x3FA5]  }
0x28: {  	s2 =	sld [smem:$0x3FA6]  }
0x29: {  	s4 =	sld [smem:$0x3FA8]  }
0x2a: {  	p0 =	seq.s32 s5, $0x0;
	s5 =	sld [smem:$0x3FA9]  }
0x2b: {  	s6 =	sld [smem:$0x3FAA]  }
0x2c: {  	s7 =	sld [smem:$0x3FAB]  }
0x2d: {  	s3 =	simm.s32 $0x108;
	s8 =	sld [smem:$0x3FAC]  }
0x2e: {  	s3 =	simm.s32 @!p0 $0x1082;
	s9 =	sld [smem:$0x3FAD]  }
0x2f: {  	lr =	sadd.s32 s0, s3;
	s0 =	sld [smem:$0x3FA4]  }
0x30: {  	s3 =	sld [smem:$0x3FA7]  }
0x31: {  	[smem:$0x3FB0] =	sst s10  }
0x32: {  	s10 =	sld [smem:$0x3FAE];
	_ =	sdelay $0x3  }
0x33: {  	p0 =	seq.s32 s10, $0x1;
	s10 =	sld [smem:$0x3FB0];
	_ =	sdelay $0x3  }
0x34: {  	[smem:$0x3FB0] =	sst s10  }
0x35: {  	s10 =	sld [smem:$0x3FAF];
	_ =	sdelay $0x3  }
0x36: {  	p1 =	seq.s32 s10, $0x1;
	s10 =	sld [smem:$0x3FB0];
	_ =	sdelay $0x3  }
0x37: {  	[smem:$0x3FB0] =	sst s10  }
0x38: {  	s10 =	sld [smem:$0x3FB1]  }
0x39: {  	_ = 	snop;
	(pc) =	sbr.ind lr, $3  }
0x3a: {  	_ = 	snop  }
0x3b: {  	_ = 	snop  }
0x3c: {  	p2 =	seq.s32 s10, $0x1;
	s10 =	sld [smem:$0x3FB0]  }
0x3d: {  	_ =	shalt  }
0x3e: {  	_ =	shalt  }
0x3f: {  	_ =	shalt  }
0x40: {  	_ =	shalt  }
0x41: {  	_ =	shalt  }
0x42: {  	_ =	shalt  }
0x43: {  	_ =	shalt  }
0x44: {  	_ =	shalt  }
0x45: {  	_ =	shalt  }
0x46: {  	_ =	shalt  }
0x47: {  	_ =	shalt  }
0x48: {  	_ =	shalt  }
0x49: {  	_ =	shalt  }
0x4a: {  	_ =	shalt  }
0x4b: {  	_ =	shalt  }
0x4c: {  	_ =	shalt  }
0x4d: {  	_ =	shalt  }
0x4e: {  	_ =	shalt  }
0x4f: {  	_ =	shalt  }
0x50: {  	_ =	shalt  }
0x51: {  	_ =	shalt  }
0x52: {  	_ =	shalt  }
0x53: {  	_ =	shalt  }
0x54: {  	_ =	shalt  }
0x55: {  	_ =	shalt  }
0x56: {  	_ =	shalt  }
0x57: {  	_ =	shalt  }
0x58: {  	_ =	shalt  }
0x59: {  	_ =	shalt  }
0x5a: {  	_ =	shalt  }
0x5b: {  	_ =	shalt  }
0x5c: {  	_ =	shalt  }
0x5d: {  	_ =	shalt  }
0x5e: {  	_ =	shalt  }
0x5f: {  	_ =	shalt  }
0x60: {  	_ =	shalt  }
0x61: {  	_ =	shalt  }
0x62: {  	_ =	shalt  }
0x63: {  	_ =	shalt  }
0x64: {  	_ =	shalt  }
0x65: {  	_ =	shalt  }
0x66: {  	_ =	shalt  }
0x67: {  	_ =	shalt  }
0x68: {  	_ =	shalt  }
0x69: {  	_ =	shalt  }
0x6a: {  	_ =	shalt  }
0x6b: {  	_ =	shalt  }
0x6c: {  	_ =	shalt  }
0x6d: {  	_ =	shalt  }
0x6e: {  	_ =	shalt  }
0x6f: {  	_ =	shalt  }
0x70: {  	_ =	shalt  }
0x71: {  	_ =	shalt  }
0x72: {  	_ =	shalt  }
0x73: {  	_ =	shalt  }
0x74: {  	_ =	shalt  }
0x75: {  	_ =	shalt  }
0x76: {  	_ =	shalt  }
0x77: {  	_ =	shalt  }
0x78: {  	_ =	shalt  }
0x79: {  	_ =	shalt  }
0x7a: {  	_ =	shalt  }
0x7b: {  	_ =	shalt  }
0x7c: {  	_ =	shalt  }
0x7d: {  	_ =	shalt  }
0x7e: {  	_ =	shalt  }
0x7f: {  	_ =	shalt  }
0x80: {  	_ =	shalt  }
0x81: {  	_ =	shalt  }
0x82: {  	_ =	shalt  }
0x83: {  	_ =	shalt  }
0x84: {  	_ =	shalt  }
0x85: {  	_ =	shalt  }
0x86: {  	_ =	shalt  }
0x87: {  	_ =	shalt  }
.Lfunc_end0:
.L_simem_size_0:
called_computation.2_lowered:
.L_overlay_start_0:
0x88: {  	s2 =	sld [smem:$0x3FD9]  }
0x89: {  	s3 =	sld [smem:$0x3FFE];
	_ =	sdelay $0x1  }
0x8a: {  	s1 =	srdreg.scid  }
0x8b: {  	s0 =	sand.u32 $0x1, s1  }
0x8c: {  	s16 =	sshll.u32 s0, $0xA;
	s2 =	sadd.s32 s3, s2  }
0x8d: {  	s2 =	sadd.s32 s2, s16  }
0x8e: {  	[smem:$0x3FBC] =	sst s2  }
0x8f: {  	_ = 	snop  }
0x90: {  	(tm) =	ssettm $0x1  }
0x91: {  	s17 =	sld [smem:$0x3FFB];
	_ =	sdelay $0x3  }
0x92: {  	_ =	strace s17  }
0x93: {  	s2 =	sld [smem:$0x3FFC];
	_ =	sdelay $0x3  }
0x94: {  	_ =	strace s2  }
0x95: {  	s2 =	sld [smem:$0x3FFD];
	_ =	sdelay $0x3  }
0x96: {  	_ =	strace s2  }
0x97: {  	_ =	strace $0x8FFFFFFF  }
0x98: {  	s18 =	sld [smem:$0x3FDB];
	_ =	sdelay $0x1  }
0x99: {  	s19 =	simm.s32 $_scs_section_size  }
0x9a: {  	s4 =	simm.s32 $_size__tile_overlayer_lowered;
	s5 =	simm.s32 $_tile_overlayer_lowered  }
0x9b: {  	s22 =	simm.s32 $0x1BFF;
	s21 =	sshll.u32 s5, $0x1;
	s2 =	sadd.s32 s19, s18  }
0x9c: {  	s6 =	simm.s32 $0x0;
	s20 =	sshll.u32 s4, $0x1;
	s4 =	sadd.s32 s21, s2  }
0x9d: {  	[timem:s6], [sflag:s22] =	dma.local [hbm:s4], s20  }
0x9e: {  	_ =	swait.ge [sflag:s22], s20  }
0x9f: {  	s3 =	ssub.s32 $0x0, s20;
	[sflag:s22] =	ssyncset.done $0x0  }
0xa0: {  	[sflag:s22] =	ssyncadd.s32 s3;
	_ =	sdelay $0x1  }
0xa1: {  	s23 =	simm.s32 $0x1B8B  }
0xa2: {  	_ =	swait.ge [sflag:s23], $0x1  }
0xa3: {  	[sflag:s23] =	ssyncset.done $0x0  }
0xa4: {  	s25 =	simm.s32 $0x1B8E;
	s24 =	sld [smem:$0x3FFE];
	[sflag:s23] =	ssyncadd.s32 $0xFFFFFFFF  }
0xa5: {  	s26 =	simm.s32 $execute0_lowered;
	[smem:$0x3FD2] =	sst s25  }
0xa6: {  	s4 =	sshll.u32 s26, $0x1;
	_ =	strace $0x8000004C;
	[dreg:$0x1] =	wrdreg $0xFFFFFFFF  }
0xa7: {  	s28 =	simm.s32 $_size_execute0_lowered;
	s2 =	sadd.s32 s2, s4;
	[dreg:$0x0] =	wrdreg $0x0  }
0xa8: {  	s4 =	sshll.u32 s28, $0x1;
	[dreg:$0x2] =	wrdreg s2  }
0xa9: {  	[dreg:$0x3] =	wrdreg s4  }
0xaa: {  	[dreg:$0x4] =	wrdreg $0xC0  }
0xab: {  	_ =	task [dreg:s6], $0x5FFFF  }
0xac: {  	[dreg:$0x1] =	wrdreg $0xFFFFFFFF  }
0xad: {  	[dreg:$0x0] =	wrdreg $0x60  }
0xae: {  	[dreg:$0x2] =	wrdreg s24  }
0xaf: {  	[dreg:$0x3] =	wrdreg $0x0  }
0xb0: {  	[dreg:$0x4] =	wrdreg $0x9  }
0xb1: {  	_ =	task.clear_ibuf [dreg:s6], $0x5FFFF;
	_ =	strace $0x9000004C  }
0xb2: {  	s29 =	simm.s32 $0x9;
	_ =	strace $0x8000004E  }
0xb3: {  	_ =	swait.ge [sflag:s29], $0x1  }
0xb4: {  	[sflag:s29] =	ssyncadd.s32 $0xFFFFFFFF  }
0xb5: {  	_ =	strace $0x9000004E  }
0xb6: {  	_ =	sfence  }
0xb7: {  	s30 =	sld [smem:$0x0];
	_ =	sdelay $0x2  }
0xb8: {  	s31 =	sshll.u32 s1, $0xD;
	s1 =	sshrl.u32 s1, $0x2  }
0xb9: {  	s3 =	sand.u32 $0x4000, s31;
	s1 =	sadd.s32 s1, s30  }
0xba: {  	s0 =	sor.u32 s3, s0;
	s1 =	sshll.u32 s1, $0x11  }
0xbb: {  	s0 =	sor.u32 s1, s0  }
0xbc: {  	s0 =	sadd.s32 $0x8F2B, s0  }
0xbd: {  	[sflag:s0] =	ssyncadd.remote.s32 $0x1  }
0xbe: {  	_ =	sfence.sel $0xFFFF  }
0xbf: {  	[dreg:$0x0] =	wrdreg $0xFFFFFFFF;
	(pc) =	sbr.abs _section_cstart, $3  }
0xc0: {  	[dreg:$0x1] =	wrdreg $0xFFFFFFFF  }
0xc1: {  	_ =	task.clear_ibuf [dreg:s6], $0x2FFFF;
	_ =	strace $0x9FFFFFFF  }
0xc2: {  	(tm) =	ssettm $0x7FFFFFFF  }
0xc3: {  	_ =	shalt  }
tec
execute0_lowered:
.L_overlay_start_1:
0x0: {  	(tag) =	ssettag $0x1  }
0x1: {  	s1 =	srdreg.scid;
	s4 =	rddreg [dreg:$0x0]  }
0x2: {  	s0 =	stileid.u32;
	s2 =	rddreg [dreg:$0x1];
	s3 =	simm.s32 $0x0  }
0x3: {  	s16 =	simm.s32 $0x15400;
	s17 =	simm.s32 $0x19400;
	s18 =	simm.s32 $0x1  }
0x4: {  	s19 =	simm.s32 $0x80;
	s20 =	simm.s32 $0x2;
	s21 =	simm.s32 $0x3  }
0x5: {  	s22 =	simm.s32 $0x4;
	s5 =	sand.u32 $0x1, s1;
	s8 =	smul.u32 $0x14000, s0  }
0x6: {  	s23 =	sshll.u32 s0, $0x1;
	s1 =	rddreg [dreg:$0x2];
	s24 =	smul.u32 $0x50000, s0  }
0x7: {  	[smem:$0x7FF] =	sst s3;
	s11 =	sadd.s32 $0x2F7200, s4;
	s26 =	smul.u32 $0x50, s0  }
0x8: {  	s30 =	sshll.u32 s0, $0x6;
	s6 =	sor.u32 s5, s23;
	s9 =	smul.u32 $0x140000, s5  }
0x9: {  	_ =	strace $0x8000004D;
	s12 =	ssub.s32 $0x2, s5;
	s29 =	smul.u32 $0x28, s5  }
0xa: {  	s5 =	sor.u32 $0x1C05, s30;
	s23 =	simm.s32 $0x15300;
	s7 =	smul.u32 $0x280, s6  }
0xb: {  	s10 =	sshrl.u32 s8, $0x3;
	s6 =	smul.u32 $0x14000, s6;
	s25 =	sshrl.u32 s12, $0x1  }
0xc: {  	s28 =	sshrl.u32 s24, $0x2;
	s24 =	simm.s32 $0x15380;
	s10 =	sadd.s32 s10, s4  }
0xd: {  	s8 =	sadd.s32 s8, s9;
	s12 =	ssub.s32 s12, s25;
	s14 =	sadd.s32 s28, s2  }
0xe: {  	s9 =	sadd.s32 s29, s26;
	s25 =	simm.s32 $0x0;
	s7 =	sadd.s32 s7, s4  }
0xf: {  	s8 =	sshrl.u32 s8, $0x3;
	s6 =	sadd.s32 s11, s6;
	s15 =	sshll.u32 s9, $0xB  }
0x10: {  	s13 =	sadd.s32 s8, s4;
	s4 =	sadd.s32 $0x3F400, s10;
	s7 =	sadd.s32 $0xC600, s7  }
0x11: {  	s8 =	sadd.s32 $0x800, s6;
	s10 =	smax.u32 s12, $0x1;
	s31 =	sadd.s32 s15, s11  }
0x12: {  	s15 =	simm.s32 $0x14000;
	s9 =	sadd.s32 $0x77200, s13;
	s11 =	sadd.s32 $0x1800, s31  }
0x13: {  	s12 =	sadd.s32 $0x1000, s31;
	s13 =	sshrl.u32 s14, $0x3;
	s14 =	simm.s32 $0x5  }
.LBB2_1:
0x14: {  	[spmem:s13], [sflag:s5] =	dma.local [hbm:s4], $0x2800  }
0x15: {  	_ =	swait.ge [sflag:s14], $0x2800  }
0x16: {  	[sflag:s14] =	ssyncset.done $0x0  }
0x17: {  	[sflag:s14] =	ssyncadd.s32 $0xFFFFD800  }
0x18: {  	[tilespmem:s15], [sflag:$0x5] =	stream.linear.gather [hbm4b:s7+s3], $0x1400, $0x38;
	[tilespmem:$0x1D400] =	vst v63  }
0x19: {  	_ =	swait.ge [sflag:s14], $0x1400  }
0x1a: {  	[sflag:s14] =	ssyncset.done $0x0  }
0x1b: {  	[sflag:s14] =	ssyncadd.s32 $0xFFFFEC00  }
0x1c: {  	[bflag:$0x0] =	sbarrier.arrive $0xFFFF  }
0x1d: {  	[tilespmem:s16], [sflag:$0x1] =	stream.linear.gather [hbm4b:s6+s3], $0x4000, $0x38;
	[tilespmem:$0x1D400] =	vst v63  }
0x1e: {  	_ = 	snop  }
0x1f: {  	[tilespmem:s17], [sflag:$0x2] =	stream.linear.gather [hbm4b:s8+s3], $0x4000, $0x38;
	[tilespmem:$0x1D400] =	vst v63  }
0x20: {  	_ =	swait.ge [sflag:s18], $0x4000  }
0x21: {  	[sflag:s18] =	ssyncset.done $0x0  }
0x22: {  	s26 =	simm.s32 $0x14000;
	[sflag:s18] =	ssyncadd.s32 $0xFFFFC000  }
0x23: {  	[spmem:s2] =	stream.indirect.scatter.add.f32 [tilespmem:s16], [sflag:$0x3], $0x80, s26, s19, $0xb8;
	[tilespmem:$0x1D400] =	vst v63  }
0x24: {  	_ =	swait.ge [sflag:s20], $0x4000  }
0x25: {  	[sflag:s20] =	ssyncset.done $0x0  }
0x26: {  	s30 =	simm.s32 $0x14080;
	[sflag:s20] =	ssyncadd.s32 $0xFFFFC000  }
0x27: {  	[spmem:s2] =	stream.indirect.scatter.add.f32 [tilespmem:s17], [sflag:$0x4], $0x80, s30, s19, $0xb8;
	[tilespmem:$0x1D400] =	vst v63  }
0x28: {  	_ =	swait.ge [sflag:s21], $0x4000  }
0x29: {  	[sflag:s21] =	ssyncset.done $0x0  }
0x2a: {  	s31 =	sadd.s32 $0x0, s12;
	[sflag:s21] =	ssyncadd.s32 $0xFFFFC000  }
0x2b: {  	[tilespmem:s16], [sflag:$0x1] =	stream.linear.gather [hbm4b:s31+s3], $0x4000, $0x38;
	[tilespmem:$0x1D400] =	vst v63  }
0x2c: {  	_ =	swait.ge [sflag:s22], $0x4000  }
0x2d: {  	s29 =	sadd.s32 $0x0, s11;
	[sflag:s22] =	ssyncset.done $0x0  }
0x2e: {  	s28 =	simm.s32 $0x14180;
	s26 =	simm.s32 $0x1000;
	[sflag:s22] =	ssyncadd.s32 $0xFFFFC000  }
.LBB2_2:
0x2f: {  	[tilespmem:s17], [sflag:$0x2] =	stream.linear.gather [hbm4b:s29+s3], $0x4000, $0x38;
	[tilespmem:$0x1D400] =	vst v63  }
0x30: {  	s29 =	smov.u32 s26  }
0x31: {  	p0 =	sne.s32 s26, $0x12000;
	s26 =	sadd.s32 $0x1000, s26;
	_ =	swait.ge [sflag:s18], $0x4000  }
0x32: {  	[sflag:s18] =	ssyncset.done $0x0  }
0x33: {  	s30 =	sadd.s32 $0xFFFFFF80, s28;
	[sflag:s18] =	ssyncadd.s32 $0xFFFFC000  }
0x34: {  	[spmem:s2] =	stream.indirect.scatter.add.f32 [tilespmem:s16], [sflag:$0x3], $0x80, s30, s19, $0xb8;
	[tilespmem:$0x1D400] =	vst v63  }
0x35: {  	_ =	swait.ge [sflag:s20], $0x4000  }
0x36: {  	[sflag:s20] =	ssyncset.done $0x0  }
0x37: {  	[sflag:s20] =	ssyncadd.s32 $0xFFFFC000  }
0x38: {  	[spmem:s2] =	stream.indirect.scatter.add.f32 [tilespmem:s17], [sflag:$0x4], $0x80, s28, s19, $0xb8;
	[tilespmem:$0x1D400] =	vst v63  }
0x39: {  	_ =	swait.ge [sflag:s21], $0x4000  }
0x3a: {  	[sflag:s21] =	ssyncset.done $0x0  }
.Ltmp0:
0x3b: {  	s30 =	sadd.s32 s29, s12;
	[sflag:s21] =	ssyncadd.s32 $0xFFFFC000;
	(pc) =	sbr.rel @p0 .LBB2_2-.Ltmp0, $4  }
0x3c: {  	[tilespmem:s16], [sflag:$0x1] =	stream.linear.gather [hbm4b:s30+s3], $0x4000, $0x38;
	[tilespmem:$0x1D400] =	vst v63  }
0x3d: {  	_ =	swait.ge [sflag:s22], $0x4000  }
0x3e: {  	[sflag:s22] =	ssyncset.done $0x0  }
0x3f: {  	s29 =	sadd.s32 s29, s11;
	s28 =	sadd.s32 $0x100, s28;
	[sflag:s22] =	ssyncadd.s32 $0xFFFFC000  }
0x40: {  	[tilespmem:s17], [sflag:$0x2] =	stream.linear.gather [hbm4b:s29+s3], $0x4000, $0x38;
	[tilespmem:$0x1D400] =	vst v63  }
0x41: {  	_ =	swait.ge [sflag:s18], $0x4000  }
0x42: {  	[sflag:s18] =	ssyncset.done $0x0  }
0x43: {  	[sflag:s18] =	ssyncadd.s32 $0xFFFFC000  }
0x44: {  	[spmem:s2] =	stream.indirect.scatter.add.f32 [tilespmem:s16], [sflag:$0x3], $0x80, s23, s19, $0xb8;
	[tilespmem:$0x1D400] =	vst v63  }
0x45: {  	_ =	swait.ge [sflag:s20], $0x4000  }
0x46: {  	[sflag:s20] =	ssyncset.done $0x0  }
0x47: {  	[sflag:s20] =	ssyncadd.s32 $0xFFFFC000  }
0x48: {  	[spmem:s2] =	stream.indirect.scatter.add.f32 [tilespmem:s17], [sflag:$0x4], $0x80, s24, s19, $0xb8;
	[tilespmem:$0x1D400] =	vst v63  }
0x49: {  	_ =	swait.ge [sflag:s21], $0x4000  }
0x4a: {  	[sflag:s21] =	ssyncset.done $0x0  }
0x4b: {  	[sflag:s21] =	ssyncadd.s32 $0xFFFFC000  }
0x4c: {  	_ =	swait.ge [sflag:s22], $0x4000  }
0x4d: {  	s25 =	sadd.s32 $0x1, s25;
	[sflag:s22] =	ssyncset.done $0x0  }
0x4e: {  	p0 =	sne.s32 s25, s10;
	[sflag:s22] =	ssyncadd.s32 $0xFFFFC000  }
.Ltmp1:
0x4f: {  	[bflag:$0x0] =	sbarrier.arrive $0xFFFF;
	(pc) =	sbr.rel @p0 .LBB2_1-.Ltmp1, $4  }
0x50: {  	[hbm:s9], [sflag:s5] =	dma.local [spmem:s13], $0x2800  }
0x51: {  	_ =	swait.ge [sflag:s14], $0x2800  }
0x52: {  	[sflag:s14] =	ssyncset.done $0x0  }
0x53: {  	[sflag:s14] =	ssyncadd.s32 $0xFFFFD800  }
0x54: {  	_ =	sfence.sel $0x180000  }
0x55: {  	[bflag:$0x0] =	sbarrier.arrive $0xFFFF  }
0x56: {  	p0 =	sne.s32 s0, $0x0;
	_ =	strace $0x9000004D  }
0x57: {  	s0 =	sadd.s32 @!p0 $0x100000, s1;
	[bflag:$0x2] =	sbarrier.arrive $0xFFFF  }
0x58: {  	[sflag:s0] =	ssyncadd.tile.s32 @!p0 $0x1;
	_ =	shalt  }
.Lfunc_end2:
_tile_overlayer_lowered:
.L_overlay_start_2:
0x59: {  	(tag) =	ssettag $0x2  }
0x5a: {  	s0 =	rddreg [dreg:$0x0];
	s2 =	stileid.u32  }
0x5b: {  	s1 =	rddreg [dreg:$0x1];
	p0 =	sne.s32 s2, $0x0  }
0x5c: {  	s3 =	rddreg [dreg:$0x2];
	[bflag:$0x3] =	sbarrier.arrive $0xFFFF;
	s2 =	simm.s32 @!p0 $0x1C05  }
0x5d: {  	[timem:s3], [sflag:s2] =	dma.local @!p0 [hbm:s0], s1  }
0x5e: {  	s0 =	simm.s32 @!p0 $0x5  }
0x5f: {  	_ =	swait.ge @!p0 [sflag:s0], s1  }
0x60: {  	s1 =	ssub.s32 @!p0 $0x0, s1;
	[sflag:s0] =	ssyncset.done @!p0 $0x0  }
0x61: {  	[sflag:s0] =	ssyncadd.s32 @!p0 s1  }
0x62: {  	[bflag:$0x3] =	sbarrier.arrive $0xFFFF  }
0x63: {  	_ =	shalt  }

// kernel: kernel.25.cloned.1.call-start
scs
__scs_entry_jumppad:
0x0: {  	(pc) =	sbr.rel $0x88, $3  }
0x1: {  	(tag) =	ssettag $0x0;
	lr =	simm.s32 $0x1  }
0x2: {  	[smem:$0x3F95] =	sst lr;
	_ =	strace $0xD0000000  }
0x3: {  	_ = 	snop  }
0x4: {  	_ = 	snop  }
0x5: {  	_ = 	snop  }
0x6: {  	_ = 	snop  }
0x7: {  	_ = 	snop  }
__scs_overlays_trampoline_lowered:
0x8: {  	[smem:$0x3FA4] =	sst s0  }
0x9: {  	[smem:$0x3FA5] =	sst s1  }
0xa: {  	[smem:$0x3FA6] =	sst s2  }
0xb: {  	[smem:$0x3FA7] =	sst s3  }
0xc: {  	[smem:$0x3FA8] =	sst s4  }
0xd: {  	[smem:$0x3FA9] =	sst s5  }
0xe: {  	[smem:$0x3FAA] =	sst s6  }
0xf: {  	[smem:$0x3FAB] =	sst s7  }
0x10: {  	[smem:$0x3FAC] =	sst s8  }
0x11: {  	[smem:$0x3FAD] =	sst s9;
	s0 =	simm.s32 @!p0 $0x0  }
0x12: {  	s1 =	sld [smem:$0x3F93];
	s0 =	simm.s32 @p0 $0x1  }
0x13: {  	[smem:$0x3FAE] =	sst s0;
	s0 =	simm.s32 @!p1 $0x0  }
0x14: {  	s2 =	sld [smem:$0x3F92];
	s0 =	simm.s32 @p1 $0x1  }
0x15: {  	[smem:$0x3FAF] =	sst s0;
	s0 =	simm.s32 @!p2 $0x0  }
0x16: {  	s3 =	sld [smem:$0x3FDB];
	s0 =	simm.s32 @p2 $0x1  }
0x17: {  	s4 =	simm.s32 $0x1BF5;
	[smem:$0x3FB1] =	sst s0  }
0x18: {  	s0 =	sld [smem:$0x3F94];
	_ =	swait.ge [sflag:s4], $0x0  }
0x19: {  	s7 =	sld [smem:$0x3F95]  }
0x1a: {  	s8 =	sadd.s32 $0xFFFFE003, lr  }
0x1b: {  	s9 =	sadd.s32 $0xFFFFFEF7, lr;
	s5 =	simm.s32 $0xFFFFFFFF;
	p2 =	slt.u32 s8, $0xFFFFF086  }
0x1c: {  	p1 =	slt.u32 s9, $0xF7A;
	s5 =	simm.s32 @!p2 $0x0  }
0x1d: {  	s5 =	simm.s32 @p1 $0x1;
	p0 =	seq.s32 s7, s2  }
0x1e: {  	s7 =	smul.u32 @!p0 $0xF7A, s2;
	p2 =	seq.s32 @!p0 s5, $0x0  }
0x1f: {  	s9 =	smul.u32 $0xF7A, s1;
	s8 =	simm.s32 @!p0 $0x1BF5;
	p2 =	por !p2, p0  }
0x20: {  	[sflag:s8] =	ssyncset.s32 @!p0 $0xFFFFF086;
	s6 =	sadd.s32 @!p0 s3, s7;
	s7 =	simm.s32 @!p0 $0x108  }
0x21: {  	s3 =	sadd.s32 s3, s9;
	s6 =	sadd.s32 @!p0 $0x88, s6;
	s7 =	simm.s32 @p2 $0x1082  }
0x22: {  	[simem:s7], [sflag:s8] =	dma.local @!p0 [hbm:s6], $0xF7A  }
0x23: {  	s9 =	sor.u32 $0xD0000000, s2;
	s6 =	simm.s32 $0x108;
	_ =	swait.ge @!p0 [sflag:s8], $0x0  }
0x24: {  	s3 =	sadd.s32 $0x88, s3;
	s6 =	simm.s32 @!p1 $0x1082;
	[sflag:s4] =	ssyncset.s32 $0xFFFFF086  }
0x25: {  	[simem:s6], [sflag:s4] =	dma.local [hbm:s3], $0xF7A  }
0x26: {  	[smem:$0x3F95] =	sst s1;
	(tag) =	ssettag s2;
	_ =	strace s9  }
0x27: {  	s1 =	sld [smem:$0x3FA5]  }
0x28: {  	s2 =	sld [smem:$0x3FA6]  }
0x29: {  	s4 =	sld [smem:$0x3FA8]  }
0x2a: {  	p0 =	seq.s32 s5, $0x0;
	s5 =	sld [smem:$0x3FA9]  }
0x2b: {  	s6 =	sld [smem:$0x3FAA]  }
0x2c: {  	s7 =	sld [smem:$0x3FAB]  }
0x2d: {  	s3 =	simm.s32 $0x108;
	s8 =	sld [smem:$0x3FAC]  }
0x2e: {  	s3 =	simm.s32 @!p0 $0x1082;
	s9 =	sld [smem:$0x3FAD]  }
0x2f: {  	lr =	sadd.s32 s0, s3;
	s0 =	sld [smem:$0x3FA4]  }
0x30: {  	s3 =	sld [smem:$0x3FA7]  }
0x31: {  	[smem:$0x3FB0] =	sst s10  }
0x32: {  	s10 =	sld [smem:$0x3FAE];
	_ =	sdelay $0x3  }
0x33: {  	p0 =	seq.s32 s10, $0x1;
	s10 =	sld [smem:$0x3FB0];
	_ =	sdelay $0x3  }
0x34: {  	[smem:$0x3FB0] =	sst s10  }
0x35: {  	s10 =	sld [smem:$0x3FAF];
	_ =	sdelay $0x3  }
0x36: {  	p1 =	seq.s32 s10, $0x1;
	s10 =	sld [smem:$0x3FB0];
	_ =	sdelay $0x3  }
0x37: {  	[smem:$0x3FB0] =	sst s10  }
0x38: {  	s10 =	sld [smem:$0x3FB1]  }
0x39: {  	_ = 	snop;
	(pc) =	sbr.ind lr, $3  }
0x3a: {  	_ = 	snop  }
0x3b: {  	_ = 	snop  }
0x3c: {  	p2 =	seq.s32 s10, $0x1;
	s10 =	sld [smem:$0x3FB0]  }
0x3d: {  	_ =	shalt  }
0x3e: {  	_ =	shalt  }
0x3f: {  	_ =	shalt  }
0x40: {  	_ =	shalt  }
0x41: {  	_ =	shalt  }
0x42: {  	_ =	shalt  }
0x43: {  	_ =	shalt  }
0x44: {  	_ =	shalt  }
0x45: {  	_ =	shalt  }
0x46: {  	_ =	shalt  }
0x47: {  	_ =	shalt  }
0x48: {  	_ =	shalt  }
0x49: {  	_ =	shalt  }
0x4a: {  	_ =	shalt  }
0x4b: {  	_ =	shalt  }
0x4c: {  	_ =	shalt  }
0x4d: {  	_ =	shalt  }
0x4e: {  	_ =	shalt  }
0x4f: {  	_ =	shalt  }
0x50: {  	_ =	shalt  }
0x51: {  	_ =	shalt  }
0x52: {  	_ =	shalt  }
0x53: {  	_ =	shalt  }
0x54: {  	_ =	shalt  }
0x55: {  	_ =	shalt  }
0x56: {  	_ =	shalt  }
0x57: {  	_ =	shalt  }
0x58: {  	_ =	shalt  }
0x59: {  	_ =	shalt  }
0x5a: {  	_ =	shalt  }
0x5b: {  	_ =	shalt  }
0x5c: {  	_ =	shalt  }
0x5d: {  	_ =	shalt  }
0x5e: {  	_ =	shalt  }
0x5f: {  	_ =	shalt  }
0x60: {  	_ =	shalt  }
0x61: {  	_ =	shalt  }
0x62: {  	_ =	shalt  }
0x63: {  	_ =	shalt  }
0x64: {  	_ =	shalt  }
0x65: {  	_ =	shalt  }
0x66: {  	_ =	shalt  }
0x67: {  	_ =	shalt  }
0x68: {  	_ =	shalt  }
0x69: {  	_ =	shalt  }
0x6a: {  	_ =	shalt  }
0x6b: {  	_ =	shalt  }
0x6c: {  	_ =	shalt  }
0x6d: {  	_ =	shalt  }
0x6e: {  	_ =	shalt  }
0x6f: {  	_ =	shalt  }
0x70: {  	_ =	shalt  }
0x71: {  	_ =	shalt  }
0x72: {  	_ =	shalt  }
0x73: {  	_ =	shalt  }
0x74: {  	_ =	shalt  }
0x75: {  	_ =	shalt  }
0x76: {  	_ =	shalt  }
0x77: {  	_ =	shalt  }
0x78: {  	_ =	shalt  }
0x79: {  	_ =	shalt  }
0x7a: {  	_ =	shalt  }
0x7b: {  	_ =	shalt  }
0x7c: {  	_ =	shalt  }
0x7d: {  	_ =	shalt  }
0x7e: {  	_ =	shalt  }
0x7f: {  	_ =	shalt  }
0x80: {  	_ =	shalt  }
0x81: {  	_ =	shalt  }
0x82: {  	_ =	shalt  }
0x83: {  	_ =	shalt  }
0x84: {  	_ =	shalt  }
0x85: {  	_ =	shalt  }
0x86: {  	_ =	shalt  }
0x87: {  	_ =	shalt  }
.Lfunc_end0:
.L_simem_size_0:
called_computation.3_lowered:
.L_overlay_start_0:
0x88: {  	s2 =	sld [smem:$0x3FD9]  }
0x89: {  	s3 =	sld [smem:$0x3FFE];
	_ =	sdelay $0x1  }
0x8a: {  	s1 =	srdreg.scid  }
0x8b: {  	s0 =	sand.u32 $0x1, s1  }
0x8c: {  	s16 =	sshll.u32 s0, $0xA;
	s2 =	sadd.s32 s3, s2  }
0x8d: {  	s2 =	sadd.s32 s2, s16  }
0x8e: {  	[smem:$0x3FBC] =	sst s2  }
0x8f: {  	_ = 	snop  }
0x90: {  	(tm) =	ssettm $0x1  }
0x91: {  	s17 =	sld [smem:$0x3FFB];
	_ =	sdelay $0x3  }
0x92: {  	_ =	strace s17  }
0x93: {  	s2 =	sld [smem:$0x3FFC];
	_ =	sdelay $0x3  }
0x94: {  	_ =	strace s2  }
0x95: {  	s2 =	sld [smem:$0x3FFD];
	_ =	sdelay $0x3  }
0x96: {  	_ =	strace s2  }
0x97: {  	_ =	strace $0x8FFFFFFF  }
0x98: {  	s18 =	sld [smem:$0x3FDB];
	_ =	sdelay $0x1  }
0x99: {  	s19 =	simm.s32 $_scs_section_size  }
0x9a: {  	s4 =	simm.s32 $_size__tile_overlayer_lowered;
	s5 =	simm.s32 $_tile_overlayer_lowered  }
0x9b: {  	s22 =	simm.s32 $0x1BFF;
	s21 =	sshll.u32 s5, $0x1;
	s2 =	sadd.s32 s19, s18  }
0x9c: {  	s6 =	simm.s32 $0x0;
	s20 =	sshll.u32 s4, $0x1;
	s4 =	sadd.s32 s21, s2  }
0x9d: {  	[timem:s6], [sflag:s22] =	dma.local [hbm:s4], s20  }
0x9e: {  	_ =	swait.ge [sflag:s22], s20  }
0x9f: {  	s3 =	ssub.s32 $0x0, s20;
	[sflag:s22] =	ssyncset.done $0x0  }
0xa0: {  	[sflag:s22] =	ssyncadd.s32 s3;
	_ =	sdelay $0x1  }
0xa1: {  	s23 =	simm.s32 $0x1B8B  }
0xa2: {  	_ =	swait.ge [sflag:s23], $0x1  }
0xa3: {  	[sflag:s23] =	ssyncset.done $0x0  }
0xa4: {  	s25 =	simm.s32 $0x1B8E;
	s24 =	sld [smem:$0x3FFE];
	[sflag:s23] =	ssyncadd.s32 $0xFFFFFFFF  }
0xa5: {  	s26 =	simm.s32 $execute0_lowered;
	[smem:$0x3FD2] =	sst s25  }
0xa6: {  	s4 =	sshll.u32 s26, $0x1;
	_ =	strace $0x8000004F;
	[dreg:$0x1] =	wrdreg $0xFFFFFFFF  }
0xa7: {  	s28 =	simm.s32 $_size_execute0_lowered;
	s2 =	sadd.s32 s2, s4;
	[dreg:$0x0] =	wrdreg $0x0  }
0xa8: {  	s4 =	sshll.u32 s28, $0x1;
	[dreg:$0x2] =	wrdreg s2  }
0xa9: {  	[dreg:$0x3] =	wrdreg s4  }
0xaa: {  	[dreg:$0x4] =	wrdreg $0xC0  }
0xab: {  	_ =	task [dreg:s6], $0x5FFFF  }
0xac: {  	[dreg:$0x1] =	wrdreg $0xFFFFFFFF  }
0xad: {  	[dreg:$0x0] =	wrdreg $0x60  }
0xae: {  	[dreg:$0x2] =	wrdreg s24  }
0xaf: {  	[dreg:$0x3] =	wrdreg $0x0  }
0xb0: {  	[dreg:$0x4] =	wrdreg $0x9  }
0xb1: {  	_ =	task.clear_ibuf [dreg:s6], $0x5FFFF;
	_ =	strace $0x9000004F  }
0xb2: {  	s29 =	simm.s32 $0x9;
	_ =	strace $0x80000051  }
0xb3: {  	_ =	swait.ge [sflag:s29], $0x1  }
0xb4: {  	[sflag:s29] =	ssyncadd.s32 $0xFFFFFFFF  }
0xb5: {  	_ =	strace $0x90000051  }
0xb6: {  	_ =	sfence  }
0xb7: {  	s30 =	sld [smem:$0x0];
	_ =	sdelay $0x2  }
0xb8: {  	s31 =	sshll.u32 s1, $0xD;
	s1 =	sshrl.u32 s1, $0x2  }
0xb9: {  	s3 =	sand.u32 $0x4000, s31;
	s1 =	sadd.s32 s1, s30  }
0xba: {  	s0 =	sor.u32 s3, s0;
	s1 =	sshll.u32 s1, $0x11  }
0xbb: {  	s0 =	sor.u32 s1, s0  }
0xbc: {  	s0 =	sadd.s32 $0x8F2B, s0  }
0xbd: {  	[sflag:s0] =	ssyncadd.remote.s32 $0x1  }
0xbe: {  	_ =	sfence.sel $0xFFFF  }
0xbf: {  	[dreg:$0x0] =	wrdreg $0xFFFFFFFF;
	(pc) =	sbr.abs _section_cstart, $3  }
0xc0: {  	[dreg:$0x1] =	wrdreg $0xFFFFFFFF  }
0xc1: {  	_ =	task.clear_ibuf [dreg:s6], $0x2FFFF;
	_ =	strace $0x9FFFFFFF  }
0xc2: {  	(tm) =	ssettm $0x7FFFFFFF  }
0xc3: {  	_ =	shalt  }
tec
execute0_lowered:
.L_overlay_start_1:
0x0: {  	(tag) =	ssettag $0x1  }
0x1: {  	s4 =	rddreg [dreg:$0x0]  }
0x2: {  	s2 =	rddreg [dreg:$0x1];
	s1 =	stileid.u32  }
0x3: {  	s3 =	srdreg.scid;
	s0 =	rddreg [dreg:$0x2]  }
0x4: {  	s14 =	simm.s32 $0x80;
	s15 =	simm.s32 $0x15400;
	s16 =	simm.s32 $0x2  }
0x5: {  	s17 =	simm.s32 $0x19400;
	s18 =	simm.s32 $0x0;
	s6 =	smul.u32 $0x2800, s1  }
0x6: {  	s7 =	sand.u32 $0x1, s3;
	s5 =	sshll.u32 s1, $0x1;
	s9 =	smul.u32 $0x50000, s1  }
0x7: {  	s3 =	simm.s32 $0x0;
	s31 =	sshll.u32 s1, $0x6;
	s12 =	smul.u32 $0x28000, s1  }
0x8: {  	s5 =	sor.u32 s7, s5;
	[smem:$0x7FF] =	sst s3;
	s13 =	smul.u32 $0x14000, s7  }
0x9: {  	s10 =	ssub.s32 $0x2, s7;
	s8 =	smul.u32 $0x280, s5;
	_ =	strace $0x80000050  }
0xa: {  	s6 =	sadd.s32 s6, s4;
	s11 =	sshrl.u32 s10, $0x1;
	s9 =	sshrl.u32 s9, $0x2  }
0xb: {  	s30 =	smul.u32 $0x14000, s5;
	s10 =	ssub.s32 s10, s11;
	s29 =	sadd.s32 s9, s2  }
0xc: {  	s5 =	sadd.s32 $0x11600, s6;
	s8 =	sadd.s32 s8, s4;
	s4 =	sadd.s32 $0x77200, s4  }
0xd: {  	s6 =	sor.u32 $0x1C03, s31;
	s11 =	sshrl.u32 s29, $0x3;
	s9 =	sadd.s32 s4, s30  }
0xe: {  	s7 =	sadd.s32 $0x72200, s8;
	s8 =	smax.u32 s10, $0x1;
	s10 =	sadd.s32 s13, s12  }
0xf: {  	s12 =	simm.s32 $0x3;
	s13 =	simm.s32 $0x14000;
	s9 =	sadd.s32 $0x13800, s9  }
.LBB2_1:
0x10: {  	[spmem:s11], [sflag:s6] =	dma.local [hbm:s5], $0x2800  }
0x11: {  	_ =	swait.ge [sflag:s12], $0x2800  }
0x12: {  	[sflag:s12] =	ssyncset.done $0x0  }
0x13: {  	[sflag:s12] =	ssyncadd.s32 $0xFFFFD800  }
0x14: {  	[tilespmem:s13], [sflag:$0x3] =	stream.linear.gather [hbm4b:s7+s3], $0x1400, $0x38;
	[tilespmem:$0x1D400] =	vst v63  }
0x15: {  	_ =	swait.ge [sflag:s12], $0x1400  }
0x16: {  	s19 =	sand.u32 $0x1, s3;
	[sflag:s12] =	ssyncset.done $0x0  }
0x17: {  	p0 =	seq.s32 s19, $0x1;
	[sflag:s12] =	ssyncadd.s32 $0xFFFFEC00  }
0x18: {  	s19 =	simm.s32 @p0 $0x2;
	[bflag:$0x0] =	sbarrier.arrive $0xFFFF  }
0x19: {  	[tilespmem:s15], [sflag:$0x1] =	stream.indirect.gather [spmem:s2], $0x80, s13, s14, $0xb8;
	[tilespmem:$0x1D400] =	vst v63  }
0x1a: {  	_ =	swait.ge @p0 [sflag:s19], $0x4000  }
0x1b: {  	s20 =	simm.s32 $0x14080;
	s22 =	simm.s32 @!p0 $0x1;
	[sflag:s19] =	ssyncset.done @p0 $0x0  }
0x1c: {  	s21 =	simm.s32 @p0 $0x15400;
	[sflag:s19] =	ssyncadd.s32 @p0 $0xFFFFC000;
	s19 =	simm.s32 @p0 $0x80  }
0x1d: {  	[tilespmem:s21], [sflag:$0x1] =	stream.indirect.gather @p0 [spmem:s2], $0x80, s20, s19, $0xb8;
	[tilespmem:$0x1D400] =	vst v63  }
0x1e: {  	s23 =	simm.s32 @p0 $0x19400;
	s19 =	sadd.s32 @p0 s10, s4;
	s21 =	simm.s32 @p0 $0x0  }
0x1f: {  	[hbm4b:s19+s21] =	stream.linear.scatter @p0 [tilespmem:s23], [sflag:$0x3], $0x4000, $0x38;
	[tilespmem:$0x1D400] =	vst v63  }
0x20: {  	s31 =	simm.s32 $0x1;
	s24 =	simm.s32 @!p0 $0x19400;
	_ =	swait.ge @!p0 [sflag:s22], $0x4000  }
0x21: {  	s19 =	sand.u32 @!p0 $0x1FFFF000, s10;
	s21 =	simm.s32 @!p0 $0x4;
	[sflag:s22] =	ssyncset.done @!p0 $0x0  }
0x22: {  	s19 =	sadd.s32 @!p0 s4, s19;
	[sflag:s22] =	ssyncadd.s32 @!p0 $0xFFFFC000;
	s22 =	simm.s32 @!p0 $0x80  }
0x23: {  	[tilespmem:s24], [sflag:$0x2] =	stream.indirect.gather @!p0 [spmem:s2], $0x80, s20, s22, $0xb8;
	[tilespmem:$0x1D400] =	vst v63  }
0x24: {  	s21 =	simm.s32 @p0 $0x3;
	s20 =	simm.s32 @!p0 $0x0;
	s22 =	simm.s32 @!p0 $0x15400  }
0x25: {  	[hbm4b:s19+s20] =	stream.linear.scatter @!p0 [tilespmem:s22], [sflag:$0x4], $0x4000, $0x38;
	[tilespmem:$0x1D400] =	vst v63  }
0x26: {  	s23 =	sand.u32 $0x1, s31;
	s22 =	simm.s32 $0x2;
	_ =	swait.ge [sflag:s21], $0x4000  }
0x27: {  	s19 =	simm.s32 $0x14100;
	s20 =	sadd.s32 $0x800, s10;
	[sflag:s21] =	ssyncset.done $0x0  }
.LBB2_2:
0x28: {  	p0 =	seq.s32 s23, $0x1  }
0x29: {  	[sflag:s21] =	ssyncadd.s32 $0xFFFFC000;
	s23 =	smov.u32 s22;
	s22 =	sadd.s32 $0x1, s22  }
0x2a: {  	s24 =	simm.s32 @p0 $0x2;
	s25 =	sand.u32 @!p0 $0x1FFFF000, s20;
	s21 =	simm.s32 @!p0 $0x4  }
0x2b: {  	p1 =	sne.s32 s22, $0x27;
	_ =	swait.ge @p0 [sflag:s24], $0x4000;
	s25 =	sadd.s32 @!p0 s4, s25  }
0x2c: {  	s26 =	simm.s32 @!p0 $0x1;
	[sflag:s24] =	ssyncset.done @p0 $0x0  }
0x2d: {  	s28 =	simm.s32 @p0 $0x15400;
	[sflag:s24] =	ssyncadd.s32 @p0 $0xFFFFC000;
	s24 =	simm.s32 @p0 $0x80  }
0x2e: {  	[tilespmem:s28], [sflag:$0x1] =	stream.indirect.gather @p0 [spmem:s2], $0x80, s19, s24, $0xb8;
	[tilespmem:$0x1D400] =	vst v63  }
0x2f: {  	s29 =	simm.s32 @p0 $0x19400;
	s24 =	sadd.s32 @p0 s20, s4;
	s28 =	simm.s32 @p0 $0x0  }
0x30: {  	[hbm4b:s24+s28] =	stream.linear.scatter @p0 [tilespmem:s29], [sflag:$0x3], $0x4000, $0x38;
	[tilespmem:$0x1D400] =	vst v63  }
0x31: {  	_ =	swait.ge @!p0 [sflag:s26], $0x4000  }
0x32: {  	[sflag:s26] =	ssyncset.done @!p0 $0x0  }
0x33: {  	s24 =	simm.s32 @!p0 $0x80;
	[sflag:s26] =	ssyncadd.s32 @!p0 $0xFFFFC000;
	s26 =	simm.s32 @!p0 $0x19400  }
0x34: {  	[tilespmem:s26], [sflag:$0x2] =	stream.indirect.gather @!p0 [spmem:s2], $0x80, s19, s24, $0xb8;
	[tilespmem:$0x1D400] =	vst v63  }
.Ltmp0:
0x35: {  	_ = 	snop;
	(pc) =	sbr.rel @p1 .LBB2_2-.Ltmp0, $4  }
0x36: {  	s21 =	simm.s32 @p0 $0x3;
	s24 =	simm.s32 @!p0 $0x0;
	s26 =	simm.s32 @!p0 $0x15400  }
0x37: {  	[hbm4b:s25+s24] =	stream.linear.scatter @!p0 [tilespmem:s26], [sflag:$0x4], $0x4000, $0x38;
	[tilespmem:$0x1D400] =	vst v63  }
0x38: {  	s19 =	sadd.s32 $0x80, s19;
	_ =	swait.ge [sflag:s21], $0x4000  }
0x39: {  	s23 =	sand.u32 $0x1, s23;
	s20 =	sadd.s32 $0x800, s20;
	[sflag:s21] =	ssyncset.done $0x0  }
0x3a: {  	p0 =	seq.s32 s23, $0x1  }
0x3b: {  	[sflag:s21] =	ssyncadd.s32 $0xFFFFC000;
	s21 =	simm.s32 @p0 $0x2  }
0x3c: {  	_ =	swait.ge @p0 [sflag:s21], $0x4000  }
0x3d: {  	s22 =	simm.s32 @!p0 $0x1;
	[sflag:s21] =	ssyncset.done @p0 $0x0  }
0x3e: {  	s23 =	simm.s32 @p0 $0x15400;
	[sflag:s21] =	ssyncadd.s32 @p0 $0xFFFFC000;
	s21 =	simm.s32 @p0 $0x80  }
0x3f: {  	[tilespmem:s23], [sflag:$0x1] =	stream.indirect.gather @p0 [spmem:s2], $0x80, s19, s21, $0xb8;
	[tilespmem:$0x1D400] =	vst v63  }
0x40: {  	s24 =	simm.s32 @p0 $0x19400;
	s21 =	sadd.s32 @p0 s20, s4;
	s23 =	simm.s32 @p0 $0x0  }
0x41: {  	[hbm4b:s21+s23] =	stream.linear.scatter @p0 [tilespmem:s24], [sflag:$0x3], $0x4000, $0x38;
	[tilespmem:$0x1D400] =	vst v63  }
0x42: {  	s20 =	sand.u32 @!p0 $0x1FFFF000, s20;
	_ =	swait.ge @!p0 [sflag:s22], $0x4000  }
0x43: {  	s20 =	sadd.s32 @!p0 s4, s20;
	s21 =	simm.s32 @!p0 $0x4;
	[sflag:s22] =	ssyncset.done @!p0 $0x0  }
0x44: {  	s23 =	simm.s32 @!p0 $0x19400;
	[sflag:s22] =	ssyncadd.s32 @!p0 $0xFFFFC000;
	s22 =	simm.s32 @!p0 $0x80  }
0x45: {  	[tilespmem:s23], [sflag:$0x2] =	stream.indirect.gather @!p0 [spmem:s2], $0x80, s19, s22, $0xb8;
	[tilespmem:$0x1D400] =	vst v63  }
0x46: {  	s21 =	simm.s32 @p0 $0x3;
	s19 =	simm.s32 @!p0 $0x0;
	s22 =	simm.s32 @!p0 $0x15400  }
0x47: {  	[hbm4b:s20+s19] =	stream.linear.scatter @!p0 [tilespmem:s22], [sflag:$0x4], $0x4000, $0x38;
	[tilespmem:$0x1D400] =	vst v63  }
0x48: {  	_ =	swait.ge [sflag:s21], $0x4000  }
0x49: {  	[sflag:s21] =	ssyncset.done $0x0  }
0x4a: {  	[sflag:s21] =	ssyncadd.s32 $0xFFFFC000  }
0x4b: {  	s18 =	sadd.s32 $0x1, s18;
	_ =	swait.ge [sflag:s16], $0x4000  }
0x4c: {  	p0 =	sne.s32 s18, s8;
	[sflag:s16] =	ssyncset.done $0x0  }
.Ltmp1:
0x4d: {  	[sflag:s16] =	ssyncadd.s32 $0xFFFFC000;
	(pc) =	sbr.rel @p0 .LBB2_1-.Ltmp1, $4  }
0x4e: {  	[hbm4b:s9+s3] =	stream.linear.scatter [tilespmem:s17], [sflag:$0x3], $0x4000, $0x38;
	[tilespmem:$0x1D400] =	vst v63  }
0x4f: {  	_ =	swait.ge [sflag:s12], $0x4000  }
0x50: {  	[sflag:s12] =	ssyncset.done $0x0  }
0x51: {  	[sflag:s12] =	ssyncadd.s32 $0xFFFFC000  }
0x52: {  	_ =	sfence.sel $0x180000  }
0x53: {  	[bflag:$0x0] =	sbarrier.arrive $0xFFFF  }
0x54: {  	p0 =	sne.s32 s1, $0x0;
	_ =	strace $0x90000050  }
0x55: {  	s0 =	sadd.s32 @!p0 $0x100000, s0;
	[bflag:$0x2] =	sbarrier.arrive $0xFFFF  }
0x56: {  	[sflag:s0] =	ssyncadd.tile.s32 @!p0 $0x1;
	_ =	shalt  }
.Lfunc_end2:
_tile_overlayer_lowered:
.L_overlay_start_2:
0x57: {  	(tag) =	ssettag $0x2  }
0x58: {  	s0 =	rddreg [dreg:$0x0];
	s2 =	stileid.u32  }
0x59: {  	s1 =	rddreg [dreg:$0x1];
	p0 =	sne.s32 s2, $0x0  }
0x5a: {  	s3 =	rddreg [dreg:$0x2];
	[bflag:$0x3] =	sbarrier.arrive $0xFFFF;
	s2 =	simm.s32 @!p0 $0x1C03  }
0x5b: {  	[timem:s3], [sflag:s2] =	dma.local @!p0 [hbm:s0], s1  }
0x5c: {  	s0 =	simm.s32 @!p0 $0x3  }
0x5d: {  	_ =	swait.ge @!p0 [sflag:s0], s1  }
0x5e: {  	s1 =	ssub.s32 @!p0 $0x0, s1;
	[sflag:s0] =	ssyncset.done @!p0 $0x0  }
0x5f: {  	[sflag:s0] =	ssyncadd.s32 @!p0 s1  }
0x60: {  	[bflag:$0x3] =	sbarrier.arrive $0xFFFF  }
0x61: {  	_ =	shalt  }

// kernel: kernel.28.cloned.1.call-start
scs
__scs_entry_jumppad:
0x0: {  	(pc) =	sbr.rel $0x88, $3  }
0x1: {  	(tag) =	ssettag $0x0;
	lr =	simm.s32 $0x1  }
0x2: {  	[smem:$0x3F95] =	sst lr;
	_ =	strace $0xD0000000  }
0x3: {  	_ = 	snop  }
0x4: {  	_ = 	snop  }
0x5: {  	_ = 	snop  }
0x6: {  	_ = 	snop  }
0x7: {  	_ = 	snop  }
__scs_overlays_trampoline_lowered:
0x8: {  	[smem:$0x3FA4] =	sst s0  }
0x9: {  	[smem:$0x3FA5] =	sst s1  }
0xa: {  	[smem:$0x3FA6] =	sst s2  }
0xb: {  	[smem:$0x3FA7] =	sst s3  }
0xc: {  	[smem:$0x3FA8] =	sst s4  }
0xd: {  	[smem:$0x3FA9] =	sst s5  }
0xe: {  	[smem:$0x3FAA] =	sst s6  }
0xf: {  	[smem:$0x3FAB] =	sst s7  }
0x10: {  	[smem:$0x3FAC] =	sst s8  }
0x11: {  	[smem:$0x3FAD] =	sst s9;
	s0 =	simm.s32 @!p0 $0x0  }
0x12: {  	s1 =	sld [smem:$0x3F93];
	s0 =	simm.s32 @p0 $0x1  }
0x13: {  	[smem:$0x3FAE] =	sst s0;
	s0 =	simm.s32 @!p1 $0x0  }
0x14: {  	s2 =	sld [smem:$0x3F92];
	s0 =	simm.s32 @p1 $0x1  }
0x15: {  	[smem:$0x3FAF] =	sst s0;
	s0 =	simm.s32 @!p2 $0x0  }
0x16: {  	s3 =	sld [smem:$0x3FDB];
	s0 =	simm.s32 @p2 $0x1  }
0x17: {  	s4 =	simm.s32 $0x1BF5;
	[smem:$0x3FB1] =	sst s0  }
0x18: {  	s0 =	sld [smem:$0x3F94];
	_ =	swait.ge [sflag:s4], $0x0  }
0x19: {  	s7 =	sld [smem:$0x3F95]  }
0x1a: {  	s8 =	sadd.s32 $0xFFFFE003, lr  }
0x1b: {  	s9 =	sadd.s32 $0xFFFFFEF7, lr;
	s5 =	simm.s32 $0xFFFFFFFF;
	p2 =	slt.u32 s8, $0xFFFFF086  }
0x1c: {  	p1 =	slt.u32 s9, $0xF7A;
	s5 =	simm.s32 @!p2 $0x0  }
0x1d: {  	s5 =	simm.s32 @p1 $0x1;
	p0 =	seq.s32 s7, s2  }
0x1e: {  	s7 =	smul.u32 @!p0 $0xF7A, s2;
	p2 =	seq.s32 @!p0 s5, $0x0  }
0x1f: {  	s9 =	smul.u32 $0xF7A, s1;
	s8 =	simm.s32 @!p0 $0x1BF5;
	p2 =	por !p2, p0  }
0x20: {  	[sflag:s8] =	ssyncset.s32 @!p0 $0xFFFFF086;
	s6 =	sadd.s32 @!p0 s3, s7;
	s7 =	simm.s32 @!p0 $0x108  }
0x21: {  	s3 =	sadd.s32 s3, s9;
	s6 =	sadd.s32 @!p0 $0x88, s6;
	s7 =	simm.s32 @p2 $0x1082  }
0x22: {  	[simem:s7], [sflag:s8] =	dma.local @!p0 [hbm:s6], $0xF7A  }
0x23: {  	s9 =	sor.u32 $0xD0000000, s2;
	s6 =	simm.s32 $0x108;
	_ =	swait.ge @!p0 [sflag:s8], $0x0  }
0x24: {  	s3 =	sadd.s32 $0x88, s3;
	s6 =	simm.s32 @!p1 $0x1082;
	[sflag:s4] =	ssyncset.s32 $0xFFFFF086  }
0x25: {  	[simem:s6], [sflag:s4] =	dma.local [hbm:s3], $0xF7A  }
0x26: {  	[smem:$0x3F95] =	sst s1;
	(tag) =	ssettag s2;
	_ =	strace s9  }
0x27: {  	s1 =	sld [smem:$0x3FA5]  }
0x28: {  	s2 =	sld [smem:$0x3FA6]  }
0x29: {  	s4 =	sld [smem:$0x3FA8]  }
0x2a: {  	p0 =	seq.s32 s5, $0x0;
	s5 =	sld [smem:$0x3FA9]  }
0x2b: {  	s6 =	sld [smem:$0x3FAA]  }
0x2c: {  	s7 =	sld [smem:$0x3FAB]  }
0x2d: {  	s3 =	simm.s32 $0x108;
	s8 =	sld [smem:$0x3FAC]  }
0x2e: {  	s3 =	simm.s32 @!p0 $0x1082;
	s9 =	sld [smem:$0x3FAD]  }
0x2f: {  	lr =	sadd.s32 s0, s3;
	s0 =	sld [smem:$0x3FA4]  }
0x30: {  	s3 =	sld [smem:$0x3FA7]  }
0x31: {  	[smem:$0x3FB0] =	sst s10  }
0x32: {  	s10 =	sld [smem:$0x3FAE];
	_ =	sdelay $0x3  }
0x33: {  	p0 =	seq.s32 s10, $0x1;
	s10 =	sld [smem:$0x3FB0];
	_ =	sdelay $0x3  }
0x34: {  	[smem:$0x3FB0] =	sst s10  }
0x35: {  	s10 =	sld [smem:$0x3FAF];
	_ =	sdelay $0x3  }
0x36: {  	p1 =	seq.s32 s10, $0x1;
	s10 =	sld [smem:$0x3FB0];
	_ =	sdelay $0x3  }
0x37: {  	[smem:$0x3FB0] =	sst s10  }
0x38: {  	s10 =	sld [smem:$0x3FB1]  }
0x39: {  	_ = 	snop;
	(pc) =	sbr.ind lr, $3  }
0x3a: {  	_ = 	snop  }
0x3b: {  	_ = 	snop  }
0x3c: {  	p2 =	seq.s32 s10, $0x1;
	s10 =	sld [smem:$0x3FB0]  }
0x3d: {  	_ =	shalt  }
0x3e: {  	_ =	shalt  }
0x3f: {  	_ =	shalt  }
0x40: {  	_ =	shalt  }
0x41: {  	_ =	shalt  }
0x42: {  	_ =	shalt  }
0x43: {  	_ =	shalt  }
0x44: {  	_ =	shalt  }
0x45: {  	_ =	shalt  }
0x46: {  	_ =	shalt  }
0x47: {  	_ =	shalt  }
0x48: {  	_ =	shalt  }
0x49: {  	_ =	shalt  }
0x4a: {  	_ =	shalt  }
0x4b: {  	_ =	shalt  }
0x4c: {  	_ =	shalt  }
0x4d: {  	_ =	shalt  }
0x4e: {  	_ =	shalt  }
0x4f: {  	_ =	shalt  }
0x50: {  	_ =	shalt  }
0x51: {  	_ =	shalt  }
0x52: {  	_ =	shalt  }
0x53: {  	_ =	shalt  }
0x54: {  	_ =	shalt  }
0x55: {  	_ =	shalt  }
0x56: {  	_ =	shalt  }
0x57: {  	_ =	shalt  }
0x58: {  	_ =	shalt  }
0x59: {  	_ =	shalt  }
0x5a: {  	_ =	shalt  }
0x5b: {  	_ =	shalt  }
0x5c: {  	_ =	shalt  }
0x5d: {  	_ =	shalt  }
0x5e: {  	_ =	shalt  }
0x5f: {  	_ =	shalt  }
0x60: {  	_ =	shalt  }
0x61: {  	_ =	shalt  }
0x62: {  	_ =	shalt  }
0x63: {  	_ =	shalt  }
0x64: {  	_ =	shalt  }
0x65: {  	_ =	shalt  }
0x66: {  	_ =	shalt  }
0x67: {  	_ =	shalt  }
0x68: {  	_ =	shalt  }
0x69: {  	_ =	shalt  }
0x6a: {  	_ =	shalt  }
0x6b: {  	_ =	shalt  }
0x6c: {  	_ =	shalt  }
0x6d: {  	_ =	shalt  }
0x6e: {  	_ =	shalt  }
0x6f: {  	_ =	shalt  }
0x70: {  	_ =	shalt  }
0x71: {  	_ =	shalt  }
0x72: {  	_ =	shalt  }
0x73: {  	_ =	shalt  }
0x74: {  	_ =	shalt  }
0x75: {  	_ =	shalt  }
0x76: {  	_ =	shalt  }
0x77: {  	_ =	shalt  }
0x78: {  	_ =	shalt  }
0x79: {  	_ =	shalt  }
0x7a: {  	_ =	shalt  }
0x7b: {  	_ =	shalt  }
0x7c: {  	_ =	shalt  }
0x7d: {  	_ =	shalt  }
0x7e: {  	_ =	shalt  }
0x7f: {  	_ =	shalt  }
0x80: {  	_ =	shalt  }
0x81: {  	_ =	shalt  }
0x82: {  	_ =	shalt  }
0x83: {  	_ =	shalt  }
0x84: {  	_ =	shalt  }
0x85: {  	_ =	shalt  }
0x86: {  	_ =	shalt  }
0x87: {  	_ =	shalt  }
.Lfunc_end0:
.L_simem_size_0:
called_computation.4_lowered:
.L_overlay_start_0:
0x88: {  	s2 =	sld [smem:$0x3FD9]  }
0x89: {  	s3 =	sld [smem:$0x3FFE];
	_ =	sdelay $0x1  }
0x8a: {  	s1 =	srdreg.scid  }
0x8b: {  	s0 =	sand.u32 $0x1, s1  }
0x8c: {  	s16 =	sshll.u32 s0, $0xA;
	s2 =	sadd.s32 s3, s2  }
0x8d: {  	s2 =	sadd.s32 s2, s16  }
0x8e: {  	[smem:$0x3FBC] =	sst s2  }
0x8f: {  	_ = 	snop  }
0x90: {  	(tm) =	ssettm $0x1  }
0x91: {  	s17 =	sld [smem:$0x3FFB];
	_ =	sdelay $0x3  }
0x92: {  	_ =	strace s17  }
0x93: {  	s2 =	sld [smem:$0x3FFC];
	_ =	sdelay $0x3  }
0x94: {  	_ =	strace s2  }
0x95: {  	s2 =	sld [smem:$0x3FFD];
	_ =	sdelay $0x3  }
0x96: {  	_ =	strace s2  }
0x97: {  	_ =	strace $0x8FFFFFFF  }
0x98: {  	s18 =	sld [smem:$0x3FDB];
	_ =	sdelay $0x1  }
0x99: {  	s19 =	simm.s32 $_scs_section_size  }
0x9a: {  	s4 =	simm.s32 $_size__tile_overlayer_lowered;
	s5 =	simm.s32 $_tile_overlayer_lowered  }
0x9b: {  	s22 =	simm.s32 $0x1BFF;
	s21 =	sshll.u32 s5, $0x1;
	s2 =	sadd.s32 s19, s18  }
0x9c: {  	s6 =	simm.s32 $0x0;
	s20 =	sshll.u32 s4, $0x1;
	s4 =	sadd.s32 s21, s2  }
0x9d: {  	[timem:s6], [sflag:s22] =	dma.local [hbm:s4], s20  }
0x9e: {  	_ =	swait.ge [sflag:s22], s20  }
0x9f: {  	s3 =	ssub.s32 $0x0, s20;
	[sflag:s22] =	ssyncset.done $0x0  }
0xa0: {  	[sflag:s22] =	ssyncadd.s32 s3;
	_ =	sdelay $0x1  }
0xa1: {  	s23 =	simm.s32 $0x1B8B  }
0xa2: {  	_ =	swait.ge [sflag:s23], $0x1  }
0xa3: {  	[sflag:s23] =	ssyncset.done $0x0  }
0xa4: {  	s25 =	simm.s32 $0x1B8E;
	s24 =	sld [smem:$0x3FFE];
	[sflag:s23] =	ssyncadd.s32 $0xFFFFFFFF  }
0xa5: {  	s26 =	simm.s32 $execute0_lowered;
	[smem:$0x3FD2] =	sst s25  }
0xa6: {  	s4 =	sshll.u32 s26, $0x1;
	_ =	strace $0x80000052;
	[dreg:$0x1] =	wrdreg $0xFFFFFFFF  }
0xa7: {  	s28 =	simm.s32 $_size_execute0_lowered;
	s2 =	sadd.s32 s2, s4;
	[dreg:$0x0] =	wrdreg $0x0  }
0xa8: {  	s4 =	sshll.u32 s28, $0x1;
	[dreg:$0x2] =	wrdreg s2  }
0xa9: {  	[dreg:$0x3] =	wrdreg s4  }
0xaa: {  	[dreg:$0x4] =	wrdreg $0xC0  }
0xab: {  	_ =	task [dreg:s6], $0x5FFFF  }
0xac: {  	[dreg:$0x1] =	wrdreg $0xFFFFFFFF  }
0xad: {  	[dreg:$0x0] =	wrdreg $0x60  }
0xae: {  	[dreg:$0x2] =	wrdreg s24  }
0xaf: {  	[dreg:$0x3] =	wrdreg $0x0  }
0xb0: {  	[dreg:$0x4] =	wrdreg $0x9  }
0xb1: {  	_ =	task.clear_ibuf [dreg:s6], $0x5FFFF;
	_ =	strace $0x90000052  }
0xb2: {  	s29 =	simm.s32 $0x9;
	_ =	strace $0x80000054  }
0xb3: {  	_ =	swait.ge [sflag:s29], $0x1  }
0xb4: {  	[sflag:s29] =	ssyncadd.s32 $0xFFFFFFFF  }
0xb5: {  	_ =	strace $0x90000054  }
0xb6: {  	_ =	sfence  }
0xb7: {  	s30 =	sld [smem:$0x0];
	_ =	sdelay $0x2  }
0xb8: {  	s31 =	sshll.u32 s1, $0xD;
	s1 =	sshrl.u32 s1, $0x2  }
0xb9: {  	s3 =	sand.u32 $0x4000, s31;
	s1 =	sadd.s32 s1, s30  }
0xba: {  	s0 =	sor.u32 s3, s0;
	s1 =	sshll.u32 s1, $0x11  }
0xbb: {  	s0 =	sor.u32 s1, s0  }
0xbc: {  	s0 =	sadd.s32 $0x8F2B, s0  }
0xbd: {  	[sflag:s0] =	ssyncadd.remote.s32 $0x1  }
0xbe: {  	_ =	sfence.sel $0xFFFF  }
0xbf: {  	[dreg:$0x0] =	wrdreg $0xFFFFFFFF;
	(pc) =	sbr.abs _section_cstart, $3  }
0xc0: {  	[dreg:$0x1] =	wrdreg $0xFFFFFFFF  }
0xc1: {  	_ =	task.clear_ibuf [dreg:s6], $0x2FFFF;
	_ =	strace $0x9FFFFFFF  }
0xc2: {  	(tm) =	ssettm $0x7FFFFFFF  }
0xc3: {  	_ =	shalt  }
tec
execute0_lowered:
.L_overlay_start_1:
0x0: {  	(tag) =	ssettag $0x1  }
0x1: {  	s1 =	srdreg.scid;
	s4 =	rddreg [dreg:$0x0]  }
0x2: {  	s0 =	stileid.u32;
	s2 =	rddreg [dreg:$0x1];
	s3 =	simm.s32 $0x0  }
0x3: {  	s16 =	simm.s32 $0x15400;
	s17 =	simm.s32 $0x19400;
	s18 =	simm.s32 $0x1  }
0x4: {  	s19 =	simm.s32 $0x80;
	s20 =	simm.s32 $0x2;
	s21 =	simm.s32 $0x3  }
0x5: {  	s22 =	simm.s32 $0x4;
	s5 =	sand.u32 $0x1, s1;
	s8 =	smul.u32 $0x14000, s0  }
0x6: {  	s23 =	sshll.u32 s0, $0x1;
	s1 =	rddreg [dreg:$0x2];
	s24 =	smul.u32 $0x50000, s0  }
0x7: {  	[smem:$0x7FF] =	sst s3;
	s11 =	sadd.s32 $0x2F7200, s4;
	s26 =	smul.u32 $0x50, s0  }
0x8: {  	s30 =	sshll.u32 s0, $0x6;
	s6 =	sor.u32 s5, s23;
	s9 =	smul.u32 $0x140000, s5  }
0x9: {  	_ =	strace $0x80000053;
	s12 =	ssub.s32 $0x2, s5;
	s29 =	smul.u32 $0x28, s5  }
0xa: {  	s5 =	sor.u32 $0x1C05, s30;
	s23 =	simm.s32 $0x15300;
	s7 =	smul.u32 $0x280, s6  }
0xb: {  	s10 =	sshrl.u32 s8, $0x3;
	s6 =	smul.u32 $0x14000, s6;
	s25 =	sshrl.u32 s12, $0x1  }
0xc: {  	s28 =	sshrl.u32 s24, $0x2;
	s24 =	simm.s32 $0x15380;
	s10 =	sadd.s32 s10, s4  }
0xd: {  	s8 =	sadd.s32 s8, s9;
	s12 =	ssub.s32 s12, s25;
	s14 =	sadd.s32 s28, s2  }
0xe: {  	s9 =	sadd.s32 s29, s26;
	s25 =	simm.s32 $0x0;
	s7 =	sadd.s32 s7, s4  }
0xf: {  	s8 =	sshrl.u32 s8, $0x3;
	s6 =	sadd.s32 s11, s6;
	s15 =	sshll.u32 s9, $0xB  }
0x10: {  	s13 =	sadd.s32 s8, s4;
	s4 =	sadd.s32 $0x3F400, s10;
	s7 =	sadd.s32 $0xC600, s7  }
0x11: {  	s8 =	sadd.s32 $0x800, s6;
	s10 =	smax.u32 s12, $0x1;
	s31 =	sadd.s32 s15, s11  }
0x12: {  	s15 =	simm.s32 $0x14000;
	s9 =	sadd.s32 $0x77200, s13;
	s11 =	sadd.s32 $0x1800, s31  }
0x13: {  	s12 =	sadd.s32 $0x1000, s31;
	s13 =	sshrl.u32 s14, $0x3;
	s14 =	simm.s32 $0x5  }
.LBB2_1:
0x14: {  	[spmem:s13], [sflag:s5] =	dma.local [hbm:s4], $0x2800  }
0x15: {  	_ =	swait.ge [sflag:s14], $0x2800  }
0x16: {  	[sflag:s14] =	ssyncset.done $0x0  }
0x17: {  	[sflag:s14] =	ssyncadd.s32 $0xFFFFD800  }
0x18: {  	[tilespmem:s15], [sflag:$0x5] =	stream.linear.gather [hbm4b:s7+s3], $0x1400, $0x38;
	[tilespmem:$0x1D400] =	vst v63  }
0x19: {  	_ =	swait.ge [sflag:s14], $0x1400  }
0x1a: {  	[sflag:s14] =	ssyncset.done $0x0  }
0x1b: {  	[sflag:s14] =	ssyncadd.s32 $0xFFFFEC00  }
0x1c: {  	[bflag:$0x0] =	sbarrier.arrive $0xFFFF  }
0x1d: {  	[tilespmem:s16], [sflag:$0x1] =	stream.linear.gather [hbm4b:s6+s3], $0x4000, $0x38;
	[tilespmem:$0x1D400] =	vst v63  }
0x1e: {  	_ = 	snop  }
0x1f: {  	[tilespmem:s17], [sflag:$0x2] =	stream.linear.gather [hbm4b:s8+s3], $0x4000, $0x38;
	[tilespmem:$0x1D400] =	vst v63  }
0x20: {  	_ =	swait.ge [sflag:s18], $0x4000  }
0x21: {  	[sflag:s18] =	ssyncset.done $0x0  }
0x22: {  	s26 =	simm.s32 $0x14000;
	[sflag:s18] =	ssyncadd.s32 $0xFFFFC000  }
0x23: {  	[spmem:s2] =	stream.indirect.scatter.add.f32 [tilespmem:s16], [sflag:$0x3], $0x80, s26, s19, $0xb8;
	[tilespmem:$0x1D400] =	vst v63  }
0x24: {  	_ =	swait.ge [sflag:s20], $0x4000  }
0x25: {  	[sflag:s20] =	ssyncset.done $0x0  }
0x26: {  	s30 =	simm.s32 $0x14080;
	[sflag:s20] =	ssyncadd.s32 $0xFFFFC000  }
0x27: {  	[spmem:s2] =	stream.indirect.scatter.add.f32 [tilespmem:s17], [sflag:$0x4], $0x80, s30, s19, $0xb8;
	[tilespmem:$0x1D400] =	vst v63  }
0x28: {  	_ =	swait.ge [sflag:s21], $0x4000  }
0x29: {  	[sflag:s21] =	ssyncset.done $0x0  }
0x2a: {  	s31 =	sadd.s32 $0x0, s12;
	[sflag:s21] =	ssyncadd.s32 $0xFFFFC000  }
0x2b: {  	[tilespmem:s16], [sflag:$0x1] =	stream.linear.gather [hbm4b:s31+s3], $0x4000, $0x38;
	[tilespmem:$0x1D400] =	vst v63  }
0x2c: {  	_ =	swait.ge [sflag:s22], $0x4000  }
0x2d: {  	s29 =	sadd.s32 $0x0, s11;
	[sflag:s22] =	ssyncset.done $0x0  }
0x2e: {  	s28 =	simm.s32 $0x14180;
	s26 =	simm.s32 $0x1000;
	[sflag:s22] =	ssyncadd.s32 $0xFFFFC000  }
.LBB2_2:
0x2f: {  	[tilespmem:s17], [sflag:$0x2] =	stream.linear.gather [hbm4b:s29+s3], $0x4000, $0x38;
	[tilespmem:$0x1D400] =	vst v63  }
0x30: {  	s29 =	smov.u32 s26  }
0x31: {  	p0 =	sne.s32 s26, $0x12000;
	s26 =	sadd.s32 $0x1000, s26;
	_ =	swait.ge [sflag:s18], $0x4000  }
0x32: {  	[sflag:s18] =	ssyncset.done $0x0  }
0x33: {  	s30 =	sadd.s32 $0xFFFFFF80, s28;
	[sflag:s18] =	ssyncadd.s32 $0xFFFFC000  }
0x34: {  	[spmem:s2] =	stream.indirect.scatter.add.f32 [tilespmem:s16], [sflag:$0x3], $0x80, s30, s19, $0xb8;
	[tilespmem:$0x1D400] =	vst v63  }
0x35: {  	_ =	swait.ge [sflag:s20], $0x4000  }
0x36: {  	[sflag:s20] =	ssyncset.done $0x0  }
0x37: {  	[sflag:s20] =	ssyncadd.s32 $0xFFFFC000  }
0x38: {  	[spmem:s2] =	stream.indirect.scatter.add.f32 [tilespmem:s17], [sflag:$0x4], $0x80, s28, s19, $0xb8;
	[tilespmem:$0x1D400] =	vst v63  }
0x39: {  	_ =	swait.ge [sflag:s21], $0x4000  }
0x3a: {  	[sflag:s21] =	ssyncset.done $0x0  }
.Ltmp0:
0x3b: {  	s30 =	sadd.s32 s29, s12;
	[sflag:s21] =	ssyncadd.s32 $0xFFFFC000;
	(pc) =	sbr.rel @p0 .LBB2_2-.Ltmp0, $4  }
0x3c: {  	[tilespmem:s16], [sflag:$0x1] =	stream.linear.gather [hbm4b:s30+s3], $0x4000, $0x38;
	[tilespmem:$0x1D400] =	vst v63  }
0x3d: {  	_ =	swait.ge [sflag:s22], $0x4000  }
0x3e: {  	[sflag:s22] =	ssyncset.done $0x0  }
0x3f: {  	s29 =	sadd.s32 s29, s11;
	s28 =	sadd.s32 $0x100, s28;
	[sflag:s22] =	ssyncadd.s32 $0xFFFFC000  }
0x40: {  	[tilespmem:s17], [sflag:$0x2] =	stream.linear.gather [hbm4b:s29+s3], $0x4000, $0x38;
	[tilespmem:$0x1D400] =	vst v63  }
0x41: {  	_ =	swait.ge [sflag:s18], $0x4000  }
0x42: {  	[sflag:s18] =	ssyncset.done $0x0  }
0x43: {  	[sflag:s18] =	ssyncadd.s32 $0xFFFFC000  }
0x44: {  	[spmem:s2] =	stream.indirect.scatter.add.f32 [tilespmem:s16], [sflag:$0x3], $0x80, s23, s19, $0xb8;
	[tilespmem:$0x1D400] =	vst v63  }
0x45: {  	_ =	swait.ge [sflag:s20], $0x4000  }
0x46: {  	[sflag:s20] =	ssyncset.done $0x0  }
0x47: {  	[sflag:s20] =	ssyncadd.s32 $0xFFFFC000  }
0x48: {  	[spmem:s2] =	stream.indirect.scatter.add.f32 [tilespmem:s17], [sflag:$0x4], $0x80, s24, s19, $0xb8;
	[tilespmem:$0x1D400] =	vst v63  }
0x49: {  	_ =	swait.ge [sflag:s21], $0x4000  }
0x4a: {  	[sflag:s21] =	ssyncset.done $0x0  }
0x4b: {  	[sflag:s21] =	ssyncadd.s32 $0xFFFFC000  }
0x4c: {  	_ =	swait.ge [sflag:s22], $0x4000  }
0x4d: {  	s25 =	sadd.s32 $0x1, s25;
	[sflag:s22] =	ssyncset.done $0x0  }
0x4e: {  	p0 =	sne.s32 s25, s10;
	[sflag:s22] =	ssyncadd.s32 $0xFFFFC000  }
.Ltmp1:
0x4f: {  	[bflag:$0x0] =	sbarrier.arrive $0xFFFF;
	(pc) =	sbr.rel @p0 .LBB2_1-.Ltmp1, $4  }
0x50: {  	[hbm:s9], [sflag:s5] =	dma.local [spmem:s13], $0x2800  }
0x51: {  	_ =	swait.ge [sflag:s14], $0x2800  }
0x52: {  	[sflag:s14] =	ssyncset.done $0x0  }
0x53: {  	[sflag:s14] =	ssyncadd.s32 $0xFFFFD800  }
0x54: {  	_ =	sfence.sel $0x180000  }
0x55: {  	[bflag:$0x0] =	sbarrier.arrive $0xFFFF  }
0x56: {  	p0 =	sne.s32 s0, $0x0;
	_ =	strace $0x90000053  }
0x57: {  	s0 =	sadd.s32 @!p0 $0x100000, s1;
	[bflag:$0x2] =	sbarrier.arrive $0xFFFF  }
0x58: {  	[sflag:s0] =	ssyncadd.tile.s32 @!p0 $0x1;
	_ =	shalt  }
.Lfunc_end2:
_tile_overlayer_lowered:
.L_overlay_start_2:
0x59: {  	(tag) =	ssettag $0x2  }
0x5a: {  	s0 =	rddreg [dreg:$0x0];
	s2 =	stileid.u32  }
0x5b: {  	s1 =	rddreg [dreg:$0x1];
	p0 =	sne.s32 s2, $0x0  }
0x5c: {  	s3 =	rddreg [dreg:$0x2];
	[bflag:$0x3] =	sbarrier.arrive $0xFFFF;
	s2 =	simm.s32 @!p0 $0x1C05  }
0x5d: {  	[timem:s3], [sflag:s2] =	dma.local @!p0 [hbm:s0], s1  }
0x5e: {  	s0 =	simm.s32 @!p0 $0x5  }
0x5f: {  	_ =	swait.ge @!p0 [sflag:s0], s1  }
0x60: {  	s1 =	ssub.s32 @!p0 $0x0, s1;
	[sflag:s0] =	ssyncset.done @!p0 $0x0  }
0x61: {  	[sflag:s0] =	ssyncadd.s32 @!p0 s1  }
0x62: {  	[bflag:$0x3] =	sbarrier.arrive $0xFFFF  }
0x63: {  	_ =	shalt  }

// kernel: kernel.31.cloned.1.call-start
scs
__scs_entry_jumppad:
0x0: {  	(pc) =	sbr.rel $0x88, $3  }
0x1: {  	(tag) =	ssettag $0x0;
	lr =	simm.s32 $0x1  }
0x2: {  	[smem:$0x3F95] =	sst lr;
	_ =	strace $0xD0000000  }
0x3: {  	_ = 	snop  }
0x4: {  	_ = 	snop  }
0x5: {  	_ = 	snop  }
0x6: {  	_ = 	snop  }
0x7: {  	_ = 	snop  }
__scs_overlays_trampoline_lowered:
0x8: {  	[smem:$0x3FA4] =	sst s0  }
0x9: {  	[smem:$0x3FA5] =	sst s1  }
0xa: {  	[smem:$0x3FA6] =	sst s2  }
0xb: {  	[smem:$0x3FA7] =	sst s3  }
0xc: {  	[smem:$0x3FA8] =	sst s4  }
0xd: {  	[smem:$0x3FA9] =	sst s5  }
0xe: {  	[smem:$0x3FAA] =	sst s6  }
0xf: {  	[smem:$0x3FAB] =	sst s7  }
0x10: {  	[smem:$0x3FAC] =	sst s8  }
0x11: {  	[smem:$0x3FAD] =	sst s9;
	s0 =	simm.s32 @!p0 $0x0  }
0x12: {  	s1 =	sld [smem:$0x3F93];
	s0 =	simm.s32 @p0 $0x1  }
0x13: {  	[smem:$0x3FAE] =	sst s0;
	s0 =	simm.s32 @!p1 $0x0  }
0x14: {  	s2 =	sld [smem:$0x3F92];
	s0 =	simm.s32 @p1 $0x1  }
0x15: {  	[smem:$0x3FAF] =	sst s0;
	s0 =	simm.s32 @!p2 $0x0  }
0x16: {  	s3 =	sld [smem:$0x3FDB];
	s0 =	simm.s32 @p2 $0x1  }
0x17: {  	s4 =	simm.s32 $0x1BF5;
	[smem:$0x3FB1] =	sst s0  }
0x18: {  	s0 =	sld [smem:$0x3F94];
	_ =	swait.ge [sflag:s4], $0x0  }
0x19: {  	s7 =	sld [smem:$0x3F95]  }
0x1a: {  	s8 =	sadd.s32 $0xFFFFE003, lr  }
0x1b: {  	s9 =	sadd.s32 $0xFFFFFEF7, lr;
	s5 =	simm.s32 $0xFFFFFFFF;
	p2 =	slt.u32 s8, $0xFFFFF086  }
0x1c: {  	p1 =	slt.u32 s9, $0xF7A;
	s5 =	simm.s32 @!p2 $0x0  }
0x1d: {  	s5 =	simm.s32 @p1 $0x1;
	p0 =	seq.s32 s7, s2  }
0x1e: {  	s7 =	smul.u32 @!p0 $0xF7A, s2;
	p2 =	seq.s32 @!p0 s5, $0x0  }
0x1f: {  	s9 =	smul.u32 $0xF7A, s1;
	s8 =	simm.s32 @!p0 $0x1BF5;
	p2 =	por !p2, p0  }
0x20: {  	[sflag:s8] =	ssyncset.s32 @!p0 $0xFFFFF086;
	s6 =	sadd.s32 @!p0 s3, s7;
	s7 =	simm.s32 @!p0 $0x108  }
0x21: {  	s3 =	sadd.s32 s3, s9;
	s6 =	sadd.s32 @!p0 $0x88, s6;
	s7 =	simm.s32 @p2 $0x1082  }
0x22: {  	[simem:s7], [sflag:s8] =	dma.local @!p0 [hbm:s6], $0xF7A  }
0x23: {  	s9 =	sor.u32 $0xD0000000, s2;
	s6 =	simm.s32 $0x108;
	_ =	swait.ge @!p0 [sflag:s8], $0x0  }
0x24: {  	s3 =	sadd.s32 $0x88, s3;
	s6 =	simm.s32 @!p1 $0x1082;
	[sflag:s4] =	ssyncset.s32 $0xFFFFF086  }
0x25: {  	[simem:s6], [sflag:s4] =	dma.local [hbm:s3], $0xF7A  }
0x26: {  	[smem:$0x3F95] =	sst s1;
	(tag) =	ssettag s2;
	_ =	strace s9  }
0x27: {  	s1 =	sld [smem:$0x3FA5]  }
0x28: {  	s2 =	sld [smem:$0x3FA6]  }
0x29: {  	s4 =	sld [smem:$0x3FA8]  }
0x2a: {  	p0 =	seq.s32 s5, $0x0;
	s5 =	sld [smem:$0x3FA9]  }
0x2b: {  	s6 =	sld [smem:$0x3FAA]  }
0x2c: {  	s7 =	sld [smem:$0x3FAB]  }
0x2d: {  	s3 =	simm.s32 $0x108;
	s8 =	sld [smem:$0x3FAC]  }
0x2e: {  	s3 =	simm.s32 @!p0 $0x1082;
	s9 =	sld [smem:$0x3FAD]  }
0x2f: {  	lr =	sadd.s32 s0, s3;
	s0 =	sld [smem:$0x3FA4]  }
0x30: {  	s3 =	sld [smem:$0x3FA7]  }
0x31: {  	[smem:$0x3FB0] =	sst s10  }
0x32: {  	s10 =	sld [smem:$0x3FAE];
	_ =	sdelay $0x3  }
0x33: {  	p0 =	seq.s32 s10, $0x1;
	s10 =	sld [smem:$0x3FB0];
	_ =	sdelay $0x3  }
0x34: {  	[smem:$0x3FB0] =	sst s10  }
0x35: {  	s10 =	sld [smem:$0x3FAF];
	_ =	sdelay $0x3  }
0x36: {  	p1 =	seq.s32 s10, $0x1;
	s10 =	sld [smem:$0x3FB0];
	_ =	sdelay $0x3  }
0x37: {  	[smem:$0x3FB0] =	sst s10  }
0x38: {  	s10 =	sld [smem:$0x3FB1]  }
0x39: {  	_ = 	snop;
	(pc) =	sbr.ind lr, $3  }
0x3a: {  	_ = 	snop  }
0x3b: {  	_ = 	snop  }
0x3c: {  	p2 =	seq.s32 s10, $0x1;
	s10 =	sld [smem:$0x3FB0]  }
0x3d: {  	_ =	shalt  }
0x3e: {  	_ =	shalt  }
0x3f: {  	_ =	shalt  }
0x40: {  	_ =	shalt  }
0x41: {  	_ =	shalt  }
0x42: {  	_ =	shalt  }
0x43: {  	_ =	shalt  }
0x44: {  	_ =	shalt  }
0x45: {  	_ =	shalt  }
0x46: {  	_ =	shalt  }
0x47: {  	_ =	shalt  }
0x48: {  	_ =	shalt  }
0x49: {  	_ =	shalt  }
0x4a: {  	_ =	shalt  }
0x4b: {  	_ =	shalt  }
0x4c: {  	_ =	shalt  }
0x4d: {  	_ =	shalt  }
0x4e: {  	_ =	shalt  }
0x4f: {  	_ =	shalt  }
0x50: {  	_ =	shalt  }
0x51: {  	_ =	shalt  }
0x52: {  	_ =	shalt  }
0x53: {  	_ =	shalt  }
0x54: {  	_ =	shalt  }
0x55: {  	_ =	shalt  }
0x56: {  	_ =	shalt  }
0x57: {  	_ =	shalt  }
0x58: {  	_ =	shalt  }
0x59: {  	_ =	shalt  }
0x5a: {  	_ =	shalt  }
0x5b: {  	_ =	shalt  }
0x5c: {  	_ =	shalt  }
0x5d: {  	_ =	shalt  }
0x5e: {  	_ =	shalt  }
0x5f: {  	_ =	shalt  }
0x60: {  	_ =	shalt  }
0x61: {  	_ =	shalt  }
0x62: {  	_ =	shalt  }
0x63: {  	_ =	shalt  }
0x64: {  	_ =	shalt  }
0x65: {  	_ =	shalt  }
0x66: {  	_ =	shalt  }
0x67: {  	_ =	shalt  }
0x68: {  	_ =	shalt  }
0x69: {  	_ =	shalt  }
0x6a: {  	_ =	shalt  }
0x6b: {  	_ =	shalt  }
0x6c: {  	_ =	shalt  }
0x6d: {  	_ =	shalt  }
0x6e: {  	_ =	shalt  }
0x6f: {  	_ =	shalt  }
0x70: {  	_ =	shalt  }
0x71: {  	_ =	shalt  }
0x72: {  	_ =	shalt  }
0x73: {  	_ =	shalt  }
0x74: {  	_ =	shalt  }
0x75: {  	_ =	shalt  }
0x76: {  	_ =	shalt  }
0x77: {  	_ =	shalt  }
0x78: {  	_ =	shalt  }
0x79: {  	_ =	shalt  }
0x7a: {  	_ =	shalt  }
0x7b: {  	_ =	shalt  }
0x7c: {  	_ =	shalt  }
0x7d: {  	_ =	shalt  }
0x7e: {  	_ =	shalt  }
0x7f: {  	_ =	shalt  }
0x80: {  	_ =	shalt  }
0x81: {  	_ =	shalt  }
0x82: {  	_ =	shalt  }
0x83: {  	_ =	shalt  }
0x84: {  	_ =	shalt  }
0x85: {  	_ =	shalt  }
0x86: {  	_ =	shalt  }
0x87: {  	_ =	shalt  }
.Lfunc_end0:
.L_simem_size_0:
called_computation.5_lowered:
.L_overlay_start_0:
0x88: {  	s2 =	sld [smem:$0x3FD9]  }
0x89: {  	s3 =	sld [smem:$0x3FFE];
	_ =	sdelay $0x1  }
0x8a: {  	s1 =	srdreg.scid  }
0x8b: {  	s0 =	sand.u32 $0x1, s1  }
0x8c: {  	s16 =	sshll.u32 s0, $0xA;
	s2 =	sadd.s32 s3, s2  }
0x8d: {  	s2 =	sadd.s32 s2, s16  }
0x8e: {  	[smem:$0x3FBC] =	sst s2  }
0x8f: {  	_ = 	snop  }
0x90: {  	(tm) =	ssettm $0x1  }
0x91: {  	s17 =	sld [smem:$0x3FFB];
	_ =	sdelay $0x3  }
0x92: {  	_ =	strace s17  }
0x93: {  	s2 =	sld [smem:$0x3FFC];
	_ =	sdelay $0x3  }
0x94: {  	_ =	strace s2  }
0x95: {  	s2 =	sld [smem:$0x3FFD];
	_ =	sdelay $0x3  }
0x96: {  	_ =	strace s2  }
0x97: {  	_ =	strace $0x8FFFFFFF  }
0x98: {  	s18 =	sld [smem:$0x3FDB];
	_ =	sdelay $0x1  }
0x99: {  	s19 =	simm.s32 $_scs_section_size  }
0x9a: {  	s4 =	simm.s32 $_size__tile_overlayer_lowered;
	s5 =	simm.s32 $_tile_overlayer_lowered  }
0x9b: {  	s22 =	simm.s32 $0x1BFF;
	s21 =	sshll.u32 s5, $0x1;
	s2 =	sadd.s32 s19, s18  }
0x9c: {  	s6 =	simm.s32 $0x0;
	s20 =	sshll.u32 s4, $0x1;
	s4 =	sadd.s32 s21, s2  }
0x9d: {  	[timem:s6], [sflag:s22] =	dma.local [hbm:s4], s20  }
0x9e: {  	_ =	swait.ge [sflag:s22], s20  }
0x9f: {  	s3 =	ssub.s32 $0x0, s20;
	[sflag:s22] =	ssyncset.done $0x0  }
0xa0: {  	[sflag:s22] =	ssyncadd.s32 s3;
	_ =	sdelay $0x1  }
0xa1: {  	s23 =	simm.s32 $0x1B8B  }
0xa2: {  	_ =	swait.ge [sflag:s23], $0x1  }
0xa3: {  	[sflag:s23] =	ssyncset.done $0x0  }
0xa4: {  	s25 =	simm.s32 $0x1B8E;
	s24 =	sld [smem:$0x3FFE];
	[sflag:s23] =	ssyncadd.s32 $0xFFFFFFFF  }
0xa5: {  	s26 =	simm.s32 $execute0_lowered;
	[smem:$0x3FD2] =	sst s25  }
0xa6: {  	s4 =	sshll.u32 s26, $0x1;
	_ =	strace $0x80000055;
	[dreg:$0x1] =	wrdreg $0xFFFFFFFF  }
0xa7: {  	s28 =	simm.s32 $_size_execute0_lowered;
	s2 =	sadd.s32 s2, s4;
	[dreg:$0x0] =	wrdreg $0x0  }
0xa8: {  	s4 =	sshll.u32 s28, $0x1;
	[dreg:$0x2] =	wrdreg s2  }
0xa9: {  	[dreg:$0x3] =	wrdreg s4  }
0xaa: {  	[dreg:$0x4] =	wrdreg $0xC0  }
0xab: {  	_ =	task [dreg:s6], $0x5FFFF  }
0xac: {  	[dreg:$0x1] =	wrdreg $0xFFFFFFFF  }
0xad: {  	[dreg:$0x0] =	wrdreg $0x60  }
0xae: {  	[dreg:$0x2] =	wrdreg s24  }
0xaf: {  	[dreg:$0x3] =	wrdreg $0x0  }
0xb0: {  	[dreg:$0x4] =	wrdreg $0x9  }
0xb1: {  	_ =	task.clear_ibuf [dreg:s6], $0x5FFFF;
	_ =	strace $0x90000055  }
0xb2: {  	s29 =	simm.s32 $0x9;
	_ =	strace $0x80000057  }
0xb3: {  	_ =	swait.ge [sflag:s29], $0x1  }
0xb4: {  	[sflag:s29] =	ssyncadd.s32 $0xFFFFFFFF  }
0xb5: {  	_ =	strace $0x90000057  }
0xb6: {  	_ =	sfence  }
0xb7: {  	s30 =	sld [smem:$0x0];
	_ =	sdelay $0x2  }
0xb8: {  	s31 =	sshll.u32 s1, $0xD;
	s1 =	sshrl.u32 s1, $0x2  }
0xb9: {  	s3 =	sand.u32 $0x4000, s31;
	s1 =	sadd.s32 s1, s30  }
0xba: {  	s0 =	sor.u32 s3, s0;
	s1 =	sshll.u32 s1, $0x11  }
0xbb: {  	s0 =	sor.u32 s1, s0  }
0xbc: {  	s0 =	sadd.s32 $0x8F2B, s0  }
0xbd: {  	[sflag:s0] =	ssyncadd.remote.s32 $0x1  }
0xbe: {  	_ =	sfence.sel $0xFFFF  }
0xbf: {  	[dreg:$0x0] =	wrdreg $0xFFFFFFFF;
	(pc) =	sbr.abs _section_cstart, $3  }
0xc0: {  	[dreg:$0x1] =	wrdreg $0xFFFFFFFF  }
0xc1: {  	_ =	task.clear_ibuf [dreg:s6], $0x2FFFF;
	_ =	strace $0x9FFFFFFF  }
0xc2: {  	(tm) =	ssettm $0x7FFFFFFF  }
0xc3: {  	_ =	shalt  }
tec
execute0_lowered:
.L_overlay_start_1:
0x0: {  	(tag) =	ssettag $0x1  }
0x1: {  	s4 =	rddreg [dreg:$0x0]  }
0x2: {  	s2 =	rddreg [dreg:$0x1];
	s1 =	stileid.u32  }
0x3: {  	s3 =	srdreg.scid;
	s0 =	rddreg [dreg:$0x2]  }
0x4: {  	s14 =	simm.s32 $0x80;
	s15 =	simm.s32 $0x15400;
	s16 =	simm.s32 $0x2  }
0x5: {  	s17 =	simm.s32 $0x19400;
	s18 =	simm.s32 $0x0;
	s6 =	smul.u32 $0x2800, s1  }
0x6: {  	s7 =	sand.u32 $0x1, s3;
	s5 =	sshll.u32 s1, $0x1;
	s9 =	smul.u32 $0x50000, s1  }
0x7: {  	s3 =	simm.s32 $0x0;
	s31 =	sshll.u32 s1, $0x6;
	s12 =	smul.u32 $0x28000, s1  }
0x8: {  	s5 =	sor.u32 s7, s5;
	[smem:$0x7FF] =	sst s3;
	s13 =	smul.u32 $0x14000, s7  }
0x9: {  	s10 =	ssub.s32 $0x2, s7;
	s8 =	smul.u32 $0x280, s5;
	_ =	strace $0x80000056  }
0xa: {  	s6 =	sadd.s32 s6, s4;
	s11 =	sshrl.u32 s10, $0x1;
	s9 =	sshrl.u32 s9, $0x2  }
0xb: {  	s30 =	smul.u32 $0x14000, s5;
	s10 =	ssub.s32 s10, s11;
	s29 =	sadd.s32 s9, s2  }
0xc: {  	s5 =	sadd.s32 $0x11600, s6;
	s8 =	sadd.s32 s8, s4;
	s4 =	sadd.s32 $0x77200, s4  }
0xd: {  	s6 =	sor.u32 $0x1C03, s31;
	s11 =	sshrl.u32 s29, $0x3;
	s9 =	sadd.s32 s4, s30  }
0xe: {  	s7 =	sadd.s32 $0x72200, s8;
	s8 =	smax.u32 s10, $0x1;
	s10 =	sadd.s32 s13, s12  }
0xf: {  	s12 =	simm.s32 $0x3;
	s13 =	simm.s32 $0x14000;
	s9 =	sadd.s32 $0x13800, s9  }
.LBB2_1:
0x10: {  	[spmem:s11], [sflag:s6] =	dma.local [hbm:s5], $0x2800  }
0x11: {  	_ =	swait.ge [sflag:s12], $0x2800  }
0x12: {  	[sflag:s12] =	ssyncset.done $0x0  }
0x13: {  	[sflag:s12] =	ssyncadd.s32 $0xFFFFD800  }
0x14: {  	[tilespmem:s13], [sflag:$0x3] =	stream.linear.gather [hbm4b:s7+s3], $0x1400, $0x38;
	[tilespmem:$0x1D400] =	vst v63  }
0x15: {  	_ =	swait.ge [sflag:s12], $0x1400  }
0x16: {  	s19 =	sand.u32 $0x1, s3;
	[sflag:s12] =	ssyncset.done $0x0  }
0x17: {  	p0 =	seq.s32 s19, $0x1;
	[sflag:s12] =	ssyncadd.s32 $0xFFFFEC00  }
0x18: {  	s19 =	simm.s32 @p0 $0x2;
	[bflag:$0x0] =	sbarrier.arrive $0xFFFF  }
0x19: {  	[tilespmem:s15], [sflag:$0x1] =	stream.indirect.gather [spmem:s2], $0x80, s13, s14, $0xb8;
	[tilespmem:$0x1D400] =	vst v63  }
0x1a: {  	_ =	swait.ge @p0 [sflag:s19], $0x4000  }
0x1b: {  	s20 =	simm.s32 $0x14080;
	s22 =	simm.s32 @!p0 $0x1;
	[sflag:s19] =	ssyncset.done @p0 $0x0  }
0x1c: {  	s21 =	simm.s32 @p0 $0x15400;
	[sflag:s19] =	ssyncadd.s32 @p0 $0xFFFFC000;
	s19 =	simm.s32 @p0 $0x80  }
0x1d: {  	[tilespmem:s21], [sflag:$0x1] =	stream.indirect.gather @p0 [spmem:s2], $0x80, s20, s19, $0xb8;
	[tilespmem:$0x1D400] =	vst v63  }
0x1e: {  	s23 =	simm.s32 @p0 $0x19400;
	s19 =	sadd.s32 @p0 s10, s4;
	s21 =	simm.s32 @p0 $0x0  }
0x1f: {  	[hbm4b:s19+s21] =	stream.linear.scatter @p0 [tilespmem:s23], [sflag:$0x3], $0x4000, $0x38;
	[tilespmem:$0x1D400] =	vst v63  }
0x20: {  	s31 =	simm.s32 $0x1;
	s24 =	simm.s32 @!p0 $0x19400;
	_ =	swait.ge @!p0 [sflag:s22], $0x4000  }
0x21: {  	s19 =	sand.u32 @!p0 $0x1FFFF000, s10;
	s21 =	simm.s32 @!p0 $0x4;
	[sflag:s22] =	ssyncset.done @!p0 $0x0  }
0x22: {  	s19 =	sadd.s32 @!p0 s4, s19;
	[sflag:s22] =	ssyncadd.s32 @!p0 $0xFFFFC000;
	s22 =	simm.s32 @!p0 $0x80  }
0x23: {  	[tilespmem:s24], [sflag:$0x2] =	stream.indirect.gather @!p0 [spmem:s2], $0x80, s20, s22, $0xb8;
	[tilespmem:$0x1D400] =	vst v63  }
0x24: {  	s21 =	simm.s32 @p0 $0x3;
	s20 =	simm.s32 @!p0 $0x0;
	s22 =	simm.s32 @!p0 $0x15400  }
0x25: {  	[hbm4b:s19+s20] =	stream.linear.scatter @!p0 [tilespmem:s22], [sflag:$0x4], $0x4000, $0x38;
	[tilespmem:$0x1D400] =	vst v63  }
0x26: {  	s23 =	sand.u32 $0x1, s31;
	s22 =	simm.s32 $0x2;
	_ =	swait.ge [sflag:s21], $0x4000  }
0x27: {  	s19 =	simm.s32 $0x14100;
	s20 =	sadd.s32 $0x800, s10;
	[sflag:s21] =	ssyncset.done $0x0  }
.LBB2_2:
0x28: {  	p0 =	seq.s32 s23, $0x1  }
0x29: {  	[sflag:s21] =	ssyncadd.s32 $0xFFFFC000;
	s23 =	smov.u32 s22;
	s22 =	sadd.s32 $0x1, s22  }
0x2a: {  	s24 =	simm.s32 @p0 $0x2;
	s25 =	sand.u32 @!p0 $0x1FFFF000, s20;
	s21 =	simm.s32 @!p0 $0x4  }
0x2b: {  	p1 =	sne.s32 s22, $0x27;
	_ =	swait.ge @p0 [sflag:s24], $0x4000;
	s25 =	sadd.s32 @!p0 s4, s25  }
0x2c: {  	s26 =	simm.s32 @!p0 $0x1;
	[sflag:s24] =	ssyncset.done @p0 $0x0  }
0x2d: {  	s28 =	simm.s32 @p0 $0x15400;
	[sflag:s24] =	ssyncadd.s32 @p0 $0xFFFFC000;
	s24 =	simm.s32 @p0 $0x80  }
0x2e: {  	[tilespmem:s28], [sflag:$0x1] =	stream.indirect.gather @p0 [spmem:s2], $0x80, s19, s24, $0xb8;
	[tilespmem:$0x1D400] =	vst v63  }
0x2f: {  	s29 =	simm.s32 @p0 $0x19400;
	s24 =	sadd.s32 @p0 s20, s4;
	s28 =	simm.s32 @p0 $0x0  }
0x30: {  	[hbm4b:s24+s28] =	stream.linear.scatter @p0 [tilespmem:s29], [sflag:$0x3], $0x4000, $0x38;
	[tilespmem:$0x1D400] =	vst v63  }
0x31: {  	_ =	swait.ge @!p0 [sflag:s26], $0x4000  }
0x32: {  	[sflag:s26] =	ssyncset.done @!p0 $0x0  }
0x33: {  	s24 =	simm.s32 @!p0 $0x80;
	[sflag:s26] =	ssyncadd.s32 @!p0 $0xFFFFC000;
	s26 =	simm.s32 @!p0 $0x19400  }
0x34: {  	[tilespmem:s26], [sflag:$0x2] =	stream.indirect.gather @!p0 [spmem:s2], $0x80, s19, s24, $0xb8;
	[tilespmem:$0x1D400] =	vst v63  }
.Ltmp0:
0x35: {  	_ = 	snop;
	(pc) =	sbr.rel @p1 .LBB2_2-.Ltmp0, $4  }
0x36: {  	s21 =	simm.s32 @p0 $0x3;
	s24 =	simm.s32 @!p0 $0x0;
	s26 =	simm.s32 @!p0 $0x15400  }
0x37: {  	[hbm4b:s25+s24] =	stream.linear.scatter @!p0 [tilespmem:s26], [sflag:$0x4], $0x4000, $0x38;
	[tilespmem:$0x1D400] =	vst v63  }
0x38: {  	s19 =	sadd.s32 $0x80, s19;
	_ =	swait.ge [sflag:s21], $0x4000  }
0x39: {  	s23 =	sand.u32 $0x1, s23;
	s20 =	sadd.s32 $0x800, s20;
	[sflag:s21] =	ssyncset.done $0x0  }
0x3a: {  	p0 =	seq.s32 s23, $0x1  }
0x3b: {  	[sflag:s21] =	ssyncadd.s32 $0xFFFFC000;
	s21 =	simm.s32 @p0 $0x2  }
0x3c: {  	_ =	swait.ge @p0 [sflag:s21], $0x4000  }
0x3d: {  	s22 =	simm.s32 @!p0 $0x1;
	[sflag:s21] =	ssyncset.done @p0 $0x0  }
0x3e: {  	s23 =	simm.s32 @p0 $0x15400;
	[sflag:s21] =	ssyncadd.s32 @p0 $0xFFFFC000;
	s21 =	simm.s32 @p0 $0x80  }
0x3f: {  	[tilespmem:s23], [sflag:$0x1] =	stream.indirect.gather @p0 [spmem:s2], $0x80, s19, s21, $0xb8;
	[tilespmem:$0x1D400] =	vst v63  }
0x40: {  	s24 =	simm.s32 @p0 $0x19400;
	s21 =	sadd.s32 @p0 s20, s4;
	s23 =	simm.s32 @p0 $0x0  }
0x41: {  	[hbm4b:s21+s23] =	stream.linear.scatter @p0 [tilespmem:s24], [sflag:$0x3], $0x4000, $0x38;
	[tilespmem:$0x1D400] =	vst v63  }
0x42: {  	s20 =	sand.u32 @!p0 $0x1FFFF000, s20;
	_ =	swait.ge @!p0 [sflag:s22], $0x4000  }
0x43: {  	s20 =	sadd.s32 @!p0 s4, s20;
	s21 =	simm.s32 @!p0 $0x4;
	[sflag:s22] =	ssyncset.done @!p0 $0x0  }
0x44: {  	s23 =	simm.s32 @!p0 $0x19400;
	[sflag:s22] =	ssyncadd.s32 @!p0 $0xFFFFC000;
	s22 =	simm.s32 @!p0 $0x80  }
0x45: {  	[tilespmem:s23], [sflag:$0x2] =	stream.indirect.gather @!p0 [spmem:s2], $0x80, s19, s22, $0xb8;
	[tilespmem:$0x1D400] =	vst v63  }
0x46: {  	s21 =	simm.s32 @p0 $0x3;
	s19 =	simm.s32 @!p0 $0x0;
	s22 =	simm.s32 @!p0 $0x15400  }
0x47: {  	[hbm4b:s20+s19] =	stream.linear.scatter @!p0 [tilespmem:s22], [sflag:$0x4], $0x4000, $0x38;
	[tilespmem:$0x1D400] =	vst v63  }
0x48: {  	_ =	swait.ge [sflag:s21], $0x4000  }
0x49: {  	[sflag:s21] =	ssyncset.done $0x0  }
0x4a: {  	[sflag:s21] =	ssyncadd.s32 $0xFFFFC000  }
0x4b: {  	s18 =	sadd.s32 $0x1, s18;
	_ =	swait.ge [sflag:s16], $0x4000  }
0x4c: {  	p0 =	sne.s32 s18, s8;
	[sflag:s16] =	ssyncset.done $0x0  }
.Ltmp1:
0x4d: {  	[sflag:s16] =	ssyncadd.s32 $0xFFFFC000;
	(pc) =	sbr.rel @p0 .LBB2_1-.Ltmp1, $4  }
0x4e: {  	[hbm4b:s9+s3] =	stream.linear.scatter [tilespmem:s17], [sflag:$0x3], $0x4000, $0x38;
	[tilespmem:$0x1D400] =	vst v63  }
0x4f: {  	_ =	swait.ge [sflag:s12], $0x4000  }
0x50: {  	[sflag:s12] =	ssyncset.done $0x0  }
0x51: {  	[sflag:s12] =	ssyncadd.s32 $0xFFFFC000  }
0x52: {  	_ =	sfence.sel $0x180000  }
0x53: {  	[bflag:$0x0] =	sbarrier.arrive $0xFFFF  }
0x54: {  	p0 =	sne.s32 s1, $0x0;
	_ =	strace $0x90000056  }
0x55: {  	s0 =	sadd.s32 @!p0 $0x100000, s0;
	[bflag:$0x2] =	sbarrier.arrive $0xFFFF  }
0x56: {  	[sflag:s0] =	ssyncadd.tile.s32 @!p0 $0x1;
	_ =	shalt  }
.Lfunc_end2:
_tile_overlayer_lowered:
.L_overlay_start_2:
0x57: {  	(tag) =	ssettag $0x2  }
0x58: {  	s0 =	rddreg [dreg:$0x0];
	s2 =	stileid.u32  }
0x59: {  	s1 =	rddreg [dreg:$0x1];
	p0 =	sne.s32 s2, $0x0  }
0x5a: {  	s3 =	rddreg [dreg:$0x2];
	[bflag:$0x3] =	sbarrier.arrive $0xFFFF;
	s2 =	simm.s32 @!p0 $0x1C03  }
0x5b: {  	[timem:s3], [sflag:s2] =	dma.local @!p0 [hbm:s0], s1  }
0x5c: {  	s0 =	simm.s32 @!p0 $0x3  }
0x5d: {  	_ =	swait.ge @!p0 [sflag:s0], s1  }
0x5e: {  	s1 =	ssub.s32 @!p0 $0x0, s1;
	[sflag:s0] =	ssyncset.done @!p0 $0x0  }
0x5f: {  	[sflag:s0] =	ssyncadd.s32 @!p0 s1  }
0x60: {  	[bflag:$0x3] =	sbarrier.arrive $0xFFFF  }
0x61: {  	_ =	shalt  }

// kernel: kernel.34.cloned.1.call-start
scs
__scs_entry_jumppad:
0x0: {  	(pc) =	sbr.rel $0x88, $3  }
0x1: {  	(tag) =	ssettag $0x0;
	lr =	simm.s32 $0x1  }
0x2: {  	[smem:$0x3F95] =	sst lr;
	_ =	strace $0xD0000000  }
0x3: {  	_ = 	snop  }
0x4: {  	_ = 	snop  }
0x5: {  	_ = 	snop  }
0x6: {  	_ = 	snop  }
0x7: {  	_ = 	snop  }
__scs_overlays_trampoline_lowered:
0x8: {  	[smem:$0x3FA4] =	sst s0  }
0x9: {  	[smem:$0x3FA5] =	sst s1  }
0xa: {  	[smem:$0x3FA6] =	sst s2  }
0xb: {  	[smem:$0x3FA7] =	sst s3  }
0xc: {  	[smem:$0x3FA8] =	sst s4  }
0xd: {  	[smem:$0x3FA9] =	sst s5  }
0xe: {  	[smem:$0x3FAA] =	sst s6  }
0xf: {  	[smem:$0x3FAB] =	sst s7  }
0x10: {  	[smem:$0x3FAC] =	sst s8  }
0x11: {  	[smem:$0x3FAD] =	sst s9;
	s0 =	simm.s32 @!p0 $0x0  }
0x12: {  	s1 =	sld [smem:$0x3F93];
	s0 =	simm.s32 @p0 $0x1  }
0x13: {  	[smem:$0x3FAE] =	sst s0;
	s0 =	simm.s32 @!p1 $0x0  }
0x14: {  	s2 =	sld [smem:$0x3F92];
	s0 =	simm.s32 @p1 $0x1  }
0x15: {  	[smem:$0x3FAF] =	sst s0;
	s0 =	simm.s32 @!p2 $0x0  }
0x16: {  	s3 =	sld [smem:$0x3FDB];
	s0 =	simm.s32 @p2 $0x1  }
0x17: {  	s4 =	simm.s32 $0x1BF5;
	[smem:$0x3FB1] =	sst s0  }
0x18: {  	s0 =	sld [smem:$0x3F94];
	_ =	swait.ge [sflag:s4], $0x0  }
0x19: {  	s7 =	sld [smem:$0x3F95]  }
0x1a: {  	s8 =	sadd.s32 $0xFFFFE003, lr  }
0x1b: {  	s9 =	sadd.s32 $0xFFFFFEF7, lr;
	s5 =	simm.s32 $0xFFFFFFFF;
	p2 =	slt.u32 s8, $0xFFFFF086  }
0x1c: {  	p1 =	slt.u32 s9, $0xF7A;
	s5 =	simm.s32 @!p2 $0x0  }
0x1d: {  	s5 =	simm.s32 @p1 $0x1;
	p0 =	seq.s32 s7, s2  }
0x1e: {  	s7 =	smul.u32 @!p0 $0xF7A, s2;
	p2 =	seq.s32 @!p0 s5, $0x0  }
0x1f: {  	s9 =	smul.u32 $0xF7A, s1;
	s8 =	simm.s32 @!p0 $0x1BF5;
	p2 =	por !p2, p0  }
0x20: {  	[sflag:s8] =	ssyncset.s32 @!p0 $0xFFFFF086;
	s6 =	sadd.s32 @!p0 s3, s7;
	s7 =	simm.s32 @!p0 $0x108  }
0x21: {  	s3 =	sadd.s32 s3, s9;
	s6 =	sadd.s32 @!p0 $0x88, s6;
	s7 =	simm.s32 @p2 $0x1082  }
0x22: {  	[simem:s7], [sflag:s8] =	dma.local @!p0 [hbm:s6], $0xF7A  }
0x23: {  	s9 =	sor.u32 $0xD0000000, s2;
	s6 =	simm.s32 $0x108;
	_ =	swait.ge @!p0 [sflag:s8], $0x0  }
0x24: {  	s3 =	sadd.s32 $0x88, s3;
	s6 =	simm.s32 @!p1 $0x1082;
	[sflag:s4] =	ssyncset.s32 $0xFFFFF086  }
0x25: {  	[simem:s6], [sflag:s4] =	dma.local [hbm:s3], $0xF7A  }
0x26: {  	[smem:$0x3F95] =	sst s1;
	(tag) =	ssettag s2;
	_ =	strace s9  }
0x27: {  	s1 =	sld [smem:$0x3FA5]  }
0x28: {  	s2 =	sld [smem:$0x3FA6]  }
0x29: {  	s4 =	sld [smem:$0x3FA8]  }
0x2a: {  	p0 =	seq.s32 s5, $0x0;
	s5 =	sld [smem:$0x3FA9]  }
0x2b: {  	s6 =	sld [smem:$0x3FAA]  }
0x2c: {  	s7 =	sld [smem:$0x3FAB]  }
0x2d: {  	s3 =	simm.s32 $0x108;
	s8 =	sld [smem:$0x3FAC]  }
0x2e: {  	s3 =	simm.s32 @!p0 $0x1082;
	s9 =	sld [smem:$0x3FAD]  }
0x2f: {  	lr =	sadd.s32 s0, s3;
	s0 =	sld [smem:$0x3FA4]  }
0x30: {  	s3 =	sld [smem:$0x3FA7]  }
0x31: {  	[smem:$0x3FB0] =	sst s10  }
0x32: {  	s10 =	sld [smem:$0x3FAE];
	_ =	sdelay $0x3  }
0x33: {  	p0 =	seq.s32 s10, $0x1;
	s10 =	sld [smem:$0x3FB0];
	_ =	sdelay $0x3  }
0x34: {  	[smem:$0x3FB0] =	sst s10  }
0x35: {  	s10 =	sld [smem:$0x3FAF];
	_ =	sdelay $0x3  }
0x36: {  	p1 =	seq.s32 s10, $0x1;
	s10 =	sld [smem:$0x3FB0];
	_ =	sdelay $0x3  }
0x37: {  	[smem:$0x3FB0] =	sst s10  }
0x38: {  	s10 =	sld [smem:$0x3FB1]  }
0x39: {  	_ = 	snop;
	(pc) =	sbr.ind lr, $3  }
0x3a: {  	_ = 	snop  }
0x3b: {  	_ = 	snop  }
0x3c: {  	p2 =	seq.s32 s10, $0x1;
	s10 =	sld [smem:$0x3FB0]  }
0x3d: {  	_ =	shalt  }
0x3e: {  	_ =	shalt  }
0x3f: {  	_ =	shalt  }
0x40: {  	_ =	shalt  }
0x41: {  	_ =	shalt  }
0x42: {  	_ =	shalt  }
0x43: {  	_ =	shalt  }
0x44: {  	_ =	shalt  }
0x45: {  	_ =	shalt  }
0x46: {  	_ =	shalt  }
0x47: {  	_ =	shalt  }
0x48: {  	_ =	shalt  }
0x49: {  	_ =	shalt  }
0x4a: {  	_ =	shalt  }
0x4b: {  	_ =	shalt  }
0x4c: {  	_ =	shalt  }
0x4d: {  	_ =	shalt  }
0x4e: {  	_ =	shalt  }
0x4f: {  	_ =	shalt  }
0x50: {  	_ =	shalt  }
0x51: {  	_ =	shalt  }
0x52: {  	_ =	shalt  }
0x53: {  	_ =	shalt  }
0x54: {  	_ =	shalt  }
0x55: {  	_ =	shalt  }
0x56: {  	_ =	shalt  }
0x57: {  	_ =	shalt  }
0x58: {  	_ =	shalt  }
0x59: {  	_ =	shalt  }
0x5a: {  	_ =	shalt  }
0x5b: {  	_ =	shalt  }
0x5c: {  	_ =	shalt  }
0x5d: {  	_ =	shalt  }
0x5e: {  	_ =	shalt  }
0x5f: {  	_ =	shalt  }
0x60: {  	_ =	shalt  }
0x61: {  	_ =	shalt  }
0x62: {  	_ =	shalt  }
0x63: {  	_ =	shalt  }
0x64: {  	_ =	shalt  }
0x65: {  	_ =	shalt  }
0x66: {  	_ =	shalt  }
0x67: {  	_ =	shalt  }
0x68: {  	_ =	shalt  }
0x69: {  	_ =	shalt  }
0x6a: {  	_ =	shalt  }
0x6b: {  	_ =	shalt  }
0x6c: {  	_ =	shalt  }
0x6d: {  	_ =	shalt  }
0x6e: {  	_ =	shalt  }
0x6f: {  	_ =	shalt  }
0x70: {  	_ =	shalt  }
0x71: {  	_ =	shalt  }
0x72: {  	_ =	shalt  }
0x73: {  	_ =	shalt  }
0x74: {  	_ =	shalt  }
0x75: {  	_ =	shalt  }
0x76: {  	_ =	shalt  }
0x77: {  	_ =	shalt  }
0x78: {  	_ =	shalt  }
0x79: {  	_ =	shalt  }
0x7a: {  	_ =	shalt  }
0x7b: {  	_ =	shalt  }
0x7c: {  	_ =	shalt  }
0x7d: {  	_ =	shalt  }
0x7e: {  	_ =	shalt  }
0x7f: {  	_ =	shalt  }
0x80: {  	_ =	shalt  }
0x81: {  	_ =	shalt  }
0x82: {  	_ =	shalt  }
0x83: {  	_ =	shalt  }
0x84: {  	_ =	shalt  }
0x85: {  	_ =	shalt  }
0x86: {  	_ =	shalt  }
0x87: {  	_ =	shalt  }
.Lfunc_end0:
.L_simem_size_0:
called_computation.6_lowered:
.L_overlay_start_0:
0x88: {  	s2 =	sld [smem:$0x3FD9]  }
0x89: {  	s3 =	sld [smem:$0x3FFE];
	_ =	sdelay $0x1  }
0x8a: {  	s1 =	srdreg.scid  }
0x8b: {  	s0 =	sand.u32 $0x1, s1  }
0x8c: {  	s16 =	sshll.u32 s0, $0xA;
	s2 =	sadd.s32 s3, s2  }
0x8d: {  	s2 =	sadd.s32 s2, s16  }
0x8e: {  	[smem:$0x3FBC] =	sst s2  }
0x8f: {  	_ = 	snop  }
0x90: {  	(tm) =	ssettm $0x1  }
0x91: {  	s17 =	sld [smem:$0x3FFB];
	_ =	sdelay $0x3  }
0x92: {  	_ =	strace s17  }
0x93: {  	s2 =	sld [smem:$0x3FFC];
	_ =	sdelay $0x3  }
0x94: {  	_ =	strace s2  }
0x95: {  	s2 =	sld [smem:$0x3FFD];
	_ =	sdelay $0x3  }
0x96: {  	_ =	strace s2  }
0x97: {  	_ =	strace $0x8FFFFFFF  }
0x98: {  	s18 =	sld [smem:$0x3FDB];
	_ =	sdelay $0x1  }
0x99: {  	s19 =	simm.s32 $_scs_section_size  }
0x9a: {  	s4 =	simm.s32 $_size__tile_overlayer_lowered;
	s5 =	simm.s32 $_tile_overlayer_lowered  }
0x9b: {  	s22 =	simm.s32 $0x1BFF;
	s21 =	sshll.u32 s5, $0x1;
	s2 =	sadd.s32 s19, s18  }
0x9c: {  	s6 =	simm.s32 $0x0;
	s20 =	sshll.u32 s4, $0x1;
	s4 =	sadd.s32 s21, s2  }
0x9d: {  	[timem:s6], [sflag:s22] =	dma.local [hbm:s4], s20  }
0x9e: {  	_ =	swait.ge [sflag:s22], s20  }
0x9f: {  	s3 =	ssub.s32 $0x0, s20;
	[sflag:s22] =	ssyncset.done $0x0  }
0xa0: {  	[sflag:s22] =	ssyncadd.s32 s3;
	_ =	sdelay $0x1  }
0xa1: {  	s23 =	simm.s32 $0x1B8B  }
0xa2: {  	_ =	swait.ge [sflag:s23], $0x1  }
0xa3: {  	[sflag:s23] =	ssyncset.done $0x0  }
0xa4: {  	s25 =	simm.s32 $0x1B8E;
	s24 =	sld [smem:$0x3FFE];
	[sflag:s23] =	ssyncadd.s32 $0xFFFFFFFF  }
0xa5: {  	s26 =	simm.s32 $execute0_lowered;
	[smem:$0x3FD2] =	sst s25  }
0xa6: {  	s4 =	sshll.u32 s26, $0x1;
	_ =	strace $0x80000058;
	[dreg:$0x1] =	wrdreg $0xFFFFFFFF  }
0xa7: {  	s28 =	simm.s32 $_size_execute0_lowered;
	s2 =	sadd.s32 s2, s4;
	[dreg:$0x0] =	wrdreg $0x0  }
0xa8: {  	s4 =	sshll.u32 s28, $0x1;
	[dreg:$0x2] =	wrdreg s2  }
0xa9: {  	[dreg:$0x3] =	wrdreg s4  }
0xaa: {  	[dreg:$0x4] =	wrdreg $0xC0  }
0xab: {  	_ =	task [dreg:s6], $0x5FFFF  }
0xac: {  	[dreg:$0x1] =	wrdreg $0xFFFFFFFF  }
0xad: {  	[dreg:$0x0] =	wrdreg $0x60  }
0xae: {  	[dreg:$0x2] =	wrdreg s24  }
0xaf: {  	[dreg:$0x3] =	wrdreg $0x0  }
0xb0: {  	[dreg:$0x4] =	wrdreg $0x9  }
0xb1: {  	_ =	task.clear_ibuf [dreg:s6], $0x5FFFF;
	_ =	strace $0x90000058  }
0xb2: {  	s29 =	simm.s32 $0x9;
	_ =	strace $0x8000005A  }
0xb3: {  	_ =	swait.ge [sflag:s29], $0x1  }
0xb4: {  	[sflag:s29] =	ssyncadd.s32 $0xFFFFFFFF  }
0xb5: {  	_ =	strace $0x9000005A  }
0xb6: {  	_ =	sfence  }
0xb7: {  	s30 =	sld [smem:$0x0];
	_ =	sdelay $0x2  }
0xb8: {  	s31 =	sshll.u32 s1, $0xD;
	s1 =	sshrl.u32 s1, $0x2  }
0xb9: {  	s3 =	sand.u32 $0x4000, s31;
	s1 =	sadd.s32 s1, s30  }
0xba: {  	s0 =	sor.u32 s3, s0;
	s1 =	sshll.u32 s1, $0x11  }
0xbb: {  	s0 =	sor.u32 s1, s0  }
0xbc: {  	s0 =	sadd.s32 $0x8F2B, s0  }
0xbd: {  	[sflag:s0] =	ssyncadd.remote.s32 $0x1  }
0xbe: {  	_ =	sfence.sel $0xFFFF  }
0xbf: {  	[dreg:$0x0] =	wrdreg $0xFFFFFFFF;
	(pc) =	sbr.abs _section_cstart, $3  }
0xc0: {  	[dreg:$0x1] =	wrdreg $0xFFFFFFFF  }
0xc1: {  	_ =	task.clear_ibuf [dreg:s6], $0x2FFFF;
	_ =	strace $0x9FFFFFFF  }
0xc2: {  	(tm) =	ssettm $0x7FFFFFFF  }
0xc3: {  	_ =	shalt  }
tec
execute0_lowered:
.L_overlay_start_1:
0x0: {  	(tag) =	ssettag $0x1  }
0x1: {  	s1 =	srdreg.scid;
	s4 =	rddreg [dreg:$0x0]  }
0x2: {  	s0 =	stileid.u32;
	s2 =	rddreg [dreg:$0x1];
	s3 =	simm.s32 $0x0  }
0x3: {  	s16 =	simm.s32 $0x15400;
	s17 =	simm.s32 $0x19400;
	s18 =	simm.s32 $0x1  }
0x4: {  	s19 =	simm.s32 $0x80;
	s20 =	simm.s32 $0x2;
	s21 =	simm.s32 $0x3  }
0x5: {  	s22 =	simm.s32 $0x4;
	s5 =	sand.u32 $0x1, s1;
	s8 =	smul.u32 $0x14000, s0  }
0x6: {  	s23 =	sshll.u32 s0, $0x1;
	s1 =	rddreg [dreg:$0x2];
	s24 =	smul.u32 $0x50000, s0  }
0x7: {  	[smem:$0x7FF] =	sst s3;
	s11 =	sadd.s32 $0x2F7200, s4;
	s26 =	smul.u32 $0x50, s0  }
0x8: {  	s30 =	sshll.u32 s0, $0x6;
	s6 =	sor.u32 s5, s23;
	s9 =	smul.u32 $0x140000, s5  }
0x9: {  	_ =	strace $0x80000059;
	s12 =	ssub.s32 $0x2, s5;
	s29 =	smul.u32 $0x28, s5  }
0xa: {  	s5 =	sor.u32 $0x1C05, s30;
	s23 =	simm.s32 $0x15300;
	s7 =	smul.u32 $0x280, s6  }
0xb: {  	s10 =	sshrl.u32 s8, $0x3;
	s6 =	smul.u32 $0x14000, s6;
	s25 =	sshrl.u32 s12, $0x1  }
0xc: {  	s28 =	sshrl.u32 s24, $0x2;
	s24 =	simm.s32 $0x15380;
	s10 =	sadd.s32 s10, s4  }
0xd: {  	s8 =	sadd.s32 s8, s9;
	s12 =	ssub.s32 s12, s25;
	s14 =	sadd.s32 s28, s2  }
0xe: {  	s9 =	sadd.s32 s29, s26;
	s25 =	simm.s32 $0x0;
	s7 =	sadd.s32 s7, s4  }
0xf: {  	s8 =	sshrl.u32 s8, $0x3;
	s6 =	sadd.s32 s11, s6;
	s15 =	sshll.u32 s9, $0xB  }
0x10: {  	s13 =	sadd.s32 s8, s4;
	s4 =	sadd.s32 $0x3F400, s10;
	s7 =	sadd.s32 $0xC600, s7  }
0x11: {  	s8 =	sadd.s32 $0x800, s6;
	s10 =	smax.u32 s12, $0x1;
	s31 =	sadd.s32 s15, s11  }
0x12: {  	s15 =	simm.s32 $0x14000;
	s9 =	sadd.s32 $0x68800, s13;
	s11 =	sadd.s32 $0x1800, s31  }
0x13: {  	s12 =	sadd.s32 $0x1000, s31;
	s13 =	sshrl.u32 s14, $0x3;
	s14 =	simm.s32 $0x5  }
.LBB2_1:
0x14: {  	[spmem:s13], [sflag:s5] =	dma.local [hbm:s4], $0x2800  }
0x15: {  	_ =	swait.ge [sflag:s14], $0x2800  }
0x16: {  	[sflag:s14] =	ssyncset.done $0x0  }
0x17: {  	[sflag:s14] =	ssyncadd.s32 $0xFFFFD800  }
0x18: {  	[tilespmem:s15], [sflag:$0x5] =	stream.linear.gather [hbm4b:s7+s3], $0x1400, $0x38;
	[tilespmem:$0x1D400] =	vst v63  }
0x19: {  	_ =	swait.ge [sflag:s14], $0x1400  }
0x1a: {  	[sflag:s14] =	ssyncset.done $0x0  }
0x1b: {  	[sflag:s14] =	ssyncadd.s32 $0xFFFFEC00  }
0x1c: {  	[bflag:$0x0] =	sbarrier.arrive $0xFFFF  }
0x1d: {  	[tilespmem:s16], [sflag:$0x1] =	stream.linear.gather [hbm4b:s6+s3], $0x4000, $0x38;
	[tilespmem:$0x1D400] =	vst v63  }
0x1e: {  	_ = 	snop  }
0x1f: {  	[tilespmem:s17], [sflag:$0x2] =	stream.linear.gather [hbm4b:s8+s3], $0x4000, $0x38;
	[tilespmem:$0x1D400] =	vst v63  }
0x20: {  	_ =	swait.ge [sflag:s18], $0x4000  }
0x21: {  	[sflag:s18] =	ssyncset.done $0x0  }
0x22: {  	s26 =	simm.s32 $0x14000;
	[sflag:s18] =	ssyncadd.s32 $0xFFFFC000  }
0x23: {  	[spmem:s2] =	stream.indirect.scatter.add.f32 [tilespmem:s16], [sflag:$0x3], $0x80, s26, s19, $0xb8;
	[tilespmem:$0x1D400] =	vst v63  }
0x24: {  	_ =	swait.ge [sflag:s20], $0x4000  }
0x25: {  	[sflag:s20] =	ssyncset.done $0x0  }
0x26: {  	s30 =	simm.s32 $0x14080;
	[sflag:s20] =	ssyncadd.s32 $0xFFFFC000  }
0x27: {  	[spmem:s2] =	stream.indirect.scatter.add.f32 [tilespmem:s17], [sflag:$0x4], $0x80, s30, s19, $0xb8;
	[tilespmem:$0x1D400] =	vst v63  }
0x28: {  	_ =	swait.ge [sflag:s21], $0x4000  }
0x29: {  	[sflag:s21] =	ssyncset.done $0x0  }
0x2a: {  	s31 =	sadd.s32 $0x0, s12;
	[sflag:s21] =	ssyncadd.s32 $0xFFFFC000  }
0x2b: {  	[tilespmem:s16], [sflag:$0x1] =	stream.linear.gather [hbm4b:s31+s3], $0x4000, $0x38;
	[tilespmem:$0x1D400] =	vst v63  }
0x2c: {  	_ =	swait.ge [sflag:s22], $0x4000  }
0x2d: {  	s29 =	sadd.s32 $0x0, s11;
	[sflag:s22] =	ssyncset.done $0x0  }
0x2e: {  	s28 =	simm.s32 $0x14180;
	s26 =	simm.s32 $0x1000;
	[sflag:s22] =	ssyncadd.s32 $0xFFFFC000  }
.LBB2_2:
0x2f: {  	[tilespmem:s17], [sflag:$0x2] =	stream.linear.gather [hbm4b:s29+s3], $0x4000, $0x38;
	[tilespmem:$0x1D400] =	vst v63  }
0x30: {  	s29 =	smov.u32 s26  }
0x31: {  	p0 =	sne.s32 s26, $0x12000;
	s26 =	sadd.s32 $0x1000, s26;
	_ =	swait.ge [sflag:s18], $0x4000  }
0x32: {  	[sflag:s18] =	ssyncset.done $0x0  }
0x33: {  	s30 =	sadd.s32 $0xFFFFFF80, s28;
	[sflag:s18] =	ssyncadd.s32 $0xFFFFC000  }
0x34: {  	[spmem:s2] =	stream.indirect.scatter.add.f32 [tilespmem:s16], [sflag:$0x3], $0x80, s30, s19, $0xb8;
	[tilespmem:$0x1D400] =	vst v63  }
0x35: {  	_ =	swait.ge [sflag:s20], $0x4000  }
0x36: {  	[sflag:s20] =	ssyncset.done $0x0  }
0x37: {  	[sflag:s20] =	ssyncadd.s32 $0xFFFFC000  }
0x38: {  	[spmem:s2] =	stream.indirect.scatter.add.f32 [tilespmem:s17], [sflag:$0x4], $0x80, s28, s19, $0xb8;
	[tilespmem:$0x1D400] =	vst v63  }
0x39: {  	_ =	swait.ge [sflag:s21], $0x4000  }
0x3a: {  	[sflag:s21] =	ssyncset.done $0x0  }
.Ltmp0:
0x3b: {  	s30 =	sadd.s32 s29, s12;
	[sflag:s21] =	ssyncadd.s32 $0xFFFFC000;
	(pc) =	sbr.rel @p0 .LBB2_2-.Ltmp0, $4  }
0x3c: {  	[tilespmem:s16], [sflag:$0x1] =	stream.linear.gather [hbm4b:s30+s3], $0x4000, $0x38;
	[tilespmem:$0x1D400] =	vst v63  }
0x3d: {  	_ =	swait.ge [sflag:s22], $0x4000  }
0x3e: {  	[sflag:s22] =	ssyncset.done $0x0  }
0x3f: {  	s29 =	sadd.s32 s29, s11;
	s28 =	sadd.s32 $0x100, s28;
	[sflag:s22] =	ssyncadd.s32 $0xFFFFC000  }
0x40: {  	[tilespmem:s17], [sflag:$0x2] =	stream.linear.gather [hbm4b:s29+s3], $0x4000, $0x38;
	[tilespmem:$0x1D400] =	vst v63  }
0x41: {  	_ =	swait.ge [sflag:s18], $0x4000  }
0x42: {  	[sflag:s18] =	ssyncset.done $0x0  }
0x43: {  	[sflag:s18] =	ssyncadd.s32 $0xFFFFC000  }
0x44: {  	[spmem:s2] =	stream.indirect.scatter.add.f32 [tilespmem:s16], [sflag:$0x3], $0x80, s23, s19, $0xb8;
	[tilespmem:$0x1D400] =	vst v63  }
0x45: {  	_ =	swait.ge [sflag:s20], $0x4000  }
0x46: {  	[sflag:s20] =	ssyncset.done $0x0  }
0x47: {  	[sflag:s20] =	ssyncadd.s32 $0xFFFFC000  }
0x48: {  	[spmem:s2] =	stream.indirect.scatter.add.f32 [tilespmem:s17], [sflag:$0x4], $0x80, s24, s19, $0xb8;
	[tilespmem:$0x1D400] =	vst v63  }
0x49: {  	_ =	swait.ge [sflag:s21], $0x4000  }
0x4a: {  	[sflag:s21] =	ssyncset.done $0x0  }
0x4b: {  	[sflag:s21] =	ssyncadd.s32 $0xFFFFC000  }
0x4c: {  	_ =	swait.ge [sflag:s22], $0x4000  }
0x4d: {  	s25 =	sadd.s32 $0x1, s25;
	[sflag:s22] =	ssyncset.done $0x0  }
0x4e: {  	p0 =	sne.s32 s25, s10;
	[sflag:s22] =	ssyncadd.s32 $0xFFFFC000  }
.Ltmp1:
0x4f: {  	[bflag:$0x0] =	sbarrier.arrive $0xFFFF;
	(pc) =	sbr.rel @p0 .LBB2_1-.Ltmp1, $4  }
0x50: {  	[hbm:s9], [sflag:s5] =	dma.local [spmem:s13], $0x2800  }
0x51: {  	_ =	swait.ge [sflag:s14], $0x2800  }
0x52: {  	[sflag:s14] =	ssyncset.done $0x0  }
0x53: {  	[sflag:s14] =	ssyncadd.s32 $0xFFFFD800  }
0x54: {  	_ =	sfence.sel $0x180000  }
0x55: {  	[bflag:$0x0] =	sbarrier.arrive $0xFFFF  }
0x56: {  	p0 =	sne.s32 s0, $0x0;
	_ =	strace $0x90000059  }
0x57: {  	s0 =	sadd.s32 @!p0 $0x100000, s1;
	[bflag:$0x2] =	sbarrier.arrive $0xFFFF  }
0x58: {  	[sflag:s0] =	ssyncadd.tile.s32 @!p0 $0x1;
	_ =	shalt  }
.Lfunc_end2:
_tile_overlayer_lowered:
.L_overlay_start_2:
0x59: {  	(tag) =	ssettag $0x2  }
0x5a: {  	s0 =	rddreg [dreg:$0x0];
	s2 =	stileid.u32  }
0x5b: {  	s1 =	rddreg [dreg:$0x1];
	p0 =	sne.s32 s2, $0x0  }
0x5c: {  	s3 =	rddreg [dreg:$0x2];
	[bflag:$0x3] =	sbarrier.arrive $0xFFFF;
	s2 =	simm.s32 @!p0 $0x1C05  }
0x5d: {  	[timem:s3], [sflag:s2] =	dma.local @!p0 [hbm:s0], s1  }
0x5e: {  	s0 =	simm.s32 @!p0 $0x5  }
0x5f: {  	_ =	swait.ge @!p0 [sflag:s0], s1  }
0x60: {  	s1 =	ssub.s32 @!p0 $0x0, s1;
	[sflag:s0] =	ssyncset.done @!p0 $0x0  }
0x61: {  	[sflag:s0] =	ssyncadd.s32 @!p0 s1  }
0x62: {  	[bflag:$0x3] =	sbarrier.arrive $0xFFFF  }
0x63: {  	_ =	shalt  }

</sc_bundles>
